<compile_context>
chip_gen: v7x
topology: tpu7x:2x2x1
jax: 0.10.2.dev20260603
libtpu: 0.0.44.dev20260713+nightly
codegen_flags: <defaults>
</compile_context>

<pallas_src>
import functools

import jax
import jax.numpy as jnp
from jax import lax
from jax.experimental import pallas as pl
from jax.experimental.pallas import tpu as pltpu
from jax.experimental.pallas import tpu_sc as plsc

N = 10000
E = 320000
NC = 2
NS = 16
NW = NC * NS
EPW = E // NW
RPT = N // NS
NBUF = 5
ZBR = 25

_F32 = jnp.float32


def _fill2d(ref, rows, cols, value):
    v = jnp.full((16,), value, _F32)
    nb = cols // 16

    def body(r, _):
        for k in range(nb):
            ref[r, pl.ds(16 * k, 16)] = v
        return 0

    lax.fori_loop(0, rows, body, 0)


def _zero_acc(zb, acc, s):
    _fill2d(zb, ZBR, zb.shape[1], 0.0)

    def body(k, _):
        pltpu.sync_copy(zb, acc.at[pl.ds(s * RPT + k * ZBR, ZBR)])
        return 0

    lax.fori_loop(0, RPT // ZBR, body, 0)


def _make_gspmm(dw, chunk):
    nchunk = EPW // chunk
    assert nchunk % NBUF == 0
    mesh = plsc.VectorSubcoreMesh(core_axis_name="c", subcore_axis_name="s")
    scratch = [
        pltpu.VMEM((nchunk, chunk), jnp.int32),
        pltpu.VMEM((nchunk, chunk), jnp.int32),
        pltpu.VMEM((ZBR, dw), _F32),
        pltpu.VMEM_SHARED((N, dw), _F32),
    ]
    scratch += [pltpu.VMEM((chunk, dw), _F32) for _ in range(NBUF)]
    scratch += [pltpu.SemaphoreType.DMA for _ in range(NBUF)]

    @functools.partial(
        pl.kernel, out_type=jax.ShapeDtypeStruct((NC, N, 128), _F32),
        mesh=mesh, scratch_types=tuple(scratch),
        compiler_params=pltpu.CompilerParams(use_tc_tiling_on_sc=False))
    def body(g_hbm, ei_hbm, y_out, src_v, dst_v, zb, acc, *bufsem):
        bufs = bufsem[:NBUF]
        sems = bufsem[NBUF:]
        c = lax.axis_index("c")
        s = lax.axis_index("s")
        w = s * NC + c

        pltpu.sync_copy(ei_hbm.at[0, w], src_v)
        pltpu.sync_copy(ei_hbm.at[1, w], dst_v)
        _zero_acc(zb, acc, s)
        plsc.subcore_barrier()

        def fire(j, b):
            pltpu.async_copy(g_hbm.at[src_v.at[j]], bufs[b], sems[b])

        def drain_and_scatter(j, b):
            pltpu.make_async_copy(
                g_hbm.at[src_v.at[j]], bufs[b], sems[b]).wait()
            pltpu.sync_copy(bufs[b], acc.at[dst_v.at[j]], add=True)

        for b in range(NBUF):
            fire(b, b)

        def group(gi, _):
            j0 = gi * NBUF
            for b in range(NBUF):
                drain_and_scatter(j0 + b, b)
                fire(j0 + b + NBUF, b)
            return 0

        lax.fori_loop(0, nchunk // NBUF - 1, group, 0)
        for b in range(NBUF):
            drain_and_scatter(nchunk - NBUF + b, b)

        plsc.subcore_barrier()
        if dw == 128:
            pltpu.sync_copy(acc.at[pl.ds(s * RPT, RPT)],
                            y_out.at[c, pl.ds(s * RPT, RPT)])
        else:
            pltpu.sync_copy(acc.at[pl.ds(s * RPT, RPT)],
                            y_out.at[c, pl.ds(s * RPT, RPT), pl.ds(0, dw)])

    return body


def _make_deg(chunk):
    nchunk = EPW // chunk
    mesh = plsc.VectorSubcoreMesh(core_axis_name="c", subcore_axis_name="s")
    scratch = [
        pltpu.VMEM((nchunk, chunk), jnp.int32),
        pltpu.VMEM((nchunk, chunk), jnp.int32),
        pltpu.VMEM((chunk, 16), _F32),
        pltpu.VMEM((ZBR, 16), _F32),
        pltpu.VMEM_SHARED((N, 16), _F32),
        pltpu.VMEM_SHARED((N, 16), _F32),
        pltpu.SemaphoreType.DMA,
        pltpu.SemaphoreType.DMA,
    ]

    @functools.partial(
        pl.kernel, out_type=jax.ShapeDtypeStruct((NC, N, 128), _F32),
        mesh=mesh, scratch_types=tuple(scratch),
        compiler_params=pltpu.CompilerParams(use_tc_tiling_on_sc=False))
    def body(ei_hbm, deg_hbm, src_v, dst_v, ones_v, zb, din, dout,
             sem1, sem2):
        c = lax.axis_index("c")
        s = lax.axis_index("s")
        w = s * NC + c

        pltpu.sync_copy(ei_hbm.at[0, w], src_v)
        pltpu.sync_copy(ei_hbm.at[1, w], dst_v)
        _fill2d(ones_v, chunk, 16, 1.0)
        _zero_acc(zb, din, s)
        _zero_acc(zb, dout, s)
        plsc.subcore_barrier()

        def fire(j):
            pltpu.async_copy(ones_v, din.at[dst_v.at[j]], sem1, add=True)
            pltpu.async_copy(ones_v, dout.at[src_v.at[j]], sem2, add=True)

        def drain(j):
            pltpu.make_async_copy(ones_v, din.at[dst_v.at[j]],
                                  sem1).wait()
            pltpu.make_async_copy(ones_v, dout.at[src_v.at[j]],
                                  sem2).wait()

        fire(0)

        def chunk_body(j, _):
            fire(j)
            drain(j - 1)
            return 0

        lax.fori_loop(1, nchunk, chunk_body, 0)
        drain(nchunk - 1)
        plsc.subcore_barrier()
        pltpu.sync_copy(din.at[pl.ds(s * RPT, RPT)],
                        deg_hbm.at[c, pl.ds(s * RPT, RPT), pl.ds(0, 16)])
        pltpu.sync_copy(dout.at[pl.ds(s * RPT, RPT)],
                        deg_hbm.at[c, pl.ds(s * RPT, RPT), pl.ds(16, 16)])

    return body


CH40, CH80 = 40, 80
_deg_kernel = _make_deg(CH80)
_spmm128 = _make_gspmm(128, CH40)
_spmm80 = _make_gspmm(80, CH80)
_spmm64 = _make_gspmm(64, CH80)


def _leaky(v):
    return jnp.where(v >= 0, v, 0.01 * v)


def _t1_body(yp, degs, W1, b1, Wg, bg, feat_o, rsqout16_o, invdeg_o,
             rsqin_o):
    deg_in = jnp.maximum(degs[0, :, 0:1] + degs[1, :, 0:1], 1.0)
    deg_out = jnp.maximum(degs[0, :, 16:17] + degs[1, :, 16:17], 1.0)
    invdeg = 1.0 / deg_in
    rsq_in = jnp.sqrt(invdeg)
    rsq_out = lax.rsqrt(deg_out)
    m1 = (yp[0] + yp[1]) * invdeg
    h1 = _leaky(jnp.dot(m1, W1[...],
                        preferred_element_type=_F32) + b1[...])
    feat_o[...] = jnp.dot(h1, Wg[...],
                          preferred_element_type=_F32) * rsq_out
    rsqout16_o[...] = jnp.broadcast_to(rsq_out, (N, 16))
    invdeg_o[...] = invdeg
    rsqin_o[...] = rsq_in


_t1 = pl.pallas_call(
    _t1_body,
    out_shape=(jax.ShapeDtypeStruct((N, 128), _F32),
               jax.ShapeDtypeStruct((N, 16), _F32),
               jax.ShapeDtypeStruct((N, 1), _F32),
               jax.ShapeDtypeStruct((N, 1), _F32)),
)


def _t2_body(yp, rsqin, rsqout16, bg, W2, g3_o):
    agg2 = (yp[0] + yp[1]) * rsqin[...] + bg[...]
    h2 = _leaky(agg2)
    g3 = jnp.dot(h2, W2[...], preferred_element_type=_F32)
    g3_o[...] = jnp.concatenate([g3, rsqout16[...]], axis=1)


_t2 = pl.pallas_call(
    _t2_body,
    out_shape=jax.ShapeDtypeStruct((N, 80), _F32),
)


def _t3_body(yp, invdeg, rsqin, b2, Wg2, bg2, W3, g5_o):
    h3 = (yp[0, :, :64] + yp[1, :, :64]) * invdeg[...] + b2[...]
    pooled = jnp.mean(h3, axis=0, keepdims=True)
    q = jnp.dot(pooled, Wg2[...], preferred_element_type=_F32)
    alpha = (yp[0, :, 64:65] + yp[1, :, 64:65]) * rsqin[...]
    h4 = _leaky(alpha * q + bg2[...])
    g5_o[...] = jnp.dot(h4, W3[...], preferred_element_type=_F32)


_t3 = pl.pallas_call(
    _t3_body,
    out_shape=jax.ShapeDtypeStruct((N, 64), _F32),
)


def _t4_body(yp, invdeg, b3, out_o):
    out_o[...] = (yp[0, :, :64] + yp[1, :, :64]) * invdeg[...] + b3[...]


_t4 = pl.pallas_call(
    _t4_body,
    out_shape=jax.ShapeDtypeStruct((N, 64), _F32),
)


def kernel(x, edge_index, W1, b1, Wg, bg, W2, b2, Wg2, bg2, W3, b3):
    ei40 = edge_index.reshape(2, NW, EPW // CH40, CH40)
    ei80 = edge_index.reshape(2, NW, EPW // CH80, CH80)

    degs = _deg_kernel(ei80)
    y1 = _spmm128(x, ei40)
    feat2, rsqout16, invdeg, rsqin = _t1(y1, degs, W1, b1, Wg, bg)
    y2 = _spmm128(feat2, ei40)
    g3ext = _t2(y2, rsqin, rsqout16, bg, W2)
    y3 = _spmm80(g3ext, ei80)
    g5 = _t3(y3, invdeg, rsqin, b2, Wg2, bg2, W3)
    y5 = _spmm64(g5, ei80)
    out = _t4(y5, invdeg, b3)
    return out

# --- scband reference (transcript-rebuilt; emitter-appended) ---
"""Pipeline reference for scband-net-29283087024926 (READ-ONLY COPY).

The authoritative reference and input builder live on the scoring server;
editing this copy changes nothing except your own understanding.
"""

import jax, jax.numpy as jnp
import numpy as np

N = 10000
E = 320000
D_FEAT = 128
N_CLASSES = 64

def setup_inputs(seed: int = 0):
    key = jax.random.key(seed)
    ks = jax.random.split(key, 12)
    def lin(k, fi, fo):
        return jax.random.normal(k, (fi, fo), jnp.float32) / np.sqrt(fi)
    inp = {}
    inp["x"] = jax.random.normal(ks[0], (N, D_FEAT), jnp.float32)
    inp["edge_index"] = jax.random.randint(ks[1], (2, E), 0, N, dtype=jnp.int32)
    inp["W1"] = lin(ks[2], D_FEAT, 128)
    inp["b1"] = jnp.zeros((128,), jnp.float32)
    inp["Wg"] = lin(ks[3], 128, 128)
    inp["bg"] = jnp.zeros((128,), jnp.float32)
    inp["W2"] = lin(ks[4], 128, 64)
    inp["b2"] = jnp.zeros((64,), jnp.float32)
    inp["Wg2"] = lin(ks[5], 64, 64)
    inp["bg2"] = jnp.zeros((64,), jnp.float32)
    inp["W3"] = lin(ks[6], 64, N_CLASSES)
    inp["b3"] = jnp.zeros((N_CLASSES,), jnp.float32)
    return inp

def _gcn_layer(x, src, dst, W, b):
    # DGL: copy_src + mean reduce, then Linear
    n = x.shape[0]
    deg = jax.ops.segment_sum(jnp.ones((src.shape[0],), jnp.float32), dst, num_segments=n)
    m = jax.ops.segment_sum(x[src], dst, num_segments=n)
    h = m / jnp.clip(deg, 1.0)[:, None]
    return h @ W + b

def _graph_conv(x, src, dst, W, b):
    # DGL GraphConv, norm='both', activation=leaky_relu
    n = x.shape[0]
    ones = jnp.ones((src.shape[0],), jnp.float32)
    deg_out = jnp.clip(jax.ops.segment_sum(ones, src, num_segments=n), 1.0)
    deg_in = jnp.clip(jax.ops.segment_sum(ones, dst, num_segments=n), 1.0)
    feat = (x @ W) * (deg_out ** -0.5)[:, None]
    agg = jax.ops.segment_sum(feat[src], dst, num_segments=n)
    out = agg * (deg_in ** -0.5)[:, None] + b
    return jax.nn.leaky_relu(out, 0.01)

def reference(x, edge_index, W1, b1, Wg, bg, W2, b2, Wg2, bg2, W3, b3):
    src, dst = edge_index[0], edge_index[1]
    h = jax.nn.leaky_relu(_gcn_layer(x, src, dst, W1, b1), 0.01)
    h = _graph_conv(h, src, dst, Wg, bg)
    h = _gcn_layer(h, src, dst, W2, b2)
    # AvgPooling readout (single graph), broadcast back to nodes so the
    # subsequent graph convolutions remain well-defined
    pooled = jnp.mean(h, axis=0)
    h = jnp.broadcast_to(pooled[None, :], h.shape)
    h = _graph_conv(h, src, dst, Wg2, bg2)
    h = _gcn_layer(h, src, dst, W3, b3)
    return h

if __name__ == "__main__":
    import jax
    _d = setup_inputs()
    print(jax.jit(kernel)(*tuple(_d.values())))

</pallas_src>

<mosaic_0001>
#map = affine_map<(d0, d1) -> (0, 0)>
#map1 = affine_map<(d0, d1) -> (0, 0, 0, 0)>
#map2 = affine_map<(d0, d1) -> (0, 0, 0)>
module attributes {stable_mosaic.version = 14 : i64} {
  func.func @body(%arg0: i32, %arg1: i32, %arg2: memref<10000x128xf32, #tpu.memory_space<hbm>>, %arg3: memref<2x32x250x40xi32, #tpu.memory_space<hbm>>, %arg4: memref<2x10000x128xf32, #tpu.memory_space<hbm>>, %arg5: memref<250x40xi32, #tpu.memory_space<vmem>>, %arg6: memref<250x40xi32, #tpu.memory_space<vmem>>, %arg7: memref<25x128xf32, #tpu.memory_space<vmem>>, %arg8: memref<10000x128xf32, #tpu.memory_space<vmem_shared>>, %arg9: memref<40x128xf32, #tpu.memory_space<vmem>>, %arg10: memref<40x128xf32, #tpu.memory_space<vmem>>, %arg11: memref<40x128xf32, #tpu.memory_space<vmem>>, %arg12: memref<40x128xf32, #tpu.memory_space<vmem>>, %arg13: memref<40x128xf32, #tpu.memory_space<vmem>>, %arg14: memref<!tpu.dma_semaphore, #tpu.memory_space<semaphore_mem>>, %arg15: memref<!tpu.dma_semaphore, #tpu.memory_space<semaphore_mem>>, %arg16: memref<!tpu.dma_semaphore, #tpu.memory_space<semaphore_mem>>, %arg17: memref<!tpu.dma_semaphore, #tpu.memory_space<semaphore_mem>>, %arg18: memref<!tpu.dma_semaphore, #tpu.memory_space<semaphore_mem>>) attributes {dimension_semantics = [#tpu.dimension_semantics<core_parallel>, #tpu.dimension_semantics<subcore_parallel>], iteration_bounds = array<i64: 2, 16>, scalar_prefetch = 0 : i64, scratch_operands = 14 : i64, tpu.core_type = #tpu.core_type<sc_vector_subcore>, window_params = [{transform_indices = #map}, {transform_indices = #map1}, {transform_indices = #map2}]} {
    %mul3A = arith.constant 2 : i32
    %mul3A_0 = arith.muli %arg1, %mul3A : i32
    %add3A = arith.addi %mul3A_0, %arg0 : i32
    %run_scoped3A = arith.constant 0 : i32
    "tpu.region"() ({
      %run_scoped3A_101 = tpu.sem_alloc : memref<!tpu.dma_semaphore, #tpu.memory_space<semaphore_mem>>
      %dma_start3A_102 = arith.constant 0 : i32
      %dma_start3A_103 = arith.constant 0 : i32
      %dma_start3A_104 = tpu.memref_slice %arg3[%run_scoped3A, %add3A, %dma_start3A_102, %dma_start3A_103] : memref<2x32x250x40xi32, #tpu.memory_space<hbm>> -> memref<1x1x250x40xi32, #tpu.memory_space<hbm>>
      %dma_start3A_105 = tpu.memref_squeeze %dma_start3A_104 : memref<1x1x250x40xi32, #tpu.memory_space<hbm>> -> memref<250x40xi32, #tpu.memory_space<hbm>>
      %dma_start3A_106 = arith.constant 0 : i32
      %dma_start3A_107 = arith.constant 0 : i32
      %dma_start3A_108 = tpu.memref_slice %arg3[%run_scoped3A, %add3A, %dma_start3A_106, %dma_start3A_107] : memref<2x32x250x40xi32, #tpu.memory_space<hbm>> -> memref<1x1x250x40xi32, #tpu.memory_space<hbm>>
      %dma_start3A_109 = tpu.memref_squeeze %dma_start3A_108 : memref<1x1x250x40xi32, #tpu.memory_space<hbm>> -> memref<250x40xi32, #tpu.memory_space<hbm>>
      tpu.enqueue_dma source(%dma_start3A_109 : memref<250x40xi32, #tpu.memory_space<hbm>>) target(%arg5 : memref<250x40xi32, #tpu.memory_space<vmem>>) target_semaphore(%run_scoped3A_101 : memref<!tpu.dma_semaphore, #tpu.memory_space<semaphore_mem>>)
      %dma_wait3A_110 = arith.constant 0 : i32
      %dma_wait3A_111 = arith.constant 0 : i32
      %dma_wait3A_112 = tpu.memref_slice %arg3[%run_scoped3A, %add3A, %dma_wait3A_110, %dma_wait3A_111] : memref<2x32x250x40xi32, #tpu.memory_space<hbm>> -> memref<1x1x250x40xi32, #tpu.memory_space<hbm>>
      %dma_wait3A_113 = tpu.memref_squeeze %dma_wait3A_112 : memref<1x1x250x40xi32, #tpu.memory_space<hbm>> -> memref<250x40xi32, #tpu.memory_space<hbm>>
      %dma_wait3A_114 = arith.constant 0 : i32
      %dma_wait3A_115 = arith.constant 0 : i32
      %dma_wait3A_116 = tpu.memref_slice %arg3[%run_scoped3A, %add3A, %dma_wait3A_114, %dma_wait3A_115] : memref<2x32x250x40xi32, #tpu.memory_space<hbm>> -> memref<1x1x250x40xi32, #tpu.memory_space<hbm>>
      %dma_wait3A_117 = tpu.memref_squeeze %dma_wait3A_116 : memref<1x1x250x40xi32, #tpu.memory_space<hbm>> -> memref<250x40xi32, #tpu.memory_space<hbm>>
      tpu.wait_dma2 semaphore(%run_scoped3A_101 : memref<!tpu.dma_semaphore, #tpu.memory_space<semaphore_mem>>) src(%dma_wait3A_117 : memref<250x40xi32, #tpu.memory_space<hbm>>) dst(%arg5 : memref<250x40xi32, #tpu.memory_space<vmem>>)
      tpu.yield
    }) : () -> ()
    %run_scoped3A_1 = arith.constant 1 : i32
    "tpu.region"() ({
      %run_scoped3A_101 = tpu.sem_alloc : memref<!tpu.dma_semaphore, #tpu.memory_space<semaphore_mem>>
      %dma_start3A_102 = arith.constant 0 : i32
      %dma_start3A_103 = arith.constant 0 : i32
      %dma_start3A_104 = tpu.memref_slice %arg3[%run_scoped3A_1, %add3A, %dma_start3A_102, %dma_start3A_103] : memref<2x32x250x40xi32, #tpu.memory_space<hbm>> -> memref<1x1x250x40xi32, #tpu.memory_space<hbm>>
      %dma_start3A_105 = tpu.memref_squeeze %dma_start3A_104 : memref<1x1x250x40xi32, #tpu.memory_space<hbm>> -> memref<250x40xi32, #tpu.memory_space<hbm>>
      %dma_start3A_106 = arith.constant 0 : i32
      %dma_start3A_107 = arith.constant 0 : i32
      %dma_start3A_108 = tpu.memref_slice %arg3[%run_scoped3A_1, %add3A, %dma_start3A_106, %dma_start3A_107] : memref<2x32x250x40xi32, #tpu.memory_space<hbm>> -> memref<1x1x250x40xi32, #tpu.memory_space<hbm>>
      %dma_start3A_109 = tpu.memref_squeeze %dma_start3A_108 : memref<1x1x250x40xi32, #tpu.memory_space<hbm>> -> memref<250x40xi32, #tpu.memory_space<hbm>>
      tpu.enqueue_dma source(%dma_start3A_109 : memref<250x40xi32, #tpu.memory_space<hbm>>) target(%arg6 : memref<250x40xi32, #tpu.memory_space<vmem>>) target_semaphore(%run_scoped3A_101 : memref<!tpu.dma_semaphore, #tpu.memory_space<semaphore_mem>>)
      %dma_wait3A_110 = arith.constant 0 : i32
      %dma_wait3A_111 = arith.constant 0 : i32
      %dma_wait3A_112 = tpu.memref_slice %arg3[%run_scoped3A_1, %add3A, %dma_wait3A_110, %dma_wait3A_111] : memref<2x32x250x40xi32, #tpu.memory_space<hbm>> -> memref<1x1x250x40xi32, #tpu.memory_space<hbm>>
      %dma_wait3A_113 = tpu.memref_squeeze %dma_wait3A_112 : memref<1x1x250x40xi32, #tpu.memory_space<hbm>> -> memref<250x40xi32, #tpu.memory_space<hbm>>
      %dma_wait3A_114 = arith.constant 0 : i32
      %dma_wait3A_115 = arith.constant 0 : i32
      %dma_wait3A_116 = tpu.memref_slice %arg3[%run_scoped3A_1, %add3A, %dma_wait3A_114, %dma_wait3A_115] : memref<2x32x250x40xi32, #tpu.memory_space<hbm>> -> memref<1x1x250x40xi32, #tpu.memory_space<hbm>>
      %dma_wait3A_117 = tpu.memref_squeeze %dma_wait3A_116 : memref<1x1x250x40xi32, #tpu.memory_space<hbm>> -> memref<250x40xi32, #tpu.memory_space<hbm>>
      tpu.wait_dma2 semaphore(%run_scoped3A_101 : memref<!tpu.dma_semaphore, #tpu.memory_space<semaphore_mem>>) src(%dma_wait3A_117 : memref<250x40xi32, #tpu.memory_space<hbm>>) dst(%arg6 : memref<250x40xi32, #tpu.memory_space<vmem>>)
      tpu.yield
    }) : () -> ()
    %broadcast_in_dim3A = arith.constant 0.000000e+00 : f32
    %broadcast_in_dim3A_2 = vector.broadcast %broadcast_in_dim3A : f32 to vector<16xf32>
    %scan3A = arith.constant 0 : i32
    %scan3A_3 = arith.constant 0 : i32
    %scan3A_4 = arith.constant 25 : i32
    %scan3A_5 = arith.addi %scan3A_3, %scan3A_4 : i32
    %scan3A_6 = arith.constant 1 : i32
    %scan3A_7 = scf.for %scan3A_101 = %scan3A_3 to %scan3A_5 step %scan3A_6 iter_args(%scan3A_102 = %scan3A) -> (i32)  : i32 {
      %swap3A = arith.index_cast %scan3A_101 : i32 to index
      %swap3A_103 = arith.constant 0 : index
      %swap3A_104 = tpu.vector_load %arg7[%swap3A, %swap3A_103] {strides = array<i32>} : memref<25x128xf32, #tpu.memory_space<vmem>>, vector<1x16xf32>,
      %swap3A_105 = vector.shape_cast %swap3A_104 : vector<1x16xf32> to vector<16xf32>
      %swap3A_106 = vector.shape_cast %broadcast_in_dim3A_2 : vector<16xf32> to vector<1x16xf32>
      tpu.vector_store %arg7[%swap3A, %swap3A_103], %swap3A_106 {strides = array<i32>} : memref<25x128xf32, #tpu.memory_space<vmem>>, vector<1x16xf32>,
      %swap3A_107 = arith.index_cast %scan3A_101 : i32 to index
      %swap3A_108 = arith.constant 16 : index
      %swap3A_109 = tpu.vector_load %arg7[%swap3A_107, %swap3A_108] {strides = array<i32>} : memref<25x128xf32, #tpu.memory_space<vmem>>, vector<1x16xf32>,
      %swap3A_110 = vector.shape_cast %swap3A_109 : vector<1x16xf32> to vector<16xf32>
      %swap3A_111 = vector.shape_cast %broadcast_in_dim3A_2 : vector<16xf32> to vector<1x16xf32>
      tpu.vector_store %arg7[%swap3A_107, %swap3A_108], %swap3A_111 {strides = array<i32>} : memref<25x128xf32, #tpu.memory_space<vmem>>, vector<1x16xf32>,
      %swap3A_112 = arith.index_cast %scan3A_101 : i32 to index
      %swap3A_113 = arith.constant 32 : index
      %swap3A_114 = tpu.vector_load %arg7[%swap3A_112, %swap3A_113] {strides = array<i32>} : memref<25x128xf32, #tpu.memory_space<vmem>>, vector<1x16xf32>,
      %swap3A_115 = vector.shape_cast %swap3A_114 : vector<1x16xf32> to vector<16xf32>
      %swap3A_116 = vector.shape_cast %broadcast_in_dim3A_2 : vector<16xf32> to vector<1x16xf32>
      tpu.vector_store %arg7[%swap3A_112, %swap3A_113], %swap3A_116 {strides = array<i32>} : memref<25x128xf32, #tpu.memory_space<vmem>>, vector<1x16xf32>,
      %swap3A_117 = arith.index_cast %scan3A_101 : i32 to index
      %swap3A_118 = arith.constant 48 : index
      %swap3A_119 = tpu.vector_load %arg7[%swap3A_117, %swap3A_118] {strides = array<i32>} : memref<25x128xf32, #tpu.memory_space<vmem>>, vector<1x16xf32>,
      %swap3A_120 = vector.shape_cast %swap3A_119 : vector<1x16xf32> to vector<16xf32>
      %swap3A_121 = vector.shape_cast %broadcast_in_dim3A_2 : vector<16xf32> to vector<1x16xf32>
      tpu.vector_store %arg7[%swap3A_117, %swap3A_118], %swap3A_121 {strides = array<i32>} : memref<25x128xf32, #tpu.memory_space<vmem>>, vector<1x16xf32>,
      %swap3A_122 = arith.index_cast %scan3A_101 : i32 to index
      %swap3A_123 = arith.constant 64 : index
      %swap3A_124 = tpu.vector_load %arg7[%swap3A_122, %swap3A_123] {strides = array<i32>} : memref<25x128xf32, #tpu.memory_space<vmem>>, vector<1x16xf32>,
      %swap3A_125 = vector.shape_cast %swap3A_124 : vector<1x16xf32> to vector<16xf32>
      %swap3A_126 = vector.shape_cast %broadcast_in_dim3A_2 : vector<16xf32> to vector<1x16xf32>
      tpu.vector_store %arg7[%swap3A_122, %swap3A_123], %swap3A_126 {strides = array<i32>} : memref<25x128xf32, #tpu.memory_space<vmem>>, vector<1x16xf32>,
      %swap3A_127 = arith.index_cast %scan3A_101 : i32 to index
      %swap3A_128 = arith.constant 80 : index
      %swap3A_129 = tpu.vector_load %arg7[%swap3A_127, %swap3A_128] {strides = array<i32>} : memref<25x128xf32, #tpu.memory_space<vmem>>, vector<1x16xf32>,
      %swap3A_130 = vector.shape_cast %swap3A_129 : vector<1x16xf32> to vector<16xf32>
      %swap3A_131 = vector.shape_cast %broadcast_in_dim3A_2 : vector<16xf32> to vector<1x16xf32>
      tpu.vector_store %arg7[%swap3A_127, %swap3A_128], %swap3A_131 {strides = array<i32>} : memref<25x128xf32, #tpu.memory_space<vmem>>, vector<1x16xf32>,
      %swap3A_132 = arith.index_cast %scan3A_101 : i32 to index
      %swap3A_133 = arith.constant 96 : index
      %swap3A_134 = tpu.vector_load %arg7[%swap3A_132, %swap3A_133] {strides = array<i32>} : memref<25x128xf32, #tpu.memory_space<vmem>>, vector<1x16xf32>,
      %swap3A_135 = vector.shape_cast %swap3A_134 : vector<1x16xf32> to vector<16xf32>
      %swap3A_136 = vector.shape_cast %broadcast_in_dim3A_2 : vector<16xf32> to vector<1x16xf32>
      tpu.vector_store %arg7[%swap3A_132, %swap3A_133], %swap3A_136 {strides = array<i32>} : memref<25x128xf32, #tpu.memory_space<vmem>>, vector<1x16xf32>,
      %swap3A_137 = arith.index_cast %scan3A_101 : i32 to index
      %swap3A_138 = arith.constant 112 : index
      %swap3A_139 = tpu.vector_load %arg7[%swap3A_137, %swap3A_138] {strides = array<i32>} : memref<25x128xf32, #tpu.memory_space<vmem>>, vector<1x16xf32>,
      %swap3A_140 = vector.shape_cast %swap3A_139 : vector<1x16xf32> to vector<16xf32>
      %swap3A_141 = vector.shape_cast %broadcast_in_dim3A_2 : vector<16xf32> to vector<1x16xf32>
      tpu.vector_store %arg7[%swap3A_137, %swap3A_138], %swap3A_141 {strides = array<i32>} : memref<25x128xf32, #tpu.memory_space<vmem>>, vector<1x16xf32>,
      %scan3A_142 = arith.constant 0 : i32
      scf.yield %scan3A_142 : i32
    }
    %scan3A_8 = arith.constant 25 : i32
    %scan3A_9 = arith.constant 0 : i32
    %scan3A_10 = arith.constant 0 : i32
    %scan3A_11 = arith.constant 25 : i32
    %scan3A_12 = arith.addi %scan3A_10, %scan3A_11 : i32
    %scan3A_13 = arith.constant 1 : i32
    %scan3A_14 = scf.for %scan3A_101 = %scan3A_10 to %scan3A_12 step %scan3A_13 iter_args(%scan3A_102 = %scan3A_9) -> (i32)  : i32 {
      %mul3A_103 = arith.constant 625 : i32
      %mul3A_104 = arith.muli %arg1, %mul3A_103 : i32
      %mul3A_105 = arith.constant 25 : i32
      %mul3A_106 = arith.muli %scan3A_101, %mul3A_105 : i32
      %add3A_107 = arith.addi %mul3A_104, %mul3A_106 : i32
      "tpu.region"() ({
        %run_scoped3A_109 = tpu.sem_alloc : memref<!tpu.dma_semaphore, #tpu.memory_space<semaphore_mem>>
        %dma_start3A_110 = arith.constant 0 : i32
        %dma_start3A_111 = tpu.memref_slice %arg8[%add3A_107, %dma_start3A_110] : memref<10000x128xf32, #tpu.memory_space<vmem_shared>> -> memref<25x128xf32, #tpu.memory_space<vmem_shared>>
        %dma_start3A_112 = arith.constant 0 : i32
        %dma_start3A_113 = tpu.memref_slice %arg8[%add3A_107, %dma_start3A_112] : memref<10000x128xf32, #tpu.memory_space<vmem_shared>> -> memref<25x128xf32, #tpu.memory_space<vmem_shared>>
        tpu.enqueue_dma source(%arg7 : memref<25x128xf32, #tpu.memory_space<vmem>>) target(%dma_start3A_113 : memref<25x128xf32, #tpu.memory_space<vmem_shared>>) target_semaphore(%run_scoped3A_109 : memref<!tpu.dma_semaphore, #tpu.memory_space<semaphore_mem>>)
        %dma_wait3A_114 = arith.constant 0 : i32
        %dma_wait3A_115 = tpu.memref_slice %arg8[%add3A_107, %dma_wait3A_114] : memref<10000x128xf32, #tpu.memory_space<vmem_shared>> -> memref<25x128xf32, #tpu.memory_space<vmem_shared>>
        %dma_wait3A_116 = arith.constant 0 : i32
        %dma_wait3A_117 = tpu.memref_slice %arg8[%add3A_107, %dma_wait3A_116] : memref<10000x128xf32, #tpu.memory_space<vmem_shared>> -> memref<25x128xf32, #tpu.memory_space<vmem_shared>>
        tpu.wait_dma2 semaphore(%run_scoped3A_109 : memref<!tpu.dma_semaphore, #tpu.memory_space<semaphore_mem>>) src(%arg7 : memref<25x128xf32, #tpu.memory_space<vmem>>) dst(%dma_wait3A_117 : memref<25x128xf32, #tpu.memory_space<vmem_shared>>)
        tpu.yield
      }) : () -> ()
      %scan3A_108 = arith.constant 0 : i32
      scf.yield %scan3A_108 : i32
    }
    %scan3A_15 = arith.constant 25 : i32
    %barrier3A = arith.constant 0 : index
    tpu.barrier barrier_id(%barrier3A)
    %dma_start3A = arith.constant 0 : i32
    %dma_start3A_16 = arith.constant 0 : i32
    %dma_start3A_17 = tpu.memref_slice %arg5[%dma_start3A, %dma_start3A_16] : memref<250x40xi32, #tpu.memory_space<vmem>> -> memref<1x40xi32, #tpu.memory_space<vmem>>
    %dma_start3A_18 = tpu.memref_squeeze %dma_start3A_17 : memref<1x40xi32, #tpu.memory_space<vmem>> -> memref<40xi32, #tpu.memory_space<vmem>>
    %dma_start3A_19 = arith.constant 0 : i32
    %dma_start3A_20 = arith.constant 0 : i32
    %dma_start3A_21 = tpu.memref_slice %arg2[%dma_start3A_19, %dma_start3A_20] : memref<10000x128xf32, #tpu.memory_space<hbm>> -> memref<10000x128xf32, #tpu.memory_space<hbm>>
    tpu.enqueue_indirect_dma source(%dma_start3A_21 : memref<10000x128xf32, #tpu.memory_space<hbm>>) target(%arg9 : memref<40x128xf32, #tpu.memory_space<vmem>>) offsets(%dma_start3A_18 : memref<40xi32, #tpu.memory_space<vmem>>) semaphore(%arg14 : memref<!tpu.dma_semaphore, #tpu.memory_space<semaphore_mem>>)
    %dma_start3A_22 = arith.constant 1 : i32
    %dma_start3A_23 = arith.constant 0 : i32
    %dma_start3A_24 = tpu.memref_slice %arg5[%dma_start3A_22, %dma_start3A_23] : memref<250x40xi32, #tpu.memory_space<vmem>> -> memref<1x40xi32, #tpu.memory_space<vmem>>
    %dma_start3A_25 = tpu.memref_squeeze %dma_start3A_24 : memref<1x40xi32, #tpu.memory_space<vmem>> -> memref<40xi32, #tpu.memory_space<vmem>>
    %dma_start3A_26 = arith.constant 0 : i32
    %dma_start3A_27 = arith.constant 0 : i32
    %dma_start3A_28 = tpu.memref_slice %arg2[%dma_start3A_26, %dma_start3A_27] : memref<10000x128xf32, #tpu.memory_space<hbm>> -> memref<10000x128xf32, #tpu.memory_space<hbm>>
    tpu.enqueue_indirect_dma source(%dma_start3A_28 : memref<10000x128xf32, #tpu.memory_space<hbm>>) target(%arg10 : memref<40x128xf32, #tpu.memory_space<vmem>>) offsets(%dma_start3A_25 : memref<40xi32, #tpu.memory_space<vmem>>) semaphore(%arg15 : memref<!tpu.dma_semaphore, #tpu.memory_space<semaphore_mem>>)
    %dma_start3A_29 = arith.constant 2 : i32
    %dma_start3A_30 = arith.constant 0 : i32
    %dma_start3A_31 = tpu.memref_slice %arg5[%dma_start3A_29, %dma_start3A_30] : memref<250x40xi32, #tpu.memory_space<vmem>> -> memref<1x40xi32, #tpu.memory_space<vmem>>
    %dma_start3A_32 = tpu.memref_squeeze %dma_start3A_31 : memref<1x40xi32, #tpu.memory_space<vmem>> -> memref<40xi32, #tpu.memory_space<vmem>>
    %dma_start3A_33 = arith.constant 0 : i32
    %dma_start3A_34 = arith.constant 0 : i32
    %dma_start3A_35 = tpu.memref_slice %arg2[%dma_start3A_33, %dma_start3A_34] : memref<10000x128xf32, #tpu.memory_space<hbm>> -> memref<10000x128xf32, #tpu.memory_space<hbm>>
    tpu.enqueue_indirect_dma source(%dma_start3A_35 : memref<10000x128xf32, #tpu.memory_space<hbm>>) target(%arg11 : memref<40x128xf32, #tpu.memory_space<vmem>>) offsets(%dma_start3A_32 : memref<40xi32, #tpu.memory_space<vmem>>) semaphore(%arg16 : memref<!tpu.dma_semaphore, #tpu.memory_space<semaphore_mem>>)
    %dma_start3A_36 = arith.constant 3 : i32
    %dma_start3A_37 = arith.constant 0 : i32
    %dma_start3A_38 = tpu.memref_slice %arg5[%dma_start3A_36, %dma_start3A_37] : memref<250x40xi32, #tpu.memory_space<vmem>> -> memref<1x40xi32, #tpu.memory_space<vmem>>
    %dma_start3A_39 = tpu.memref_squeeze %dma_start3A_38 : memref<1x40xi32, #tpu.memory_space<vmem>> -> memref<40xi32, #tpu.memory_space<vmem>>
    %dma_start3A_40 = arith.constant 0 : i32
    %dma_start3A_41 = arith.constant 0 : i32
    %dma_start3A_42 = tpu.memref_slice %arg2[%dma_start3A_40, %dma_start3A_41] : memref<10000x128xf32, #tpu.memory_space<hbm>> -> memref<10000x128xf32, #tpu.memory_space<hbm>>
    tpu.enqueue_indirect_dma source(%dma_start3A_42 : memref<10000x128xf32, #tpu.memory_space<hbm>>) target(%arg12 : memref<40x128xf32, #tpu.memory_space<vmem>>) offsets(%dma_start3A_39 : memref<40xi32, #tpu.memory_space<vmem>>) semaphore(%arg17 : memref<!tpu.dma_semaphore, #tpu.memory_space<semaphore_mem>>)
    %dma_start3A_43 = arith.constant 4 : i32
    %dma_start3A_44 = arith.constant 0 : i32
    %dma_start3A_45 = tpu.memref_slice %arg5[%dma_start3A_43, %dma_start3A_44] : memref<250x40xi32, #tpu.memory_space<vmem>> -> memref<1x40xi32, #tpu.memory_space<vmem>>
    %dma_start3A_46 = tpu.memref_squeeze %dma_start3A_45 : memref<1x40xi32, #tpu.memory_space<vmem>> -> memref<40xi32, #tpu.memory_space<vmem>>
    %dma_start3A_47 = arith.constant 0 : i32
    %dma_start3A_48 = arith.constant 0 : i32
    %dma_start3A_49 = tpu.memref_slice %arg2[%dma_start3A_47, %dma_start3A_48] : memref<10000x128xf32, #tpu.memory_space<hbm>> -> memref<10000x128xf32, #tpu.memory_space<hbm>>
    tpu.enqueue_indirect_dma source(%dma_start3A_49 : memref<10000x128xf32, #tpu.memory_space<hbm>>) target(%arg13 : memref<40x128xf32, #tpu.memory_space<vmem>>) offsets(%dma_start3A_46 : memref<40xi32, #tpu.memory_space<vmem>>) semaphore(%arg18 : memref<!tpu.dma_semaphore, #tpu.memory_space<semaphore_mem>>)
    %scan3A_50 = arith.constant 0 : i32
    %scan3A_51 = arith.constant 0 : i32
    %scan3A_52 = arith.constant 49 : i32
    %scan3A_53 = arith.addi %scan3A_51, %scan3A_52 : i32
    %scan3A_54 = arith.constant 1 : i32
    %scan3A_55 = scf.for %scan3A_101 = %scan3A_51 to %scan3A_53 step %scan3A_54 iter_args(%scan3A_102 = %scan3A_50) -> (i32)  : i32 {
      %mul3A_103 = arith.constant 5 : i32
      %mul3A_104 = arith.muli %scan3A_101, %mul3A_103 : i32
      %add3A_105 = arith.constant 0 : i32
      %add3A_106 = arith.addi %mul3A_104, %add3A_105 : i32
      %dma_wait3A_107 = arith.constant 0 : i32
      %dma_wait3A_108 = tpu.memref_slice %arg5[%add3A_106, %dma_wait3A_107] : memref<250x40xi32, #tpu.memory_space<vmem>> -> memref<1x40xi32, #tpu.memory_space<vmem>>
      %dma_wait3A_109 = tpu.memref_squeeze %dma_wait3A_108 : memref<1x40xi32, #tpu.memory_space<vmem>> -> memref<40xi32, #tpu.memory_space<vmem>>
      %dma_wait3A_110 = arith.constant 0 : i32
      %dma_wait3A_111 = arith.constant 0 : i32
      %dma_wait3A_112 = tpu.memref_slice %arg2[%dma_wait3A_110, %dma_wait3A_111] : memref<10000x128xf32, #tpu.memory_space<hbm>> -> memref<10000x128xf32, #tpu.memory_space<hbm>>
      tpu.wait_indirect_dma semaphore(%arg14 : memref<!tpu.dma_semaphore, #tpu.memory_space<semaphore_mem>>) src(%dma_wait3A_112 : memref<10000x128xf32, #tpu.memory_space<hbm>>) dst(%arg9 : memref<40x128xf32, #tpu.memory_space<vmem>>)
      "tpu.region"() ({
        %run_scoped3A_196 = tpu.sem_alloc : memref<!tpu.dma_semaphore, #tpu.memory_space<semaphore_mem>>
        %dma_start3A_197 = arith.constant 0 : i32
        %dma_start3A_198 = tpu.memref_slice %arg6[%add3A_106, %dma_start3A_197] : memref<250x40xi32, #tpu.memory_space<vmem>> -> memref<1x40xi32, #tpu.memory_space<vmem>>
        %dma_start3A_199 = tpu.memref_squeeze %dma_start3A_198 : memref<1x40xi32, #tpu.memory_space<vmem>> -> memref<40xi32, #tpu.memory_space<vmem>>
        %dma_start3A_200 = arith.constant 0 : i32
        %dma_start3A_201 = arith.constant 0 : i32
        %dma_start3A_202 = tpu.memref_slice %arg8[%dma_start3A_200, %dma_start3A_201] : memref<10000x128xf32, #tpu.memory_space<vmem_shared>> -> memref<10000x128xf32, #tpu.memory_space<vmem_shared>>
        tpu.enqueue_indirect_dma source(%arg9 : memref<40x128xf32, #tpu.memory_space<vmem>>) target(%dma_start3A_202 : memref<10000x128xf32, #tpu.memory_space<vmem_shared>>) offsets(%dma_start3A_199 : memref<40xi32, #tpu.memory_space<vmem>>) semaphore(%run_scoped3A_196 : memref<!tpu.dma_semaphore, #tpu.memory_space<semaphore_mem>>) {add = true}
        %dma_wait3A_203 = arith.constant 0 : i32
        %dma_wait3A_204 = tpu.memref_slice %arg6[%add3A_106, %dma_wait3A_203] : memref<250x40xi32, #tpu.memory_space<vmem>> -> memref<1x40xi32, #tpu.memory_space<vmem>>
        %dma_wait3A_205 = tpu.memref_squeeze %dma_wait3A_204 : memref<1x40xi32, #tpu.memory_space<vmem>> -> memref<40xi32, #tpu.memory_space<vmem>>
        %dma_wait3A_206 = arith.constant 0 : i32
        %dma_wait3A_207 = arith.constant 0 : i32
        %dma_wait3A_208 = tpu.memref_slice %arg8[%dma_wait3A_206, %dma_wait3A_207] : memref<10000x128xf32, #tpu.memory_space<vmem_shared>> -> memref<10000x128xf32, #tpu.memory_space<vmem_shared>>
        tpu.wait_indirect_dma semaphore(%run_scoped3A_196 : memref<!tpu.dma_semaphore, #tpu.memory_space<semaphore_mem>>) src(%arg9 : memref<40x128xf32, #tpu.memory_space<vmem>>) dst(%dma_wait3A_208 : memref<10000x128xf32, #tpu.memory_space<vmem_shared>>)
        tpu.yield
      }) : () -> ()
      %add3A_113 = arith.constant 0 : i32
      %add3A_114 = arith.addi %mul3A_104, %add3A_113 : i32
      %add3A_115 = arith.constant 5 : i32
      %add3A_116 = arith.addi %add3A_114, %add3A_115 : i32
      %dma_start3A_117 = arith.constant 0 : i32
      %dma_start3A_118 = tpu.memref_slice %arg5[%add3A_116, %dma_start3A_117] : memref<250x40xi32, #tpu.memory_space<vmem>> -> memref<1x40xi32, #tpu.memory_space<vmem>>
      %dma_start3A_119 = tpu.memref_squeeze %dma_start3A_118 : memref<1x40xi32, #tpu.memory_space<vmem>> -> memref<40xi32, #tpu.memory_space<vmem>>
      %dma_start3A_120 = arith.constant 0 : i32
      %dma_start3A_121 = arith.constant 0 : i32
      %dma_start3A_122 = tpu.memref_slice %arg2[%dma_start3A_120, %dma_start3A_121] : memref<10000x128xf32, #tpu.memory_space<hbm>> -> memref<10000x128xf32, #tpu.memory_space<hbm>>
      tpu.enqueue_indirect_dma source(%dma_start3A_122 : memref<10000x128xf32, #tpu.memory_space<hbm>>) target(%arg9 : memref<40x128xf32, #tpu.memory_space<vmem>>) offsets(%dma_start3A_119 : memref<40xi32, #tpu.memory_space<vmem>>) semaphore(%arg14 : memref<!tpu.dma_semaphore, #tpu.memory_space<semaphore_mem>>)
      %add3A_123 = arith.constant 1 : i32
      %add3A_124 = arith.addi %mul3A_104, %add3A_123 : i32
      %dma_wait3A_125 = arith.constant 0 : i32
      %dma_wait3A_126 = tpu.memref_slice %arg5[%add3A_124, %dma_wait3A_125] : memref<250x40xi32, #tpu.memory_space<vmem>> -> memref<1x40xi32, #tpu.memory_space<vmem>>
      %dma_wait3A_127 = tpu.memref_squeeze %dma_wait3A_126 : memref<1x40xi32, #tpu.memory_space<vmem>> -> memref<40xi32, #tpu.memory_space<vmem>>
      %dma_wait3A_128 = arith.constant 0 : i32
      %dma_wait3A_129 = arith.constant 0 : i32
      %dma_wait3A_130 = tpu.memref_slice %arg2[%dma_wait3A_128, %dma_wait3A_129] : memref<10000x128xf32, #tpu.memory_space<hbm>> -> memref<10000x128xf32, #tpu.memory_space<hbm>>
      tpu.wait_indirect_dma semaphore(%arg15 : memref<!tpu.dma_semaphore, #tpu.memory_space<semaphore_mem>>) src(%dma_wait3A_130 : memref<10000x128xf32, #tpu.memory_space<hbm>>) dst(%arg10 : memref<40x128xf32, #tpu.memory_space<vmem>>)
      "tpu.region"() ({
        %run_scoped3A_196 = tpu.sem_alloc : memref<!tpu.dma_semaphore, #tpu.memory_space<semaphore_mem>>
        %dma_start3A_197 = arith.constant 0 : i32
        %dma_start3A_198 = tpu.memref_slice %arg6[%add3A_124, %dma_start3A_197] : memref<250x40xi32, #tpu.memory_space<vmem>> -> memref<1x40xi32, #tpu.memory_space<vmem>>
        %dma_start3A_199 = tpu.memref_squeeze %dma_start3A_198 : memref<1x40xi32, #tpu.memory_space<vmem>> -> memref<40xi32, #tpu.memory_space<vmem>>
        %dma_start3A_200 = arith.constant 0 : i32
        %dma_start3A_201 = arith.constant 0 : i32
        %dma_start3A_202 = tpu.memref_slice %arg8[%dma_start3A_200, %dma_start3A_201] : memref<10000x128xf32, #tpu.memory_space<vmem_shared>> -> memref<10000x128xf32, #tpu.memory_space<vmem_shared>>
        tpu.enqueue_indirect_dma source(%arg10 : memref<40x128xf32, #tpu.memory_space<vmem>>) target(%dma_start3A_202 : memref<10000x128xf32, #tpu.memory_space<vmem_shared>>) offsets(%dma_start3A_199 : memref<40xi32, #tpu.memory_space<vmem>>) semaphore(%run_scoped3A_196 : memref<!tpu.dma_semaphore, #tpu.memory_space<semaphore_mem>>) {add = true}
        %dma_wait3A_203 = arith.constant 0 : i32
        %dma_wait3A_204 = tpu.memref_slice %arg6[%add3A_124, %dma_wait3A_203] : memref<250x40xi32, #tpu.memory_space<vmem>> -> memref<1x40xi32, #tpu.memory_space<vmem>>
        %dma_wait3A_205 = tpu.memref_squeeze %dma_wait3A_204 : memref<1x40xi32, #tpu.memory_space<vmem>> -> memref<40xi32, #tpu.memory_space<vmem>>
        %dma_wait3A_206 = arith.constant 0 : i32
        %dma_wait3A_207 = arith.constant 0 : i32
        %dma_wait3A_208 = tpu.memref_slice %arg8[%dma_wait3A_206, %dma_wait3A_207] : memref<10000x128xf32, #tpu.memory_space<vmem_shared>> -> memref<10000x128xf32, #tpu.memory_space<vmem_shared>>
        tpu.wait_indirect_dma semaphore(%run_scoped3A_196 : memref<!tpu.dma_semaphore, #tpu.memory_space<semaphore_mem>>) src(%arg10 : memref<40x128xf32, #tpu.memory_space<vmem>>) dst(%dma_wait3A_208 : memref<10000x128xf32, #tpu.memory_space<vmem_shared>>)
        tpu.yield
      }) : () -> ()
      %add3A_131 = arith.constant 1 : i32
      %add3A_132 = arith.addi %mul3A_104, %add3A_131 : i32
      %add3A_133 = arith.constant 5 : i32
      %add3A_134 = arith.addi %add3A_132, %add3A_133 : i32
      %dma_start3A_135 = arith.constant 0 : i32
      %dma_start3A_136 = tpu.memref_slice %arg5[%add3A_134, %dma_start3A_135] : memref<250x40xi32, #tpu.memory_space<vmem>> -> memref<1x40xi32, #tpu.memory_space<vmem>>
      %dma_start3A_137 = tpu.memref_squeeze %dma_start3A_136 : memref<1x40xi32, #tpu.memory_space<vmem>> -> memref<40xi32, #tpu.memory_space<vmem>>
      %dma_start3A_138 = arith.constant 0 : i32
      %dma_start3A_139 = arith.constant 0 : i32
      %dma_start3A_140 = tpu.memref_slice %arg2[%dma_start3A_138, %dma_start3A_139] : memref<10000x128xf32, #tpu.memory_space<hbm>> -> memref<10000x128xf32, #tpu.memory_space<hbm>>
      tpu.enqueue_indirect_dma source(%dma_start3A_140 : memref<10000x128xf32, #tpu.memory_space<hbm>>) target(%arg10 : memref<40x128xf32, #tpu.memory_space<vmem>>) offsets(%dma_start3A_137 : memref<40xi32, #tpu.memory_space<vmem>>) semaphore(%arg15 : memref<!tpu.dma_semaphore, #tpu.memory_space<semaphore_mem>>)
      %add3A_141 = arith.constant 2 : i32
      %add3A_142 = arith.addi %mul3A_104, %add3A_141 : i32
      %dma_wait3A_143 = arith.constant 0 : i32
      %dma_wait3A_144 = tpu.memref_slice %arg5[%add3A_142, %dma_wait3A_143] : memref<250x40xi32, #tpu.memory_space<vmem>> -> memref<1x40xi32, #tpu.memory_space<vmem>>
      %dma_wait3A_145 = tpu.memref_squeeze %dma_wait3A_144 : memref<1x40xi32, #tpu.memory_space<vmem>> -> memref<40xi32, #tpu.memory_space<vmem>>
      %dma_wait3A_146 = arith.constant 0 : i32
      %dma_wait3A_147 = arith.constant 0 : i32
      %dma_wait3A_148 = tpu.memref_slice %arg2[%dma_wait3A_146, %dma_wait3A_147] : memref<10000x128xf32, #tpu.memory_space<hbm>> -> memref<10000x128xf32, #tpu.memory_space<hbm>>
      tpu.wait_indirect_dma semaphore(%arg16 : memref<!tpu.dma_semaphore, #tpu.memory_space<semaphore_mem>>) src(%dma_wait3A_148 : memref<10000x128xf32, #tpu.memory_space<hbm>>) dst(%arg11 : memref<40x128xf32, #tpu.memory_space<vmem>>)
      "tpu.region"() ({
        %run_scoped3A_196 = tpu.sem_alloc : memref<!tpu.dma_semaphore, #tpu.memory_space<semaphore_mem>>
        %dma_start3A_197 = arith.constant 0 : i32
        %dma_start3A_198 = tpu.memref_slice %arg6[%add3A_142, %dma_start3A_197] : memref<250x40xi32, #tpu.memory_space<vmem>> -> memref<1x40xi32, #tpu.memory_space<vmem>>
        %dma_start3A_199 = tpu.memref_squeeze %dma_start3A_198 : memref<1x40xi32, #tpu.memory_space<vmem>> -> memref<40xi32, #tpu.memory_space<vmem>>
        %dma_start3A_200 = arith.constant 0 : i32
        %dma_start3A_201 = arith.constant 0 : i32
        %dma_start3A_202 = tpu.memref_slice %arg8[%dma_start3A_200, %dma_start3A_201] : memref<10000x128xf32, #tpu.memory_space<vmem_shared>> -> memref<10000x128xf32, #tpu.memory_space<vmem_shared>>
        tpu.enqueue_indirect_dma source(%arg11 : memref<40x128xf32, #tpu.memory_space<vmem>>) target(%dma_start3A_202 : memref<10000x128xf32, #tpu.memory_space<vmem_shared>>) offsets(%dma_start3A_199 : memref<40xi32, #tpu.memory_space<vmem>>) semaphore(%run_scoped3A_196 : memref<!tpu.dma_semaphore, #tpu.memory_space<semaphore_mem>>) {add = true}
        %dma_wait3A_203 = arith.constant 0 : i32
        %dma_wait3A_204 = tpu.memref_slice %arg6[%add3A_142, %dma_wait3A_203] : memref<250x40xi32, #tpu.memory_space<vmem>> -> memref<1x40xi32, #tpu.memory_space<vmem>>
        %dma_wait3A_205 = tpu.memref_squeeze %dma_wait3A_204 : memref<1x40xi32, #tpu.memory_space<vmem>> -> memref<40xi32, #tpu.memory_space<vmem>>
        %dma_wait3A_206 = arith.constant 0 : i32
        %dma_wait3A_207 = arith.constant 0 : i32
        %dma_wait3A_208 = tpu.memref_slice %arg8[%dma_wait3A_206, %dma_wait3A_207] : memref<10000x128xf32, #tpu.memory_space<vmem_shared>> -> memref<10000x128xf32, #tpu.memory_space<vmem_shared>>
        tpu.wait_indirect_dma semaphore(%run_scoped3A_196 : memref<!tpu.dma_semaphore, #tpu.memory_space<semaphore_mem>>) src(%arg11 : memref<40x128xf32, #tpu.memory_space<vmem>>) dst(%dma_wait3A_208 : memref<10000x128xf32, #tpu.memory_space<vmem_shared>>)
        tpu.yield
      }) : () -> ()
      %add3A_149 = arith.constant 2 : i32
      %add3A_150 = arith.addi %mul3A_104, %add3A_149 : i32
      %add3A_151 = arith.constant 5 : i32
      %add3A_152 = arith.addi %add3A_150, %add3A_151 : i32
      %dma_start3A_153 = arith.constant 0 : i32
      %dma_start3A_154 = tpu.memref_slice %arg5[%add3A_152, %dma_start3A_153] : memref<250x40xi32, #tpu.memory_space<vmem>> -> memref<1x40xi32, #tpu.memory_space<vmem>>
      %dma_start3A_155 = tpu.memref_squeeze %dma_start3A_154 : memref<1x40xi32, #tpu.memory_space<vmem>> -> memref<40xi32, #tpu.memory_space<vmem>>
      %dma_start3A_156 = arith.constant 0 : i32
      %dma_start3A_157 = arith.constant 0 : i32
      %dma_start3A_158 = tpu.memref_slice %arg2[%dma_start3A_156, %dma_start3A_157] : memref<10000x128xf32, #tpu.memory_space<hbm>> -> memref<10000x128xf32, #tpu.memory_space<hbm>>
      tpu.enqueue_indirect_dma source(%dma_start3A_158 : memref<10000x128xf32, #tpu.memory_space<hbm>>) target(%arg11 : memref<40x128xf32, #tpu.memory_space<vmem>>) offsets(%dma_start3A_155 : memref<40xi32, #tpu.memory_space<vmem>>) semaphore(%arg16 : memref<!tpu.dma_semaphore, #tpu.memory_space<semaphore_mem>>)
      %add3A_159 = arith.constant 3 : i32
      %add3A_160 = arith.addi %mul3A_104, %add3A_159 : i32
      %dma_wait3A_161 = arith.constant 0 : i32
      %dma_wait3A_162 = tpu.memref_slice %arg5[%add3A_160, %dma_wait3A_161] : memref<250x40xi32, #tpu.memory_space<vmem>> -> memref<1x40xi32, #tpu.memory_space<vmem>>
      %dma_wait3A_163 = tpu.memref_squeeze %dma_wait3A_162 : memref<1x40xi32, #tpu.memory_space<vmem>> -> memref<40xi32, #tpu.memory_space<vmem>>
      %dma_wait3A_164 = arith.constant 0 : i32
      %dma_wait3A_165 = arith.constant 0 : i32
      %dma_wait3A_166 = tpu.memref_slice %arg2[%dma_wait3A_164, %dma_wait3A_165] : memref<10000x128xf32, #tpu.memory_space<hbm>> -> memref<10000x128xf32, #tpu.memory_space<hbm>>
      tpu.wait_indirect_dma semaphore(%arg17 : memref<!tpu.dma_semaphore, #tpu.memory_space<semaphore_mem>>) src(%dma_wait3A_166 : memref<10000x128xf32, #tpu.memory_space<hbm>>) dst(%arg12 : memref<40x128xf32, #tpu.memory_space<vmem>>)
      "tpu.region"() ({
        %run_scoped3A_196 = tpu.sem_alloc : memref<!tpu.dma_semaphore, #tpu.memory_space<semaphore_mem>>
        %dma_start3A_197 = arith.constant 0 : i32
        %dma_start3A_198 = tpu.memref_slice %arg6[%add3A_160, %dma_start3A_197] : memref<250x40xi32, #tpu.memory_space<vmem>> -> memref<1x40xi32, #tpu.memory_space<vmem>>
        %dma_start3A_199 = tpu.memref_squeeze %dma_start3A_198 : memref<1x40xi32, #tpu.memory_space<vmem>> -> memref<40xi32, #tpu.memory_space<vmem>>
        %dma_start3A_200 = arith.constant 0 : i32
        %dma_start3A_201 = arith.constant 0 : i32
        %dma_start3A_202 = tpu.memref_slice %arg8[%dma_start3A_200, %dma_start3A_201] : memref<10000x128xf32, #tpu.memory_space<vmem_shared>> -> memref<10000x128xf32, #tpu.memory_space<vmem_shared>>
        tpu.enqueue_indirect_dma source(%arg12 : memref<40x128xf32, #tpu.memory_space<vmem>>) target(%dma_start3A_202 : memref<10000x128xf32, #tpu.memory_space<vmem_shared>>) offsets(%dma_start3A_199 : memref<40xi32, #tpu.memory_space<vmem>>) semaphore(%run_scoped3A_196 : memref<!tpu.dma_semaphore, #tpu.memory_space<semaphore_mem>>) {add = true}
        %dma_wait3A_203 = arith.constant 0 : i32
        %dma_wait3A_204 = tpu.memref_slice %arg6[%add3A_160, %dma_wait3A_203] : memref<250x40xi32, #tpu.memory_space<vmem>> -> memref<1x40xi32, #tpu.memory_space<vmem>>
        %dma_wait3A_205 = tpu.memref_squeeze %dma_wait3A_204 : memref<1x40xi32, #tpu.memory_space<vmem>> -> memref<40xi32, #tpu.memory_space<vmem>>
        %dma_wait3A_206 = arith.constant 0 : i32
        %dma_wait3A_207 = arith.constant 0 : i32
        %dma_wait3A_208 = tpu.memref_slice %arg8[%dma_wait3A_206, %dma_wait3A_207] : memref<10000x128xf32, #tpu.memory_space<vmem_shared>> -> memref<10000x128xf32, #tpu.memory_space<vmem_shared>>
        tpu.wait_indirect_dma semaphore(%run_scoped3A_196 : memref<!tpu.dma_semaphore, #tpu.memory_space<semaphore_mem>>) src(%arg12 : memref<40x128xf32, #tpu.memory_space<vmem>>) dst(%dma_wait3A_208 : memref<10000x128xf32, #tpu.memory_space<vmem_shared>>)
        tpu.yield
      }) : () -> ()
      %add3A_167 = arith.constant 3 : i32
      %add3A_168 = arith.addi %mul3A_104, %add3A_167 : i32
      %add3A_169 = arith.constant 5 : i32
      %add3A_170 = arith.addi %add3A_168, %add3A_169 : i32
      %dma_start3A_171 = arith.constant 0 : i32
      %dma_start3A_172 = tpu.memref_slice %arg5[%add3A_170, %dma_start3A_171] : memref<250x40xi32, #tpu.memory_space<vmem>> -> memref<1x40xi32, #tpu.memory_space<vmem>>
      %dma_start3A_173 = tpu.memref_squeeze %dma_start3A_172 : memref<1x40xi32, #tpu.memory_space<vmem>> -> memref<40xi32, #tpu.memory_space<vmem>>
      %dma_start3A_174 = arith.constant 0 : i32
      %dma_start3A_175 = arith.constant 0 : i32
      %dma_start3A_176 = tpu.memref_slice %arg2[%dma_start3A_174, %dma_start3A_175] : memref<10000x128xf32, #tpu.memory_space<hbm>> -> memref<10000x128xf32, #tpu.memory_space<hbm>>
      tpu.enqueue_indirect_dma source(%dma_start3A_176 : memref<10000x128xf32, #tpu.memory_space<hbm>>) target(%arg12 : memref<40x128xf32, #tpu.memory_space<vmem>>) offsets(%dma_start3A_173 : memref<40xi32, #tpu.memory_space<vmem>>) semaphore(%arg17 : memref<!tpu.dma_semaphore, #tpu.memory_space<semaphore_mem>>)
      %add3A_177 = arith.constant 4 : i32
      %add3A_178 = arith.addi %mul3A_104, %add3A_177 : i32
      %dma_wait3A_179 = arith.constant 0 : i32
      %dma_wait3A_180 = tpu.memref_slice %arg5[%add3A_178, %dma_wait3A_179] : memref<250x40xi32, #tpu.memory_space<vmem>> -> memref<1x40xi32, #tpu.memory_space<vmem>>
      %dma_wait3A_181 = tpu.memref_squeeze %dma_wait3A_180 : memref<1x40xi32, #tpu.memory_space<vmem>> -> memref<40xi32, #tpu.memory_space<vmem>>
      %dma_wait3A_182 = arith.constant 0 : i32
      %dma_wait3A_183 = arith.constant 0 : i32
      %dma_wait3A_184 = tpu.memref_slice %arg2[%dma_wait3A_182, %dma_wait3A_183] : memref<10000x128xf32, #tpu.memory_space<hbm>> -> memref<10000x128xf32, #tpu.memory_space<hbm>>
      tpu.wait_indirect_dma semaphore(%arg18 : memref<!tpu.dma_semaphore, #tpu.memory_space<semaphore_mem>>) src(%dma_wait3A_184 : memref<10000x128xf32, #tpu.memory_space<hbm>>) dst(%arg13 : memref<40x128xf32, #tpu.memory_space<vmem>>)
      "tpu.region"() ({
        %run_scoped3A_196 = tpu.sem_alloc : memref<!tpu.dma_semaphore, #tpu.memory_space<semaphore_mem>>
        %dma_start3A_197 = arith.constant 0 : i32
        %dma_start3A_198 = tpu.memref_slice %arg6[%add3A_178, %dma_start3A_197] : memref<250x40xi32, #tpu.memory_space<vmem>> -> memref<1x40xi32, #tpu.memory_space<vmem>>
        %dma_start3A_199 = tpu.memref_squeeze %dma_start3A_198 : memref<1x40xi32, #tpu.memory_space<vmem>> -> memref<40xi32, #tpu.memory_space<vmem>>
        %dma_start3A_200 = arith.constant 0 : i32
        %dma_start3A_201 = arith.constant 0 : i32
        %dma_start3A_202 = tpu.memref_slice %arg8[%dma_start3A_200, %dma_start3A_201] : memref<10000x128xf32, #tpu.memory_space<vmem_shared>> -> memref<10000x128xf32, #tpu.memory_space<vmem_shared>>
        tpu.enqueue_indirect_dma source(%arg13 : memref<40x128xf32, #tpu.memory_space<vmem>>) target(%dma_start3A_202 : memref<10000x128xf32, #tpu.memory_space<vmem_shared>>) offsets(%dma_start3A_199 : memref<40xi32, #tpu.memory_space<vmem>>) semaphore(%run_scoped3A_196 : memref<!tpu.dma_semaphore, #tpu.memory_space<semaphore_mem>>) {add = true}
        %dma_wait3A_203 = arith.constant 0 : i32
        %dma_wait3A_204 = tpu.memref_slice %arg6[%add3A_178, %dma_wait3A_203] : memref<250x40xi32, #tpu.memory_space<vmem>> -> memref<1x40xi32, #tpu.memory_space<vmem>>
        %dma_wait3A_205 = tpu.memref_squeeze %dma_wait3A_204 : memref<1x40xi32, #tpu.memory_space<vmem>> -> memref<40xi32, #tpu.memory_space<vmem>>
        %dma_wait3A_206 = arith.constant 0 : i32
        %dma_wait3A_207 = arith.constant 0 : i32
        %dma_wait3A_208 = tpu.memref_slice %arg8[%dma_wait3A_206, %dma_wait3A_207] : memref<10000x128xf32, #tpu.memory_space<vmem_shared>> -> memref<10000x128xf32, #tpu.memory_space<vmem_shared>>
        tpu.wait_indirect_dma semaphore(%run_scoped3A_196 : memref<!tpu.dma_semaphore, #tpu.memory_space<semaphore_mem>>) src(%arg13 : memref<40x128xf32, #tpu.memory_space<vmem>>) dst(%dma_wait3A_208 : memref<10000x128xf32, #tpu.memory_space<vmem_shared>>)
        tpu.yield
      }) : () -> ()
      %add3A_185 = arith.constant 4 : i32
      %add3A_186 = arith.addi %mul3A_104, %add3A_185 : i32
      %add3A_187 = arith.constant 5 : i32
      %add3A_188 = arith.addi %add3A_186, %add3A_187 : i32
      %dma_start3A_189 = arith.constant 0 : i32
      %dma_start3A_190 = tpu.memref_slice %arg5[%add3A_188, %dma_start3A_189] : memref<250x40xi32, #tpu.memory_space<vmem>> -> memref<1x40xi32, #tpu.memory_space<vmem>>
      %dma_start3A_191 = tpu.memref_squeeze %dma_start3A_190 : memref<1x40xi32, #tpu.memory_space<vmem>> -> memref<40xi32, #tpu.memory_space<vmem>>
      %dma_start3A_192 = arith.constant 0 : i32
      %dma_start3A_193 = arith.constant 0 : i32
      %dma_start3A_194 = tpu.memref_slice %arg2[%dma_start3A_192, %dma_start3A_193] : memref<10000x128xf32, #tpu.memory_space<hbm>> -> memref<10000x128xf32, #tpu.memory_space<hbm>>
      tpu.enqueue_indirect_dma source(%dma_start3A_194 : memref<10000x128xf32, #tpu.memory_space<hbm>>) target(%arg13 : memref<40x128xf32, #tpu.memory_space<vmem>>) offsets(%dma_start3A_191 : memref<40xi32, #tpu.memory_space<vmem>>) semaphore(%arg18 : memref<!tpu.dma_semaphore, #tpu.memory_space<semaphore_mem>>)
      %scan3A_195 = arith.constant 0 : i32
      scf.yield %scan3A_195 : i32
    }
    %scan3A_56 = arith.constant 49 : i32
    %dma_wait3A = arith.constant 245 : i32
    %dma_wait3A_57 = arith.constant 0 : i32
    %dma_wait3A_58 = tpu.memref_slice %arg5[%dma_wait3A, %dma_wait3A_57] : memref<250x40xi32, #tpu.memory_space<vmem>> -> memref<1x40xi32, #tpu.memory_space<vmem>>
    %dma_wait3A_59 = tpu.memref_squeeze %dma_wait3A_58 : memref<1x40xi32, #tpu.memory_space<vmem>> -> memref<40xi32, #tpu.memory_space<vmem>>
    %dma_wait3A_60 = arith.constant 0 : i32
    %dma_wait3A_61 = arith.constant 0 : i32
    %dma_wait3A_62 = tpu.memref_slice %arg2[%dma_wait3A_60, %dma_wait3A_61] : memref<10000x128xf32, #tpu.memory_space<hbm>> -> memref<10000x128xf32, #tpu.memory_space<hbm>>
    tpu.wait_indirect_dma semaphore(%arg14 : memref<!tpu.dma_semaphore, #tpu.memory_space<semaphore_mem>>) src(%dma_wait3A_62 : memref<10000x128xf32, #tpu.memory_space<hbm>>) dst(%arg9 : memref<40x128xf32, #tpu.memory_space<vmem>>)
    %run_scoped3A_63 = arith.constant 245 : i32
    "tpu.region"() ({
      %run_scoped3A_101 = tpu.sem_alloc : memref<!tpu.dma_semaphore, #tpu.memory_space<semaphore_mem>>
      %dma_start3A_102 = arith.constant 0 : i32
      %dma_start3A_103 = tpu.memref_slice %arg6[%run_scoped3A_63, %dma_start3A_102] : memref<250x40xi32, #tpu.memory_space<vmem>> -> memref<1x40xi32, #tpu.memory_space<vmem>>
      %dma_start3A_104 = tpu.memref_squeeze %dma_start3A_103 : memref<1x40xi32, #tpu.memory_space<vmem>> -> memref<40xi32, #tpu.memory_space<vmem>>
      %dma_start3A_105 = arith.constant 0 : i32
      %dma_start3A_106 = arith.constant 0 : i32
      %dma_start3A_107 = tpu.memref_slice %arg8[%dma_start3A_105, %dma_start3A_106] : memref<10000x128xf32, #tpu.memory_space<vmem_shared>> -> memref<10000x128xf32, #tpu.memory_space<vmem_shared>>
      tpu.enqueue_indirect_dma source(%arg9 : memref<40x128xf32, #tpu.memory_space<vmem>>) target(%dma_start3A_107 : memref<10000x128xf32, #tpu.memory_space<vmem_shared>>) offsets(%dma_start3A_104 : memref<40xi32, #tpu.memory_space<vmem>>) semaphore(%run_scoped3A_101 : memref<!tpu.dma_semaphore, #tpu.memory_space<semaphore_mem>>) {add = true}
      %dma_wait3A_108 = arith.constant 0 : i32
      %dma_wait3A_109 = tpu.memref_slice %arg6[%run_scoped3A_63, %dma_wait3A_108] : memref<250x40xi32, #tpu.memory_space<vmem>> -> memref<1x40xi32, #tpu.memory_space<vmem>>
      %dma_wait3A_110 = tpu.memref_squeeze %dma_wait3A_109 : memref<1x40xi32, #tpu.memory_space<vmem>> -> memref<40xi32, #tpu.memory_space<vmem>>
      %dma_wait3A_111 = arith.constant 0 : i32
      %dma_wait3A_112 = arith.constant 0 : i32
      %dma_wait3A_113 = tpu.memref_slice %arg8[%dma_wait3A_111, %dma_wait3A_112] : memref<10000x128xf32, #tpu.memory_space<vmem_shared>> -> memref<10000x128xf32, #tpu.memory_space<vmem_shared>>
      tpu.wait_indirect_dma semaphore(%run_scoped3A_101 : memref<!tpu.dma_semaphore, #tpu.memory_space<semaphore_mem>>) src(%arg9 : memref<40x128xf32, #tpu.memory_space<vmem>>) dst(%dma_wait3A_113 : memref<10000x128xf32, #tpu.memory_space<vmem_shared>>)
      tpu.yield
    }) : () -> ()
    %dma_wait3A_64 = arith.constant 246 : i32
    %dma_wait3A_65 = arith.constant 0 : i32
    %dma_wait3A_66 = tpu.memref_slice %arg5[%dma_wait3A_64, %dma_wait3A_65] : memref<250x40xi32, #tpu.memory_space<vmem>> -> memref<1x40xi32, #tpu.memory_space<vmem>>
    %dma_wait3A_67 = tpu.memref_squeeze %dma_wait3A_66 : memref<1x40xi32, #tpu.memory_space<vmem>> -> memref<40xi32, #tpu.memory_space<vmem>>
    %dma_wait3A_68 = arith.constant 0 : i32
    %dma_wait3A_69 = arith.constant 0 : i32
    %dma_wait3A_70 = tpu.memref_slice %arg2[%dma_wait3A_68, %dma_wait3A_69] : memref<10000x128xf32, #tpu.memory_space<hbm>> -> memref<10000x128xf32, #tpu.memory_space<hbm>>
    tpu.wait_indirect_dma semaphore(%arg15 : memref<!tpu.dma_semaphore, #tpu.memory_space<semaphore_mem>>) src(%dma_wait3A_70 : memref<10000x128xf32, #tpu.memory_space<hbm>>) dst(%arg10 : memref<40x128xf32, #tpu.memory_space<vmem>>)
    %run_scoped3A_71 = arith.constant 246 : i32
    "tpu.region"() ({
      %run_scoped3A_101 = tpu.sem_alloc : memref<!tpu.dma_semaphore, #tpu.memory_space<semaphore_mem>>
      %dma_start3A_102 = arith.constant 0 : i32
      %dma_start3A_103 = tpu.memref_slice %arg6[%run_scoped3A_71, %dma_start3A_102] : memref<250x40xi32, #tpu.memory_space<vmem>> -> memref<1x40xi32, #tpu.memory_space<vmem>>
      %dma_start3A_104 = tpu.memref_squeeze %dma_start3A_103 : memref<1x40xi32, #tpu.memory_space<vmem>> -> memref<40xi32, #tpu.memory_space<vmem>>
      %dma_start3A_105 = arith.constant 0 : i32
      %dma_start3A_106 = arith.constant 0 : i32
      %dma_start3A_107 = tpu.memref_slice %arg8[%dma_start3A_105, %dma_start3A_106] : memref<10000x128xf32, #tpu.memory_space<vmem_shared>> -> memref<10000x128xf32, #tpu.memory_space<vmem_shared>>
      tpu.enqueue_indirect_dma source(%arg10 : memref<40x128xf32, #tpu.memory_space<vmem>>) target(%dma_start3A_107 : memref<10000x128xf32, #tpu.memory_space<vmem_shared>>) offsets(%dma_start3A_104 : memref<40xi32, #tpu.memory_space<vmem>>) semaphore(%run_scoped3A_101 : memref<!tpu.dma_semaphore, #tpu.memory_space<semaphore_mem>>) {add = true}
      %dma_wait3A_108 = arith.constant 0 : i32
      %dma_wait3A_109 = tpu.memref_slice %arg6[%run_scoped3A_71, %dma_wait3A_108] : memref<250x40xi32, #tpu.memory_space<vmem>> -> memref<1x40xi32, #tpu.memory_space<vmem>>
      %dma_wait3A_110 = tpu.memref_squeeze %dma_wait3A_109 : memref<1x40xi32, #tpu.memory_space<vmem>> -> memref<40xi32, #tpu.memory_space<vmem>>
      %dma_wait3A_111 = arith.constant 0 : i32
      %dma_wait3A_112 = arith.constant 0 : i32
      %dma_wait3A_113 = tpu.memref_slice %arg8[%dma_wait3A_111, %dma_wait3A_112] : memref<10000x128xf32, #tpu.memory_space<vmem_shared>> -> memref<10000x128xf32, #tpu.memory_space<vmem_shared>>
      tpu.wait_indirect_dma semaphore(%run_scoped3A_101 : memref<!tpu.dma_semaphore, #tpu.memory_space<semaphore_mem>>) src(%arg10 : memref<40x128xf32, #tpu.memory_space<vmem>>) dst(%dma_wait3A_113 : memref<10000x128xf32, #tpu.memory_space<vmem_shared>>)
      tpu.yield
    }) : () -> ()
    %dma_wait3A_72 = arith.constant 247 : i32
    %dma_wait3A_73 = arith.constant 0 : i32
    %dma_wait3A_74 = tpu.memref_slice %arg5[%dma_wait3A_72, %dma_wait3A_73] : memref<250x40xi32, #tpu.memory_space<vmem>> -> memref<1x40xi32, #tpu.memory_space<vmem>>
    %dma_wait3A_75 = tpu.memref_squeeze %dma_wait3A_74 : memref<1x40xi32, #tpu.memory_space<vmem>> -> memref<40xi32, #tpu.memory_space<vmem>>
    %dma_wait3A_76 = arith.constant 0 : i32
    %dma_wait3A_77 = arith.constant 0 : i32
    %dma_wait3A_78 = tpu.memref_slice %arg2[%dma_wait3A_76, %dma_wait3A_77] : memref<10000x128xf32, #tpu.memory_space<hbm>> -> memref<10000x128xf32, #tpu.memory_space<hbm>>
    tpu.wait_indirect_dma semaphore(%arg16 : memref<!tpu.dma_semaphore, #tpu.memory_space<semaphore_mem>>) src(%dma_wait3A_78 : memref<10000x128xf32, #tpu.memory_space<hbm>>) dst(%arg11 : memref<40x128xf32, #tpu.memory_space<vmem>>)
    %run_scoped3A_79 = arith.constant 247 : i32
    "tpu.region"() ({
      %run_scoped3A_101 = tpu.sem_alloc : memref<!tpu.dma_semaphore, #tpu.memory_space<semaphore_mem>>
      %dma_start3A_102 = arith.constant 0 : i32
      %dma_start3A_103 = tpu.memref_slice %arg6[%run_scoped3A_79, %dma_start3A_102] : memref<250x40xi32, #tpu.memory_space<vmem>> -> memref<1x40xi32, #tpu.memory_space<vmem>>
      %dma_start3A_104 = tpu.memref_squeeze %dma_start3A_103 : memref<1x40xi32, #tpu.memory_space<vmem>> -> memref<40xi32, #tpu.memory_space<vmem>>
      %dma_start3A_105 = arith.constant 0 : i32
      %dma_start3A_106 = arith.constant 0 : i32
      %dma_start3A_107 = tpu.memref_slice %arg8[%dma_start3A_105, %dma_start3A_106] : memref<10000x128xf32, #tpu.memory_space<vmem_shared>> -> memref<10000x128xf32, #tpu.memory_space<vmem_shared>>
      tpu.enqueue_indirect_dma source(%arg11 : memref<40x128xf32, #tpu.memory_space<vmem>>) target(%dma_start3A_107 : memref<10000x128xf32, #tpu.memory_space<vmem_shared>>) offsets(%dma_start3A_104 : memref<40xi32, #tpu.memory_space<vmem>>) semaphore(%run_scoped3A_101 : memref<!tpu.dma_semaphore, #tpu.memory_space<semaphore_mem>>) {add = true}
      %dma_wait3A_108 = arith.constant 0 : i32
      %dma_wait3A_109 = tpu.memref_slice %arg6[%run_scoped3A_79, %dma_wait3A_108] : memref<250x40xi32, #tpu.memory_space<vmem>> -> memref<1x40xi32, #tpu.memory_space<vmem>>
      %dma_wait3A_110 = tpu.memref_squeeze %dma_wait3A_109 : memref<1x40xi32, #tpu.memory_space<vmem>> -> memref<40xi32, #tpu.memory_space<vmem>>
      %dma_wait3A_111 = arith.constant 0 : i32
      %dma_wait3A_112 = arith.constant 0 : i32
      %dma_wait3A_113 = tpu.memref_slice %arg8[%dma_wait3A_111, %dma_wait3A_112] : memref<10000x128xf32, #tpu.memory_space<vmem_shared>> -> memref<10000x128xf32, #tpu.memory_space<vmem_shared>>
      tpu.wait_indirect_dma semaphore(%run_scoped3A_101 : memref<!tpu.dma_semaphore, #tpu.memory_space<semaphore_mem>>) src(%arg11 : memref<40x128xf32, #tpu.memory_space<vmem>>) dst(%dma_wait3A_113 : memref<10000x128xf32, #tpu.memory_space<vmem_shared>>)
      tpu.yield
    }) : () -> ()
    %dma_wait3A_80 = arith.constant 248 : i32
    %dma_wait3A_81 = arith.constant 0 : i32
    %dma_wait3A_82 = tpu.memref_slice %arg5[%dma_wait3A_80, %dma_wait3A_81] : memref<250x40xi32, #tpu.memory_space<vmem>> -> memref<1x40xi32, #tpu.memory_space<vmem>>
    %dma_wait3A_83 = tpu.memref_squeeze %dma_wait3A_82 : memref<1x40xi32, #tpu.memory_space<vmem>> -> memref<40xi32, #tpu.memory_space<vmem>>
    %dma_wait3A_84 = arith.constant 0 : i32
    %dma_wait3A_85 = arith.constant 0 : i32
    %dma_wait3A_86 = tpu.memref_slice %arg2[%dma_wait3A_84, %dma_wait3A_85] : memref<10000x128xf32, #tpu.memory_space<hbm>> -> memref<10000x128xf32, #tpu.memory_space<hbm>>
    tpu.wait_indirect_dma semaphore(%arg17 : memref<!tpu.dma_semaphore, #tpu.memory_space<semaphore_mem>>) src(%dma_wait3A_86 : memref<10000x128xf32, #tpu.memory_space<hbm>>) dst(%arg12 : memref<40x128xf32, #tpu.memory_space<vmem>>)
    %run_scoped3A_87 = arith.constant 248 : i32
    "tpu.region"() ({
      %run_scoped3A_101 = tpu.sem_alloc : memref<!tpu.dma_semaphore, #tpu.memory_space<semaphore_mem>>
      %dma_start3A_102 = arith.constant 0 : i32
      %dma_start3A_103 = tpu.memref_slice %arg6[%run_scoped3A_87, %dma_start3A_102] : memref<250x40xi32, #tpu.memory_space<vmem>> -> memref<1x40xi32, #tpu.memory_space<vmem>>
      %dma_start3A_104 = tpu.memref_squeeze %dma_start3A_103 : memref<1x40xi32, #tpu.memory_space<vmem>> -> memref<40xi32, #tpu.memory_space<vmem>>
      %dma_start3A_105 = arith.constant 0 : i32
      %dma_start3A_106 = arith.constant 0 : i32
      %dma_start3A_107 = tpu.memref_slice %arg8[%dma_start3A_105, %dma_start3A_106] : memref<10000x128xf32, #tpu.memory_space<vmem_shared>> -> memref<10000x128xf32, #tpu.memory_space<vmem_shared>>
      tpu.enqueue_indirect_dma source(%arg12 : memref<40x128xf32, #tpu.memory_space<vmem>>) target(%dma_start3A_107 : memref<10000x128xf32, #tpu.memory_space<vmem_shared>>) offsets(%dma_start3A_104 : memref<40xi32, #tpu.memory_space<vmem>>) semaphore(%run_scoped3A_101 : memref<!tpu.dma_semaphore, #tpu.memory_space<semaphore_mem>>) {add = true}
      %dma_wait3A_108 = arith.constant 0 : i32
      %dma_wait3A_109 = tpu.memref_slice %arg6[%run_scoped3A_87, %dma_wait3A_108] : memref<250x40xi32, #tpu.memory_space<vmem>> -> memref<1x40xi32, #tpu.memory_space<vmem>>
      %dma_wait3A_110 = tpu.memref_squeeze %dma_wait3A_109 : memref<1x40xi32, #tpu.memory_space<vmem>> -> memref<40xi32, #tpu.memory_space<vmem>>
      %dma_wait3A_111 = arith.constant 0 : i32
      %dma_wait3A_112 = arith.constant 0 : i32
      %dma_wait3A_113 = tpu.memref_slice %arg8[%dma_wait3A_111, %dma_wait3A_112] : memref<10000x128xf32, #tpu.memory_space<vmem_shared>> -> memref<10000x128xf32, #tpu.memory_space<vmem_shared>>
      tpu.wait_indirect_dma semaphore(%run_scoped3A_101 : memref<!tpu.dma_semaphore, #tpu.memory_space<semaphore_mem>>) src(%arg12 : memref<40x128xf32, #tpu.memory_space<vmem>>) dst(%dma_wait3A_113 : memref<10000x128xf32, #tpu.memory_space<vmem_shared>>)
      tpu.yield
    }) : () -> ()
    %dma_wait3A_88 = arith.constant 249 : i32
    %dma_wait3A_89 = arith.constant 0 : i32
    %dma_wait3A_90 = tpu.memref_slice %arg5[%dma_wait3A_88, %dma_wait3A_89] : memref<250x40xi32, #tpu.memory_space<vmem>> -> memref<1x40xi32, #tpu.memory_space<vmem>>
    %dma_wait3A_91 = tpu.memref_squeeze %dma_wait3A_90 : memref<1x40xi32, #tpu.memory_space<vmem>> -> memref<40xi32, #tpu.memory_space<vmem>>
    %dma_wait3A_92 = arith.constant 0 : i32
    %dma_wait3A_93 = arith.constant 0 : i32
    %dma_wait3A_94 = tpu.memref_slice %arg2[%dma_wait3A_92, %dma_wait3A_93] : memref<10000x128xf32, #tpu.memory_space<hbm>> -> memref<10000x128xf32, #tpu.memory_space<hbm>>
    tpu.wait_indirect_dma semaphore(%arg18 : memref<!tpu.dma_semaphore, #tpu.memory_space<semaphore_mem>>) src(%dma_wait3A_94 : memref<10000x128xf32, #tpu.memory_space<hbm>>) dst(%arg13 : memref<40x128xf32, #tpu.memory_space<vmem>>)
    %run_scoped3A_95 = arith.constant 249 : i32
    "tpu.region"() ({
      %run_scoped3A_101 = tpu.sem_alloc : memref<!tpu.dma_semaphore, #tpu.memory_space<semaphore_mem>>
      %dma_start3A_102 = arith.constant 0 : i32
      %dma_start3A_103 = tpu.memref_slice %arg6[%run_scoped3A_95, %dma_start3A_102] : memref<250x40xi32, #tpu.memory_space<vmem>> -> memref<1x40xi32, #tpu.memory_space<vmem>>
      %dma_start3A_104 = tpu.memref_squeeze %dma_start3A_103 : memref<1x40xi32, #tpu.memory_space<vmem>> -> memref<40xi32, #tpu.memory_space<vmem>>
      %dma_start3A_105 = arith.constant 0 : i32
      %dma_start3A_106 = arith.constant 0 : i32
      %dma_start3A_107 = tpu.memref_slice %arg8[%dma_start3A_105, %dma_start3A_106] : memref<10000x128xf32, #tpu.memory_space<vmem_shared>> -> memref<10000x128xf32, #tpu.memory_space<vmem_shared>>
      tpu.enqueue_indirect_dma source(%arg13 : memref<40x128xf32, #tpu.memory_space<vmem>>) target(%dma_start3A_107 : memref<10000x128xf32, #tpu.memory_space<vmem_shared>>) offsets(%dma_start3A_104 : memref<40xi32, #tpu.memory_space<vmem>>) semaphore(%run_scoped3A_101 : memref<!tpu.dma_semaphore, #tpu.memory_space<semaphore_mem>>) {add = true}
      %dma_wait3A_108 = arith.constant 0 : i32
      %dma_wait3A_109 = tpu.memref_slice %arg6[%run_scoped3A_95, %dma_wait3A_108] : memref<250x40xi32, #tpu.memory_space<vmem>> -> memref<1x40xi32, #tpu.memory_space<vmem>>
      %dma_wait3A_110 = tpu.memref_squeeze %dma_wait3A_109 : memref<1x40xi32, #tpu.memory_space<vmem>> -> memref<40xi32, #tpu.memory_space<vmem>>
      %dma_wait3A_111 = arith.constant 0 : i32
      %dma_wait3A_112 = arith.constant 0 : i32
      %dma_wait3A_113 = tpu.memref_slice %arg8[%dma_wait3A_111, %dma_wait3A_112] : memref<10000x128xf32, #tpu.memory_space<vmem_shared>> -> memref<10000x128xf32, #tpu.memory_space<vmem_shared>>
      tpu.wait_indirect_dma semaphore(%run_scoped3A_101 : memref<!tpu.dma_semaphore, #tpu.memory_space<semaphore_mem>>) src(%arg13 : memref<40x128xf32, #tpu.memory_space<vmem>>) dst(%dma_wait3A_113 : memref<10000x128xf32, #tpu.memory_space<vmem_shared>>)
      tpu.yield
    }) : () -> ()
    %barrier3A_96 = arith.constant 0 : index
    tpu.barrier barrier_id(%barrier3A_96)
    %mul3A_97 = arith.constant 625 : i32
    %mul3A_98 = arith.muli %arg1, %mul3A_97 : i32
    %mul3A_99 = arith.constant 625 : i32
    %mul3A_100 = arith.muli %arg1, %mul3A_99 : i32
    "tpu.region"() ({
      %run_scoped3A_101 = tpu.sem_alloc : memref<!tpu.dma_semaphore, #tpu.memory_space<semaphore_mem>>
      %dma_start3A_102 = arith.constant 0 : i32
      %dma_start3A_103 = tpu.memref_slice %arg4[%arg0, %mul3A_100, %dma_start3A_102] : memref<2x10000x128xf32, #tpu.memory_space<hbm>> -> memref<1x625x128xf32, #tpu.memory_space<hbm>>
      %dma_start3A_104 = tpu.memref_squeeze %dma_start3A_103 : memref<1x625x128xf32, #tpu.memory_space<hbm>> -> memref<625x128xf32, #tpu.memory_space<hbm>>
      %dma_start3A_105 = arith.constant 0 : i32
      %dma_start3A_106 = tpu.memref_slice %arg8[%mul3A_98, %dma_start3A_105] : memref<10000x128xf32, #tpu.memory_space<vmem_shared>> -> memref<625x128xf32, #tpu.memory_space<vmem_shared>>
      tpu.enqueue_dma source(%dma_start3A_106 : memref<625x128xf32, #tpu.memory_space<vmem_shared>>) target(%dma_start3A_104 : memref<625x128xf32, #tpu.memory_space<hbm>>) target_semaphore(%run_scoped3A_101 : memref<!tpu.dma_semaphore, #tpu.memory_space<semaphore_mem>>)
      %dma_wait3A_107 = arith.constant 0 : i32
      %dma_wait3A_108 = tpu.memref_slice %arg4[%arg0, %mul3A_100, %dma_wait3A_107] : memref<2x10000x128xf32, #tpu.memory_space<hbm>> -> memref<1x625x128xf32, #tpu.memory_space<hbm>>
      %dma_wait3A_109 = tpu.memref_squeeze %dma_wait3A_108 : memref<1x625x128xf32, #tpu.memory_space<hbm>> -> memref<625x128xf32, #tpu.memory_space<hbm>>
      %dma_wait3A_110 = arith.constant 0 : i32
      %dma_wait3A_111 = tpu.memref_slice %arg8[%mul3A_98, %dma_wait3A_110] : memref<10000x128xf32, #tpu.memory_space<vmem_shared>> -> memref<625x128xf32, #tpu.memory_space<vmem_shared>>
      tpu.wait_dma2 semaphore(%run_scoped3A_101 : memref<!tpu.dma_semaphore, #tpu.memory_space<semaphore_mem>>) src(%dma_wait3A_111 : memref<625x128xf32, #tpu.memory_space<vmem_shared>>) dst(%dma_wait3A_109 : memref<625x128xf32, #tpu.memory_space<hbm>>)
      tpu.yield
    }) : () -> ()
    return
  }
}

#map = affine_map<(d0, d1) -> (0, 0)>
#map1 = affine_map<(d0, d1) -> (0, 0, 0, 0)>
#map2 = affine_map<(d0, d1) -> (0, 0, 0)>
module attributes {stable_mosaic.version = 14 : i64} {
  func.func @body(%arg0: i32, %arg1: i32, %arg2: memref<10000x128xf32, #tpu.memory_space<hbm>>, %arg3: memref<2x32x250x40xi32, #tpu.memory_space<hbm>>, %arg4: memref<2x10000x128xf32, #tpu.memory_space<hbm>>, %arg5: memref<250x40xi32, #tpu.memory_space<vmem>>, %arg6: memref<250x40xi32, #tpu.memory_space<vmem>>, %arg7: memref<25x128xf32, #tpu.memory_space<vmem>>, %arg8: memref<10000x128xf32, #tpu.memory_space<vmem_shared>>, %arg9: memref<40x128xf32, #tpu.memory_space<vmem>>, %arg10: memref<40x128xf32, #tpu.memory_space<vmem>>, %arg11: memref<40x128xf32, #tpu.memory_space<vmem>>, %arg12: memref<40x128xf32, #tpu.memory_space<vmem>>, %arg13: memref<40x128xf32, #tpu.memory_space<vmem>>, %arg14: memref<!tpu.dma_semaphore, #tpu.memory_space<semaphore_mem>>, %arg15: memref<!tpu.dma_semaphore, #tpu.memory_space<semaphore_mem>>, %arg16: memref<!tpu.dma_semaphore, #tpu.memory_space<semaphore_mem>>, %arg17: memref<!tpu.dma_semaphore, #tpu.memory_space<semaphore_mem>>, %arg18: memref<!tpu.dma_semaphore, #tpu.memory_space<semaphore_mem>>) attributes {dimension_semantics = [#tpu.dimension_semantics<core_parallel>, #tpu.dimension_semantics<subcore_parallel>], iteration_bounds = array<i64: 2, 16>, scalar_prefetch = 0 : i64, scratch_operands = 14 : i64, tpu.core_type = #tpu.core_type<sc_vector_subcore>, window_params = [{transform_indices = #map}, {transform_indices = #map1}, {transform_indices = #map2}]} {
    %mul3A = arith.constant 2 : i32
    %mul3A_0 = arith.muli %arg1, %mul3A : i32
    %add3A = arith.addi %mul3A_0, %arg0 : i32
    %run_scoped3A = arith.constant 0 : i32
    "tpu.region"() ({
      %run_scoped3A_101 = tpu.sem_alloc : memref<!tpu.dma_semaphore, #tpu.memory_space<semaphore_mem>>
      %dma_start3A_102 = arith.constant 0 : i32
      %dma_start3A_103 = arith.constant 0 : i32
      %dma_start3A_104 = tpu.memref_slice %arg3[%run_scoped3A, %add3A, %dma_start3A_102, %dma_start3A_103] : memref<2x32x250x40xi32, #tpu.memory_space<hbm>> -> memref<1x1x250x40xi32, #tpu.memory_space<hbm>>
      %dma_start3A_105 = tpu.memref_squeeze %dma_start3A_104 : memref<1x1x250x40xi32, #tpu.memory_space<hbm>> -> memref<250x40xi32, #tpu.memory_space<hbm>>
      %dma_start3A_106 = arith.constant 0 : i32
      %dma_start3A_107 = arith.constant 0 : i32
      %dma_start3A_108 = tpu.memref_slice %arg3[%run_scoped3A, %add3A, %dma_start3A_106, %dma_start3A_107] : memref<2x32x250x40xi32, #tpu.memory_space<hbm>> -> memref<1x1x250x40xi32, #tpu.memory_space<hbm>>
      %dma_start3A_109 = tpu.memref_squeeze %dma_start3A_108 : memref<1x1x250x40xi32, #tpu.memory_space<hbm>> -> memref<250x40xi32, #tpu.memory_space<hbm>>
      tpu.enqueue_dma source(%dma_start3A_109 : memref<250x40xi32, #tpu.memory_space<hbm>>) target(%arg5 : memref<250x40xi32, #tpu.memory_space<vmem>>) target_semaphore(%run_scoped3A_101 : memref<!tpu.dma_semaphore, #tpu.memory_space<semaphore_mem>>)
      %dma_wait3A_110 = arith.constant 0 : i32
      %dma_wait3A_111 = arith.constant 0 : i32
      %dma_wait3A_112 = tpu.memref_slice %arg3[%run_scoped3A, %add3A, %dma_wait3A_110, %dma_wait3A_111] : memref<2x32x250x40xi32, #tpu.memory_space<hbm>> -> memref<1x1x250x40xi32, #tpu.memory_space<hbm>>
      %dma_wait3A_113 = tpu.memref_squeeze %dma_wait3A_112 : memref<1x1x250x40xi32, #tpu.memory_space<hbm>> -> memref<250x40xi32, #tpu.memory_space<hbm>>
      %dma_wait3A_114 = arith.constant 0 : i32
      %dma_wait3A_115 = arith.constant 0 : i32
      %dma_wait3A_116 = tpu.memref_slice %arg3[%run_scoped3A, %add3A, %dma_wait3A_114, %dma_wait3A_115] : memref<2x32x250x40xi32, #tpu.memory_space<hbm>> -> memref<1x1x250x40xi32, #tpu.memory_space<hbm>>
      %dma_wait3A_117 = tpu.memref_squeeze %dma_wait3A_116 : memref<1x1x250x40xi32, #tpu.memory_space<hbm>> -> memref<250x40xi32, #tpu.memory_space<hbm>>
      tpu.wait_dma2 semaphore(%run_scoped3A_101 : memref<!tpu.dma_semaphore, #tpu.memory_space<semaphore_mem>>) src(%dma_wait3A_117 : memref<250x40xi32, #tpu.memory_space<hbm>>) dst(%arg5 : memref<250x40xi32, #tpu.memory_space<vmem>>)
      tpu.yield
    }) : () -> ()
    %run_scoped3A_1 = arith.constant 1 : i32
    "tpu.region"() ({
      %run_scoped3A_101 = tpu.sem_alloc : memref<!tpu.dma_semaphore, #tpu.memory_space<semaphore_mem>>
      %dma_start3A_102 = arith.constant 0 : i32
      %dma_start3A_103 = arith.constant 0 : i32
      %dma_start3A_104 = tpu.memref_slice %arg3[%run_scoped3A_1, %add3A, %dma_start3A_102, %dma_start3A_103] : memref<2x32x250x40xi32, #tpu.memory_space<hbm>> -> memref<1x1x250x40xi32, #tpu.memory_space<hbm>>
      %dma_start3A_105 = tpu.memref_squeeze %dma_start3A_104 : memref<1x1x250x40xi32, #tpu.memory_space<hbm>> -> memref<250x40xi32, #tpu.memory_space<hbm>>
      %dma_start3A_106 = arith.constant 0 : i32
      %dma_start3A_107 = arith.constant 0 : i32
      %dma_start3A_108 = tpu.memref_slice %arg3[%run_scoped3A_1, %add3A, %dma_start3A_106, %dma_start3A_107] : memref<2x32x250x40xi32, #tpu.memory_space<hbm>> -> memref<1x1x250x40xi32, #tpu.memory_space<hbm>>
      %dma_start3A_109 = tpu.memref_squeeze %dma_start3A_108 : memref<1x1x250x40xi32, #tpu.memory_space<hbm>> -> memref<250x40xi32, #tpu.memory_space<hbm>>
      tpu.enqueue_dma source(%dma_start3A_109 : memref<250x40xi32, #tpu.memory_space<hbm>>) target(%arg6 : memref<250x40xi32, #tpu.memory_space<vmem>>) target_semaphore(%run_scoped3A_101 : memref<!tpu.dma_semaphore, #tpu.memory_space<semaphore_mem>>)
      %dma_wait3A_110 = arith.constant 0 : i32
      %dma_wait3A_111 = arith.constant 0 : i32
      %dma_wait3A_112 = tpu.memref_slice %arg3[%run_scoped3A_1, %add3A, %dma_wait3A_110, %dma_wait3A_111] : memref<2x32x250x40xi32, #tpu.memory_space<hbm>> -> memref<1x1x250x40xi32, #tpu.memory_space<hbm>>
      %dma_wait3A_113 = tpu.memref_squeeze %dma_wait3A_112 : memref<1x1x250x40xi32, #tpu.memory_space<hbm>> -> memref<250x40xi32, #tpu.memory_space<hbm>>
      %dma_wait3A_114 = arith.constant 0 : i32
      %dma_wait3A_115 = arith.constant 0 : i32
      %dma_wait3A_116 = tpu.memref_slice %arg3[%run_scoped3A_1, %add3A, %dma_wait3A_114, %dma_wait3A_115] : memref<2x32x250x40xi32, #tpu.memory_space<hbm>> -> memref<1x1x250x40xi32, #tpu.memory_space<hbm>>
      %dma_wait3A_117 = tpu.memref_squeeze %dma_wait3A_116 : memref<1x1x250x40xi32, #tpu.memory_space<hbm>> -> memref<250x40xi32, #tpu.memory_space<hbm>>
      tpu.wait_dma2 semaphore(%run_scoped3A_101 : memref<!tpu.dma_semaphore, #tpu.memory_space<semaphore_mem>>) src(%dma_wait3A_117 : memref<250x40xi32, #tpu.memory_space<hbm>>) dst(%arg6 : memref<250x40xi32, #tpu.memory_space<vmem>>)
      tpu.yield
    }) : () -> ()
    %broadcast_in_dim3A = arith.constant 0.000000e+00 : f32
    %broadcast_in_dim3A_2 = vector.broadcast %broadcast_in_dim3A : f32 to vector<16xf32>
    %scan3A = arith.constant 0 : i32
    %scan3A_3 = arith.constant 0 : i32
    %scan3A_4 = arith.constant 25 : i32
    %scan3A_5 = arith.addi %scan3A_3, %scan3A_4 : i32
    %scan3A_6 = arith.constant 1 : i32
    %scan3A_7 = scf.for %scan3A_101 = %scan3A_3 to %scan3A_5 step %scan3A_6 iter_args(%scan3A_102 = %scan3A) -> (i32)  : i32 {
      %swap3A = arith.index_cast %scan3A_101 : i32 to index
      %swap3A_103 = arith.constant 0 : index
      %swap3A_104 = tpu.vector_load %arg7[%swap3A, %swap3A_103] {strides = array<i32>} : memref<25x128xf32, #tpu.memory_space<vmem>>, vector<1x16xf32>,
      %swap3A_105 = vector.shape_cast %swap3A_104 : vector<1x16xf32> to vector<16xf32>
      %swap3A_106 = vector.shape_cast %broadcast_in_dim3A_2 : vector<16xf32> to vector<1x16xf32>
      tpu.vector_store %arg7[%swap3A, %swap3A_103], %swap3A_106 {strides = array<i32>} : memref<25x128xf32, #tpu.memory_space<vmem>>, vector<1x16xf32>,
      %swap3A_107 = arith.index_cast %scan3A_101 : i32 to index
      %swap3A_108 = arith.constant 16 : index
      %swap3A_109 = tpu.vector_load %arg7[%swap3A_107, %swap3A_108] {strides = array<i32>} : memref<25x128xf32, #tpu.memory_space<vmem>>, vector<1x16xf32>,
      %swap3A_110 = vector.shape_cast %swap3A_109 : vector<1x16xf32> to vector<16xf32>
      %swap3A_111 = vector.shape_cast %broadcast_in_dim3A_2 : vector<16xf32> to vector<1x16xf32>
      tpu.vector_store %arg7[%swap3A_107, %swap3A_108], %swap3A_111 {strides = array<i32>} : memref<25x128xf32, #tpu.memory_space<vmem>>, vector<1x16xf32>,
      %swap3A_112 = arith.index_cast %scan3A_101 : i32 to index
      %swap3A_113 = arith.constant 32 : index
      %swap3A_114 = tpu.vector_load %arg7[%swap3A_112, %swap3A_113] {strides = array<i32>} : memref<25x128xf32, #tpu.memory_space<vmem>>, vector<1x16xf32>,
      %swap3A_115 = vector.shape_cast %swap3A_114 : vector<1x16xf32> to vector<16xf32>
      %swap3A_116 = vector.shape_cast %broadcast_in_dim3A_2 : vector<16xf32> to vector<1x16xf32>
      tpu.vector_store %arg7[%swap3A_112, %swap3A_113], %swap3A_116 {strides = array<i32>} : memref<25x128xf32, #tpu.memory_space<vmem>>, vector<1x16xf32>,
      %swap3A_117 = arith.index_cast %scan3A_101 : i32 to index
      %swap3A_118 = arith.constant 48 : index
      %swap3A_119 = tpu.vector_load %arg7[%swap3A_117, %swap3A_118] {strides = array<i32>} : memref<25x128xf32, #tpu.memory_space<vmem>>, vector<1x16xf32>,
      %swap3A_120 = vector.shape_cast %swap3A_119 : vector<1x16xf32> to vector<16xf32>
      %swap3A_121 = vector.shape_cast %broadcast_in_dim3A_2 : vector<16xf32> to vector<1x16xf32>
      tpu.vector_store %arg7[%swap3A_117, %swap3A_118], %swap3A_121 {strides = array<i32>} : memref<25x128xf32, #tpu.memory_space<vmem>>, vector<1x16xf32>,
      %swap3A_122 = arith.index_cast %scan3A_101 : i32 to index
      %swap3A_123 = arith.constant 64 : index
      %swap3A_124 = tpu.vector_load %arg7[%swap3A_122, %swap3A_123] {strides = array<i32>} : memref<25x128xf32, #tpu.memory_space<vmem>>, vector<1x16xf32>,
      %swap3A_125 = vector.shape_cast %swap3A_124 : vector<1x16xf32> to vector<16xf32>
      %swap3A_126 = vector.shape_cast %broadcast_in_dim3A_2 : vector<16xf32> to vector<1x16xf32>
      tpu.vector_store %arg7[%swap3A_122, %swap3A_123], %swap3A_126 {strides = array<i32>} : memref<25x128xf32, #tpu.memory_space<vmem>>, vector<1x16xf32>,
      %swap3A_127 = arith.index_cast %scan3A_101 : i32 to index
      %swap3A_128 = arith.constant 80 : index
      %swap3A_129 = tpu.vector_load %arg7[%swap3A_127, %swap3A_128] {strides = array<i32>} : memref<25x128xf32, #tpu.memory_space<vmem>>, vector<1x16xf32>,
      %swap3A_130 = vector.shape_cast %swap3A_129 : vector<1x16xf32> to vector<16xf32>
      %swap3A_131 = vector.shape_cast %broadcast_in_dim3A_2 : vector<16xf32> to vector<1x16xf32>
      tpu.vector_store %arg7[%swap3A_127, %swap3A_128], %swap3A_131 {strides = array<i32>} : memref<25x128xf32, #tpu.memory_space<vmem>>, vector<1x16xf32>,
      %swap3A_132 = arith.index_cast %scan3A_101 : i32 to index
      %swap3A_133 = arith.constant 96 : index
      %swap3A_134 = tpu.vector_load %arg7[%swap3A_132, %swap3A_133] {strides = array<i32>} : memref<25x128xf32, #tpu.memory_space<vmem>>, vector<1x16xf32>,
      %swap3A_135 = vector.shape_cast %swap3A_134 : vector<1x16xf32> to vector<16xf32>
      %swap3A_136 = vector.shape_cast %broadcast_in_dim3A_2 : vector<16xf32> to vector<1x16xf32>
      tpu.vector_store %arg7[%swap3A_132, %swap3A_133], %swap3A_136 {strides = array<i32>} : memref<25x128xf32, #tpu.memory_space<vmem>>, vector<1x16xf32>,
      %swap3A_137 = arith.index_cast %scan3A_101 : i32 to index
      %swap3A_138 = arith.constant 112 : index
      %swap3A_139 = tpu.vector_load %arg7[%swap3A_137, %swap3A_138] {strides = array<i32>} : memref<25x128xf32, #tpu.memory_space<vmem>>, vector<1x16xf32>,
      %swap3A_140 = vector.shape_cast %swap3A_139 : vector<1x16xf32> to vector<16xf32>
      %swap3A_141 = vector.shape_cast %broadcast_in_dim3A_2 : vector<16xf32> to vector<1x16xf32>
      tpu.vector_store %arg7[%swap3A_137, %swap3A_138], %swap3A_141 {strides = array<i32>} : memref<25x128xf32, #tpu.memory_space<vmem>>, vector<1x16xf32>,
      %scan3A_142 = arith.constant 0 : i32
      scf.yield %scan3A_142 : i32
    }
    %scan3A_8 = arith.constant 25 : i32
    %scan3A_9 = arith.constant 0 : i32
    %scan3A_10 = arith.constant 0 : i32
    %scan3A_11 = arith.constant 25 : i32
    %scan3A_12 = arith.addi %scan3A_10, %scan3A_11 : i32
    %scan3A_13 = arith.constant 1 : i32
    %scan3A_14 = scf.for %scan3A_101 = %scan3A_10 to %scan3A_12 step %scan3A_13 iter_args(%scan3A_102 = %scan3A_9) -> (i32)  : i32 {
      %mul3A_103 = arith.constant 625 : i32
      %mul3A_104 = arith.muli %arg1, %mul3A_103 : i32
      %mul3A_105 = arith.constant 25 : i32
      %mul3A_106 = arith.muli %scan3A_101, %mul3A_105 : i32
      %add3A_107 = arith.addi %mul3A_104, %mul3A_106 : i32
      "tpu.region"() ({
        %run_scoped3A_109 = tpu.sem_alloc : memref<!tpu.dma_semaphore, #tpu.memory_space<semaphore_mem>>
        %dma_start3A_110 = arith.constant 0 : i32
        %dma_start3A_111 = tpu.memref_slice %arg8[%add3A_107, %dma_start3A_110] : memref<10000x128xf32, #tpu.memory_space<vmem_shared>> -> memref<25x128xf32, #tpu.memory_space<vmem_shared>>
        %dma_start3A_112 = arith.constant 0 : i32
        %dma_start3A_113 = tpu.memref_slice %arg8[%add3A_107, %dma_start3A_112] : memref<10000x128xf32, #tpu.memory_space<vmem_shared>> -> memref<25x128xf32, #tpu.memory_space<vmem_shared>>
        tpu.enqueue_dma source(%arg7 : memref<25x128xf32, #tpu.memory_space<vmem>>) target(%dma_start3A_113 : memref<25x128xf32, #tpu.memory_space<vmem_shared>>) target_semaphore(%run_scoped3A_109 : memref<!tpu.dma_semaphore, #tpu.memory_space<semaphore_mem>>)
        %dma_wait3A_114 = arith.constant 0 : i32
        %dma_wait3A_115 = tpu.memref_slice %arg8[%add3A_107, %dma_wait3A_114] : memref<10000x128xf32, #tpu.memory_space<vmem_shared>> -> memref<25x128xf32, #tpu.memory_space<vmem_shared>>
        %dma_wait3A_116 = arith.constant 0 : i32
        %dma_wait3A_117 = tpu.memref_slice %arg8[%add3A_107, %dma_wait3A_116] : memref<10000x128xf32, #tpu.memory_space<vmem_shared>> -> memref<25x128xf32, #tpu.memory_space<vmem_shared>>
        tpu.wait_dma2 semaphore(%run_scoped3A_109 : memref<!tpu.dma_semaphore, #tpu.memory_space<semaphore_mem>>) src(%arg7 : memref<25x128xf32, #tpu.memory_space<vmem>>) dst(%dma_wait3A_117 : memref<25x128xf32, #tpu.memory_space<vmem_shared>>)
        tpu.yield
      }) : () -> ()
      %scan3A_108 = arith.constant 0 : i32
      scf.yield %scan3A_108 : i32
    }
    %scan3A_15 = arith.constant 25 : i32
    %barrier3A = arith.constant 0 : index
    tpu.barrier barrier_id(%barrier3A)
    %dma_start3A = arith.constant 0 : i32
    %dma_start3A_16 = arith.constant 0 : i32
    %dma_start3A_17 = tpu.memref_slice %arg5[%dma_start3A, %dma_start3A_16] : memref<250x40xi32, #tpu.memory_space<vmem>> -> memref<1x40xi32, #tpu.memory_space<vmem>>
    %dma_start3A_18 = tpu.memref_squeeze %dma_start3A_17 : memref<1x40xi32, #tpu.memory_space<vmem>> -> memref<40xi32, #tpu.memory_space<vmem>>
    %dma_start3A_19 = arith.constant 0 : i32
    %dma_start3A_20 = arith.constant 0 : i32
    %dma_start3A_21 = tpu.memref_slice %arg2[%dma_start3A_19, %dma_start3A_20] : memref<10000x128xf32, #tpu.memory_space<hbm>> -> memref<10000x128xf32, #tpu.memory_space<hbm>>
    tpu.enqueue_indirect_dma source(%dma_start3A_21 : memref<10000x128xf32, #tpu.memory_space<hbm>>) target(%arg9 : memref<40x128xf32, #tpu.memory_space<vmem>>) offsets(%dma_start3A_18 : memref<40xi32, #tpu.memory_space<vmem>>) semaphore(%arg14 : memref<!tpu.dma_semaphore, #tpu.memory_space<semaphore_mem>>)
    %dma_start3A_22 = arith.constant 1 : i32
    %dma_start3A_23 = arith.constant 0 : i32
    %dma_start3A_24 = tpu.memref_slice %arg5[%dma_start3A_22, %dma_start3A_23] : memref<250x40xi32, #tpu.memory_space<vmem>> -> memref<1x40xi32, #tpu.memory_space<vmem>>
    %dma_start3A_25 = tpu.memref_squeeze %dma_start3A_24 : memref<1x40xi32, #tpu.memory_space<vmem>> -> memref<40xi32, #tpu.memory_space<vmem>>
    %dma_start3A_26 = arith.constant 0 : i32
    %dma_start3A_27 = arith.constant 0 : i32
    %dma_start3A_28 = tpu.memref_slice %arg2[%dma_start3A_26, %dma_start3A_27] : memref<10000x128xf32, #tpu.memory_space<hbm>> -> memref<10000x128xf32, #tpu.memory_space<hbm>>
    tpu.enqueue_indirect_dma source(%dma_start3A_28 : memref<10000x128xf32, #tpu.memory_space<hbm>>) target(%arg10 : memref<40x128xf32, #tpu.memory_space<vmem>>) offsets(%dma_start3A_25 : memref<40xi32, #tpu.memory_space<vmem>>) semaphore(%arg15 : memref<!tpu.dma_semaphore, #tpu.memory_space<semaphore_mem>>)
    %dma_start3A_29 = arith.constant 2 : i32
    %dma_start3A_30 = arith.constant 0 : i32
    %dma_start3A_31 = tpu.memref_slice %arg5[%dma_start3A_29, %dma_start3A_30] : memref<250x40xi32, #tpu.memory_space<vmem>> -> memref<1x40xi32, #tpu.memory_space<vmem>>
    %dma_start3A_32 = tpu.memref_squeeze %dma_start3A_31 : memref<1x40xi32, #tpu.memory_space<vmem>> -> memref<40xi32, #tpu.memory_space<vmem>>
    %dma_start3A_33 = arith.constant 0 : i32
    %dma_start3A_34 = arith.constant 0 : i32
    %dma_start3A_35 = tpu.memref_slice %arg2[%dma_start3A_33, %dma_start3A_34] : memref<10000x128xf32, #tpu.memory_space<hbm>> -> memref<10000x128xf32, #tpu.memory_space<hbm>>
    tpu.enqueue_indirect_dma source(%dma_start3A_35 : memref<10000x128xf32, #tpu.memory_space<hbm>>) target(%arg11 : memref<40x128xf32, #tpu.memory_space<vmem>>) offsets(%dma_start3A_32 : memref<40xi32, #tpu.memory_space<vmem>>) semaphore(%arg16 : memref<!tpu.dma_semaphore, #tpu.memory_space<semaphore_mem>>)
    %dma_start3A_36 = arith.constant 3 : i32
    %dma_start3A_37 = arith.constant 0 : i32
    %dma_start3A_38 = tpu.memref_slice %arg5[%dma_start3A_36, %dma_start3A_37] : memref<250x40xi32, #tpu.memory_space<vmem>> -> memref<1x40xi32, #tpu.memory_space<vmem>>
    %dma_start3A_39 = tpu.memref_squeeze %dma_start3A_38 : memref<1x40xi32, #tpu.memory_space<vmem>> -> memref<40xi32, #tpu.memory_space<vmem>>
    %dma_start3A_40 = arith.constant 0 : i32
    %dma_start3A_41 = arith.constant 0 : i32
    %dma_start3A_42 = tpu.memref_slice %arg2[%dma_start3A_40, %dma_start3A_41] : memref<10000x128xf32, #tpu.memory_space<hbm>> -> memref<10000x128xf32, #tpu.memory_space<hbm>>
    tpu.enqueue_indirect_dma source(%dma_start3A_42 : memref<10000x128xf32, #tpu.memory_space<hbm>>) target(%arg12 : memref<40x128xf32, #tpu.memory_space<vmem>>) offsets(%dma_start3A_39 : memref<40xi32, #tpu.memory_space<vmem>>) semaphore(%arg17 : memref<!tpu.dma_semaphore, #tpu.memory_space<semaphore_mem>>)
    %dma_start3A_43 = arith.constant 4 : i32
    %dma_start3A_44 = arith.constant 0 : i32
    %dma_start3A_45 = tpu.memref_slice %arg5[%dma_start3A_43, %dma_start3A_44] : memref<250x40xi32, #tpu.memory_space<vmem>> -> memref<1x40xi32, #tpu.memory_space<vmem>>
    %dma_start3A_46 = tpu.memref_squeeze %dma_start3A_45 : memref<1x40xi32, #tpu.memory_space<vmem>> -> memref<40xi32, #tpu.memory_space<vmem>>
    %dma_start3A_47 = arith.constant 0 : i32
    %dma_start3A_48 = arith.constant 0 : i32
    %dma_start3A_49 = tpu.memref_slice %arg2[%dma_start3A_47, %dma_start3A_48] : memref<10000x128xf32, #tpu.memory_space<hbm>> -> memref<10000x128xf32, #tpu.memory_space<hbm>>
    tpu.enqueue_indirect_dma source(%dma_start3A_49 : memref<10000x128xf32, #tpu.memory_space<hbm>>) target(%arg13 : memref<40x128xf32, #tpu.memory_space<vmem>>) offsets(%dma_start3A_46 : memref<40xi32, #tpu.memory_space<vmem>>) semaphore(%arg18 : memref<!tpu.dma_semaphore, #tpu.memory_space<semaphore_mem>>)
    %scan3A_50 = arith.constant 0 : i32
    %scan3A_51 = arith.constant 0 : i32
    %scan3A_52 = arith.constant 49 : i32
    %scan3A_53 = arith.addi %scan3A_51, %scan3A_52 : i32
    %scan3A_54 = arith.constant 1 : i32
    %scan3A_55 = scf.for %scan3A_101 = %scan3A_51 to %scan3A_53 step %scan3A_54 iter_args(%scan3A_102 = %scan3A_50) -> (i32)  : i32 {
      %mul3A_103 = arith.constant 5 : i32
      %mul3A_104 = arith.muli %scan3A_101, %mul3A_103 : i32
      %add3A_105 = arith.constant 0 : i32
      %add3A_106 = arith.addi %mul3A_104, %add3A_105 : i32
      %dma_wait3A_107 = arith.constant 0 : i32
      %dma_wait3A_108 = tpu.memref_slice %arg5[%add3A_106, %dma_wait3A_107] : memref<250x40xi32, #tpu.memory_space<vmem>> -> memref<1x40xi32, #tpu.memory_space<vmem>>
      %dma_wait3A_109 = tpu.memref_squeeze %dma_wait3A_108 : memref<1x40xi32, #tpu.memory_space<vmem>> -> memref<40xi32, #tpu.memory_space<vmem>>
      %dma_wait3A_110 = arith.constant 0 : i32
      %dma_wait3A_111 = arith.constant 0 : i32
      %dma_wait3A_112 = tpu.memref_slice %arg2[%dma_wait3A_110, %dma_wait3A_111] : memref<10000x128xf32, #tpu.memory_space<hbm>> -> memref<10000x128xf32, #tpu.memory_space<hbm>>
      tpu.wait_indirect_dma semaphore(%arg14 : memref<!tpu.dma_semaphore, #tpu.memory_space<semaphore_mem>>) src(%dma_wait3A_112 : memref<10000x128xf32, #tpu.memory_space<hbm>>) dst(%arg9 : memref<40x128xf32, #tpu.memory_space<vmem>>)
      "tpu.region"() ({
        %run_scoped3A_196 = tpu.sem_alloc : memref<!tpu.dma_semaphore, #tpu.memory_space<semaphore_mem>>
        %dma_start3A_197 = arith.constant 0 : i32
        %dma_start3A_198 = tpu.memref_slice %arg6[%add3A_106, %dma_start3A_197] : memref<250x40xi32, #tpu.memory_space<vmem>> -> memref<1x40xi32, #tpu.memory_space<vmem>>
        %dma_start3A_199 = tpu.memref_squeeze %dma_start3A_198 : memref<1x40xi32, #tpu.memory_space<vmem>> -> memref<40xi32, #tpu.memory_space<vmem>>
        %dma_start3A_200 = arith.constant 0 : i32
        %dma_start3A_201 = arith.constant 0 : i32
        %dma_start3A_202 = tpu.memref_slice %arg8[%dma_start3A_200, %dma_start3A_201] : memref<10000x128xf32, #tpu.memory_space<vmem_shared>> -> memref<10000x128xf32, #tpu.memory_space<vmem_shared>>
        tpu.enqueue_indirect_dma source(%arg9 : memref<40x128xf32, #tpu.memory_space<vmem>>) target(%dma_start3A_202 : memref<10000x128xf32, #tpu.memory_space<vmem_shared>>) offsets(%dma_start3A_199 : memref<40xi32, #tpu.memory_space<vmem>>) semaphore(%run_scoped3A_196 : memref<!tpu.dma_semaphore, #tpu.memory_space<semaphore_mem>>) {add = true}
        %dma_wait3A_203 = arith.constant 0 : i32
        %dma_wait3A_204 = tpu.memref_slice %arg6[%add3A_106, %dma_wait3A_203] : memref<250x40xi32, #tpu.memory_space<vmem>> -> memref<1x40xi32, #tpu.memory_space<vmem>>
        %dma_wait3A_205 = tpu.memref_squeeze %dma_wait3A_204 : memref<1x40xi32, #tpu.memory_space<vmem>> -> memref<40xi32, #tpu.memory_space<vmem>>
        %dma_wait3A_206 = arith.constant 0 : i32
        %dma_wait3A_207 = arith.constant 0 : i32
        %dma_wait3A_208 = tpu.memref_slice %arg8[%dma_wait3A_206, %dma_wait3A_207] : memref<10000x128xf32, #tpu.memory_space<vmem_shared>> -> memref<10000x128xf32, #tpu.memory_space<vmem_shared>>
        tpu.wait_indirect_dma semaphore(%run_scoped3A_196 : memref<!tpu.dma_semaphore, #tpu.memory_space<semaphore_mem>>) src(%arg9 : memref<40x128xf32, #tpu.memory_space<vmem>>) dst(%dma_wait3A_208 : memref<10000x128xf32, #tpu.memory_space<vmem_shared>>)
        tpu.yield
      }) : () -> ()
      %add3A_113 = arith.constant 0 : i32
      %add3A_114 = arith.addi %mul3A_104, %add3A_113 : i32
      %add3A_115 = arith.constant 5 : i32
      %add3A_116 = arith.addi %add3A_114, %add3A_115 : i32
      %dma_start3A_117 = arith.constant 0 : i32
      %dma_start3A_118 = tpu.memref_slice %arg5[%add3A_116, %dma_start3A_117] : memref<250x40xi32, #tpu.memory_space<vmem>> -> memref<1x40xi32, #tpu.memory_space<vmem>>
      %dma_start3A_119 = tpu.memref_squeeze %dma_start3A_118 : memref<1x40xi32, #tpu.memory_space<vmem>> -> memref<40xi32, #tpu.memory_space<vmem>>
      %dma_start3A_120 = arith.constant 0 : i32
      %dma_start3A_121 = arith.constant 0 : i32
      %dma_start3A_122 = tpu.memref_slice %arg2[%dma_start3A_120, %dma_start3A_121] : memref<10000x128xf32, #tpu.memory_space<hbm>> -> memref<10000x128xf32, #tpu.memory_space<hbm>>
      tpu.enqueue_indirect_dma source(%dma_start3A_122 : memref<10000x128xf32, #tpu.memory_space<hbm>>) target(%arg9 : memref<40x128xf32, #tpu.memory_space<vmem>>) offsets(%dma_start3A_119 : memref<40xi32, #tpu.memory_space<vmem>>) semaphore(%arg14 : memref<!tpu.dma_semaphore, #tpu.memory_space<semaphore_mem>>)
      %add3A_123 = arith.constant 1 : i32
      %add3A_124 = arith.addi %mul3A_104, %add3A_123 : i32
      %dma_wait3A_125 = arith.constant 0 : i32
      %dma_wait3A_126 = tpu.memref_slice %arg5[%add3A_124, %dma_wait3A_125] : memref<250x40xi32, #tpu.memory_space<vmem>> -> memref<1x40xi32, #tpu.memory_space<vmem>>
      %dma_wait3A_127 = tpu.memref_squeeze %dma_wait3A_126 : memref<1x40xi32, #tpu.memory_space<vmem>> -> memref<40xi32, #tpu.memory_space<vmem>>
      %dma_wait3A_128 = arith.constant 0 : i32
      %dma_wait3A_129 = arith.constant 0 : i32
      %dma_wait3A_130 = tpu.memref_slice %arg2[%dma_wait3A_128, %dma_wait3A_129] : memref<10000x128xf32, #tpu.memory_space<hbm>> -> memref<10000x128xf32, #tpu.memory_space<hbm>>
      tpu.wait_indirect_dma semaphore(%arg15 : memref<!tpu.dma_semaphore, #tpu.memory_space<semaphore_mem>>) src(%dma_wait3A_130 : memref<10000x128xf32, #tpu.memory_space<hbm>>) dst(%arg10 : memref<40x128xf32, #tpu.memory_space<vmem>>)
      "tpu.region"() ({
        %run_scoped3A_196 = tpu.sem_alloc : memref<!tpu.dma_semaphore, #tpu.memory_space<semaphore_mem>>
        %dma_start3A_197 = arith.constant 0 : i32
        %dma_start3A_198 = tpu.memref_slice %arg6[%add3A_124, %dma_start3A_197] : memref<250x40xi32, #tpu.memory_space<vmem>> -> memref<1x40xi32, #tpu.memory_space<vmem>>
        %dma_start3A_199 = tpu.memref_squeeze %dma_start3A_198 : memref<1x40xi32, #tpu.memory_space<vmem>> -> memref<40xi32, #tpu.memory_space<vmem>>
        %dma_start3A_200 = arith.constant 0 : i32
        %dma_start3A_201 = arith.constant 0 : i32
        %dma_start3A_202 = tpu.memref_slice %arg8[%dma_start3A_200, %dma_start3A_201] : memref<10000x128xf32, #tpu.memory_space<vmem_shared>> -> memref<10000x128xf32, #tpu.memory_space<vmem_shared>>
        tpu.enqueue_indirect_dma source(%arg10 : memref<40x128xf32, #tpu.memory_space<vmem>>) target(%dma_start3A_202 : memref<10000x128xf32, #tpu.memory_space<vmem_shared>>) offsets(%dma_start3A_199 : memref<40xi32, #tpu.memory_space<vmem>>) semaphore(%run_scoped3A_196 : memref<!tpu.dma_semaphore, #tpu.memory_space<semaphore_mem>>) {add = true}
        %dma_wait3A_203 = arith.constant 0 : i32
        %dma_wait3A_204 = tpu.memref_slice %arg6[%add3A_124, %dma_wait3A_203] : memref<250x40xi32, #tpu.memory_space<vmem>> -> memref<1x40xi32, #tpu.memory_space<vmem>>
        %dma_wait3A_205 = tpu.memref_squeeze %dma_wait3A_204 : memref<1x40xi32, #tpu.memory_space<vmem>> -> memref<40xi32, #tpu.memory_space<vmem>>
        %dma_wait3A_206 = arith.constant 0 : i32
        %dma_wait3A_207 = arith.constant 0 : i32
        %dma_wait3A_208 = tpu.memref_slice %arg8[%dma_wait3A_206, %dma_wait3A_207] : memref<10000x128xf32, #tpu.memory_space<vmem_shared>> -> memref<10000x128xf32, #tpu.memory_space<vmem_shared>>
        tpu.wait_indirect_dma semaphore(%run_scoped3A_196 : memref<!tpu.dma_semaphore, #tpu.memory_space<semaphore_mem>>) src(%arg10 : memref<40x128xf32, #tpu.memory_space<vmem>>) dst(%dma_wait3A_208 : memref<10000x128xf32, #tpu.memory_space<vmem_shared>>)
        tpu.yield
      }) : () -> ()
      %add3A_131 = arith.constant 1 : i32
      %add3A_132 = arith.addi %mul3A_104, %add3A_131 : i32
      %add3A_133 = arith.constant 5 : i32
      %add3A_134 = arith.addi %add3A_132, %add3A_133 : i32
      %dma_start3A_135 = arith.constant 0 : i32
      %dma_start3A_136 = tpu.memref_slice %arg5[%add3A_134, %dma_start3A_135] : memref<250x40xi32, #tpu.memory_space<vmem>> -> memref<1x40xi32, #tpu.memory_space<vmem>>
      %dma_start3A_137 = tpu.memref_squeeze %dma_start3A_136 : memref<1x40xi32, #tpu.memory_space<vmem>> -> memref<40xi32, #tpu.memory_space<vmem>>
      %dma_start3A_138 = arith.constant 0 : i32
      %dma_start3A_139 = arith.constant 0 : i32
      %dma_start3A_140 = tpu.memref_slice %arg2[%dma_start3A_138, %dma_start3A_139] : memref<10000x128xf32, #tpu.memory_space<hbm>> -> memref<10000x128xf32, #tpu.memory_space<hbm>>
      tpu.enqueue_indirect_dma source(%dma_start3A_140 : memref<10000x128xf32, #tpu.memory_space<hbm>>) target(%arg10 : memref<40x128xf32, #tpu.memory_space<vmem>>) offsets(%dma_start3A_137 : memref<40xi32, #tpu.memory_space<vmem>>) semaphore(%arg15 : memref<!tpu.dma_semaphore, #tpu.memory_space<semaphore_mem>>)
      %add3A_141 = arith.constant 2 : i32
      %add3A_142 = arith.addi %mul3A_104, %add3A_141 : i32
      %dma_wait3A_143 = arith.constant 0 : i32
      %dma_wait3A_144 = tpu.memref_slice %arg5[%add3A_142, %dma_wait3A_143] : memref<250x40xi32, #tpu.memory_space<vmem>> -> memref<1x40xi32, #tpu.memory_space<vmem>>
      %dma_wait3A_145 = tpu.memref_squeeze %dma_wait3A_144 : memref<1x40xi32, #tpu.memory_space<vmem>> -> memref<40xi32, #tpu.memory_space<vmem>>
      %dma_wait3A_146 = arith.constant 0 : i32
      %dma_wait3A_147 = arith.constant 0 : i32
      %dma_wait3A_148 = tpu.memref_slice %arg2[%dma_wait3A_146, %dma_wait3A_147] : memref<10000x128xf32, #tpu.memory_space<hbm>> -> memref<10000x128xf32, #tpu.memory_space<hbm>>
      tpu.wait_indirect_dma semaphore(%arg16 : memref<!tpu.dma_semaphore, #tpu.memory_space<semaphore_mem>>) src(%dma_wait3A_148 : memref<10000x128xf32, #tpu.memory_space<hbm>>) dst(%arg11 : memref<40x128xf32, #tpu.memory_space<vmem>>)
      "tpu.region"() ({
        %run_scoped3A_196 = tpu.sem_alloc : memref<!tpu.dma_semaphore, #tpu.memory_space<semaphore_mem>>
        %dma_start3A_197 = arith.constant 0 : i32
        %dma_start3A_198 = tpu.memref_slice %arg6[%add3A_142, %dma_start3A_197] : memref<250x40xi32, #tpu.memory_space<vmem>> -> memref<1x40xi32, #tpu.memory_space<vmem>>
        %dma_start3A_199 = tpu.memref_squeeze %dma_start3A_198 : memref<1x40xi32, #tpu.memory_space<vmem>> -> memref<40xi32, #tpu.memory_space<vmem>>
        %dma_start3A_200 = arith.constant 0 : i32
        %dma_start3A_201 = arith.constant 0 : i32
        %dma_start3A_202 = tpu.memref_slice %arg8[%dma_start3A_200, %dma_start3A_201] : memref<10000x128xf32, #tpu.memory_space<vmem_shared>> -> memref<10000x128xf32, #tpu.memory_space<vmem_shared>>
        tpu.enqueue_indirect_dma source(%arg11 : memref<40x128xf32, #tpu.memory_space<vmem>>) target(%dma_start3A_202 : memref<10000x128xf32, #tpu.memory_space<vmem_shared>>) offsets(%dma_start3A_199 : memref<40xi32, #tpu.memory_space<vmem>>) semaphore(%run_scoped3A_196 : memref<!tpu.dma_semaphore, #tpu.memory_space<semaphore_mem>>) {add = true}
        %dma_wait3A_203 = arith.constant 0 : i32
        %dma_wait3A_204 = tpu.memref_slice %arg6[%add3A_142, %dma_wait3A_203] : memref<250x40xi32, #tpu.memory_space<vmem>> -> memref<1x40xi32, #tpu.memory_space<vmem>>
        %dma_wait3A_205 = tpu.memref_squeeze %dma_wait3A_204 : memref<1x40xi32, #tpu.memory_space<vmem>> -> memref<40xi32, #tpu.memory_space<vmem>>
        %dma_wait3A_206 = arith.constant 0 : i32
        %dma_wait3A_207 = arith.constant 0 : i32
        %dma_wait3A_208 = tpu.memref_slice %arg8[%dma_wait3A_206, %dma_wait3A_207] : memref<10000x128xf32, #tpu.memory_space<vmem_shared>> -> memref<10000x128xf32, #tpu.memory_space<vmem_shared>>
        tpu.wait_indirect_dma semaphore(%run_scoped3A_196 : memref<!tpu.dma_semaphore, #tpu.memory_space<semaphore_mem>>) src(%arg11 : memref<40x128xf32, #tpu.memory_space<vmem>>) dst(%dma_wait3A_208 : memref<10000x128xf32, #tpu.memory_space<vmem_shared>>)
        tpu.yield
      }) : () -> ()
      %add3A_149 = arith.constant 2 : i32
      %add3A_150 = arith.addi %mul3A_104, %add3A_149 : i32
      %add3A_151 = arith.constant 5 : i32
      %add3A_152 = arith.addi %add3A_150, %add3A_151 : i32
      %dma_start3A_153 = arith.constant 0 : i32
      %dma_start3A_154 = tpu.memref_slice %arg5[%add3A_152, %dma_start3A_153] : memref<250x40xi32, #tpu.memory_space<vmem>> -> memref<1x40xi32, #tpu.memory_space<vmem>>
      %dma_start3A_155 = tpu.memref_squeeze %dma_start3A_154 : memref<1x40xi32, #tpu.memory_space<vmem>> -> memref<40xi32, #tpu.memory_space<vmem>>
      %dma_start3A_156 = arith.constant 0 : i32
      %dma_start3A_157 = arith.constant 0 : i32
      %dma_start3A_158 = tpu.memref_slice %arg2[%dma_start3A_156, %dma_start3A_157] : memref<10000x128xf32, #tpu.memory_space<hbm>> -> memref<10000x128xf32, #tpu.memory_space<hbm>>
      tpu.enqueue_indirect_dma source(%dma_start3A_158 : memref<10000x128xf32, #tpu.memory_space<hbm>>) target(%arg11 : memref<40x128xf32, #tpu.memory_space<vmem>>) offsets(%dma_start3A_155 : memref<40xi32, #tpu.memory_space<vmem>>) semaphore(%arg16 : memref<!tpu.dma_semaphore, #tpu.memory_space<semaphore_mem>>)
      %add3A_159 = arith.constant 3 : i32
      %add3A_160 = arith.addi %mul3A_104, %add3A_159 : i32
      %dma_wait3A_161 = arith.constant 0 : i32
      %dma_wait3A_162 = tpu.memref_slice %arg5[%add3A_160, %dma_wait3A_161] : memref<250x40xi32, #tpu.memory_space<vmem>> -> memref<1x40xi32, #tpu.memory_space<vmem>>
      %dma_wait3A_163 = tpu.memref_squeeze %dma_wait3A_162 : memref<1x40xi32, #tpu.memory_space<vmem>> -> memref<40xi32, #tpu.memory_space<vmem>>
      %dma_wait3A_164 = arith.constant 0 : i32
      %dma_wait3A_165 = arith.constant 0 : i32
      %dma_wait3A_166 = tpu.memref_slice %arg2[%dma_wait3A_164, %dma_wait3A_165] : memref<10000x128xf32, #tpu.memory_space<hbm>> -> memref<10000x128xf32, #tpu.memory_space<hbm>>
      tpu.wait_indirect_dma semaphore(%arg17 : memref<!tpu.dma_semaphore, #tpu.memory_space<semaphore_mem>>) src(%dma_wait3A_166 : memref<10000x128xf32, #tpu.memory_space<hbm>>) dst(%arg12 : memref<40x128xf32, #tpu.memory_space<vmem>>)
      "tpu.region"() ({
        %run_scoped3A_196 = tpu.sem_alloc : memref<!tpu.dma_semaphore, #tpu.memory_space<semaphore_mem>>
        %dma_start3A_197 = arith.constant 0 : i32
        %dma_start3A_198 = tpu.memref_slice %arg6[%add3A_160, %dma_start3A_197] : memref<250x40xi32, #tpu.memory_space<vmem>> -> memref<1x40xi32, #tpu.memory_space<vmem>>
        %dma_start3A_199 = tpu.memref_squeeze %dma_start3A_198 : memref<1x40xi32, #tpu.memory_space<vmem>> -> memref<40xi32, #tpu.memory_space<vmem>>
        %dma_start3A_200 = arith.constant 0 : i32
        %dma_start3A_201 = arith.constant 0 : i32
        %dma_start3A_202 = tpu.memref_slice %arg8[%dma_start3A_200, %dma_start3A_201] : memref<10000x128xf32, #tpu.memory_space<vmem_shared>> -> memref<10000x128xf32, #tpu.memory_space<vmem_shared>>
        tpu.enqueue_indirect_dma source(%arg12 : memref<40x128xf32, #tpu.memory_space<vmem>>) target(%dma_start3A_202 : memref<10000x128xf32, #tpu.memory_space<vmem_shared>>) offsets(%dma_start3A_199 : memref<40xi32, #tpu.memory_space<vmem>>) semaphore(%run_scoped3A_196 : memref<!tpu.dma_semaphore, #tpu.memory_space<semaphore_mem>>) {add = true}
        %dma_wait3A_203 = arith.constant 0 : i32
        %dma_wait3A_204 = tpu.memref_slice %arg6[%add3A_160, %dma_wait3A_203] : memref<250x40xi32, #tpu.memory_space<vmem>> -> memref<1x40xi32, #tpu.memory_space<vmem>>
        %dma_wait3A_205 = tpu.memref_squeeze %dma_wait3A_204 : memref<1x40xi32, #tpu.memory_space<vmem>> -> memref<40xi32, #tpu.memory_space<vmem>>
        %dma_wait3A_206 = arith.constant 0 : i32
        %dma_wait3A_207 = arith.constant 0 : i32
        %dma_wait3A_208 = tpu.memref_slice %arg8[%dma_wait3A_206, %dma_wait3A_207] : memref<10000x128xf32, #tpu.memory_space<vmem_shared>> -> memref<10000x128xf32, #tpu.memory_space<vmem_shared>>
        tpu.wait_indirect_dma semaphore(%run_scoped3A_196 : memref<!tpu.dma_semaphore, #tpu.memory_space<semaphore_mem>>) src(%arg12 : memref<40x128xf32, #tpu.memory_space<vmem>>) dst(%dma_wait3A_208 : memref<10000x128xf32, #tpu.memory_space<vmem_shared>>)
        tpu.yield
      }) : () -> ()
      %add3A_167 = arith.constant 3 : i32
      %add3A_168 = arith.addi %mul3A_104, %add3A_167 : i32
      %add3A_169 = arith.constant 5 : i32
      %add3A_170 = arith.addi %add3A_168, %add3A_169 : i32
      %dma_start3A_171 = arith.constant 0 : i32
      %dma_start3A_172 = tpu.memref_slice %arg5[%add3A_170, %dma_start3A_171] : memref<250x40xi32, #tpu.memory_space<vmem>> -> memref<1x40xi32, #tpu.memory_space<vmem>>
      %dma_start3A_173 = tpu.memref_squeeze %dma_start3A_172 : memref<1x40xi32, #tpu.memory_space<vmem>> -> memref<40xi32, #tpu.memory_space<vmem>>
      %dma_start3A_174 = arith.constant 0 : i32
      %dma_start3A_175 = arith.constant 0 : i32
      %dma_start3A_176 = tpu.memref_slice %arg2[%dma_start3A_174, %dma_start3A_175] : memref<10000x128xf32, #tpu.memory_space<hbm>> -> memref<10000x128xf32, #tpu.memory_space<hbm>>
      tpu.enqueue_indirect_dma source(%dma_start3A_176 : memref<10000x128xf32, #tpu.memory_space<hbm>>) target(%arg12 : memref<40x128xf32, #tpu.memory_space<vmem>>) offsets(%dma_start3A_173 : memref<40xi32, #tpu.memory_space<vmem>>) semaphore(%arg17 : memref<!tpu.dma_semaphore, #tpu.memory_space<semaphore_mem>>)
      %add3A_177 = arith.constant 4 : i32
      %add3A_178 = arith.addi %mul3A_104, %add3A_177 : i32
      %dma_wait3A_179 = arith.constant 0 : i32
      %dma_wait3A_180 = tpu.memref_slice %arg5[%add3A_178, %dma_wait3A_179] : memref<250x40xi32, #tpu.memory_space<vmem>> -> memref<1x40xi32, #tpu.memory_space<vmem>>
      %dma_wait3A_181 = tpu.memref_squeeze %dma_wait3A_180 : memref<1x40xi32, #tpu.memory_space<vmem>> -> memref<40xi32, #tpu.memory_space<vmem>>
      %dma_wait3A_182 = arith.constant 0 : i32
      %dma_wait3A_183 = arith.constant 0 : i32
      %dma_wait3A_184 = tpu.memref_slice %arg2[%dma_wait3A_182, %dma_wait3A_183] : memref<10000x128xf32, #tpu.memory_space<hbm>> -> memref<10000x128xf32, #tpu.memory_space<hbm>>
      tpu.wait_indirect_dma semaphore(%arg18 : memref<!tpu.dma_semaphore, #tpu.memory_space<semaphore_mem>>) src(%dma_wait3A_184 : memref<10000x128xf32, #tpu.memory_space<hbm>>) dst(%arg13 : memref<40x128xf32, #tpu.memory_space<vmem>>)
      "tpu.region"() ({
        %run_scoped3A_196 = tpu.sem_alloc : memref<!tpu.dma_semaphore, #tpu.memory_space<semaphore_mem>>
        %dma_start3A_197 = arith.constant 0 : i32
        %dma_start3A_198 = tpu.memref_slice %arg6[%add3A_178, %dma_start3A_197] : memref<250x40xi32, #tpu.memory_space<vmem>> -> memref<1x40xi32, #tpu.memory_space<vmem>>
        %dma_start3A_199 = tpu.memref_squeeze %dma_start3A_198 : memref<1x40xi32, #tpu.memory_space<vmem>> -> memref<40xi32, #tpu.memory_space<vmem>>
        %dma_start3A_200 = arith.constant 0 : i32
        %dma_start3A_201 = arith.constant 0 : i32
        %dma_start3A_202 = tpu.memref_slice %arg8[%dma_start3A_200, %dma_start3A_201] : memref<10000x128xf32, #tpu.memory_space<vmem_shared>> -> memref<10000x128xf32, #tpu.memory_space<vmem_shared>>
        tpu.enqueue_indirect_dma source(%arg13 : memref<40x128xf32, #tpu.memory_space<vmem>>) target(%dma_start3A_202 : memref<10000x128xf32, #tpu.memory_space<vmem_shared>>) offsets(%dma_start3A_199 : memref<40xi32, #tpu.memory_space<vmem>>) semaphore(%run_scoped3A_196 : memref<!tpu.dma_semaphore, #tpu.memory_space<semaphore_mem>>) {add = true}
        %dma_wait3A_203 = arith.constant 0 : i32
        %dma_wait3A_204 = tpu.memref_slice %arg6[%add3A_178, %dma_wait3A_203] : memref<250x40xi32, #tpu.memory_space<vmem>> -> memref<1x40xi32, #tpu.memory_space<vmem>>
        %dma_wait3A_205 = tpu.memref_squeeze %dma_wait3A_204 : memref<1x40xi32, #tpu.memory_space<vmem>> -> memref<40xi32, #tpu.memory_space<vmem>>
        %dma_wait3A_206 = arith.constant 0 : i32
        %dma_wait3A_207 = arith.constant 0 : i32
        %dma_wait3A_208 = tpu.memref_slice %arg8[%dma_wait3A_206, %dma_wait3A_207] : memref<10000x128xf32, #tpu.memory_space<vmem_shared>> -> memref<10000x128xf32, #tpu.memory_space<vmem_shared>>
        tpu.wait_indirect_dma semaphore(%run_scoped3A_196 : memref<!tpu.dma_semaphore, #tpu.memory_space<semaphore_mem>>) src(%arg13 : memref<40x128xf32, #tpu.memory_space<vmem>>) dst(%dma_wait3A_208 : memref<10000x128xf32, #tpu.memory_space<vmem_shared>>)
        tpu.yield
      }) : () -> ()
      %add3A_185 = arith.constant 4 : i32
      %add3A_186 = arith.addi %mul3A_104, %add3A_185 : i32
      %add3A_187 = arith.constant 5 : i32
      %add3A_188 = arith.addi %add3A_186, %add3A_187 : i32
      %dma_start3A_189 = arith.constant 0 : i32
      %dma_start3A_190 = tpu.memref_slice %arg5[%add3A_188, %dma_start3A_189] : memref<250x40xi32, #tpu.memory_space<vmem>> -> memref<1x40xi32, #tpu.memory_space<vmem>>
      %dma_start3A_191 = tpu.memref_squeeze %dma_start3A_190 : memref<1x40xi32, #tpu.memory_space<vmem>> -> memref<40xi32, #tpu.memory_space<vmem>>
      %dma_start3A_192 = arith.constant 0 : i32
      %dma_start3A_193 = arith.constant 0 : i32
      %dma_start3A_194 = tpu.memref_slice %arg2[%dma_start3A_192, %dma_start3A_193] : memref<10000x128xf32, #tpu.memory_space<hbm>> -> memref<10000x128xf32, #tpu.memory_space<hbm>>
      tpu.enqueue_indirect_dma source(%dma_start3A_194 : memref<10000x128xf32, #tpu.memory_space<hbm>>) target(%arg13 : memref<40x128xf32, #tpu.memory_space<vmem>>) offsets(%dma_start3A_191 : memref<40xi32, #tpu.memory_space<vmem>>) semaphore(%arg18 : memref<!tpu.dma_semaphore, #tpu.memory_space<semaphore_mem>>)
      %scan3A_195 = arith.constant 0 : i32
      scf.yield %scan3A_195 : i32
    }
    %scan3A_56 = arith.constant 49 : i32
    %dma_wait3A = arith.constant 245 : i32
    %dma_wait3A_57 = arith.constant 0 : i32
    %dma_wait3A_58 = tpu.memref_slice %arg5[%dma_wait3A, %dma_wait3A_57] : memref<250x40xi32, #tpu.memory_space<vmem>> -> memref<1x40xi32, #tpu.memory_space<vmem>>
    %dma_wait3A_59 = tpu.memref_squeeze %dma_wait3A_58 : memref<1x40xi32, #tpu.memory_space<vmem>> -> memref<40xi32, #tpu.memory_space<vmem>>
    %dma_wait3A_60 = arith.constant 0 : i32
    %dma_wait3A_61 = arith.constant 0 : i32
    %dma_wait3A_62 = tpu.memref_slice %arg2[%dma_wait3A_60, %dma_wait3A_61] : memref<10000x128xf32, #tpu.memory_space<hbm>> -> memref<10000x128xf32, #tpu.memory_space<hbm>>
    tpu.wait_indirect_dma semaphore(%arg14 : memref<!tpu.dma_semaphore, #tpu.memory_space<semaphore_mem>>) src(%dma_wait3A_62 : memref<10000x128xf32, #tpu.memory_space<hbm>>) dst(%arg9 : memref<40x128xf32, #tpu.memory_space<vmem>>)
    %run_scoped3A_63 = arith.constant 245 : i32
    "tpu.region"() ({
      %run_scoped3A_101 = tpu.sem_alloc : memref<!tpu.dma_semaphore, #tpu.memory_space<semaphore_mem>>
      %dma_start3A_102 = arith.constant 0 : i32
      %dma_start3A_103 = tpu.memref_slice %arg6[%run_scoped3A_63, %dma_start3A_102] : memref<250x40xi32, #tpu.memory_space<vmem>> -> memref<1x40xi32, #tpu.memory_space<vmem>>
      %dma_start3A_104 = tpu.memref_squeeze %dma_start3A_103 : memref<1x40xi32, #tpu.memory_space<vmem>> -> memref<40xi32, #tpu.memory_space<vmem>>
      %dma_start3A_105 = arith.constant 0 : i32
      %dma_start3A_106 = arith.constant 0 : i32
      %dma_start3A_107 = tpu.memref_slice %arg8[%dma_start3A_105, %dma_start3A_106] : memref<10000x128xf32, #tpu.memory_space<vmem_shared>> -> memref<10000x128xf32, #tpu.memory_space<vmem_shared>>
      tpu.enqueue_indirect_dma source(%arg9 : memref<40x128xf32, #tpu.memory_space<vmem>>) target(%dma_start3A_107 : memref<10000x128xf32, #tpu.memory_space<vmem_shared>>) offsets(%dma_start3A_104 : memref<40xi32, #tpu.memory_space<vmem>>) semaphore(%run_scoped3A_101 : memref<!tpu.dma_semaphore, #tpu.memory_space<semaphore_mem>>) {add = true}
      %dma_wait3A_108 = arith.constant 0 : i32
      %dma_wait3A_109 = tpu.memref_slice %arg6[%run_scoped3A_63, %dma_wait3A_108] : memref<250x40xi32, #tpu.memory_space<vmem>> -> memref<1x40xi32, #tpu.memory_space<vmem>>
      %dma_wait3A_110 = tpu.memref_squeeze %dma_wait3A_109 : memref<1x40xi32, #tpu.memory_space<vmem>> -> memref<40xi32, #tpu.memory_space<vmem>>
      %dma_wait3A_111 = arith.constant 0 : i32
      %dma_wait3A_112 = arith.constant 0 : i32
      %dma_wait3A_113 = tpu.memref_slice %arg8[%dma_wait3A_111, %dma_wait3A_112] : memref<10000x128xf32, #tpu.memory_space<vmem_shared>> -> memref<10000x128xf32, #tpu.memory_space<vmem_shared>>
      tpu.wait_indirect_dma semaphore(%run_scoped3A_101 : memref<!tpu.dma_semaphore, #tpu.memory_space<semaphore_mem>>) src(%arg9 : memref<40x128xf32, #tpu.memory_space<vmem>>) dst(%dma_wait3A_113 : memref<10000x128xf32, #tpu.memory_space<vmem_shared>>)
      tpu.yield
    }) : () -> ()
    %dma_wait3A_64 = arith.constant 246 : i32
    %dma_wait3A_65 = arith.constant 0 : i32
    %dma_wait3A_66 = tpu.memref_slice %arg5[%dma_wait3A_64, %dma_wait3A_65] : memref<250x40xi32, #tpu.memory_space<vmem>> -> memref<1x40xi32, #tpu.memory_space<vmem>>
    %dma_wait3A_67 = tpu.memref_squeeze %dma_wait3A_66 : memref<1x40xi32, #tpu.memory_space<vmem>> -> memref<40xi32, #tpu.memory_space<vmem>>
    %dma_wait3A_68 = arith.constant 0 : i32
    %dma_wait3A_69 = arith.constant 0 : i32
    %dma_wait3A_70 = tpu.memref_slice %arg2[%dma_wait3A_68, %dma_wait3A_69] : memref<10000x128xf32, #tpu.memory_space<hbm>> -> memref<10000x128xf32, #tpu.memory_space<hbm>>
    tpu.wait_indirect_dma semaphore(%arg15 : memref<!tpu.dma_semaphore, #tpu.memory_space<semaphore_mem>>) src(%dma_wait3A_70 : memref<10000x128xf32, #tpu.memory_space<hbm>>) dst(%arg10 : memref<40x128xf32, #tpu.memory_space<vmem>>)
    %run_scoped3A_71 = arith.constant 246 : i32
    "tpu.region"() ({
      %run_scoped3A_101 = tpu.sem_alloc : memref<!tpu.dma_semaphore, #tpu.memory_space<semaphore_mem>>
      %dma_start3A_102 = arith.constant 0 : i32
      %dma_start3A_103 = tpu.memref_slice %arg6[%run_scoped3A_71, %dma_start3A_102] : memref<250x40xi32, #tpu.memory_space<vmem>> -> memref<1x40xi32, #tpu.memory_space<vmem>>
      %dma_start3A_104 = tpu.memref_squeeze %dma_start3A_103 : memref<1x40xi32, #tpu.memory_space<vmem>> -> memref<40xi32, #tpu.memory_space<vmem>>
      %dma_start3A_105 = arith.constant 0 : i32
      %dma_start3A_106 = arith.constant 0 : i32
      %dma_start3A_107 = tpu.memref_slice %arg8[%dma_start3A_105, %dma_start3A_106] : memref<10000x128xf32, #tpu.memory_space<vmem_shared>> -> memref<10000x128xf32, #tpu.memory_space<vmem_shared>>
      tpu.enqueue_indirect_dma source(%arg10 : memref<40x128xf32, #tpu.memory_space<vmem>>) target(%dma_start3A_107 : memref<10000x128xf32, #tpu.memory_space<vmem_shared>>) offsets(%dma_start3A_104 : memref<40xi32, #tpu.memory_space<vmem>>) semaphore(%run_scoped3A_101 : memref<!tpu.dma_semaphore, #tpu.memory_space<semaphore_mem>>) {add = true}
      %dma_wait3A_108 = arith.constant 0 : i32
      %dma_wait3A_109 = tpu.memref_slice %arg6[%run_scoped3A_71, %dma_wait3A_108] : memref<250x40xi32, #tpu.memory_space<vmem>> -> memref<1x40xi32, #tpu.memory_space<vmem>>
      %dma_wait3A_110 = tpu.memref_squeeze %dma_wait3A_109 : memref<1x40xi32, #tpu.memory_space<vmem>> -> memref<40xi32, #tpu.memory_space<vmem>>
      %dma_wait3A_111 = arith.constant 0 : i32
      %dma_wait3A_112 = arith.constant 0 : i32
      %dma_wait3A_113 = tpu.memref_slice %arg8[%dma_wait3A_111, %dma_wait3A_112] : memref<10000x128xf32, #tpu.memory_space<vmem_shared>> -> memref<10000x128xf32, #tpu.memory_space<vmem_shared>>
      tpu.wait_indirect_dma semaphore(%run_scoped3A_101 : memref<!tpu.dma_semaphore, #tpu.memory_space<semaphore_mem>>) src(%arg10 : memref<40x128xf32, #tpu.memory_space<vmem>>) dst(%dma_wait3A_113 : memref<10000x128xf32, #tpu.memory_space<vmem_shared>>)
      tpu.yield
    }) : () -> ()
    %dma_wait3A_72 = arith.constant 247 : i32
    %dma_wait3A_73 = arith.constant 0 : i32
    %dma_wait3A_74 = tpu.memref_slice %arg5[%dma_wait3A_72, %dma_wait3A_73] : memref<250x40xi32, #tpu.memory_space<vmem>> -> memref<1x40xi32, #tpu.memory_space<vmem>>
    %dma_wait3A_75 = tpu.memref_squeeze %dma_wait3A_74 : memref<1x40xi32, #tpu.memory_space<vmem>> -> memref<40xi32, #tpu.memory_space<vmem>>
    %dma_wait3A_76 = arith.constant 0 : i32
    %dma_wait3A_77 = arith.constant 0 : i32
    %dma_wait3A_78 = tpu.memref_slice %arg2[%dma_wait3A_76, %dma_wait3A_77] : memref<10000x128xf32, #tpu.memory_space<hbm>> -> memref<10000x128xf32, #tpu.memory_space<hbm>>
    tpu.wait_indirect_dma semaphore(%arg16 : memref<!tpu.dma_semaphore, #tpu.memory_space<semaphore_mem>>) src(%dma_wait3A_78 : memref<10000x128xf32, #tpu.memory_space<hbm>>) dst(%arg11 : memref<40x128xf32, #tpu.memory_space<vmem>>)
    %run_scoped3A_79 = arith.constant 247 : i32
    "tpu.region"() ({
      %run_scoped3A_101 = tpu.sem_alloc : memref<!tpu.dma_semaphore, #tpu.memory_space<semaphore_mem>>
      %dma_start3A_102 = arith.constant 0 : i32
      %dma_start3A_103 = tpu.memref_slice %arg6[%run_scoped3A_79, %dma_start3A_102] : memref<250x40xi32, #tpu.memory_space<vmem>> -> memref<1x40xi32, #tpu.memory_space<vmem>>
      %dma_start3A_104 = tpu.memref_squeeze %dma_start3A_103 : memref<1x40xi32, #tpu.memory_space<vmem>> -> memref<40xi32, #tpu.memory_space<vmem>>
      %dma_start3A_105 = arith.constant 0 : i32
      %dma_start3A_106 = arith.constant 0 : i32
      %dma_start3A_107 = tpu.memref_slice %arg8[%dma_start3A_105, %dma_start3A_106] : memref<10000x128xf32, #tpu.memory_space<vmem_shared>> -> memref<10000x128xf32, #tpu.memory_space<vmem_shared>>
      tpu.enqueue_indirect_dma source(%arg11 : memref<40x128xf32, #tpu.memory_space<vmem>>) target(%dma_start3A_107 : memref<10000x128xf32, #tpu.memory_space<vmem_shared>>) offsets(%dma_start3A_104 : memref<40xi32, #tpu.memory_space<vmem>>) semaphore(%run_scoped3A_101 : memref<!tpu.dma_semaphore, #tpu.memory_space<semaphore_mem>>) {add = true}
      %dma_wait3A_108 = arith.constant 0 : i32
      %dma_wait3A_109 = tpu.memref_slice %arg6[%run_scoped3A_79, %dma_wait3A_108] : memref<250x40xi32, #tpu.memory_space<vmem>> -> memref<1x40xi32, #tpu.memory_space<vmem>>
      %dma_wait3A_110 = tpu.memref_squeeze %dma_wait3A_109 : memref<1x40xi32, #tpu.memory_space<vmem>> -> memref<40xi32, #tpu.memory_space<vmem>>
      %dma_wait3A_111 = arith.constant 0 : i32
      %dma_wait3A_112 = arith.constant 0 : i32
      %dma_wait3A_113 = tpu.memref_slice %arg8[%dma_wait3A_111, %dma_wait3A_112] : memref<10000x128xf32, #tpu.memory_space<vmem_shared>> -> memref<10000x128xf32, #tpu.memory_space<vmem_shared>>
      tpu.wait_indirect_dma semaphore(%run_scoped3A_101 : memref<!tpu.dma_semaphore, #tpu.memory_space<semaphore_mem>>) src(%arg11 : memref<40x128xf32, #tpu.memory_space<vmem>>) dst(%dma_wait3A_113 : memref<10000x128xf32, #tpu.memory_space<vmem_shared>>)
      tpu.yield
    }) : () -> ()
    %dma_wait3A_80 = arith.constant 248 : i32
    %dma_wait3A_81 = arith.constant 0 : i32
    %dma_wait3A_82 = tpu.memref_slice %arg5[%dma_wait3A_80, %dma_wait3A_81] : memref<250x40xi32, #tpu.memory_space<vmem>> -> memref<1x40xi32, #tpu.memory_space<vmem>>
    %dma_wait3A_83 = tpu.memref_squeeze %dma_wait3A_82 : memref<1x40xi32, #tpu.memory_space<vmem>> -> memref<40xi32, #tpu.memory_space<vmem>>
    %dma_wait3A_84 = arith.constant 0 : i32
    %dma_wait3A_85 = arith.constant 0 : i32
    %dma_wait3A_86 = tpu.memref_slice %arg2[%dma_wait3A_84, %dma_wait3A_85] : memref<10000x128xf32, #tpu.memory_space<hbm>> -> memref<10000x128xf32, #tpu.memory_space<hbm>>
    tpu.wait_indirect_dma semaphore(%arg17 : memref<!tpu.dma_semaphore, #tpu.memory_space<semaphore_mem>>) src(%dma_wait3A_86 : memref<10000x128xf32, #tpu.memory_space<hbm>>) dst(%arg12 : memref<40x128xf32, #tpu.memory_space<vmem>>)
    %run_scoped3A_87 = arith.constant 248 : i32
    "tpu.region"() ({
      %run_scoped3A_101 = tpu.sem_alloc : memref<!tpu.dma_semaphore, #tpu.memory_space<semaphore_mem>>
      %dma_start3A_102 = arith.constant 0 : i32
      %dma_start3A_103 = tpu.memref_slice %arg6[%run_scoped3A_87, %dma_start3A_102] : memref<250x40xi32, #tpu.memory_space<vmem>> -> memref<1x40xi32, #tpu.memory_space<vmem>>
      %dma_start3A_104 = tpu.memref_squeeze %dma_start3A_103 : memref<1x40xi32, #tpu.memory_space<vmem>> -> memref<40xi32, #tpu.memory_space<vmem>>
      %dma_start3A_105 = arith.constant 0 : i32
      %dma_start3A_106 = arith.constant 0 : i32
      %dma_start3A_107 = tpu.memref_slice %arg8[%dma_start3A_105, %dma_start3A_106] : memref<10000x128xf32, #tpu.memory_space<vmem_shared>> -> memref<10000x128xf32, #tpu.memory_space<vmem_shared>>
      tpu.enqueue_indirect_dma source(%arg12 : memref<40x128xf32, #tpu.memory_space<vmem>>) target(%dma_start3A_107 : memref<10000x128xf32, #tpu.memory_space<vmem_shared>>) offsets(%dma_start3A_104 : memref<40xi32, #tpu.memory_space<vmem>>) semaphore(%run_scoped3A_101 : memref<!tpu.dma_semaphore, #tpu.memory_space<semaphore_mem>>) {add = true}
      %dma_wait3A_108 = arith.constant 0 : i32
      %dma_wait3A_109 = tpu.memref_slice %arg6[%run_scoped3A_87, %dma_wait3A_108] : memref<250x40xi32, #tpu.memory_space<vmem>> -> memref<1x40xi32, #tpu.memory_space<vmem>>
      %dma_wait3A_110 = tpu.memref_squeeze %dma_wait3A_109 : memref<1x40xi32, #tpu.memory_space<vmem>> -> memref<40xi32, #tpu.memory_space<vmem>>
      %dma_wait3A_111 = arith.constant 0 : i32
      %dma_wait3A_112 = arith.constant 0 : i32
      %dma_wait3A_113 = tpu.memref_slice %arg8[%dma_wait3A_111, %dma_wait3A_112] : memref<10000x128xf32, #tpu.memory_space<vmem_shared>> -> memref<10000x128xf32, #tpu.memory_space<vmem_shared>>
      tpu.wait_indirect_dma semaphore(%run_scoped3A_101 : memref<!tpu.dma_semaphore, #tpu.memory_space<semaphore_mem>>) src(%arg12 : memref<40x128xf32, #tpu.memory_space<vmem>>) dst(%dma_wait3A_113 : memref<10000x128xf32, #tpu.memory_space<vmem_shared>>)
      tpu.yield
    }) : () -> ()
    %dma_wait3A_88 = arith.constant 249 : i32
    %dma_wait3A_89 = arith.constant 0 : i32
    %dma_wait3A_90 = tpu.memref_slice %arg5[%dma_wait3A_88, %dma_wait3A_89] : memref<250x40xi32, #tpu.memory_space<vmem>> -> memref<1x40xi32, #tpu.memory_space<vmem>>
    %dma_wait3A_91 = tpu.memref_squeeze %dma_wait3A_90 : memref<1x40xi32, #tpu.memory_space<vmem>> -> memref<40xi32, #tpu.memory_space<vmem>>
    %dma_wait3A_92 = arith.constant 0 : i32
    %dma_wait3A_93 = arith.constant 0 : i32
    %dma_wait3A_94 = tpu.memref_slice %arg2[%dma_wait3A_92, %dma_wait3A_93] : memref<10000x128xf32, #tpu.memory_space<hbm>> -> memref<10000x128xf32, #tpu.memory_space<hbm>>
    tpu.wait_indirect_dma semaphore(%arg18 : memref<!tpu.dma_semaphore, #tpu.memory_space<semaphore_mem>>) src(%dma_wait3A_94 : memref<10000x128xf32, #tpu.memory_space<hbm>>) dst(%arg13 : memref<40x128xf32, #tpu.memory_space<vmem>>)
    %run_scoped3A_95 = arith.constant 249 : i32
    "tpu.region"() ({
      %run_scoped3A_101 = tpu.sem_alloc : memref<!tpu.dma_semaphore, #tpu.memory_space<semaphore_mem>>
      %dma_start3A_102 = arith.constant 0 : i32
      %dma_start3A_103 = tpu.memref_slice %arg6[%run_scoped3A_95, %dma_start3A_102] : memref<250x40xi32, #tpu.memory_space<vmem>> -> memref<1x40xi32, #tpu.memory_space<vmem>>
      %dma_start3A_104 = tpu.memref_squeeze %dma_start3A_103 : memref<1x40xi32, #tpu.memory_space<vmem>> -> memref<40xi32, #tpu.memory_space<vmem>>
      %dma_start3A_105 = arith.constant 0 : i32
      %dma_start3A_106 = arith.constant 0 : i32
      %dma_start3A_107 = tpu.memref_slice %arg8[%dma_start3A_105, %dma_start3A_106] : memref<10000x128xf32, #tpu.memory_space<vmem_shared>> -> memref<10000x128xf32, #tpu.memory_space<vmem_shared>>
      tpu.enqueue_indirect_dma source(%arg13 : memref<40x128xf32, #tpu.memory_space<vmem>>) target(%dma_start3A_107 : memref<10000x128xf32, #tpu.memory_space<vmem_shared>>) offsets(%dma_start3A_104 : memref<40xi32, #tpu.memory_space<vmem>>) semaphore(%run_scoped3A_101 : memref<!tpu.dma_semaphore, #tpu.memory_space<semaphore_mem>>) {add = true}
      %dma_wait3A_108 = arith.constant 0 : i32
      %dma_wait3A_109 = tpu.memref_slice %arg6[%run_scoped3A_95, %dma_wait3A_108] : memref<250x40xi32, #tpu.memory_space<vmem>> -> memref<1x40xi32, #tpu.memory_space<vmem>>
      %dma_wait3A_110 = tpu.memref_squeeze %dma_wait3A_109 : memref<1x40xi32, #tpu.memory_space<vmem>> -> memref<40xi32, #tpu.memory_space<vmem>>
      %dma_wait3A_111 = arith.constant 0 : i32
      %dma_wait3A_112 = arith.constant 0 : i32
      %dma_wait3A_113 = tpu.memref_slice %arg8[%dma_wait3A_111, %dma_wait3A_112] : memref<10000x128xf32, #tpu.memory_space<vmem_shared>> -> memref<10000x128xf32, #tpu.memory_space<vmem_shared>>
      tpu.wait_indirect_dma semaphore(%run_scoped3A_101 : memref<!tpu.dma_semaphore, #tpu.memory_space<semaphore_mem>>) src(%arg13 : memref<40x128xf32, #tpu.memory_space<vmem>>) dst(%dma_wait3A_113 : memref<10000x128xf32, #tpu.memory_space<vmem_shared>>)
      tpu.yield
    }) : () -> ()
    %barrier3A_96 = arith.constant 0 : index
    tpu.barrier barrier_id(%barrier3A_96)
    %mul3A_97 = arith.constant 625 : i32
    %mul3A_98 = arith.muli %arg1, %mul3A_97 : i32
    %mul3A_99 = arith.constant 625 : i32
    %mul3A_100 = arith.muli %arg1, %mul3A_99 : i32
    "tpu.region"() ({
      %run_scoped3A_101 = tpu.sem_alloc : memref<!tpu.dma_semaphore, #tpu.memory_space<semaphore_mem>>
      %dma_start3A_102 = arith.constant 0 : i32
      %dma_start3A_103 = tpu.memref_slice %arg4[%arg0, %mul3A_100, %dma_start3A_102] : memref<2x10000x128xf32, #tpu.memory_space<hbm>> -> memref<1x625x128xf32, #tpu.memory_space<hbm>>
      %dma_start3A_104 = tpu.memref_squeeze %dma_start3A_103 : memref<1x625x128xf32, #tpu.memory_space<hbm>> -> memref<625x128xf32, #tpu.memory_space<hbm>>
      %dma_start3A_105 = arith.constant 0 : i32
      %dma_start3A_106 = tpu.memref_slice %arg8[%mul3A_98, %dma_start3A_105] : memref<10000x128xf32, #tpu.memory_space<vmem_shared>> -> memref<625x128xf32, #tpu.memory_space<vmem_shared>>
      tpu.enqueue_dma source(%dma_start3A_106 : memref<625x128xf32, #tpu.memory_space<vmem_shared>>) target(%dma_start3A_104 : memref<625x128xf32, #tpu.memory_space<hbm>>) target_semaphore(%run_scoped3A_101 : memref<!tpu.dma_semaphore, #tpu.memory_space<semaphore_mem>>)
      %dma_wait3A_107 = arith.constant 0 : i32
      %dma_wait3A_108 = tpu.memref_slice %arg4[%arg0, %mul3A_100, %dma_wait3A_107] : memref<2x10000x128xf32, #tpu.memory_space<hbm>> -> memref<1x625x128xf32, #tpu.memory_space<hbm>>
      %dma_wait3A_109 = tpu.memref_squeeze %dma_wait3A_108 : memref<1x625x128xf32, #tpu.memory_space<hbm>> -> memref<625x128xf32, #tpu.memory_space<hbm>>
      %dma_wait3A_110 = arith.constant 0 : i32
      %dma_wait3A_111 = tpu.memref_slice %arg8[%mul3A_98, %dma_wait3A_110] : memref<10000x128xf32, #tpu.memory_space<vmem_shared>> -> memref<625x128xf32, #tpu.memory_space<vmem_shared>>
      tpu.wait_dma2 semaphore(%run_scoped3A_101 : memref<!tpu.dma_semaphore, #tpu.memory_space<semaphore_mem>>) src(%dma_wait3A_111 : memref<625x128xf32, #tpu.memory_space<vmem_shared>>) dst(%dma_wait3A_109 : memref<625x128xf32, #tpu.memory_space<hbm>>)
      tpu.yield
    }) : () -> ()
    return
  }
}

#map = affine_map<(d0, d1) -> (0, 0, 0, 0)>
#map1 = affine_map<(d0, d1) -> (0, 0, 0)>
module attributes {stable_mosaic.version = 14 : i64} {
  func.func @body(%arg0: i32, %arg1: i32, %arg2: memref<2x32x125x80xi32, #tpu.memory_space<hbm>>, %arg3: memref<2x10000x128xf32, #tpu.memory_space<hbm>>, %arg4: memref<125x80xi32, #tpu.memory_space<vmem>>, %arg5: memref<125x80xi32, #tpu.memory_space<vmem>>, %arg6: memref<80x16xf32, #tpu.memory_space<vmem>>, %arg7: memref<25x16xf32, #tpu.memory_space<vmem>>, %arg8: memref<10000x16xf32, #tpu.memory_space<vmem_shared>>, %arg9: memref<10000x16xf32, #tpu.memory_space<vmem_shared>>, %arg10: memref<!tpu.dma_semaphore, #tpu.memory_space<semaphore_mem>>, %arg11: memref<!tpu.dma_semaphore, #tpu.memory_space<semaphore_mem>>) attributes {dimension_semantics = [#tpu.dimension_semantics<core_parallel>, #tpu.dimension_semantics<subcore_parallel>], iteration_bounds = array<i64: 2, 16>, scalar_prefetch = 0 : i64, scratch_operands = 8 : i64, tpu.core_type = #tpu.core_type<sc_vector_subcore>, window_params = [{transform_indices = #map}, {transform_indices = #map1}]} {
    %mul3A = arith.constant 2 : i32
    %mul3A_0 = arith.muli %arg1, %mul3A : i32
    %add3A = arith.addi %mul3A_0, %arg0 : i32
    %run_scoped3A = arith.constant 0 : i32
    "tpu.region"() ({
      %run_scoped3A_83 = tpu.sem_alloc : memref<!tpu.dma_semaphore, #tpu.memory_space<semaphore_mem>>
      %dma_start3A_84 = arith.constant 0 : i32
      %dma_start3A_85 = arith.constant 0 : i32
      %dma_start3A_86 = tpu.memref_slice %arg2[%run_scoped3A, %add3A, %dma_start3A_84, %dma_start3A_85] : memref<2x32x125x80xi32, #tpu.memory_space<hbm>> -> memref<1x1x125x80xi32, #tpu.memory_space<hbm>>
      %dma_start3A_87 = tpu.memref_squeeze %dma_start3A_86 : memref<1x1x125x80xi32, #tpu.memory_space<hbm>> -> memref<125x80xi32, #tpu.memory_space<hbm>>
      %dma_start3A_88 = arith.constant 0 : i32
      %dma_start3A_89 = arith.constant 0 : i32
      %dma_start3A_90 = tpu.memref_slice %arg2[%run_scoped3A, %add3A, %dma_start3A_88, %dma_start3A_89] : memref<2x32x125x80xi32, #tpu.memory_space<hbm>> -> memref<1x1x125x80xi32, #tpu.memory_space<hbm>>
      %dma_start3A_91 = tpu.memref_squeeze %dma_start3A_90 : memref<1x1x125x80xi32, #tpu.memory_space<hbm>> -> memref<125x80xi32, #tpu.memory_space<hbm>>
      tpu.enqueue_dma source(%dma_start3A_91 : memref<125x80xi32, #tpu.memory_space<hbm>>) target(%arg4 : memref<125x80xi32, #tpu.memory_space<vmem>>) target_semaphore(%run_scoped3A_83 : memref<!tpu.dma_semaphore, #tpu.memory_space<semaphore_mem>>)
      %dma_wait3A_92 = arith.constant 0 : i32
      %dma_wait3A_93 = arith.constant 0 : i32
      %dma_wait3A_94 = tpu.memref_slice %arg2[%run_scoped3A, %add3A, %dma_wait3A_92, %dma_wait3A_93] : memref<2x32x125x80xi32, #tpu.memory_space<hbm>> -> memref<1x1x125x80xi32, #tpu.memory_space<hbm>>
      %dma_wait3A_95 = tpu.memref_squeeze %dma_wait3A_94 : memref<1x1x125x80xi32, #tpu.memory_space<hbm>> -> memref<125x80xi32, #tpu.memory_space<hbm>>
      %dma_wait3A_96 = arith.constant 0 : i32
      %dma_wait3A_97 = arith.constant 0 : i32
      %dma_wait3A_98 = tpu.memref_slice %arg2[%run_scoped3A, %add3A, %dma_wait3A_96, %dma_wait3A_97] : memref<2x32x125x80xi32, #tpu.memory_space<hbm>> -> memref<1x1x125x80xi32, #tpu.memory_space<hbm>>
      %dma_wait3A_99 = tpu.memref_squeeze %dma_wait3A_98 : memref<1x1x125x80xi32, #tpu.memory_space<hbm>> -> memref<125x80xi32, #tpu.memory_space<hbm>>
      tpu.wait_dma2 semaphore(%run_scoped3A_83 : memref<!tpu.dma_semaphore, #tpu.memory_space<semaphore_mem>>) src(%dma_wait3A_99 : memref<125x80xi32, #tpu.memory_space<hbm>>) dst(%arg4 : memref<125x80xi32, #tpu.memory_space<vmem>>)
      tpu.yield
    }) : () -> ()
    %run_scoped3A_1 = arith.constant 1 : i32
    "tpu.region"() ({
      %run_scoped3A_83 = tpu.sem_alloc : memref<!tpu.dma_semaphore, #tpu.memory_space<semaphore_mem>>
      %dma_start3A_84 = arith.constant 0 : i32
      %dma_start3A_85 = arith.constant 0 : i32
      %dma_start3A_86 = tpu.memref_slice %arg2[%run_scoped3A_1, %add3A, %dma_start3A_84, %dma_start3A_85] : memref<2x32x125x80xi32, #tpu.memory_space<hbm>> -> memref<1x1x125x80xi32, #tpu.memory_space<hbm>>
      %dma_start3A_87 = tpu.memref_squeeze %dma_start3A_86 : memref<1x1x125x80xi32, #tpu.memory_space<hbm>> -> memref<125x80xi32, #tpu.memory_space<hbm>>
      %dma_start3A_88 = arith.constant 0 : i32
      %dma_start3A_89 = arith.constant 0 : i32
      %dma_start3A_90 = tpu.memref_slice %arg2[%run_scoped3A_1, %add3A, %dma_start3A_88, %dma_start3A_89] : memref<2x32x125x80xi32, #tpu.memory_space<hbm>> -> memref<1x1x125x80xi32, #tpu.memory_space<hbm>>
      %dma_start3A_91 = tpu.memref_squeeze %dma_start3A_90 : memref<1x1x125x80xi32, #tpu.memory_space<hbm>> -> memref<125x80xi32, #tpu.memory_space<hbm>>
      tpu.enqueue_dma source(%dma_start3A_91 : memref<125x80xi32, #tpu.memory_space<hbm>>) target(%arg5 : memref<125x80xi32, #tpu.memory_space<vmem>>) target_semaphore(%run_scoped3A_83 : memref<!tpu.dma_semaphore, #tpu.memory_space<semaphore_mem>>)
      %dma_wait3A_92 = arith.constant 0 : i32
      %dma_wait3A_93 = arith.constant 0 : i32
      %dma_wait3A_94 = tpu.memref_slice %arg2[%run_scoped3A_1, %add3A, %dma_wait3A_92, %dma_wait3A_93] : memref<2x32x125x80xi32, #tpu.memory_space<hbm>> -> memref<1x1x125x80xi32, #tpu.memory_space<hbm>>
      %dma_wait3A_95 = tpu.memref_squeeze %dma_wait3A_94 : memref<1x1x125x80xi32, #tpu.memory_space<hbm>> -> memref<125x80xi32, #tpu.memory_space<hbm>>
      %dma_wait3A_96 = arith.constant 0 : i32
      %dma_wait3A_97 = arith.constant 0 : i32
      %dma_wait3A_98 = tpu.memref_slice %arg2[%run_scoped3A_1, %add3A, %dma_wait3A_96, %dma_wait3A_97] : memref<2x32x125x80xi32, #tpu.memory_space<hbm>> -> memref<1x1x125x80xi32, #tpu.memory_space<hbm>>
      %dma_wait3A_99 = tpu.memref_squeeze %dma_wait3A_98 : memref<1x1x125x80xi32, #tpu.memory_space<hbm>> -> memref<125x80xi32, #tpu.memory_space<hbm>>
      tpu.wait_dma2 semaphore(%run_scoped3A_83 : memref<!tpu.dma_semaphore, #tpu.memory_space<semaphore_mem>>) src(%dma_wait3A_99 : memref<125x80xi32, #tpu.memory_space<hbm>>) dst(%arg5 : memref<125x80xi32, #tpu.memory_space<vmem>>)
      tpu.yield
    }) : () -> ()
    %broadcast_in_dim3A = arith.constant 1.000000e+00 : f32
    %broadcast_in_dim3A_2 = vector.broadcast %broadcast_in_dim3A : f32 to vector<16xf32>
    %scan3A = arith.constant 0 : i32
    %scan3A_3 = arith.constant 0 : i32
    %scan3A_4 = arith.constant 80 : i32
    %scan3A_5 = arith.addi %scan3A_3, %scan3A_4 : i32
    %scan3A_6 = arith.constant 1 : i32
    %scan3A_7 = scf.for %scan3A_83 = %scan3A_3 to %scan3A_5 step %scan3A_6 iter_args(%scan3A_84 = %scan3A) -> (i32)  : i32 {
      %swap3A = arith.index_cast %scan3A_83 : i32 to index
      %swap3A_85 = arith.constant 0 : index
      %swap3A_86 = tpu.vector_load %arg6[%swap3A, %swap3A_85] {strides = array<i32>} : memref<80x16xf32, #tpu.memory_space<vmem>>, vector<1x16xf32>,
      %swap3A_87 = vector.shape_cast %swap3A_86 : vector<1x16xf32> to vector<16xf32>
      %swap3A_88 = vector.shape_cast %broadcast_in_dim3A_2 : vector<16xf32> to vector<1x16xf32>
      tpu.vector_store %arg6[%swap3A, %swap3A_85], %swap3A_88 {strides = array<i32>} : memref<80x16xf32, #tpu.memory_space<vmem>>, vector<1x16xf32>,
      %scan3A_89 = arith.constant 0 : i32
      scf.yield %scan3A_89 : i32
    }
    %scan3A_8 = arith.constant 80 : i32
    %broadcast_in_dim3A_9 = arith.constant 0.000000e+00 : f32
    %broadcast_in_dim3A_10 = vector.broadcast %broadcast_in_dim3A_9 : f32 to vector<16xf32>
    %scan3A_11 = arith.constant 0 : i32
    %scan3A_12 = arith.constant 0 : i32
    %scan3A_13 = arith.constant 25 : i32
    %scan3A_14 = arith.addi %scan3A_12, %scan3A_13 : i32
    %scan3A_15 = arith.constant 1 : i32
    %scan3A_16 = scf.for %scan3A_83 = %scan3A_12 to %scan3A_14 step %scan3A_15 iter_args(%scan3A_84 = %scan3A_11) -> (i32)  : i32 {
      %swap3A = arith.index_cast %scan3A_83 : i32 to index
      %swap3A_85 = arith.constant 0 : index
      %swap3A_86 = tpu.vector_load %arg7[%swap3A, %swap3A_85] {strides = array<i32>} : memref<25x16xf32, #tpu.memory_space<vmem>>, vector<1x16xf32>,
      %swap3A_87 = vector.shape_cast %swap3A_86 : vector<1x16xf32> to vector<16xf32>
      %swap3A_88 = vector.shape_cast %broadcast_in_dim3A_10 : vector<16xf32> to vector<1x16xf32>
      tpu.vector_store %arg7[%swap3A, %swap3A_85], %swap3A_88 {strides = array<i32>} : memref<25x16xf32, #tpu.memory_space<vmem>>, vector<1x16xf32>,
      %scan3A_89 = arith.constant 0 : i32
      scf.yield %scan3A_89 : i32
    }
    %scan3A_17 = arith.constant 25 : i32
    %scan3A_18 = arith.constant 0 : i32
    %scan3A_19 = arith.constant 0 : i32
    %scan3A_20 = arith.constant 25 : i32
    %scan3A_21 = arith.addi %scan3A_19, %scan3A_20 : i32
    %scan3A_22 = arith.constant 1 : i32
    %scan3A_23 = scf.for %scan3A_83 = %scan3A_19 to %scan3A_21 step %scan3A_22 iter_args(%scan3A_84 = %scan3A_18) -> (i32)  : i32 {
      %mul3A_85 = arith.constant 625 : i32
      %mul3A_86 = arith.muli %arg1, %mul3A_85 : i32
      %mul3A_87 = arith.constant 25 : i32
      %mul3A_88 = arith.muli %scan3A_83, %mul3A_87 : i32
      %add3A_89 = arith.addi %mul3A_86, %mul3A_88 : i32
      "tpu.region"() ({
        %run_scoped3A_91 = tpu.sem_alloc : memref<!tpu.dma_semaphore, #tpu.memory_space<semaphore_mem>>
        %dma_start3A_92 = arith.constant 0 : i32
        %dma_start3A_93 = tpu.memref_slice %arg8[%add3A_89, %dma_start3A_92] : memref<10000x16xf32, #tpu.memory_space<vmem_shared>> -> memref<25x16xf32, #tpu.memory_space<vmem_shared>>
        %dma_start3A_94 = arith.constant 0 : i32
        %dma_start3A_95 = tpu.memref_slice %arg8[%add3A_89, %dma_start3A_94] : memref<10000x16xf32, #tpu.memory_space<vmem_shared>> -> memref<25x16xf32, #tpu.memory_space<vmem_shared>>
        tpu.enqueue_dma source(%arg7 : memref<25x16xf32, #tpu.memory_space<vmem>>) target(%dma_start3A_95 : memref<25x16xf32, #tpu.memory_space<vmem_shared>>) target_semaphore(%run_scoped3A_91 : memref<!tpu.dma_semaphore, #tpu.memory_space<semaphore_mem>>)
        %dma_wait3A_96 = arith.constant 0 : i32
        %dma_wait3A_97 = tpu.memref_slice %arg8[%add3A_89, %dma_wait3A_96] : memref<10000x16xf32, #tpu.memory_space<vmem_shared>> -> memref<25x16xf32, #tpu.memory_space<vmem_shared>>
        %dma_wait3A_98 = arith.constant 0 : i32
        %dma_wait3A_99 = tpu.memref_slice %arg8[%add3A_89, %dma_wait3A_98] : memref<10000x16xf32, #tpu.memory_space<vmem_shared>> -> memref<25x16xf32, #tpu.memory_space<vmem_shared>>
        tpu.wait_dma2 semaphore(%run_scoped3A_91 : memref<!tpu.dma_semaphore, #tpu.memory_space<semaphore_mem>>) src(%arg7 : memref<25x16xf32, #tpu.memory_space<vmem>>) dst(%dma_wait3A_99 : memref<25x16xf32, #tpu.memory_space<vmem_shared>>)
        tpu.yield
      }) : () -> ()
      %scan3A_90 = arith.constant 0 : i32
      scf.yield %scan3A_90 : i32
    }
    %scan3A_24 = arith.constant 25 : i32
    %broadcast_in_dim3A_25 = arith.constant 0.000000e+00 : f32
    %broadcast_in_dim3A_26 = vector.broadcast %broadcast_in_dim3A_25 : f32 to vector<16xf32>
    %scan3A_27 = arith.constant 0 : i32
    %scan3A_28 = arith.constant 0 : i32
    %scan3A_29 = arith.constant 25 : i32
    %scan3A_30 = arith.addi %scan3A_28, %scan3A_29 : i32
    %scan3A_31 = arith.constant 1 : i32
    %scan3A_32 = scf.for %scan3A_83 = %scan3A_28 to %scan3A_30 step %scan3A_31 iter_args(%scan3A_84 = %scan3A_27) -> (i32)  : i32 {
      %swap3A = arith.index_cast %scan3A_83 : i32 to index
      %swap3A_85 = arith.constant 0 : index
      %swap3A_86 = tpu.vector_load %arg7[%swap3A, %swap3A_85] {strides = array<i32>} : memref<25x16xf32, #tpu.memory_space<vmem>>, vector<1x16xf32>,
      %swap3A_87 = vector.shape_cast %swap3A_86 : vector<1x16xf32> to vector<16xf32>
      %swap3A_88 = vector.shape_cast %broadcast_in_dim3A_26 : vector<16xf32> to vector<1x16xf32>
      tpu.vector_store %arg7[%swap3A, %swap3A_85], %swap3A_88 {strides = array<i32>} : memref<25x16xf32, #tpu.memory_space<vmem>>, vector<1x16xf32>,
      %scan3A_89 = arith.constant 0 : i32
      scf.yield %scan3A_89 : i32
    }
    %scan3A_33 = arith.constant 25 : i32
    %scan3A_34 = arith.constant 0 : i32
    %scan3A_35 = arith.constant 0 : i32
    %scan3A_36 = arith.constant 25 : i32
    %scan3A_37 = arith.addi %scan3A_35, %scan3A_36 : i32
    %scan3A_38 = arith.constant 1 : i32
    %scan3A_39 = scf.for %scan3A_83 = %scan3A_35 to %scan3A_37 step %scan3A_38 iter_args(%scan3A_84 = %scan3A_34) -> (i32)  : i32 {
      %mul3A_85 = arith.constant 625 : i32
      %mul3A_86 = arith.muli %arg1, %mul3A_85 : i32
      %mul3A_87 = arith.constant 25 : i32
      %mul3A_88 = arith.muli %scan3A_83, %mul3A_87 : i32
      %add3A_89 = arith.addi %mul3A_86, %mul3A_88 : i32
      "tpu.region"() ({
        %run_scoped3A_91 = tpu.sem_alloc : memref<!tpu.dma_semaphore, #tpu.memory_space<semaphore_mem>>
        %dma_start3A_92 = arith.constant 0 : i32
        %dma_start3A_93 = tpu.memref_slice %arg9[%add3A_89, %dma_start3A_92] : memref<10000x16xf32, #tpu.memory_space<vmem_shared>> -> memref<25x16xf32, #tpu.memory_space<vmem_shared>>
        %dma_start3A_94 = arith.constant 0 : i32
        %dma_start3A_95 = tpu.memref_slice %arg9[%add3A_89, %dma_start3A_94] : memref<10000x16xf32, #tpu.memory_space<vmem_shared>> -> memref<25x16xf32, #tpu.memory_space<vmem_shared>>
        tpu.enqueue_dma source(%arg7 : memref<25x16xf32, #tpu.memory_space<vmem>>) target(%dma_start3A_95 : memref<25x16xf32, #tpu.memory_space<vmem_shared>>) target_semaphore(%run_scoped3A_91 : memref<!tpu.dma_semaphore, #tpu.memory_space<semaphore_mem>>)
        %dma_wait3A_96 = arith.constant 0 : i32
        %dma_wait3A_97 = tpu.memref_slice %arg9[%add3A_89, %dma_wait3A_96] : memref<10000x16xf32, #tpu.memory_space<vmem_shared>> -> memref<25x16xf32, #tpu.memory_space<vmem_shared>>
        %dma_wait3A_98 = arith.constant 0 : i32
        %dma_wait3A_99 = tpu.memref_slice %arg9[%add3A_89, %dma_wait3A_98] : memref<10000x16xf32, #tpu.memory_space<vmem_shared>> -> memref<25x16xf32, #tpu.memory_space<vmem_shared>>
        tpu.wait_dma2 semaphore(%run_scoped3A_91 : memref<!tpu.dma_semaphore, #tpu.memory_space<semaphore_mem>>) src(%arg7 : memref<25x16xf32, #tpu.memory_space<vmem>>) dst(%dma_wait3A_99 : memref<25x16xf32, #tpu.memory_space<vmem_shared>>)
        tpu.yield
      }) : () -> ()
      %scan3A_90 = arith.constant 0 : i32
      scf.yield %scan3A_90 : i32
    }
    %scan3A_40 = arith.constant 25 : i32
    %barrier3A = arith.constant 0 : index
    tpu.barrier barrier_id(%barrier3A)
    %dma_start3A = arith.constant 0 : i32
    %dma_start3A_41 = arith.constant 0 : i32
    %dma_start3A_42 = tpu.memref_slice %arg5[%dma_start3A, %dma_start3A_41] : memref<125x80xi32, #tpu.memory_space<vmem>> -> memref<1x80xi32, #tpu.memory_space<vmem>>
    %dma_start3A_43 = tpu.memref_squeeze %dma_start3A_42 : memref<1x80xi32, #tpu.memory_space<vmem>> -> memref<80xi32, #tpu.memory_space<vmem>>
    %dma_start3A_44 = arith.constant 0 : i32
    %dma_start3A_45 = arith.constant 0 : i32
    %dma_start3A_46 = tpu.memref_slice %arg8[%dma_start3A_44, %dma_start3A_45] : memref<10000x16xf32, #tpu.memory_space<vmem_shared>> -> memref<10000x16xf32, #tpu.memory_space<vmem_shared>>
    tpu.enqueue_indirect_dma source(%arg6 : memref<80x16xf32, #tpu.memory_space<vmem>>) target(%dma_start3A_46 : memref<10000x16xf32, #tpu.memory_space<vmem_shared>>) offsets(%dma_start3A_43 : memref<80xi32, #tpu.memory_space<vmem>>) semaphore(%arg10 : memref<!tpu.dma_semaphore, #tpu.memory_space<semaphore_mem>>) {add = true}
    %dma_start3A_47 = arith.constant 0 : i32
    %dma_start3A_48 = arith.constant 0 : i32
    %dma_start3A_49 = tpu.memref_slice %arg4[%dma_start3A_47, %dma_start3A_48] : memref<125x80xi32, #tpu.memory_space<vmem>> -> memref<1x80xi32, #tpu.memory_space<vmem>>
    %dma_start3A_50 = tpu.memref_squeeze %dma_start3A_49 : memref<1x80xi32, #tpu.memory_space<vmem>> -> memref<80xi32, #tpu.memory_space<vmem>>
    %dma_start3A_51 = arith.constant 0 : i32
    %dma_start3A_52 = arith.constant 0 : i32
    %dma_start3A_53 = tpu.memref_slice %arg9[%dma_start3A_51, %dma_start3A_52] : memref<10000x16xf32, #tpu.memory_space<vmem_shared>> -> memref<10000x16xf32, #tpu.memory_space<vmem_shared>>
    tpu.enqueue_indirect_dma source(%arg6 : memref<80x16xf32, #tpu.memory_space<vmem>>) target(%dma_start3A_53 : memref<10000x16xf32, #tpu.memory_space<vmem_shared>>) offsets(%dma_start3A_50 : memref<80xi32, #tpu.memory_space<vmem>>) semaphore(%arg11 : memref<!tpu.dma_semaphore, #tpu.memory_space<semaphore_mem>>) {add = true}
    %scan3A_54 = arith.constant 0 : i32
    %scan3A_55 = arith.constant 1 : i32
    %scan3A_56 = arith.constant 124 : i32
    %scan3A_57 = arith.addi %scan3A_55, %scan3A_56 : i32
    %scan3A_58 = arith.constant 1 : i32
    %scan3A_59 = scf.for %scan3A_83 = %scan3A_55 to %scan3A_57 step %scan3A_58 iter_args(%scan3A_84 = %scan3A_54) -> (i32)  : i32 {
      %dma_start3A_85 = arith.constant 0 : i32
      %dma_start3A_86 = tpu.memref_slice %arg5[%scan3A_83, %dma_start3A_85] : memref<125x80xi32, #tpu.memory_space<vmem>> -> memref<1x80xi32, #tpu.memory_space<vmem>>
      %dma_start3A_87 = tpu.memref_squeeze %dma_start3A_86 : memref<1x80xi32, #tpu.memory_space<vmem>> -> memref<80xi32, #tpu.memory_space<vmem>>
      %dma_start3A_88 = arith.constant 0 : i32
      %dma_start3A_89 = arith.constant 0 : i32
      %dma_start3A_90 = tpu.memref_slice %arg8[%dma_start3A_88, %dma_start3A_89] : memref<10000x16xf32, #tpu.memory_space<vmem_shared>> -> memref<10000x16xf32, #tpu.memory_space<vmem_shared>>
      tpu.enqueue_indirect_dma source(%arg6 : memref<80x16xf32, #tpu.memory_space<vmem>>) target(%dma_start3A_90 : memref<10000x16xf32, #tpu.memory_space<vmem_shared>>) offsets(%dma_start3A_87 : memref<80xi32, #tpu.memory_space<vmem>>) semaphore(%arg10 : memref<!tpu.dma_semaphore, #tpu.memory_space<semaphore_mem>>) {add = true}
      %dma_start3A_91 = arith.constant 0 : i32
      %dma_start3A_92 = tpu.memref_slice %arg4[%scan3A_83, %dma_start3A_91] : memref<125x80xi32, #tpu.memory_space<vmem>> -> memref<1x80xi32, #tpu.memory_space<vmem>>
      %dma_start3A_93 = tpu.memref_squeeze %dma_start3A_92 : memref<1x80xi32, #tpu.memory_space<vmem>> -> memref<80xi32, #tpu.memory_space<vmem>>
      %dma_start3A_94 = arith.constant 0 : i32
      %dma_start3A_95 = arith.constant 0 : i32
      %dma_start3A_96 = tpu.memref_slice %arg9[%dma_start3A_94, %dma_start3A_95] : memref<10000x16xf32, #tpu.memory_space<vmem_shared>> -> memref<10000x16xf32, #tpu.memory_space<vmem_shared>>
      tpu.enqueue_indirect_dma source(%arg6 : memref<80x16xf32, #tpu.memory_space<vmem>>) target(%dma_start3A_96 : memref<10000x16xf32, #tpu.memory_space<vmem_shared>>) offsets(%dma_start3A_93 : memref<80xi32, #tpu.memory_space<vmem>>) semaphore(%arg11 : memref<!tpu.dma_semaphore, #tpu.memory_space<semaphore_mem>>) {add = true}
      %sub3A = arith.constant 1 : i32
      %sub3A_97 = arith.subi %scan3A_83, %sub3A : i32
      %dma_wait3A_98 = arith.constant 0 : i32
      %dma_wait3A_99 = tpu.memref_slice %arg5[%sub3A_97, %dma_wait3A_98] : memref<125x80xi32, #tpu.memory_space<vmem>> -> memref<1x80xi32, #tpu.memory_space<vmem>>
      %dma_wait3A_100 = tpu.memref_squeeze %dma_wait3A_99 : memref<1x80xi32, #tpu.memory_space<vmem>> -> memref<80xi32, #tpu.memory_space<vmem>>
      %dma_wait3A_101 = arith.constant 0 : i32
      %dma_wait3A_102 = arith.constant 0 : i32
      %dma_wait3A_103 = tpu.memref_slice %arg8[%dma_wait3A_101, %dma_wait3A_102] : memref<10000x16xf32, #tpu.memory_space<vmem_shared>> -> memref<10000x16xf32, #tpu.memory_space<vmem_shared>>
      tpu.wait_indirect_dma semaphore(%arg10 : memref<!tpu.dma_semaphore, #tpu.memory_space<semaphore_mem>>) src(%arg6 : memref<80x16xf32, #tpu.memory_space<vmem>>) dst(%dma_wait3A_103 : memref<10000x16xf32, #tpu.memory_space<vmem_shared>>)
      %dma_wait3A_104 = arith.constant 0 : i32
      %dma_wait3A_105 = tpu.memref_slice %arg4[%sub3A_97, %dma_wait3A_104] : memref<125x80xi32, #tpu.memory_space<vmem>> -> memref<1x80xi32, #tpu.memory_space<vmem>>
      %dma_wait3A_106 = tpu.memref_squeeze %dma_wait3A_105 : memref<1x80xi32, #tpu.memory_space<vmem>> -> memref<80xi32, #tpu.memory_space<vmem>>
      %dma_wait3A_107 = arith.constant 0 : i32
      %dma_wait3A_108 = arith.constant 0 : i32
      %dma_wait3A_109 = tpu.memref_slice %arg9[%dma_wait3A_107, %dma_wait3A_108] : memref<10000x16xf32, #tpu.memory_space<vmem_shared>> -> memref<10000x16xf32, #tpu.memory_space<vmem_shared>>
      tpu.wait_indirect_dma semaphore(%arg11 : memref<!tpu.dma_semaphore, #tpu.memory_space<semaphore_mem>>) src(%arg6 : memref<80x16xf32, #tpu.memory_space<vmem>>) dst(%dma_wait3A_109 : memref<10000x16xf32, #tpu.memory_space<vmem_shared>>)
      %scan3A_110 = arith.constant 0 : i32
      scf.yield %scan3A_110 : i32
    }
    %scan3A_60 = arith.constant 124 : i32
    %dma_wait3A = arith.constant 124 : i32
    %dma_wait3A_61 = arith.constant 0 : i32
    %dma_wait3A_62 = tpu.memref_slice %arg5[%dma_wait3A, %dma_wait3A_61] : memref<125x80xi32, #tpu.memory_space<vmem>> -> memref<1x80xi32, #tpu.memory_space<vmem>>
    %dma_wait3A_63 = tpu.memref_squeeze %dma_wait3A_62 : memref<1x80xi32, #tpu.memory_space<vmem>> -> memref<80xi32, #tpu.memory_space<vmem>>
    %dma_wait3A_64 = arith.constant 0 : i32
    %dma_wait3A_65 = arith.constant 0 : i32
    %dma_wait3A_66 = tpu.memref_slice %arg8[%dma_wait3A_64, %dma_wait3A_65] : memref<10000x16xf32, #tpu.memory_space<vmem_shared>> -> memref<10000x16xf32, #tpu.memory_space<vmem_shared>>
    tpu.wait_indirect_dma semaphore(%arg10 : memref<!tpu.dma_semaphore, #tpu.memory_space<semaphore_mem>>) src(%arg6 : memref<80x16xf32, #tpu.memory_space<vmem>>) dst(%dma_wait3A_66 : memref<10000x16xf32, #tpu.memory_space<vmem_shared>>)
    %dma_wait3A_67 = arith.constant 124 : i32
    %dma_wait3A_68 = arith.constant 0 : i32
    %dma_wait3A_69 = tpu.memref_slice %arg4[%dma_wait3A_67, %dma_wait3A_68] : memref<125x80xi32, #tpu.memory_space<vmem>> -> memref<1x80xi32, #tpu.memory_space<vmem>>
    %dma_wait3A_70 = tpu.memref_squeeze %dma_wait3A_69 : memref<1x80xi32, #tpu.memory_space<vmem>> -> memref<80xi32, #tpu.memory_space<vmem>>
    %dma_wait3A_71 = arith.constant 0 : i32
    %dma_wait3A_72 = arith.constant 0 : i32
    %dma_wait3A_73 = tpu.memref_slice %arg9[%dma_wait3A_71, %dma_wait3A_72] : memref<10000x16xf32, #tpu.memory_space<vmem_shared>> -> memref<10000x16xf32, #tpu.memory_space<vmem_shared>>
    tpu.wait_indirect_dma semaphore(%arg11 : memref<!tpu.dma_semaphore, #tpu.memory_space<semaphore_mem>>) src(%arg6 : memref<80x16xf32, #tpu.memory_space<vmem>>) dst(%dma_wait3A_73 : memref<10000x16xf32, #tpu.memory_space<vmem_shared>>)
    %barrier3A_74 = arith.constant 0 : index
    tpu.barrier barrier_id(%barrier3A_74)
    %mul3A_75 = arith.constant 625 : i32
    %mul3A_76 = arith.muli %arg1, %mul3A_75 : i32
    %mul3A_77 = arith.constant 625 : i32
    %mul3A_78 = arith.muli %arg1, %mul3A_77 : i32
    "tpu.region"() ({
      %run_scoped3A_83 = tpu.sem_alloc : memref<!tpu.dma_semaphore, #tpu.memory_space<semaphore_mem>>
      %dma_start3A_84 = arith.constant 0 : i32
      %dma_start3A_85 = tpu.memref_slice %arg3[%arg0, %mul3A_78, %dma_start3A_84] : memref<2x10000x128xf32, #tpu.memory_space<hbm>> -> memref<1x625x16xf32, #tpu.memory_space<hbm>>
      %dma_start3A_86 = tpu.memref_squeeze %dma_start3A_85 : memref<1x625x16xf32, #tpu.memory_space<hbm>> -> memref<625x16xf32, #tpu.memory_space<hbm>>
      %dma_start3A_87 = arith.constant 0 : i32
      %dma_start3A_88 = tpu.memref_slice %arg8[%mul3A_76, %dma_start3A_87] : memref<10000x16xf32, #tpu.memory_space<vmem_shared>> -> memref<625x16xf32, #tpu.memory_space<vmem_shared>>
      tpu.enqueue_dma source(%dma_start3A_88 : memref<625x16xf32, #tpu.memory_space<vmem_shared>>) target(%dma_start3A_86 : memref<625x16xf32, #tpu.memory_space<hbm>>) target_semaphore(%run_scoped3A_83 : memref<!tpu.dma_semaphore, #tpu.memory_space<semaphore_mem>>)
      %dma_wait3A_89 = arith.constant 0 : i32
      %dma_wait3A_90 = tpu.memref_slice %arg3[%arg0, %mul3A_78, %dma_wait3A_89] : memref<2x10000x128xf32, #tpu.memory_space<hbm>> -> memref<1x625x16xf32, #tpu.memory_space<hbm>>
      %dma_wait3A_91 = tpu.memref_squeeze %dma_wait3A_90 : memref<1x625x16xf32, #tpu.memory_space<hbm>> -> memref<625x16xf32, #tpu.memory_space<hbm>>
      %dma_wait3A_92 = arith.constant 0 : i32
      %dma_wait3A_93 = tpu.memref_slice %arg8[%mul3A_76, %dma_wait3A_92] : memref<10000x16xf32, #tpu.memory_space<vmem_shared>> -> memref<625x16xf32, #tpu.memory_space<vmem_shared>>
      tpu.wait_dma2 semaphore(%run_scoped3A_83 : memref<!tpu.dma_semaphore, #tpu.memory_space<semaphore_mem>>) src(%dma_wait3A_93 : memref<625x16xf32, #tpu.memory_space<vmem_shared>>) dst(%dma_wait3A_91 : memref<625x16xf32, #tpu.memory_space<hbm>>)
      tpu.yield
    }) : () -> ()
    %mul3A_79 = arith.constant 625 : i32
    %mul3A_80 = arith.muli %arg1, %mul3A_79 : i32
    %mul3A_81 = arith.constant 625 : i32
    %mul3A_82 = arith.muli %arg1, %mul3A_81 : i32
    "tpu.region"() ({
      %run_scoped3A_83 = tpu.sem_alloc : memref<!tpu.dma_semaphore, #tpu.memory_space<semaphore_mem>>
      %dma_start3A_84 = arith.constant 16 : i32
      %dma_start3A_85 = tpu.memref_slice %arg3[%arg0, %mul3A_82, %dma_start3A_84] : memref<2x10000x128xf32, #tpu.memory_space<hbm>> -> memref<1x625x16xf32, #tpu.memory_space<hbm>>
      %dma_start3A_86 = tpu.memref_squeeze %dma_start3A_85 : memref<1x625x16xf32, #tpu.memory_space<hbm>> -> memref<625x16xf32, #tpu.memory_space<hbm>>
      %dma_start3A_87 = arith.constant 0 : i32
      %dma_start3A_88 = tpu.memref_slice %arg9[%mul3A_80, %dma_start3A_87] : memref<10000x16xf32, #tpu.memory_space<vmem_shared>> -> memref<625x16xf32, #tpu.memory_space<vmem_shared>>
      tpu.enqueue_dma source(%dma_start3A_88 : memref<625x16xf32, #tpu.memory_space<vmem_shared>>) target(%dma_start3A_86 : memref<625x16xf32, #tpu.memory_space<hbm>>) target_semaphore(%run_scoped3A_83 : memref<!tpu.dma_semaphore, #tpu.memory_space<semaphore_mem>>)
      %dma_wait3A_89 = arith.constant 16 : i32
      %dma_wait3A_90 = tpu.memref_slice %arg3[%arg0, %mul3A_82, %dma_wait3A_89] : memref<2x10000x128xf32, #tpu.memory_space<hbm>> -> memref<1x625x16xf32, #tpu.memory_space<hbm>>
      %dma_wait3A_91 = tpu.memref_squeeze %dma_wait3A_90 : memref<1x625x16xf32, #tpu.memory_space<hbm>> -> memref<625x16xf32, #tpu.memory_space<hbm>>
      %dma_wait3A_92 = arith.constant 0 : i32
      %dma_wait3A_93 = tpu.memref_slice %arg9[%mul3A_80, %dma_wait3A_92] : memref<10000x16xf32, #tpu.memory_space<vmem_shared>> -> memref<625x16xf32, #tpu.memory_space<vmem_shared>>
      tpu.wait_dma2 semaphore(%run_scoped3A_83 : memref<!tpu.dma_semaphore, #tpu.memory_space<semaphore_mem>>) src(%dma_wait3A_93 : memref<625x16xf32, #tpu.memory_space<vmem_shared>>) dst(%dma_wait3A_91 : memref<625x16xf32, #tpu.memory_space<hbm>>)
      tpu.yield
    }) : () -> ()
    return
  }
}

#map = affine_map<(d0, d1) -> (0, 0)>
#map1 = affine_map<(d0, d1) -> (0, 0, 0, 0)>
#map2 = affine_map<(d0, d1) -> (0, 0, 0)>
module attributes {stable_mosaic.version = 14 : i64} {
  func.func @body(%arg0: i32, %arg1: i32, %arg2: memref<10000x80xf32, #tpu.memory_space<hbm>>, %arg3: memref<2x32x125x80xi32, #tpu.memory_space<hbm>>, %arg4: memref<2x10000x128xf32, #tpu.memory_space<hbm>>, %arg5: memref<125x80xi32, #tpu.memory_space<vmem>>, %arg6: memref<125x80xi32, #tpu.memory_space<vmem>>, %arg7: memref<25x80xf32, #tpu.memory_space<vmem>>, %arg8: memref<10000x80xf32, #tpu.memory_space<vmem_shared>>, %arg9: memref<80x80xf32, #tpu.memory_space<vmem>>, %arg10: memref<80x80xf32, #tpu.memory_space<vmem>>, %arg11: memref<80x80xf32, #tpu.memory_space<vmem>>, %arg12: memref<80x80xf32, #tpu.memory_space<vmem>>, %arg13: memref<80x80xf32, #tpu.memory_space<vmem>>, %arg14: memref<!tpu.dma_semaphore, #tpu.memory_space<semaphore_mem>>, %arg15: memref<!tpu.dma_semaphore, #tpu.memory_space<semaphore_mem>>, %arg16: memref<!tpu.dma_semaphore, #tpu.memory_space<semaphore_mem>>, %arg17: memref<!tpu.dma_semaphore, #tpu.memory_space<semaphore_mem>>, %arg18: memref<!tpu.dma_semaphore, #tpu.memory_space<semaphore_mem>>) attributes {dimension_semantics = [#tpu.dimension_semantics<core_parallel>, #tpu.dimension_semantics<subcore_parallel>], iteration_bounds = array<i64: 2, 16>, scalar_prefetch = 0 : i64, scratch_operands = 14 : i64, tpu.core_type = #tpu.core_type<sc_vector_subcore>, window_params = [{transform_indices = #map}, {transform_indices = #map1}, {transform_indices = #map2}]} {
    %mul3A = arith.constant 2 : i32
    %mul3A_0 = arith.muli %arg1, %mul3A : i32
    %add3A = arith.addi %mul3A_0, %arg0 : i32
    %run_scoped3A = arith.constant 0 : i32
    "tpu.region"() ({
      %run_scoped3A_101 = tpu.sem_alloc : memref<!tpu.dma_semaphore, #tpu.memory_space<semaphore_mem>>
      %dma_start3A_102 = arith.constant 0 : i32
      %dma_start3A_103 = arith.constant 0 : i32
      %dma_start3A_104 = tpu.memref_slice %arg3[%run_scoped3A, %add3A, %dma_start3A_102, %dma_start3A_103] : memref<2x32x125x80xi32, #tpu.memory_space<hbm>> -> memref<1x1x125x80xi32, #tpu.memory_space<hbm>>
      %dma_start3A_105 = tpu.memref_squeeze %dma_start3A_104 : memref<1x1x125x80xi32, #tpu.memory_space<hbm>> -> memref<125x80xi32, #tpu.memory_space<hbm>>
      %dma_start3A_106 = arith.constant 0 : i32
      %dma_start3A_107 = arith.constant 0 : i32
      %dma_start3A_108 = tpu.memref_slice %arg3[%run_scoped3A, %add3A, %dma_start3A_106, %dma_start3A_107] : memref<2x32x125x80xi32, #tpu.memory_space<hbm>> -> memref<1x1x125x80xi32, #tpu.memory_space<hbm>>
      %dma_start3A_109 = tpu.memref_squeeze %dma_start3A_108 : memref<1x1x125x80xi32, #tpu.memory_space<hbm>> -> memref<125x80xi32, #tpu.memory_space<hbm>>
      tpu.enqueue_dma source(%dma_start3A_109 : memref<125x80xi32, #tpu.memory_space<hbm>>) target(%arg5 : memref<125x80xi32, #tpu.memory_space<vmem>>) target_semaphore(%run_scoped3A_101 : memref<!tpu.dma_semaphore, #tpu.memory_space<semaphore_mem>>)
      %dma_wait3A_110 = arith.constant 0 : i32
      %dma_wait3A_111 = arith.constant 0 : i32
      %dma_wait3A_112 = tpu.memref_slice %arg3[%run_scoped3A, %add3A, %dma_wait3A_110, %dma_wait3A_111] : memref<2x32x125x80xi32, #tpu.memory_space<hbm>> -> memref<1x1x125x80xi32, #tpu.memory_space<hbm>>
      %dma_wait3A_113 = tpu.memref_squeeze %dma_wait3A_112 : memref<1x1x125x80xi32, #tpu.memory_space<hbm>> -> memref<125x80xi32, #tpu.memory_space<hbm>>
      %dma_wait3A_114 = arith.constant 0 : i32
      %dma_wait3A_115 = arith.constant 0 : i32
      %dma_wait3A_116 = tpu.memref_slice %arg3[%run_scoped3A, %add3A, %dma_wait3A_114, %dma_wait3A_115] : memref<2x32x125x80xi32, #tpu.memory_space<hbm>> -> memref<1x1x125x80xi32, #tpu.memory_space<hbm>>
      %dma_wait3A_117 = tpu.memref_squeeze %dma_wait3A_116 : memref<1x1x125x80xi32, #tpu.memory_space<hbm>> -> memref<125x80xi32, #tpu.memory_space<hbm>>
      tpu.wait_dma2 semaphore(%run_scoped3A_101 : memref<!tpu.dma_semaphore, #tpu.memory_space<semaphore_mem>>) src(%dma_wait3A_117 : memref<125x80xi32, #tpu.memory_space<hbm>>) dst(%arg5 : memref<125x80xi32, #tpu.memory_space<vmem>>)
      tpu.yield
    }) : () -> ()
    %run_scoped3A_1 = arith.constant 1 : i32
    "tpu.region"() ({
      %run_scoped3A_101 = tpu.sem_alloc : memref<!tpu.dma_semaphore, #tpu.memory_space<semaphore_mem>>
      %dma_start3A_102 = arith.constant 0 : i32
      %dma_start3A_103 = arith.constant 0 : i32
      %dma_start3A_104 = tpu.memref_slice %arg3[%run_scoped3A_1, %add3A, %dma_start3A_102, %dma_start3A_103] : memref<2x32x125x80xi32, #tpu.memory_space<hbm>> -> memref<1x1x125x80xi32, #tpu.memory_space<hbm>>
      %dma_start3A_105 = tpu.memref_squeeze %dma_start3A_104 : memref<1x1x125x80xi32, #tpu.memory_space<hbm>> -> memref<125x80xi32, #tpu.memory_space<hbm>>
      %dma_start3A_106 = arith.constant 0 : i32
      %dma_start3A_107 = arith.constant 0 : i32
      %dma_start3A_108 = tpu.memref_slice %arg3[%run_scoped3A_1, %add3A, %dma_start3A_106, %dma_start3A_107] : memref<2x32x125x80xi32, #tpu.memory_space<hbm>> -> memref<1x1x125x80xi32, #tpu.memory_space<hbm>>
      %dma_start3A_109 = tpu.memref_squeeze %dma_start3A_108 : memref<1x1x125x80xi32, #tpu.memory_space<hbm>> -> memref<125x80xi32, #tpu.memory_space<hbm>>
      tpu.enqueue_dma source(%dma_start3A_109 : memref<125x80xi32, #tpu.memory_space<hbm>>) target(%arg6 : memref<125x80xi32, #tpu.memory_space<vmem>>) target_semaphore(%run_scoped3A_101 : memref<!tpu.dma_semaphore, #tpu.memory_space<semaphore_mem>>)
      %dma_wait3A_110 = arith.constant 0 : i32
      %dma_wait3A_111 = arith.constant 0 : i32
      %dma_wait3A_112 = tpu.memref_slice %arg3[%run_scoped3A_1, %add3A, %dma_wait3A_110, %dma_wait3A_111] : memref<2x32x125x80xi32, #tpu.memory_space<hbm>> -> memref<1x1x125x80xi32, #tpu.memory_space<hbm>>
      %dma_wait3A_113 = tpu.memref_squeeze %dma_wait3A_112 : memref<1x1x125x80xi32, #tpu.memory_space<hbm>> -> memref<125x80xi32, #tpu.memory_space<hbm>>
      %dma_wait3A_114 = arith.constant 0 : i32
      %dma_wait3A_115 = arith.constant 0 : i32
      %dma_wait3A_116 = tpu.memref_slice %arg3[%run_scoped3A_1, %add3A, %dma_wait3A_114, %dma_wait3A_115] : memref<2x32x125x80xi32, #tpu.memory_space<hbm>> -> memref<1x1x125x80xi32, #tpu.memory_space<hbm>>
      %dma_wait3A_117 = tpu.memref_squeeze %dma_wait3A_116 : memref<1x1x125x80xi32, #tpu.memory_space<hbm>> -> memref<125x80xi32, #tpu.memory_space<hbm>>
      tpu.wait_dma2 semaphore(%run_scoped3A_101 : memref<!tpu.dma_semaphore, #tpu.memory_space<semaphore_mem>>) src(%dma_wait3A_117 : memref<125x80xi32, #tpu.memory_space<hbm>>) dst(%arg6 : memref<125x80xi32, #tpu.memory_space<vmem>>)
      tpu.yield
    }) : () -> ()
    %broadcast_in_dim3A = arith.constant 0.000000e+00 : f32
    %broadcast_in_dim3A_2 = vector.broadcast %broadcast_in_dim3A : f32 to vector<16xf32>
    %scan3A = arith.constant 0 : i32
    %scan3A_3 = arith.constant 0 : i32
    %scan3A_4 = arith.constant 25 : i32
    %scan3A_5 = arith.addi %scan3A_3, %scan3A_4 : i32
    %scan3A_6 = arith.constant 1 : i32
    %scan3A_7 = scf.for %scan3A_101 = %scan3A_3 to %scan3A_5 step %scan3A_6 iter_args(%scan3A_102 = %scan3A) -> (i32)  : i32 {
      %swap3A = arith.index_cast %scan3A_101 : i32 to index
      %swap3A_103 = arith.constant 0 : index
      %swap3A_104 = tpu.vector_load %arg7[%swap3A, %swap3A_103] {strides = array<i32>} : memref<25x80xf32, #tpu.memory_space<vmem>>, vector<1x16xf32>,
      %swap3A_105 = vector.shape_cast %swap3A_104 : vector<1x16xf32> to vector<16xf32>
      %swap3A_106 = vector.shape_cast %broadcast_in_dim3A_2 : vector<16xf32> to vector<1x16xf32>
      tpu.vector_store %arg7[%swap3A, %swap3A_103], %swap3A_106 {strides = array<i32>} : memref<25x80xf32, #tpu.memory_space<vmem>>, vector<1x16xf32>,
      %swap3A_107 = arith.index_cast %scan3A_101 : i32 to index
      %swap3A_108 = arith.constant 16 : index
      %swap3A_109 = tpu.vector_load %arg7[%swap3A_107, %swap3A_108] {strides = array<i32>} : memref<25x80xf32, #tpu.memory_space<vmem>>, vector<1x16xf32>,
      %swap3A_110 = vector.shape_cast %swap3A_109 : vector<1x16xf32> to vector<16xf32>
      %swap3A_111 = vector.shape_cast %broadcast_in_dim3A_2 : vector<16xf32> to vector<1x16xf32>
      tpu.vector_store %arg7[%swap3A_107, %swap3A_108], %swap3A_111 {strides = array<i32>} : memref<25x80xf32, #tpu.memory_space<vmem>>, vector<1x16xf32>,
      %swap3A_112 = arith.index_cast %scan3A_101 : i32 to index
      %swap3A_113 = arith.constant 32 : index
      %swap3A_114 = tpu.vector_load %arg7[%swap3A_112, %swap3A_113] {strides = array<i32>} : memref<25x80xf32, #tpu.memory_space<vmem>>, vector<1x16xf32>,
      %swap3A_115 = vector.shape_cast %swap3A_114 : vector<1x16xf32> to vector<16xf32>
      %swap3A_116 = vector.shape_cast %broadcast_in_dim3A_2 : vector<16xf32> to vector<1x16xf32>
      tpu.vector_store %arg7[%swap3A_112, %swap3A_113], %swap3A_116 {strides = array<i32>} : memref<25x80xf32, #tpu.memory_space<vmem>>, vector<1x16xf32>,
      %swap3A_117 = arith.index_cast %scan3A_101 : i32 to index
      %swap3A_118 = arith.constant 48 : index
      %swap3A_119 = tpu.vector_load %arg7[%swap3A_117, %swap3A_118] {strides = array<i32>} : memref<25x80xf32, #tpu.memory_space<vmem>>, vector<1x16xf32>,
      %swap3A_120 = vector.shape_cast %swap3A_119 : vector<1x16xf32> to vector<16xf32>
      %swap3A_121 = vector.shape_cast %broadcast_in_dim3A_2 : vector<16xf32> to vector<1x16xf32>
      tpu.vector_store %arg7[%swap3A_117, %swap3A_118], %swap3A_121 {strides = array<i32>} : memref<25x80xf32, #tpu.memory_space<vmem>>, vector<1x16xf32>,
      %swap3A_122 = arith.index_cast %scan3A_101 : i32 to index
      %swap3A_123 = arith.constant 64 : index
      %swap3A_124 = tpu.vector_load %arg7[%swap3A_122, %swap3A_123] {strides = array<i32>} : memref<25x80xf32, #tpu.memory_space<vmem>>, vector<1x16xf32>,
      %swap3A_125 = vector.shape_cast %swap3A_124 : vector<1x16xf32> to vector<16xf32>
      %swap3A_126 = vector.shape_cast %broadcast_in_dim3A_2 : vector<16xf32> to vector<1x16xf32>
      tpu.vector_store %arg7[%swap3A_122, %swap3A_123], %swap3A_126 {strides = array<i32>} : memref<25x80xf32, #tpu.memory_space<vmem>>, vector<1x16xf32>,
      %scan3A_127 = arith.constant 0 : i32
      scf.yield %scan3A_127 : i32
    }
    %scan3A_8 = arith.constant 25 : i32
    %scan3A_9 = arith.constant 0 : i32
    %scan3A_10 = arith.constant 0 : i32
    %scan3A_11 = arith.constant 25 : i32
    %scan3A_12 = arith.addi %scan3A_10, %scan3A_11 : i32
    %scan3A_13 = arith.constant 1 : i32
    %scan3A_14 = scf.for %scan3A_101 = %scan3A_10 to %scan3A_12 step %scan3A_13 iter_args(%scan3A_102 = %scan3A_9) -> (i32)  : i32 {
      %mul3A_103 = arith.constant 625 : i32
      %mul3A_104 = arith.muli %arg1, %mul3A_103 : i32
      %mul3A_105 = arith.constant 25 : i32
      %mul3A_106 = arith.muli %scan3A_101, %mul3A_105 : i32
      %add3A_107 = arith.addi %mul3A_104, %mul3A_106 : i32
      "tpu.region"() ({
        %run_scoped3A_109 = tpu.sem_alloc : memref<!tpu.dma_semaphore, #tpu.memory_space<semaphore_mem>>
        %dma_start3A_110 = arith.constant 0 : i32
        %dma_start3A_111 = tpu.memref_slice %arg8[%add3A_107, %dma_start3A_110] : memref<10000x80xf32, #tpu.memory_space<vmem_shared>> -> memref<25x80xf32, #tpu.memory_space<vmem_shared>>
        %dma_start3A_112 = arith.constant 0 : i32
        %dma_start3A_113 = tpu.memref_slice %arg8[%add3A_107, %dma_start3A_112] : memref<10000x80xf32, #tpu.memory_space<vmem_shared>> -> memref<25x80xf32, #tpu.memory_space<vmem_shared>>
        tpu.enqueue_dma source(%arg7 : memref<25x80xf32, #tpu.memory_space<vmem>>) target(%dma_start3A_113 : memref<25x80xf32, #tpu.memory_space<vmem_shared>>) target_semaphore(%run_scoped3A_109 : memref<!tpu.dma_semaphore, #tpu.memory_space<semaphore_mem>>)
        %dma_wait3A_114 = arith.constant 0 : i32
        %dma_wait3A_115 = tpu.memref_slice %arg8[%add3A_107, %dma_wait3A_114] : memref<10000x80xf32, #tpu.memory_space<vmem_shared>> -> memref<25x80xf32, #tpu.memory_space<vmem_shared>>
        %dma_wait3A_116 = arith.constant 0 : i32
        %dma_wait3A_117 = tpu.memref_slice %arg8[%add3A_107, %dma_wait3A_116] : memref<10000x80xf32, #tpu.memory_space<vmem_shared>> -> memref<25x80xf32, #tpu.memory_space<vmem_shared>>
        tpu.wait_dma2 semaphore(%run_scoped3A_109 : memref<!tpu.dma_semaphore, #tpu.memory_space<semaphore_mem>>) src(%arg7 : memref<25x80xf32, #tpu.memory_space<vmem>>) dst(%dma_wait3A_117 : memref<25x80xf32, #tpu.memory_space<vmem_shared>>)
        tpu.yield
      }) : () -> ()
      %scan3A_108 = arith.constant 0 : i32
      scf.yield %scan3A_108 : i32
    }
    %scan3A_15 = arith.constant 25 : i32
    %barrier3A = arith.constant 0 : index
    tpu.barrier barrier_id(%barrier3A)
    %dma_start3A = arith.constant 0 : i32
    %dma_start3A_16 = arith.constant 0 : i32
    %dma_start3A_17 = tpu.memref_slice %arg5[%dma_start3A, %dma_start3A_16] : memref<125x80xi32, #tpu.memory_space<vmem>> -> memref<1x80xi32, #tpu.memory_space<vmem>>
    %dma_start3A_18 = tpu.memref_squeeze %dma_start3A_17 : memref<1x80xi32, #tpu.memory_space<vmem>> -> memref<80xi32, #tpu.memory_space<vmem>>
    %dma_start3A_19 = arith.constant 0 : i32
    %dma_start3A_20 = arith.constant 0 : i32
    %dma_start3A_21 = tpu.memref_slice %arg2[%dma_start3A_19, %dma_start3A_20] : memref<10000x80xf32, #tpu.memory_space<hbm>> -> memref<10000x80xf32, #tpu.memory_space<hbm>>
    tpu.enqueue_indirect_dma source(%dma_start3A_21 : memref<10000x80xf32, #tpu.memory_space<hbm>>) target(%arg9 : memref<80x80xf32, #tpu.memory_space<vmem>>) offsets(%dma_start3A_18 : memref<80xi32, #tpu.memory_space<vmem>>) semaphore(%arg14 : memref<!tpu.dma_semaphore, #tpu.memory_space<semaphore_mem>>)
    %dma_start3A_22 = arith.constant 1 : i32
    %dma_start3A_23 = arith.constant 0 : i32
    %dma_start3A_24 = tpu.memref_slice %arg5[%dma_start3A_22, %dma_start3A_23] : memref<125x80xi32, #tpu.memory_space<vmem>> -> memref<1x80xi32, #tpu.memory_space<vmem>>
    %dma_start3A_25 = tpu.memref_squeeze %dma_start3A_24 : memref<1x80xi32, #tpu.memory_space<vmem>> -> memref<80xi32, #tpu.memory_space<vmem>>
    %dma_start3A_26 = arith.constant 0 : i32
    %dma_start3A_27 = arith.constant 0 : i32
    %dma_start3A_28 = tpu.memref_slice %arg2[%dma_start3A_26, %dma_start3A_27] : memref<10000x80xf32, #tpu.memory_space<hbm>> -> memref<10000x80xf32, #tpu.memory_space<hbm>>
    tpu.enqueue_indirect_dma source(%dma_start3A_28 : memref<10000x80xf32, #tpu.memory_space<hbm>>) target(%arg10 : memref<80x80xf32, #tpu.memory_space<vmem>>) offsets(%dma_start3A_25 : memref<80xi32, #tpu.memory_space<vmem>>) semaphore(%arg15 : memref<!tpu.dma_semaphore, #tpu.memory_space<semaphore_mem>>)
    %dma_start3A_29 = arith.constant 2 : i32
    %dma_start3A_30 = arith.constant 0 : i32
    %dma_start3A_31 = tpu.memref_slice %arg5[%dma_start3A_29, %dma_start3A_30] : memref<125x80xi32, #tpu.memory_space<vmem>> -> memref<1x80xi32, #tpu.memory_space<vmem>>
    %dma_start3A_32 = tpu.memref_squeeze %dma_start3A_31 : memref<1x80xi32, #tpu.memory_space<vmem>> -> memref<80xi32, #tpu.memory_space<vmem>>
    %dma_start3A_33 = arith.constant 0 : i32
    %dma_start3A_34 = arith.constant 0 : i32
    %dma_start3A_35 = tpu.memref_slice %arg2[%dma_start3A_33, %dma_start3A_34] : memref<10000x80xf32, #tpu.memory_space<hbm>> -> memref<10000x80xf32, #tpu.memory_space<hbm>>
    tpu.enqueue_indirect_dma source(%dma_start3A_35 : memref<10000x80xf32, #tpu.memory_space<hbm>>) target(%arg11 : memref<80x80xf32, #tpu.memory_space<vmem>>) offsets(%dma_start3A_32 : memref<80xi32, #tpu.memory_space<vmem>>) semaphore(%arg16 : memref<!tpu.dma_semaphore, #tpu.memory_space<semaphore_mem>>)
    %dma_start3A_36 = arith.constant 3 : i32
    %dma_start3A_37 = arith.constant 0 : i32
    %dma_start3A_38 = tpu.memref_slice %arg5[%dma_start3A_36, %dma_start3A_37] : memref<125x80xi32, #tpu.memory_space<vmem>> -> memref<1x80xi32, #tpu.memory_space<vmem>>
    %dma_start3A_39 = tpu.memref_squeeze %dma_start3A_38 : memref<1x80xi32, #tpu.memory_space<vmem>> -> memref<80xi32, #tpu.memory_space<vmem>>
    %dma_start3A_40 = arith.constant 0 : i32
    %dma_start3A_41 = arith.constant 0 : i32
    %dma_start3A_42 = tpu.memref_slice %arg2[%dma_start3A_40, %dma_start3A_41] : memref<10000x80xf32, #tpu.memory_space<hbm>> -> memref<10000x80xf32, #tpu.memory_space<hbm>>
    tpu.enqueue_indirect_dma source(%dma_start3A_42 : memref<10000x80xf32, #tpu.memory_space<hbm>>) target(%arg12 : memref<80x80xf32, #tpu.memory_space<vmem>>) offsets(%dma_start3A_39 : memref<80xi32, #tpu.memory_space<vmem>>) semaphore(%arg17 : memref<!tpu.dma_semaphore, #tpu.memory_space<semaphore_mem>>)
    %dma_start3A_43 = arith.constant 4 : i32
    %dma_start3A_44 = arith.constant 0 : i32
    %dma_start3A_45 = tpu.memref_slice %arg5[%dma_start3A_43, %dma_start3A_44] : memref<125x80xi32, #tpu.memory_space<vmem>> -> memref<1x80xi32, #tpu.memory_space<vmem>>
    %dma_start3A_46 = tpu.memref_squeeze %dma_start3A_45 : memref<1x80xi32, #tpu.memory_space<vmem>> -> memref<80xi32, #tpu.memory_space<vmem>>
    %dma_start3A_47 = arith.constant 0 : i32
    %dma_start3A_48 = arith.constant 0 : i32
    %dma_start3A_49 = tpu.memref_slice %arg2[%dma_start3A_47, %dma_start3A_48] : memref<10000x80xf32, #tpu.memory_space<hbm>> -> memref<10000x80xf32, #tpu.memory_space<hbm>>
    tpu.enqueue_indirect_dma source(%dma_start3A_49 : memref<10000x80xf32, #tpu.memory_space<hbm>>) target(%arg13 : memref<80x80xf32, #tpu.memory_space<vmem>>) offsets(%dma_start3A_46 : memref<80xi32, #tpu.memory_space<vmem>>) semaphore(%arg18 : memref<!tpu.dma_semaphore, #tpu.memory_space<semaphore_mem>>)
    %scan3A_50 = arith.constant 0 : i32
    %scan3A_51 = arith.constant 0 : i32
    %scan3A_52 = arith.constant 24 : i32
    %scan3A_53 = arith.addi %scan3A_51, %scan3A_52 : i32
    %scan3A_54 = arith.constant 1 : i32
    %scan3A_55 = scf.for %scan3A_101 = %scan3A_51 to %scan3A_53 step %scan3A_54 iter_args(%scan3A_102 = %scan3A_50) -> (i32)  : i32 {
      %mul3A_103 = arith.constant 5 : i32
      %mul3A_104 = arith.muli %scan3A_101, %mul3A_103 : i32
      %add3A_105 = arith.constant 0 : i32
      %add3A_106 = arith.addi %mul3A_104, %add3A_105 : i32
      %dma_wait3A_107 = arith.constant 0 : i32
      %dma_wait3A_108 = tpu.memref_slice %arg5[%add3A_106, %dma_wait3A_107] : memref<125x80xi32, #tpu.memory_space<vmem>> -> memref<1x80xi32, #tpu.memory_space<vmem>>
      %dma_wait3A_109 = tpu.memref_squeeze %dma_wait3A_108 : memref<1x80xi32, #tpu.memory_space<vmem>> -> memref<80xi32, #tpu.memory_space<vmem>>
      %dma_wait3A_110 = arith.constant 0 : i32
      %dma_wait3A_111 = arith.constant 0 : i32
      %dma_wait3A_112 = tpu.memref_slice %arg2[%dma_wait3A_110, %dma_wait3A_111] : memref<10000x80xf32, #tpu.memory_space<hbm>> -> memref<10000x80xf32, #tpu.memory_space<hbm>>
      tpu.wait_indirect_dma semaphore(%arg14 : memref<!tpu.dma_semaphore, #tpu.memory_space<semaphore_mem>>) src(%dma_wait3A_112 : memref<10000x80xf32, #tpu.memory_space<hbm>>) dst(%arg9 : memref<80x80xf32, #tpu.memory_space<vmem>>)
      "tpu.region"() ({
        %run_scoped3A_196 = tpu.sem_alloc : memref<!tpu.dma_semaphore, #tpu.memory_space<semaphore_mem>>
        %dma_start3A_197 = arith.constant 0 : i32
        %dma_start3A_198 = tpu.memref_slice %arg6[%add3A_106, %dma_start3A_197] : memref<125x80xi32, #tpu.memory_space<vmem>> -> memref<1x80xi32, #tpu.memory_space<vmem>>
        %dma_start3A_199 = tpu.memref_squeeze %dma_start3A_198 : memref<1x80xi32, #tpu.memory_space<vmem>> -> memref<80xi32, #tpu.memory_space<vmem>>
        %dma_start3A_200 = arith.constant 0 : i32
        %dma_start3A_201 = arith.constant 0 : i32
        %dma_start3A_202 = tpu.memref_slice %arg8[%dma_start3A_200, %dma_start3A_201] : memref<10000x80xf32, #tpu.memory_space<vmem_shared>> -> memref<10000x80xf32, #tpu.memory_space<vmem_shared>>
        tpu.enqueue_indirect_dma source(%arg9 : memref<80x80xf32, #tpu.memory_space<vmem>>) target(%dma_start3A_202 : memref<10000x80xf32, #tpu.memory_space<vmem_shared>>) offsets(%dma_start3A_199 : memref<80xi32, #tpu.memory_space<vmem>>) semaphore(%run_scoped3A_196 : memref<!tpu.dma_semaphore, #tpu.memory_space<semaphore_mem>>) {add = true}
        %dma_wait3A_203 = arith.constant 0 : i32
        %dma_wait3A_204 = tpu.memref_slice %arg6[%add3A_106, %dma_wait3A_203] : memref<125x80xi32, #tpu.memory_space<vmem>> -> memref<1x80xi32, #tpu.memory_space<vmem>>
        %dma_wait3A_205 = tpu.memref_squeeze %dma_wait3A_204 : memref<1x80xi32, #tpu.memory_space<vmem>> -> memref<80xi32, #tpu.memory_space<vmem>>
        %dma_wait3A_206 = arith.constant 0 : i32
        %dma_wait3A_207 = arith.constant 0 : i32
        %dma_wait3A_208 = tpu.memref_slice %arg8[%dma_wait3A_206, %dma_wait3A_207] : memref<10000x80xf32, #tpu.memory_space<vmem_shared>> -> memref<10000x80xf32, #tpu.memory_space<vmem_shared>>
        tpu.wait_indirect_dma semaphore(%run_scoped3A_196 : memref<!tpu.dma_semaphore, #tpu.memory_space<semaphore_mem>>) src(%arg9 : memref<80x80xf32, #tpu.memory_space<vmem>>) dst(%dma_wait3A_208 : memref<10000x80xf32, #tpu.memory_space<vmem_shared>>)
        tpu.yield
      }) : () -> ()
      %add3A_113 = arith.constant 0 : i32
      %add3A_114 = arith.addi %mul3A_104, %add3A_113 : i32
      %add3A_115 = arith.constant 5 : i32
      %add3A_116 = arith.addi %add3A_114, %add3A_115 : i32
      %dma_start3A_117 = arith.constant 0 : i32
      %dma_start3A_118 = tpu.memref_slice %arg5[%add3A_116, %dma_start3A_117] : memref<125x80xi32, #tpu.memory_space<vmem>> -> memref<1x80xi32, #tpu.memory_space<vmem>>
      %dma_start3A_119 = tpu.memref_squeeze %dma_start3A_118 : memref<1x80xi32, #tpu.memory_space<vmem>> -> memref<80xi32, #tpu.memory_space<vmem>>
      %dma_start3A_120 = arith.constant 0 : i32
      %dma_start3A_121 = arith.constant 0 : i32
      %dma_start3A_122 = tpu.memref_slice %arg2[%dma_start3A_120, %dma_start3A_121] : memref<10000x80xf32, #tpu.memory_space<hbm>> -> memref<10000x80xf32, #tpu.memory_space<hbm>>
      tpu.enqueue_indirect_dma source(%dma_start3A_122 : memref<10000x80xf32, #tpu.memory_space<hbm>>) target(%arg9 : memref<80x80xf32, #tpu.memory_space<vmem>>) offsets(%dma_start3A_119 : memref<80xi32, #tpu.memory_space<vmem>>) semaphore(%arg14 : memref<!tpu.dma_semaphore, #tpu.memory_space<semaphore_mem>>)
      %add3A_123 = arith.constant 1 : i32
      %add3A_124 = arith.addi %mul3A_104, %add3A_123 : i32
      %dma_wait3A_125 = arith.constant 0 : i32
      %dma_wait3A_126 = tpu.memref_slice %arg5[%add3A_124, %dma_wait3A_125] : memref<125x80xi32, #tpu.memory_space<vmem>> -> memref<1x80xi32, #tpu.memory_space<vmem>>
      %dma_wait3A_127 = tpu.memref_squeeze %dma_wait3A_126 : memref<1x80xi32, #tpu.memory_space<vmem>> -> memref<80xi32, #tpu.memory_space<vmem>>
      %dma_wait3A_128 = arith.constant 0 : i32
      %dma_wait3A_129 = arith.constant 0 : i32
      %dma_wait3A_130 = tpu.memref_slice %arg2[%dma_wait3A_128, %dma_wait3A_129] : memref<10000x80xf32, #tpu.memory_space<hbm>> -> memref<10000x80xf32, #tpu.memory_space<hbm>>
      tpu.wait_indirect_dma semaphore(%arg15 : memref<!tpu.dma_semaphore, #tpu.memory_space<semaphore_mem>>) src(%dma_wait3A_130 : memref<10000x80xf32, #tpu.memory_space<hbm>>) dst(%arg10 : memref<80x80xf32, #tpu.memory_space<vmem>>)
      "tpu.region"() ({
        %run_scoped3A_196 = tpu.sem_alloc : memref<!tpu.dma_semaphore, #tpu.memory_space<semaphore_mem>>
        %dma_start3A_197 = arith.constant 0 : i32
        %dma_start3A_198 = tpu.memref_slice %arg6[%add3A_124, %dma_start3A_197] : memref<125x80xi32, #tpu.memory_space<vmem>> -> memref<1x80xi32, #tpu.memory_space<vmem>>
        %dma_start3A_199 = tpu.memref_squeeze %dma_start3A_198 : memref<1x80xi32, #tpu.memory_space<vmem>> -> memref<80xi32, #tpu.memory_space<vmem>>
        %dma_start3A_200 = arith.constant 0 : i32
        %dma_start3A_201 = arith.constant 0 : i32
        %dma_start3A_202 = tpu.memref_slice %arg8[%dma_start3A_200, %dma_start3A_201] : memref<10000x80xf32, #tpu.memory_space<vmem_shared>> -> memref<10000x80xf32, #tpu.memory_space<vmem_shared>>
        tpu.enqueue_indirect_dma source(%arg10 : memref<80x80xf32, #tpu.memory_space<vmem>>) target(%dma_start3A_202 : memref<10000x80xf32, #tpu.memory_space<vmem_shared>>) offsets(%dma_start3A_199 : memref<80xi32, #tpu.memory_space<vmem>>) semaphore(%run_scoped3A_196 : memref<!tpu.dma_semaphore, #tpu.memory_space<semaphore_mem>>) {add = true}
        %dma_wait3A_203 = arith.constant 0 : i32
        %dma_wait3A_204 = tpu.memref_slice %arg6[%add3A_124, %dma_wait3A_203] : memref<125x80xi32, #tpu.memory_space<vmem>> -> memref<1x80xi32, #tpu.memory_space<vmem>>
        %dma_wait3A_205 = tpu.memref_squeeze %dma_wait3A_204 : memref<1x80xi32, #tpu.memory_space<vmem>> -> memref<80xi32, #tpu.memory_space<vmem>>
        %dma_wait3A_206 = arith.constant 0 : i32
        %dma_wait3A_207 = arith.constant 0 : i32
        %dma_wait3A_208 = tpu.memref_slice %arg8[%dma_wait3A_206, %dma_wait3A_207] : memref<10000x80xf32, #tpu.memory_space<vmem_shared>> -> memref<10000x80xf32, #tpu.memory_space<vmem_shared>>
        tpu.wait_indirect_dma semaphore(%run_scoped3A_196 : memref<!tpu.dma_semaphore, #tpu.memory_space<semaphore_mem>>) src(%arg10 : memref<80x80xf32, #tpu.memory_space<vmem>>) dst(%dma_wait3A_208 : memref<10000x80xf32, #tpu.memory_space<vmem_shared>>)
        tpu.yield
      }) : () -> ()
      %add3A_131 = arith.constant 1 : i32
      %add3A_132 = arith.addi %mul3A_104, %add3A_131 : i32
      %add3A_133 = arith.constant 5 : i32
      %add3A_134 = arith.addi %add3A_132, %add3A_133 : i32
      %dma_start3A_135 = arith.constant 0 : i32
      %dma_start3A_136 = tpu.memref_slice %arg5[%add3A_134, %dma_start3A_135] : memref<125x80xi32, #tpu.memory_space<vmem>> -> memref<1x80xi32, #tpu.memory_space<vmem>>
      %dma_start3A_137 = tpu.memref_squeeze %dma_start3A_136 : memref<1x80xi32, #tpu.memory_space<vmem>> -> memref<80xi32, #tpu.memory_space<vmem>>
      %dma_start3A_138 = arith.constant 0 : i32
      %dma_start3A_139 = arith.constant 0 : i32
      %dma_start3A_140 = tpu.memref_slice %arg2[%dma_start3A_138, %dma_start3A_139] : memref<10000x80xf32, #tpu.memory_space<hbm>> -> memref<10000x80xf32, #tpu.memory_space<hbm>>
      tpu.enqueue_indirect_dma source(%dma_start3A_140 : memref<10000x80xf32, #tpu.memory_space<hbm>>) target(%arg10 : memref<80x80xf32, #tpu.memory_space<vmem>>) offsets(%dma_start3A_137 : memref<80xi32, #tpu.memory_space<vmem>>) semaphore(%arg15 : memref<!tpu.dma_semaphore, #tpu.memory_space<semaphore_mem>>)
      %add3A_141 = arith.constant 2 : i32
      %add3A_142 = arith.addi %mul3A_104, %add3A_141 : i32
      %dma_wait3A_143 = arith.constant 0 : i32
      %dma_wait3A_144 = tpu.memref_slice %arg5[%add3A_142, %dma_wait3A_143] : memref<125x80xi32, #tpu.memory_space<vmem>> -> memref<1x80xi32, #tpu.memory_space<vmem>>
      %dma_wait3A_145 = tpu.memref_squeeze %dma_wait3A_144 : memref<1x80xi32, #tpu.memory_space<vmem>> -> memref<80xi32, #tpu.memory_space<vmem>>
      %dma_wait3A_146 = arith.constant 0 : i32
      %dma_wait3A_147 = arith.constant 0 : i32
      %dma_wait3A_148 = tpu.memref_slice %arg2[%dma_wait3A_146, %dma_wait3A_147] : memref<10000x80xf32, #tpu.memory_space<hbm>> -> memref<10000x80xf32, #tpu.memory_space<hbm>>
      tpu.wait_indirect_dma semaphore(%arg16 : memref<!tpu.dma_semaphore, #tpu.memory_space<semaphore_mem>>) src(%dma_wait3A_148 : memref<10000x80xf32, #tpu.memory_space<hbm>>) dst(%arg11 : memref<80x80xf32, #tpu.memory_space<vmem>>)
      "tpu.region"() ({
        %run_scoped3A_196 = tpu.sem_alloc : memref<!tpu.dma_semaphore, #tpu.memory_space<semaphore_mem>>
        %dma_start3A_197 = arith.constant 0 : i32
        %dma_start3A_198 = tpu.memref_slice %arg6[%add3A_142, %dma_start3A_197] : memref<125x80xi32, #tpu.memory_space<vmem>> -> memref<1x80xi32, #tpu.memory_space<vmem>>
        %dma_start3A_199 = tpu.memref_squeeze %dma_start3A_198 : memref<1x80xi32, #tpu.memory_space<vmem>> -> memref<80xi32, #tpu.memory_space<vmem>>
        %dma_start3A_200 = arith.constant 0 : i32
        %dma_start3A_201 = arith.constant 0 : i32
        %dma_start3A_202 = tpu.memref_slice %arg8[%dma_start3A_200, %dma_start3A_201] : memref<10000x80xf32, #tpu.memory_space<vmem_shared>> -> memref<10000x80xf32, #tpu.memory_space<vmem_shared>>
        tpu.enqueue_indirect_dma source(%arg11 : memref<80x80xf32, #tpu.memory_space<vmem>>) target(%dma_start3A_202 : memref<10000x80xf32, #tpu.memory_space<vmem_shared>>) offsets(%dma_start3A_199 : memref<80xi32, #tpu.memory_space<vmem>>) semaphore(%run_scoped3A_196 : memref<!tpu.dma_semaphore, #tpu.memory_space<semaphore_mem>>) {add = true}
        %dma_wait3A_203 = arith.constant 0 : i32
        %dma_wait3A_204 = tpu.memref_slice %arg6[%add3A_142, %dma_wait3A_203] : memref<125x80xi32, #tpu.memory_space<vmem>> -> memref<1x80xi32, #tpu.memory_space<vmem>>
        %dma_wait3A_205 = tpu.memref_squeeze %dma_wait3A_204 : memref<1x80xi32, #tpu.memory_space<vmem>> -> memref<80xi32, #tpu.memory_space<vmem>>
        %dma_wait3A_206 = arith.constant 0 : i32
        %dma_wait3A_207 = arith.constant 0 : i32
        %dma_wait3A_208 = tpu.memref_slice %arg8[%dma_wait3A_206, %dma_wait3A_207] : memref<10000x80xf32, #tpu.memory_space<vmem_shared>> -> memref<10000x80xf32, #tpu.memory_space<vmem_shared>>
        tpu.wait_indirect_dma semaphore(%run_scoped3A_196 : memref<!tpu.dma_semaphore, #tpu.memory_space<semaphore_mem>>) src(%arg11 : memref<80x80xf32, #tpu.memory_space<vmem>>) dst(%dma_wait3A_208 : memref<10000x80xf32, #tpu.memory_space<vmem_shared>>)
        tpu.yield
      }) : () -> ()
      %add3A_149 = arith.constant 2 : i32
      %add3A_150 = arith.addi %mul3A_104, %add3A_149 : i32
      %add3A_151 = arith.constant 5 : i32
      %add3A_152 = arith.addi %add3A_150, %add3A_151 : i32
      %dma_start3A_153 = arith.constant 0 : i32
      %dma_start3A_154 = tpu.memref_slice %arg5[%add3A_152, %dma_start3A_153] : memref<125x80xi32, #tpu.memory_space<vmem>> -> memref<1x80xi32, #tpu.memory_space<vmem>>
      %dma_start3A_155 = tpu.memref_squeeze %dma_start3A_154 : memref<1x80xi32, #tpu.memory_space<vmem>> -> memref<80xi32, #tpu.memory_space<vmem>>
      %dma_start3A_156 = arith.constant 0 : i32
      %dma_start3A_157 = arith.constant 0 : i32
      %dma_start3A_158 = tpu.memref_slice %arg2[%dma_start3A_156, %dma_start3A_157] : memref<10000x80xf32, #tpu.memory_space<hbm>> -> memref<10000x80xf32, #tpu.memory_space<hbm>>
      tpu.enqueue_indirect_dma source(%dma_start3A_158 : memref<10000x80xf32, #tpu.memory_space<hbm>>) target(%arg11 : memref<80x80xf32, #tpu.memory_space<vmem>>) offsets(%dma_start3A_155 : memref<80xi32, #tpu.memory_space<vmem>>) semaphore(%arg16 : memref<!tpu.dma_semaphore, #tpu.memory_space<semaphore_mem>>)
      %add3A_159 = arith.constant 3 : i32
      %add3A_160 = arith.addi %mul3A_104, %add3A_159 : i32
      %dma_wait3A_161 = arith.constant 0 : i32
      %dma_wait3A_162 = tpu.memref_slice %arg5[%add3A_160, %dma_wait3A_161] : memref<125x80xi32, #tpu.memory_space<vmem>> -> memref<1x80xi32, #tpu.memory_space<vmem>>
      %dma_wait3A_163 = tpu.memref_squeeze %dma_wait3A_162 : memref<1x80xi32, #tpu.memory_space<vmem>> -> memref<80xi32, #tpu.memory_space<vmem>>
      %dma_wait3A_164 = arith.constant 0 : i32
      %dma_wait3A_165 = arith.constant 0 : i32
      %dma_wait3A_166 = tpu.memref_slice %arg2[%dma_wait3A_164, %dma_wait3A_165] : memref<10000x80xf32, #tpu.memory_space<hbm>> -> memref<10000x80xf32, #tpu.memory_space<hbm>>
      tpu.wait_indirect_dma semaphore(%arg17 : memref<!tpu.dma_semaphore, #tpu.memory_space<semaphore_mem>>) src(%dma_wait3A_166 : memref<10000x80xf32, #tpu.memory_space<hbm>>) dst(%arg12 : memref<80x80xf32, #tpu.memory_space<vmem>>)
      "tpu.region"() ({
        %run_scoped3A_196 = tpu.sem_alloc : memref<!tpu.dma_semaphore, #tpu.memory_space<semaphore_mem>>
        %dma_start3A_197 = arith.constant 0 : i32
        %dma_start3A_198 = tpu.memref_slice %arg6[%add3A_160, %dma_start3A_197] : memref<125x80xi32, #tpu.memory_space<vmem>> -> memref<1x80xi32, #tpu.memory_space<vmem>>
        %dma_start3A_199 = tpu.memref_squeeze %dma_start3A_198 : memref<1x80xi32, #tpu.memory_space<vmem>> -> memref<80xi32, #tpu.memory_space<vmem>>
        %dma_start3A_200 = arith.constant 0 : i32
        %dma_start3A_201 = arith.constant 0 : i32
        %dma_start3A_202 = tpu.memref_slice %arg8[%dma_start3A_200, %dma_start3A_201] : memref<10000x80xf32, #tpu.memory_space<vmem_shared>> -> memref<10000x80xf32, #tpu.memory_space<vmem_shared>>
        tpu.enqueue_indirect_dma source(%arg12 : memref<80x80xf32, #tpu.memory_space<vmem>>) target(%dma_start3A_202 : memref<10000x80xf32, #tpu.memory_space<vmem_shared>>) offsets(%dma_start3A_199 : memref<80xi32, #tpu.memory_space<vmem>>) semaphore(%run_scoped3A_196 : memref<!tpu.dma_semaphore, #tpu.memory_space<semaphore_mem>>) {add = true}
        %dma_wait3A_203 = arith.constant 0 : i32
        %dma_wait3A_204 = tpu.memref_slice %arg6[%add3A_160, %dma_wait3A_203] : memref<125x80xi32, #tpu.memory_space<vmem>> -> memref<1x80xi32, #tpu.memory_space<vmem>>
        %dma_wait3A_205 = tpu.memref_squeeze %dma_wait3A_204 : memref<1x80xi32, #tpu.memory_space<vmem>> -> memref<80xi32, #tpu.memory_space<vmem>>
        %dma_wait3A_206 = arith.constant 0 : i32
        %dma_wait3A_207 = arith.constant 0 : i32
        %dma_wait3A_208 = tpu.memref_slice %arg8[%dma_wait3A_206, %dma_wait3A_207] : memref<10000x80xf32, #tpu.memory_space<vmem_shared>> -> memref<10000x80xf32, #tpu.memory_space<vmem_shared>>
        tpu.wait_indirect_dma semaphore(%run_scoped3A_196 : memref<!tpu.dma_semaphore, #tpu.memory_space<semaphore_mem>>) src(%arg12 : memref<80x80xf32, #tpu.memory_space<vmem>>) dst(%dma_wait3A_208 : memref<10000x80xf32, #tpu.memory_space<vmem_shared>>)
        tpu.yield
      }) : () -> ()
      %add3A_167 = arith.constant 3 : i32
      %add3A_168 = arith.addi %mul3A_104, %add3A_167 : i32
      %add3A_169 = arith.constant 5 : i32
      %add3A_170 = arith.addi %add3A_168, %add3A_169 : i32
      %dma_start3A_171 = arith.constant 0 : i32
      %dma_start3A_172 = tpu.memref_slice %arg5[%add3A_170, %dma_start3A_171] : memref<125x80xi32, #tpu.memory_space<vmem>> -> memref<1x80xi32, #tpu.memory_space<vmem>>
      %dma_start3A_173 = tpu.memref_squeeze %dma_start3A_172 : memref<1x80xi32, #tpu.memory_space<vmem>> -> memref<80xi32, #tpu.memory_space<vmem>>
      %dma_start3A_174 = arith.constant 0 : i32
      %dma_start3A_175 = arith.constant 0 : i32
      %dma_start3A_176 = tpu.memref_slice %arg2[%dma_start3A_174, %dma_start3A_175] : memref<10000x80xf32, #tpu.memory_space<hbm>> -> memref<10000x80xf32, #tpu.memory_space<hbm>>
      tpu.enqueue_indirect_dma source(%dma_start3A_176 : memref<10000x80xf32, #tpu.memory_space<hbm>>) target(%arg12 : memref<80x80xf32, #tpu.memory_space<vmem>>) offsets(%dma_start3A_173 : memref<80xi32, #tpu.memory_space<vmem>>) semaphore(%arg17 : memref<!tpu.dma_semaphore, #tpu.memory_space<semaphore_mem>>)
      %add3A_177 = arith.constant 4 : i32
      %add3A_178 = arith.addi %mul3A_104, %add3A_177 : i32
      %dma_wait3A_179 = arith.constant 0 : i32
      %dma_wait3A_180 = tpu.memref_slice %arg5[%add3A_178, %dma_wait3A_179] : memref<125x80xi32, #tpu.memory_space<vmem>> -> memref<1x80xi32, #tpu.memory_space<vmem>>
      %dma_wait3A_181 = tpu.memref_squeeze %dma_wait3A_180 : memref<1x80xi32, #tpu.memory_space<vmem>> -> memref<80xi32, #tpu.memory_space<vmem>>
      %dma_wait3A_182 = arith.constant 0 : i32
      %dma_wait3A_183 = arith.constant 0 : i32
      %dma_wait3A_184 = tpu.memref_slice %arg2[%dma_wait3A_182, %dma_wait3A_183] : memref<10000x80xf32, #tpu.memory_space<hbm>> -> memref<10000x80xf32, #tpu.memory_space<hbm>>
      tpu.wait_indirect_dma semaphore(%arg18 : memref<!tpu.dma_semaphore, #tpu.memory_space<semaphore_mem>>) src(%dma_wait3A_184 : memref<10000x80xf32, #tpu.memory_space<hbm>>) dst(%arg13 : memref<80x80xf32, #tpu.memory_space<vmem>>)
      "tpu.region"() ({
        %run_scoped3A_196 = tpu.sem_alloc : memref<!tpu.dma_semaphore, #tpu.memory_space<semaphore_mem>>
        %dma_start3A_197 = arith.constant 0 : i32
        %dma_start3A_198 = tpu.memref_slice %arg6[%add3A_178, %dma_start3A_197] : memref<125x80xi32, #tpu.memory_space<vmem>> -> memref<1x80xi32, #tpu.memory_space<vmem>>
        %dma_start3A_199 = tpu.memref_squeeze %dma_start3A_198 : memref<1x80xi32, #tpu.memory_space<vmem>> -> memref<80xi32, #tpu.memory_space<vmem>>
        %dma_start3A_200 = arith.constant 0 : i32
        %dma_start3A_201 = arith.constant 0 : i32
        %dma_start3A_202 = tpu.memref_slice %arg8[%dma_start3A_200, %dma_start3A_201] : memref<10000x80xf32, #tpu.memory_space<vmem_shared>> -> memref<10000x80xf32, #tpu.memory_space<vmem_shared>>
        tpu.enqueue_indirect_dma source(%arg13 : memref<80x80xf32, #tpu.memory_space<vmem>>) target(%dma_start3A_202 : memref<10000x80xf32, #tpu.memory_space<vmem_shared>>) offsets(%dma_start3A_199 : memref<80xi32, #tpu.memory_space<vmem>>) semaphore(%run_scoped3A_196 : memref<!tpu.dma_semaphore, #tpu.memory_space<semaphore_mem>>) {add = true}
        %dma_wait3A_203 = arith.constant 0 : i32
        %dma_wait3A_204 = tpu.memref_slice %arg6[%add3A_178, %dma_wait3A_203] : memref<125x80xi32, #tpu.memory_space<vmem>> -> memref<1x80xi32, #tpu.memory_space<vmem>>
        %dma_wait3A_205 = tpu.memref_squeeze %dma_wait3A_204 : memref<1x80xi32, #tpu.memory_space<vmem>> -> memref<80xi32, #tpu.memory_space<vmem>>
        %dma_wait3A_206 = arith.constant 0 : i32
        %dma_wait3A_207 = arith.constant 0 : i32
        %dma_wait3A_208 = tpu.memref_slice %arg8[%dma_wait3A_206, %dma_wait3A_207] : memref<10000x80xf32, #tpu.memory_space<vmem_shared>> -> memref<10000x80xf32, #tpu.memory_space<vmem_shared>>
        tpu.wait_indirect_dma semaphore(%run_scoped3A_196 : memref<!tpu.dma_semaphore, #tpu.memory_space<semaphore_mem>>) src(%arg13 : memref<80x80xf32, #tpu.memory_space<vmem>>) dst(%dma_wait3A_208 : memref<10000x80xf32, #tpu.memory_space<vmem_shared>>)
        tpu.yield
      }) : () -> ()
      %add3A_185 = arith.constant 4 : i32
      %add3A_186 = arith.addi %mul3A_104, %add3A_185 : i32
      %add3A_187 = arith.constant 5 : i32
      %add3A_188 = arith.addi %add3A_186, %add3A_187 : i32
      %dma_start3A_189 = arith.constant 0 : i32
      %dma_start3A_190 = tpu.memref_slice %arg5[%add3A_188, %dma_start3A_189] : memref<125x80xi32, #tpu.memory_space<vmem>> -> memref<1x80xi32, #tpu.memory_space<vmem>>
      %dma_start3A_191 = tpu.memref_squeeze %dma_start3A_190 : memref<1x80xi32, #tpu.memory_space<vmem>> -> memref<80xi32, #tpu.memory_space<vmem>>
      %dma_start3A_192 = arith.constant 0 : i32
      %dma_start3A_193 = arith.constant 0 : i32
      %dma_start3A_194 = tpu.memref_slice %arg2[%dma_start3A_192, %dma_start3A_193] : memref<10000x80xf32, #tpu.memory_space<hbm>> -> memref<10000x80xf32, #tpu.memory_space<hbm>>
      tpu.enqueue_indirect_dma source(%dma_start3A_194 : memref<10000x80xf32, #tpu.memory_space<hbm>>) target(%arg13 : memref<80x80xf32, #tpu.memory_space<vmem>>) offsets(%dma_start3A_191 : memref<80xi32, #tpu.memory_space<vmem>>) semaphore(%arg18 : memref<!tpu.dma_semaphore, #tpu.memory_space<semaphore_mem>>)
      %scan3A_195 = arith.constant 0 : i32
      scf.yield %scan3A_195 : i32
    }
    %scan3A_56 = arith.constant 24 : i32
    %dma_wait3A = arith.constant 120 : i32
    %dma_wait3A_57 = arith.constant 0 : i32
    %dma_wait3A_58 = tpu.memref_slice %arg5[%dma_wait3A, %dma_wait3A_57] : memref<125x80xi32, #tpu.memory_space<vmem>> -> memref<1x80xi32, #tpu.memory_space<vmem>>
    %dma_wait3A_59 = tpu.memref_squeeze %dma_wait3A_58 : memref<1x80xi32, #tpu.memory_space<vmem>> -> memref<80xi32, #tpu.memory_space<vmem>>
    %dma_wait3A_60 = arith.constant 0 : i32
    %dma_wait3A_61 = arith.constant 0 : i32
    %dma_wait3A_62 = tpu.memref_slice %arg2[%dma_wait3A_60, %dma_wait3A_61] : memref<10000x80xf32, #tpu.memory_space<hbm>> -> memref<10000x80xf32, #tpu.memory_space<hbm>>
    tpu.wait_indirect_dma semaphore(%arg14 : memref<!tpu.dma_semaphore, #tpu.memory_space<semaphore_mem>>) src(%dma_wait3A_62 : memref<10000x80xf32, #tpu.memory_space<hbm>>) dst(%arg9 : memref<80x80xf32, #tpu.memory_space<vmem>>)
    %run_scoped3A_63 = arith.constant 120 : i32
    "tpu.region"() ({
      %run_scoped3A_101 = tpu.sem_alloc : memref<!tpu.dma_semaphore, #tpu.memory_space<semaphore_mem>>
      %dma_start3A_102 = arith.constant 0 : i32
      %dma_start3A_103 = tpu.memref_slice %arg6[%run_scoped3A_63, %dma_start3A_102] : memref<125x80xi32, #tpu.memory_space<vmem>> -> memref<1x80xi32, #tpu.memory_space<vmem>>
      %dma_start3A_104 = tpu.memref_squeeze %dma_start3A_103 : memref<1x80xi32, #tpu.memory_space<vmem>> -> memref<80xi32, #tpu.memory_space<vmem>>
      %dma_start3A_105 = arith.constant 0 : i32
      %dma_start3A_106 = arith.constant 0 : i32
      %dma_start3A_107 = tpu.memref_slice %arg8[%dma_start3A_105, %dma_start3A_106] : memref<10000x80xf32, #tpu.memory_space<vmem_shared>> -> memref<10000x80xf32, #tpu.memory_space<vmem_shared>>
      tpu.enqueue_indirect_dma source(%arg9 : memref<80x80xf32, #tpu.memory_space<vmem>>) target(%dma_start3A_107 : memref<10000x80xf32, #tpu.memory_space<vmem_shared>>) offsets(%dma_start3A_104 : memref<80xi32, #tpu.memory_space<vmem>>) semaphore(%run_scoped3A_101 : memref<!tpu.dma_semaphore, #tpu.memory_space<semaphore_mem>>) {add = true}
      %dma_wait3A_108 = arith.constant 0 : i32
      %dma_wait3A_109 = tpu.memref_slice %arg6[%run_scoped3A_63, %dma_wait3A_108] : memref<125x80xi32, #tpu.memory_space<vmem>> -> memref<1x80xi32, #tpu.memory_space<vmem>>
      %dma_wait3A_110 = tpu.memref_squeeze %dma_wait3A_109 : memref<1x80xi32, #tpu.memory_space<vmem>> -> memref<80xi32, #tpu.memory_space<vmem>>
      %dma_wait3A_111 = arith.constant 0 : i32
      %dma_wait3A_112 = arith.constant 0 : i32
      %dma_wait3A_113 = tpu.memref_slice %arg8[%dma_wait3A_111, %dma_wait3A_112] : memref<10000x80xf32, #tpu.memory_space<vmem_shared>> -> memref<10000x80xf32, #tpu.memory_space<vmem_shared>>
      tpu.wait_indirect_dma semaphore(%run_scoped3A_101 : memref<!tpu.dma_semaphore, #tpu.memory_space<semaphore_mem>>) src(%arg9 : memref<80x80xf32, #tpu.memory_space<vmem>>) dst(%dma_wait3A_113 : memref<10000x80xf32, #tpu.memory_space<vmem_shared>>)
      tpu.yield
    }) : () -> ()
    %dma_wait3A_64 = arith.constant 121 : i32
    %dma_wait3A_65 = arith.constant 0 : i32
    %dma_wait3A_66 = tpu.memref_slice %arg5[%dma_wait3A_64, %dma_wait3A_65] : memref<125x80xi32, #tpu.memory_space<vmem>> -> memref<1x80xi32, #tpu.memory_space<vmem>>
    %dma_wait3A_67 = tpu.memref_squeeze %dma_wait3A_66 : memref<1x80xi32, #tpu.memory_space<vmem>> -> memref<80xi32, #tpu.memory_space<vmem>>
    %dma_wait3A_68 = arith.constant 0 : i32
    %dma_wait3A_69 = arith.constant 0 : i32
    %dma_wait3A_70 = tpu.memref_slice %arg2[%dma_wait3A_68, %dma_wait3A_69] : memref<10000x80xf32, #tpu.memory_space<hbm>> -> memref<10000x80xf32, #tpu.memory_space<hbm>>
    tpu.wait_indirect_dma semaphore(%arg15 : memref<!tpu.dma_semaphore, #tpu.memory_space<semaphore_mem>>) src(%dma_wait3A_70 : memref<10000x80xf32, #tpu.memory_space<hbm>>) dst(%arg10 : memref<80x80xf32, #tpu.memory_space<vmem>>)
    %run_scoped3A_71 = arith.constant 121 : i32
    "tpu.region"() ({
      %run_scoped3A_101 = tpu.sem_alloc : memref<!tpu.dma_semaphore, #tpu.memory_space<semaphore_mem>>
      %dma_start3A_102 = arith.constant 0 : i32
      %dma_start3A_103 = tpu.memref_slice %arg6[%run_scoped3A_71, %dma_start3A_102] : memref<125x80xi32, #tpu.memory_space<vmem>> -> memref<1x80xi32, #tpu.memory_space<vmem>>
      %dma_start3A_104 = tpu.memref_squeeze %dma_start3A_103 : memref<1x80xi32, #tpu.memory_space<vmem>> -> memref<80xi32, #tpu.memory_space<vmem>>
      %dma_start3A_105 = arith.constant 0 : i32
      %dma_start3A_106 = arith.constant 0 : i32
      %dma_start3A_107 = tpu.memref_slice %arg8[%dma_start3A_105, %dma_start3A_106] : memref<10000x80xf32, #tpu.memory_space<vmem_shared>> -> memref<10000x80xf32, #tpu.memory_space<vmem_shared>>
      tpu.enqueue_indirect_dma source(%arg10 : memref<80x80xf32, #tpu.memory_space<vmem>>) target(%dma_start3A_107 : memref<10000x80xf32, #tpu.memory_space<vmem_shared>>) offsets(%dma_start3A_104 : memref<80xi32, #tpu.memory_space<vmem>>) semaphore(%run_scoped3A_101 : memref<!tpu.dma_semaphore, #tpu.memory_space<semaphore_mem>>) {add = true}
      %dma_wait3A_108 = arith.constant 0 : i32
      %dma_wait3A_109 = tpu.memref_slice %arg6[%run_scoped3A_71, %dma_wait3A_108] : memref<125x80xi32, #tpu.memory_space<vmem>> -> memref<1x80xi32, #tpu.memory_space<vmem>>
      %dma_wait3A_110 = tpu.memref_squeeze %dma_wait3A_109 : memref<1x80xi32, #tpu.memory_space<vmem>> -> memref<80xi32, #tpu.memory_space<vmem>>
      %dma_wait3A_111 = arith.constant 0 : i32
      %dma_wait3A_112 = arith.constant 0 : i32
      %dma_wait3A_113 = tpu.memref_slice %arg8[%dma_wait3A_111, %dma_wait3A_112] : memref<10000x80xf32, #tpu.memory_space<vmem_shared>> -> memref<10000x80xf32, #tpu.memory_space<vmem_shared>>
      tpu.wait_indirect_dma semaphore(%run_scoped3A_101 : memref<!tpu.dma_semaphore, #tpu.memory_space<semaphore_mem>>) src(%arg10 : memref<80x80xf32, #tpu.memory_space<vmem>>) dst(%dma_wait3A_113 : memref<10000x80xf32, #tpu.memory_space<vmem_shared>>)
      tpu.yield
    }) : () -> ()
    %dma_wait3A_72 = arith.constant 122 : i32
    %dma_wait3A_73 = arith.constant 0 : i32
    %dma_wait3A_74 = tpu.memref_slice %arg5[%dma_wait3A_72, %dma_wait3A_73] : memref<125x80xi32, #tpu.memory_space<vmem>> -> memref<1x80xi32, #tpu.memory_space<vmem>>
    %dma_wait3A_75 = tpu.memref_squeeze %dma_wait3A_74 : memref<1x80xi32, #tpu.memory_space<vmem>> -> memref<80xi32, #tpu.memory_space<vmem>>
    %dma_wait3A_76 = arith.constant 0 : i32
    %dma_wait3A_77 = arith.constant 0 : i32
    %dma_wait3A_78 = tpu.memref_slice %arg2[%dma_wait3A_76, %dma_wait3A_77] : memref<10000x80xf32, #tpu.memory_space<hbm>> -> memref<10000x80xf32, #tpu.memory_space<hbm>>
    tpu.wait_indirect_dma semaphore(%arg16 : memref<!tpu.dma_semaphore, #tpu.memory_space<semaphore_mem>>) src(%dma_wait3A_78 : memref<10000x80xf32, #tpu.memory_space<hbm>>) dst(%arg11 : memref<80x80xf32, #tpu.memory_space<vmem>>)
    %run_scoped3A_79 = arith.constant 122 : i32
    "tpu.region"() ({
      %run_scoped3A_101 = tpu.sem_alloc : memref<!tpu.dma_semaphore, #tpu.memory_space<semaphore_mem>>
      %dma_start3A_102 = arith.constant 0 : i32
      %dma_start3A_103 = tpu.memref_slice %arg6[%run_scoped3A_79, %dma_start3A_102] : memref<125x80xi32, #tpu.memory_space<vmem>> -> memref<1x80xi32, #tpu.memory_space<vmem>>
      %dma_start3A_104 = tpu.memref_squeeze %dma_start3A_103 : memref<1x80xi32, #tpu.memory_space<vmem>> -> memref<80xi32, #tpu.memory_space<vmem>>
      %dma_start3A_105 = arith.constant 0 : i32
      %dma_start3A_106 = arith.constant 0 : i32
      %dma_start3A_107 = tpu.memref_slice %arg8[%dma_start3A_105, %dma_start3A_106] : memref<10000x80xf32, #tpu.memory_space<vmem_shared>> -> memref<10000x80xf32, #tpu.memory_space<vmem_shared>>
      tpu.enqueue_indirect_dma source(%arg11 : memref<80x80xf32, #tpu.memory_space<vmem>>) target(%dma_start3A_107 : memref<10000x80xf32, #tpu.memory_space<vmem_shared>>) offsets(%dma_start3A_104 : memref<80xi32, #tpu.memory_space<vmem>>) semaphore(%run_scoped3A_101 : memref<!tpu.dma_semaphore, #tpu.memory_space<semaphore_mem>>) {add = true}
      %dma_wait3A_108 = arith.constant 0 : i32
      %dma_wait3A_109 = tpu.memref_slice %arg6[%run_scoped3A_79, %dma_wait3A_108] : memref<125x80xi32, #tpu.memory_space<vmem>> -> memref<1x80xi32, #tpu.memory_space<vmem>>
      %dma_wait3A_110 = tpu.memref_squeeze %dma_wait3A_109 : memref<1x80xi32, #tpu.memory_space<vmem>> -> memref<80xi32, #tpu.memory_space<vmem>>
      %dma_wait3A_111 = arith.constant 0 : i32
      %dma_wait3A_112 = arith.constant 0 : i32
      %dma_wait3A_113 = tpu.memref_slice %arg8[%dma_wait3A_111, %dma_wait3A_112] : memref<10000x80xf32, #tpu.memory_space<vmem_shared>> -> memref<10000x80xf32, #tpu.memory_space<vmem_shared>>
      tpu.wait_indirect_dma semaphore(%run_scoped3A_101 : memref<!tpu.dma_semaphore, #tpu.memory_space<semaphore_mem>>) src(%arg11 : memref<80x80xf32, #tpu.memory_space<vmem>>) dst(%dma_wait3A_113 : memref<10000x80xf32, #tpu.memory_space<vmem_shared>>)
      tpu.yield
    }) : () -> ()
    %dma_wait3A_80 = arith.constant 123 : i32
    %dma_wait3A_81 = arith.constant 0 : i32
    %dma_wait3A_82 = tpu.memref_slice %arg5[%dma_wait3A_80, %dma_wait3A_81] : memref<125x80xi32, #tpu.memory_space<vmem>> -> memref<1x80xi32, #tpu.memory_space<vmem>>
    %dma_wait3A_83 = tpu.memref_squeeze %dma_wait3A_82 : memref<1x80xi32, #tpu.memory_space<vmem>> -> memref<80xi32, #tpu.memory_space<vmem>>
    %dma_wait3A_84 = arith.constant 0 : i32
    %dma_wait3A_85 = arith.constant 0 : i32
    %dma_wait3A_86 = tpu.memref_slice %arg2[%dma_wait3A_84, %dma_wait3A_85] : memref<10000x80xf32, #tpu.memory_space<hbm>> -> memref<10000x80xf32, #tpu.memory_space<hbm>>
    tpu.wait_indirect_dma semaphore(%arg17 : memref<!tpu.dma_semaphore, #tpu.memory_space<semaphore_mem>>) src(%dma_wait3A_86 : memref<10000x80xf32, #tpu.memory_space<hbm>>) dst(%arg12 : memref<80x80xf32, #tpu.memory_space<vmem>>)
    %run_scoped3A_87 = arith.constant 123 : i32
    "tpu.region"() ({
      %run_scoped3A_101 = tpu.sem_alloc : memref<!tpu.dma_semaphore, #tpu.memory_space<semaphore_mem>>
      %dma_start3A_102 = arith.constant 0 : i32
      %dma_start3A_103 = tpu.memref_slice %arg6[%run_scoped3A_87, %dma_start3A_102] : memref<125x80xi32, #tpu.memory_space<vmem>> -> memref<1x80xi32, #tpu.memory_space<vmem>>
      %dma_start3A_104 = tpu.memref_squeeze %dma_start3A_103 : memref<1x80xi32, #tpu.memory_space<vmem>> -> memref<80xi32, #tpu.memory_space<vmem>>
      %dma_start3A_105 = arith.constant 0 : i32
      %dma_start3A_106 = arith.constant 0 : i32
      %dma_start3A_107 = tpu.memref_slice %arg8[%dma_start3A_105, %dma_start3A_106] : memref<10000x80xf32, #tpu.memory_space<vmem_shared>> -> memref<10000x80xf32, #tpu.memory_space<vmem_shared>>
      tpu.enqueue_indirect_dma source(%arg12 : memref<80x80xf32, #tpu.memory_space<vmem>>) target(%dma_start3A_107 : memref<10000x80xf32, #tpu.memory_space<vmem_shared>>) offsets(%dma_start3A_104 : memref<80xi32, #tpu.memory_space<vmem>>) semaphore(%run_scoped3A_101 : memref<!tpu.dma_semaphore, #tpu.memory_space<semaphore_mem>>) {add = true}
      %dma_wait3A_108 = arith.constant 0 : i32
      %dma_wait3A_109 = tpu.memref_slice %arg6[%run_scoped3A_87, %dma_wait3A_108] : memref<125x80xi32, #tpu.memory_space<vmem>> -> memref<1x80xi32, #tpu.memory_space<vmem>>
      %dma_wait3A_110 = tpu.memref_squeeze %dma_wait3A_109 : memref<1x80xi32, #tpu.memory_space<vmem>> -> memref<80xi32, #tpu.memory_space<vmem>>
      %dma_wait3A_111 = arith.constant 0 : i32
      %dma_wait3A_112 = arith.constant 0 : i32
      %dma_wait3A_113 = tpu.memref_slice %arg8[%dma_wait3A_111, %dma_wait3A_112] : memref<10000x80xf32, #tpu.memory_space<vmem_shared>> -> memref<10000x80xf32, #tpu.memory_space<vmem_shared>>
      tpu.wait_indirect_dma semaphore(%run_scoped3A_101 : memref<!tpu.dma_semaphore, #tpu.memory_space<semaphore_mem>>) src(%arg12 : memref<80x80xf32, #tpu.memory_space<vmem>>) dst(%dma_wait3A_113 : memref<10000x80xf32, #tpu.memory_space<vmem_shared>>)
      tpu.yield
    }) : () -> ()
    %dma_wait3A_88 = arith.constant 124 : i32
    %dma_wait3A_89 = arith.constant 0 : i32
    %dma_wait3A_90 = tpu.memref_slice %arg5[%dma_wait3A_88, %dma_wait3A_89] : memref<125x80xi32, #tpu.memory_space<vmem>> -> memref<1x80xi32, #tpu.memory_space<vmem>>
    %dma_wait3A_91 = tpu.memref_squeeze %dma_wait3A_90 : memref<1x80xi32, #tpu.memory_space<vmem>> -> memref<80xi32, #tpu.memory_space<vmem>>
    %dma_wait3A_92 = arith.constant 0 : i32
    %dma_wait3A_93 = arith.constant 0 : i32
    %dma_wait3A_94 = tpu.memref_slice %arg2[%dma_wait3A_92, %dma_wait3A_93] : memref<10000x80xf32, #tpu.memory_space<hbm>> -> memref<10000x80xf32, #tpu.memory_space<hbm>>
    tpu.wait_indirect_dma semaphore(%arg18 : memref<!tpu.dma_semaphore, #tpu.memory_space<semaphore_mem>>) src(%dma_wait3A_94 : memref<10000x80xf32, #tpu.memory_space<hbm>>) dst(%arg13 : memref<80x80xf32, #tpu.memory_space<vmem>>)
    %run_scoped3A_95 = arith.constant 124 : i32
    "tpu.region"() ({
      %run_scoped3A_101 = tpu.sem_alloc : memref<!tpu.dma_semaphore, #tpu.memory_space<semaphore_mem>>
      %dma_start3A_102 = arith.constant 0 : i32
      %dma_start3A_103 = tpu.memref_slice %arg6[%run_scoped3A_95, %dma_start3A_102] : memref<125x80xi32, #tpu.memory_space<vmem>> -> memref<1x80xi32, #tpu.memory_space<vmem>>
      %dma_start3A_104 = tpu.memref_squeeze %dma_start3A_103 : memref<1x80xi32, #tpu.memory_space<vmem>> -> memref<80xi32, #tpu.memory_space<vmem>>
      %dma_start3A_105 = arith.constant 0 : i32
      %dma_start3A_106 = arith.constant 0 : i32
      %dma_start3A_107 = tpu.memref_slice %arg8[%dma_start3A_105, %dma_start3A_106] : memref<10000x80xf32, #tpu.memory_space<vmem_shared>> -> memref<10000x80xf32, #tpu.memory_space<vmem_shared>>
      tpu.enqueue_indirect_dma source(%arg13 : memref<80x80xf32, #tpu.memory_space<vmem>>) target(%dma_start3A_107 : memref<10000x80xf32, #tpu.memory_space<vmem_shared>>) offsets(%dma_start3A_104 : memref<80xi32, #tpu.memory_space<vmem>>) semaphore(%run_scoped3A_101 : memref<!tpu.dma_semaphore, #tpu.memory_space<semaphore_mem>>) {add = true}
      %dma_wait3A_108 = arith.constant 0 : i32
      %dma_wait3A_109 = tpu.memref_slice %arg6[%run_scoped3A_95, %dma_wait3A_108] : memref<125x80xi32, #tpu.memory_space<vmem>> -> memref<1x80xi32, #tpu.memory_space<vmem>>
      %dma_wait3A_110 = tpu.memref_squeeze %dma_wait3A_109 : memref<1x80xi32, #tpu.memory_space<vmem>> -> memref<80xi32, #tpu.memory_space<vmem>>
      %dma_wait3A_111 = arith.constant 0 : i32
      %dma_wait3A_112 = arith.constant 0 : i32
      %dma_wait3A_113 = tpu.memref_slice %arg8[%dma_wait3A_111, %dma_wait3A_112] : memref<10000x80xf32, #tpu.memory_space<vmem_shared>> -> memref<10000x80xf32, #tpu.memory_space<vmem_shared>>
      tpu.wait_indirect_dma semaphore(%run_scoped3A_101 : memref<!tpu.dma_semaphore, #tpu.memory_space<semaphore_mem>>) src(%arg13 : memref<80x80xf32, #tpu.memory_space<vmem>>) dst(%dma_wait3A_113 : memref<10000x80xf32, #tpu.memory_space<vmem_shared>>)
      tpu.yield
    }) : () -> ()
    %barrier3A_96 = arith.constant 0 : index
    tpu.barrier barrier_id(%barrier3A_96)
    %mul3A_97 = arith.constant 625 : i32
    %mul3A_98 = arith.muli %arg1, %mul3A_97 : i32
    %mul3A_99 = arith.constant 625 : i32
    %mul3A_100 = arith.muli %arg1, %mul3A_99 : i32
    "tpu.region"() ({
      %run_scoped3A_101 = tpu.sem_alloc : memref<!tpu.dma_semaphore, #tpu.memory_space<semaphore_mem>>
      %dma_start3A_102 = arith.constant 0 : i32
      %dma_start3A_103 = tpu.memref_slice %arg4[%arg0, %mul3A_100, %dma_start3A_102] : memref<2x10000x128xf32, #tpu.memory_space<hbm>> -> memref<1x625x80xf32, #tpu.memory_space<hbm>>
      %dma_start3A_104 = tpu.memref_squeeze %dma_start3A_103 : memref<1x625x80xf32, #tpu.memory_space<hbm>> -> memref<625x80xf32, #tpu.memory_space<hbm>>
      %dma_start3A_105 = arith.constant 0 : i32
      %dma_start3A_106 = tpu.memref_slice %arg8[%mul3A_98, %dma_start3A_105] : memref<10000x80xf32, #tpu.memory_space<vmem_shared>> -> memref<625x80xf32, #tpu.memory_space<vmem_shared>>
      tpu.enqueue_dma source(%dma_start3A_106 : memref<625x80xf32, #tpu.memory_space<vmem_shared>>) target(%dma_start3A_104 : memref<625x80xf32, #tpu.memory_space<hbm>>) target_semaphore(%run_scoped3A_101 : memref<!tpu.dma_semaphore, #tpu.memory_space<semaphore_mem>>)
      %dma_wait3A_107 = arith.constant 0 : i32
      %dma_wait3A_108 = tpu.memref_slice %arg4[%arg0, %mul3A_100, %dma_wait3A_107] : memref<2x10000x128xf32, #tpu.memory_space<hbm>> -> memref<1x625x80xf32, #tpu.memory_space<hbm>>
      %dma_wait3A_109 = tpu.memref_squeeze %dma_wait3A_108 : memref<1x625x80xf32, #tpu.memory_space<hbm>> -> memref<625x80xf32, #tpu.memory_space<hbm>>
      %dma_wait3A_110 = arith.constant 0 : i32
      %dma_wait3A_111 = tpu.memref_slice %arg8[%mul3A_98, %dma_wait3A_110] : memref<10000x80xf32, #tpu.memory_space<vmem_shared>> -> memref<625x80xf32, #tpu.memory_space<vmem_shared>>
      tpu.wait_dma2 semaphore(%run_scoped3A_101 : memref<!tpu.dma_semaphore, #tpu.memory_space<semaphore_mem>>) src(%dma_wait3A_111 : memref<625x80xf32, #tpu.memory_space<vmem_shared>>) dst(%dma_wait3A_109 : memref<625x80xf32, #tpu.memory_space<hbm>>)
      tpu.yield
    }) : () -> ()
    return
  }
}

#map = affine_map<(d0, d1) -> (0, 0)>
#map1 = affine_map<(d0, d1) -> (0, 0, 0, 0)>
#map2 = affine_map<(d0, d1) -> (0, 0, 0)>
module attributes {stable_mosaic.version = 14 : i64} {
  func.func @body(%arg0: i32, %arg1: i32, %arg2: memref<10000x64xf32, #tpu.memory_space<hbm>>, %arg3: memref<2x32x125x80xi32, #tpu.memory_space<hbm>>, %arg4: memref<2x10000x128xf32, #tpu.memory_space<hbm>>, %arg5: memref<125x80xi32, #tpu.memory_space<vmem>>, %arg6: memref<125x80xi32, #tpu.memory_space<vmem>>, %arg7: memref<25x64xf32, #tpu.memory_space<vmem>>, %arg8: memref<10000x64xf32, #tpu.memory_space<vmem_shared>>, %arg9: memref<80x64xf32, #tpu.memory_space<vmem>>, %arg10: memref<80x64xf32, #tpu.memory_space<vmem>>, %arg11: memref<80x64xf32, #tpu.memory_space<vmem>>, %arg12: memref<80x64xf32, #tpu.memory_space<vmem>>, %arg13: memref<80x64xf32, #tpu.memory_space<vmem>>, %arg14: memref<!tpu.dma_semaphore, #tpu.memory_space<semaphore_mem>>, %arg15: memref<!tpu.dma_semaphore, #tpu.memory_space<semaphore_mem>>, %arg16: memref<!tpu.dma_semaphore, #tpu.memory_space<semaphore_mem>>, %arg17: memref<!tpu.dma_semaphore, #tpu.memory_space<semaphore_mem>>, %arg18: memref<!tpu.dma_semaphore, #tpu.memory_space<semaphore_mem>>) attributes {dimension_semantics = [#tpu.dimension_semantics<core_parallel>, #tpu.dimension_semantics<subcore_parallel>], iteration_bounds = array<i64: 2, 16>, scalar_prefetch = 0 : i64, scratch_operands = 14 : i64, tpu.core_type = #tpu.core_type<sc_vector_subcore>, window_params = [{transform_indices = #map}, {transform_indices = #map1}, {transform_indices = #map2}]} {
    %mul3A = arith.constant 2 : i32
    %mul3A_0 = arith.muli %arg1, %mul3A : i32
    %add3A = arith.addi %mul3A_0, %arg0 : i32
    %run_scoped3A = arith.constant 0 : i32
    "tpu.region"() ({
      %run_scoped3A_101 = tpu.sem_alloc : memref<!tpu.dma_semaphore, #tpu.memory_space<semaphore_mem>>
      %dma_start3A_102 = arith.constant 0 : i32
      %dma_start3A_103 = arith.constant 0 : i32
      %dma_start3A_104 = tpu.memref_slice %arg3[%run_scoped3A, %add3A, %dma_start3A_102, %dma_start3A_103] : memref<2x32x125x80xi32, #tpu.memory_space<hbm>> -> memref<1x1x125x80xi32, #tpu.memory_space<hbm>>
      %dma_start3A_105 = tpu.memref_squeeze %dma_start3A_104 : memref<1x1x125x80xi32, #tpu.memory_space<hbm>> -> memref<125x80xi32, #tpu.memory_space<hbm>>
      %dma_start3A_106 = arith.constant 0 : i32
      %dma_start3A_107 = arith.constant 0 : i32
      %dma_start3A_108 = tpu.memref_slice %arg3[%run_scoped3A, %add3A, %dma_start3A_106, %dma_start3A_107] : memref<2x32x125x80xi32, #tpu.memory_space<hbm>> -> memref<1x1x125x80xi32, #tpu.memory_space<hbm>>
      %dma_start3A_109 = tpu.memref_squeeze %dma_start3A_108 : memref<1x1x125x80xi32, #tpu.memory_space<hbm>> -> memref<125x80xi32, #tpu.memory_space<hbm>>
      tpu.enqueue_dma source(%dma_start3A_109 : memref<125x80xi32, #tpu.memory_space<hbm>>) target(%arg5 : memref<125x80xi32, #tpu.memory_space<vmem>>) target_semaphore(%run_scoped3A_101 : memref<!tpu.dma_semaphore, #tpu.memory_space<semaphore_mem>>)
      %dma_wait3A_110 = arith.constant 0 : i32
      %dma_wait3A_111 = arith.constant 0 : i32
      %dma_wait3A_112 = tpu.memref_slice %arg3[%run_scoped3A, %add3A, %dma_wait3A_110, %dma_wait3A_111] : memref<2x32x125x80xi32, #tpu.memory_space<hbm>> -> memref<1x1x125x80xi32, #tpu.memory_space<hbm>>
      %dma_wait3A_113 = tpu.memref_squeeze %dma_wait3A_112 : memref<1x1x125x80xi32, #tpu.memory_space<hbm>> -> memref<125x80xi32, #tpu.memory_space<hbm>>
      %dma_wait3A_114 = arith.constant 0 : i32
      %dma_wait3A_115 = arith.constant 0 : i32
      %dma_wait3A_116 = tpu.memref_slice %arg3[%run_scoped3A, %add3A, %dma_wait3A_114, %dma_wait3A_115] : memref<2x32x125x80xi32, #tpu.memory_space<hbm>> -> memref<1x1x125x80xi32, #tpu.memory_space<hbm>>
      %dma_wait3A_117 = tpu.memref_squeeze %dma_wait3A_116 : memref<1x1x125x80xi32, #tpu.memory_space<hbm>> -> memref<125x80xi32, #tpu.memory_space<hbm>>
      tpu.wait_dma2 semaphore(%run_scoped3A_101 : memref<!tpu.dma_semaphore, #tpu.memory_space<semaphore_mem>>) src(%dma_wait3A_117 : memref<125x80xi32, #tpu.memory_space<hbm>>) dst(%arg5 : memref<125x80xi32, #tpu.memory_space<vmem>>)
      tpu.yield
    }) : () -> ()
    %run_scoped3A_1 = arith.constant 1 : i32
    "tpu.region"() ({
      %run_scoped3A_101 = tpu.sem_alloc : memref<!tpu.dma_semaphore, #tpu.memory_space<semaphore_mem>>
      %dma_start3A_102 = arith.constant 0 : i32
      %dma_start3A_103 = arith.constant 0 : i32
      %dma_start3A_104 = tpu.memref_slice %arg3[%run_scoped3A_1, %add3A, %dma_start3A_102, %dma_start3A_103] : memref<2x32x125x80xi32, #tpu.memory_space<hbm>> -> memref<1x1x125x80xi32, #tpu.memory_space<hbm>>
      %dma_start3A_105 = tpu.memref_squeeze %dma_start3A_104 : memref<1x1x125x80xi32, #tpu.memory_space<hbm>> -> memref<125x80xi32, #tpu.memory_space<hbm>>
      %dma_start3A_106 = arith.constant 0 : i32
      %dma_start3A_107 = arith.constant 0 : i32
      %dma_start3A_108 = tpu.memref_slice %arg3[%run_scoped3A_1, %add3A, %dma_start3A_106, %dma_start3A_107] : memref<2x32x125x80xi32, #tpu.memory_space<hbm>> -> memref<1x1x125x80xi32, #tpu.memory_space<hbm>>
      %dma_start3A_109 = tpu.memref_squeeze %dma_start3A_108 : memref<1x1x125x80xi32, #tpu.memory_space<hbm>> -> memref<125x80xi32, #tpu.memory_space<hbm>>
      tpu.enqueue_dma source(%dma_start3A_109 : memref<125x80xi32, #tpu.memory_space<hbm>>) target(%arg6 : memref<125x80xi32, #tpu.memory_space<vmem>>) target_semaphore(%run_scoped3A_101 : memref<!tpu.dma_semaphore, #tpu.memory_space<semaphore_mem>>)
      %dma_wait3A_110 = arith.constant 0 : i32
      %dma_wait3A_111 = arith.constant 0 : i32
      %dma_wait3A_112 = tpu.memref_slice %arg3[%run_scoped3A_1, %add3A, %dma_wait3A_110, %dma_wait3A_111] : memref<2x32x125x80xi32, #tpu.memory_space<hbm>> -> memref<1x1x125x80xi32, #tpu.memory_space<hbm>>
      %dma_wait3A_113 = tpu.memref_squeeze %dma_wait3A_112 : memref<1x1x125x80xi32, #tpu.memory_space<hbm>> -> memref<125x80xi32, #tpu.memory_space<hbm>>
      %dma_wait3A_114 = arith.constant 0 : i32
      %dma_wait3A_115 = arith.constant 0 : i32
      %dma_wait3A_116 = tpu.memref_slice %arg3[%run_scoped3A_1, %add3A, %dma_wait3A_114, %dma_wait3A_115] : memref<2x32x125x80xi32, #tpu.memory_space<hbm>> -> memref<1x1x125x80xi32, #tpu.memory_space<hbm>>
      %dma_wait3A_117 = tpu.memref_squeeze %dma_wait3A_116 : memref<1x1x125x80xi32, #tpu.memory_space<hbm>> -> memref<125x80xi32, #tpu.memory_space<hbm>>
      tpu.wait_dma2 semaphore(%run_scoped3A_101 : memref<!tpu.dma_semaphore, #tpu.memory_space<semaphore_mem>>) src(%dma_wait3A_117 : memref<125x80xi32, #tpu.memory_space<hbm>>) dst(%arg6 : memref<125x80xi32, #tpu.memory_space<vmem>>)
      tpu.yield
    }) : () -> ()
    %broadcast_in_dim3A = arith.constant 0.000000e+00 : f32
    %broadcast_in_dim3A_2 = vector.broadcast %broadcast_in_dim3A : f32 to vector<16xf32>
    %scan3A = arith.constant 0 : i32
    %scan3A_3 = arith.constant 0 : i32
    %scan3A_4 = arith.constant 25 : i32
    %scan3A_5 = arith.addi %scan3A_3, %scan3A_4 : i32
    %scan3A_6 = arith.constant 1 : i32
    %scan3A_7 = scf.for %scan3A_101 = %scan3A_3 to %scan3A_5 step %scan3A_6 iter_args(%scan3A_102 = %scan3A) -> (i32)  : i32 {
      %swap3A = arith.index_cast %scan3A_101 : i32 to index
      %swap3A_103 = arith.constant 0 : index
      %swap3A_104 = tpu.vector_load %arg7[%swap3A, %swap3A_103] {strides = array<i32>} : memref<25x64xf32, #tpu.memory_space<vmem>>, vector<1x16xf32>,
      %swap3A_105 = vector.shape_cast %swap3A_104 : vector<1x16xf32> to vector<16xf32>
      %swap3A_106 = vector.shape_cast %broadcast_in_dim3A_2 : vector<16xf32> to vector<1x16xf32>
      tpu.vector_store %arg7[%swap3A, %swap3A_103], %swap3A_106 {strides = array<i32>} : memref<25x64xf32, #tpu.memory_space<vmem>>, vector<1x16xf32>,
      %swap3A_107 = arith.index_cast %scan3A_101 : i32 to index
      %swap3A_108 = arith.constant 16 : index
      %swap3A_109 = tpu.vector_load %arg7[%swap3A_107, %swap3A_108] {strides = array<i32>} : memref<25x64xf32, #tpu.memory_space<vmem>>, vector<1x16xf32>,
      %swap3A_110 = vector.shape_cast %swap3A_109 : vector<1x16xf32> to vector<16xf32>
      %swap3A_111 = vector.shape_cast %broadcast_in_dim3A_2 : vector<16xf32> to vector<1x16xf32>
      tpu.vector_store %arg7[%swap3A_107, %swap3A_108], %swap3A_111 {strides = array<i32>} : memref<25x64xf32, #tpu.memory_space<vmem>>, vector<1x16xf32>,
      %swap3A_112 = arith.index_cast %scan3A_101 : i32 to index
      %swap3A_113 = arith.constant 32 : index
      %swap3A_114 = tpu.vector_load %arg7[%swap3A_112, %swap3A_113] {strides = array<i32>} : memref<25x64xf32, #tpu.memory_space<vmem>>, vector<1x16xf32>,
      %swap3A_115 = vector.shape_cast %swap3A_114 : vector<1x16xf32> to vector<16xf32>
      %swap3A_116 = vector.shape_cast %broadcast_in_dim3A_2 : vector<16xf32> to vector<1x16xf32>
      tpu.vector_store %arg7[%swap3A_112, %swap3A_113], %swap3A_116 {strides = array<i32>} : memref<25x64xf32, #tpu.memory_space<vmem>>, vector<1x16xf32>,
      %swap3A_117 = arith.index_cast %scan3A_101 : i32 to index
      %swap3A_118 = arith.constant 48 : index
      %swap3A_119 = tpu.vector_load %arg7[%swap3A_117, %swap3A_118] {strides = array<i32>} : memref<25x64xf32, #tpu.memory_space<vmem>>, vector<1x16xf32>,
      %swap3A_120 = vector.shape_cast %swap3A_119 : vector<1x16xf32> to vector<16xf32>
      %swap3A_121 = vector.shape_cast %broadcast_in_dim3A_2 : vector<16xf32> to vector<1x16xf32>
      tpu.vector_store %arg7[%swap3A_117, %swap3A_118], %swap3A_121 {strides = array<i32>} : memref<25x64xf32, #tpu.memory_space<vmem>>, vector<1x16xf32>,
      %scan3A_122 = arith.constant 0 : i32
      scf.yield %scan3A_122 : i32
    }
    %scan3A_8 = arith.constant 25 : i32
    %scan3A_9 = arith.constant 0 : i32
    %scan3A_10 = arith.constant 0 : i32
    %scan3A_11 = arith.constant 25 : i32
    %scan3A_12 = arith.addi %scan3A_10, %scan3A_11 : i32
    %scan3A_13 = arith.constant 1 : i32
    %scan3A_14 = scf.for %scan3A_101 = %scan3A_10 to %scan3A_12 step %scan3A_13 iter_args(%scan3A_102 = %scan3A_9) -> (i32)  : i32 {
      %mul3A_103 = arith.constant 625 : i32
      %mul3A_104 = arith.muli %arg1, %mul3A_103 : i32
      %mul3A_105 = arith.constant 25 : i32
      %mul3A_106 = arith.muli %scan3A_101, %mul3A_105 : i32
      %add3A_107 = arith.addi %mul3A_104, %mul3A_106 : i32
      "tpu.region"() ({
        %run_scoped3A_109 = tpu.sem_alloc : memref<!tpu.dma_semaphore, #tpu.memory_space<semaphore_mem>>
        %dma_start3A_110 = arith.constant 0 : i32
        %dma_start3A_111 = tpu.memref_slice %arg8[%add3A_107, %dma_start3A_110] : memref<10000x64xf32, #tpu.memory_space<vmem_shared>> -> memref<25x64xf32, #tpu.memory_space<vmem_shared>>
        %dma_start3A_112 = arith.constant 0 : i32
        %dma_start3A_113 = tpu.memref_slice %arg8[%add3A_107, %dma_start3A_112] : memref<10000x64xf32, #tpu.memory_space<vmem_shared>> -> memref<25x64xf32, #tpu.memory_space<vmem_shared>>
        tpu.enqueue_dma source(%arg7 : memref<25x64xf32, #tpu.memory_space<vmem>>) target(%dma_start3A_113 : memref<25x64xf32, #tpu.memory_space<vmem_shared>>) target_semaphore(%run_scoped3A_109 : memref<!tpu.dma_semaphore, #tpu.memory_space<semaphore_mem>>)
        %dma_wait3A_114 = arith.constant 0 : i32
        %dma_wait3A_115 = tpu.memref_slice %arg8[%add3A_107, %dma_wait3A_114] : memref<10000x64xf32, #tpu.memory_space<vmem_shared>> -> memref<25x64xf32, #tpu.memory_space<vmem_shared>>
        %dma_wait3A_116 = arith.constant 0 : i32
        %dma_wait3A_117 = tpu.memref_slice %arg8[%add3A_107, %dma_wait3A_116] : memref<10000x64xf32, #tpu.memory_space<vmem_shared>> -> memref<25x64xf32, #tpu.memory_space<vmem_shared>>
        tpu.wait_dma2 semaphore(%run_scoped3A_109 : memref<!tpu.dma_semaphore, #tpu.memory_space<semaphore_mem>>) src(%arg7 : memref<25x64xf32, #tpu.memory_space<vmem>>) dst(%dma_wait3A_117 : memref<25x64xf32, #tpu.memory_space<vmem_shared>>)
        tpu.yield
      }) : () -> ()
      %scan3A_108 = arith.constant 0 : i32
      scf.yield %scan3A_108 : i32
    }
    %scan3A_15 = arith.constant 25 : i32
    %barrier3A = arith.constant 0 : index
    tpu.barrier barrier_id(%barrier3A)
    %dma_start3A = arith.constant 0 : i32
    %dma_start3A_16 = arith.constant 0 : i32
    %dma_start3A_17 = tpu.memref_slice %arg5[%dma_start3A, %dma_start3A_16] : memref<125x80xi32, #tpu.memory_space<vmem>> -> memref<1x80xi32, #tpu.memory_space<vmem>>
    %dma_start3A_18 = tpu.memref_squeeze %dma_start3A_17 : memref<1x80xi32, #tpu.memory_space<vmem>> -> memref<80xi32, #tpu.memory_space<vmem>>
    %dma_start3A_19 = arith.constant 0 : i32
    %dma_start3A_20 = arith.constant 0 : i32
    %dma_start3A_21 = tpu.memref_slice %arg2[%dma_start3A_19, %dma_start3A_20] : memref<10000x64xf32, #tpu.memory_space<hbm>> -> memref<10000x64xf32, #tpu.memory_space<hbm>>
    tpu.enqueue_indirect_dma source(%dma_start3A_21 : memref<10000x64xf32, #tpu.memory_space<hbm>>) target(%arg9 : memref<80x64xf32, #tpu.memory_space<vmem>>) offsets(%dma_start3A_18 : memref<80xi32, #tpu.memory_space<vmem>>) semaphore(%arg14 : memref<!tpu.dma_semaphore, #tpu.memory_space<semaphore_mem>>)
    %dma_start3A_22 = arith.constant 1 : i32
    %dma_start3A_23 = arith.constant 0 : i32
    %dma_start3A_24 = tpu.memref_slice %arg5[%dma_start3A_22, %dma_start3A_23] : memref<125x80xi32, #tpu.memory_space<vmem>> -> memref<1x80xi32, #tpu.memory_space<vmem>>
    %dma_start3A_25 = tpu.memref_squeeze %dma_start3A_24 : memref<1x80xi32, #tpu.memory_space<vmem>> -> memref<80xi32, #tpu.memory_space<vmem>>
    %dma_start3A_26 = arith.constant 0 : i32
    %dma_start3A_27 = arith.constant 0 : i32
    %dma_start3A_28 = tpu.memref_slice %arg2[%dma_start3A_26, %dma_start3A_27] : memref<10000x64xf32, #tpu.memory_space<hbm>> -> memref<10000x64xf32, #tpu.memory_space<hbm>>
    tpu.enqueue_indirect_dma source(%dma_start3A_28 : memref<10000x64xf32, #tpu.memory_space<hbm>>) target(%arg10 : memref<80x64xf32, #tpu.memory_space<vmem>>) offsets(%dma_start3A_25 : memref<80xi32, #tpu.memory_space<vmem>>) semaphore(%arg15 : memref<!tpu.dma_semaphore, #tpu.memory_space<semaphore_mem>>)
    %dma_start3A_29 = arith.constant 2 : i32
    %dma_start3A_30 = arith.constant 0 : i32
    %dma_start3A_31 = tpu.memref_slice %arg5[%dma_start3A_29, %dma_start3A_30] : memref<125x80xi32, #tpu.memory_space<vmem>> -> memref<1x80xi32, #tpu.memory_space<vmem>>
    %dma_start3A_32 = tpu.memref_squeeze %dma_start3A_31 : memref<1x80xi32, #tpu.memory_space<vmem>> -> memref<80xi32, #tpu.memory_space<vmem>>
    %dma_start3A_33 = arith.constant 0 : i32
    %dma_start3A_34 = arith.constant 0 : i32
    %dma_start3A_35 = tpu.memref_slice %arg2[%dma_start3A_33, %dma_start3A_34] : memref<10000x64xf32, #tpu.memory_space<hbm>> -> memref<10000x64xf32, #tpu.memory_space<hbm>>
    tpu.enqueue_indirect_dma source(%dma_start3A_35 : memref<10000x64xf32, #tpu.memory_space<hbm>>) target(%arg11 : memref<80x64xf32, #tpu.memory_space<vmem>>) offsets(%dma_start3A_32 : memref<80xi32, #tpu.memory_space<vmem>>) semaphore(%arg16 : memref<!tpu.dma_semaphore, #tpu.memory_space<semaphore_mem>>)
    %dma_start3A_36 = arith.constant 3 : i32
    %dma_start3A_37 = arith.constant 0 : i32
    %dma_start3A_38 = tpu.memref_slice %arg5[%dma_start3A_36, %dma_start3A_37] : memref<125x80xi32, #tpu.memory_space<vmem>> -> memref<1x80xi32, #tpu.memory_space<vmem>>
    %dma_start3A_39 = tpu.memref_squeeze %dma_start3A_38 : memref<1x80xi32, #tpu.memory_space<vmem>> -> memref<80xi32, #tpu.memory_space<vmem>>
    %dma_start3A_40 = arith.constant 0 : i32
    %dma_start3A_41 = arith.constant 0 : i32
    %dma_start3A_42 = tpu.memref_slice %arg2[%dma_start3A_40, %dma_start3A_41] : memref<10000x64xf32, #tpu.memory_space<hbm>> -> memref<10000x64xf32, #tpu.memory_space<hbm>>
    tpu.enqueue_indirect_dma source(%dma_start3A_42 : memref<10000x64xf32, #tpu.memory_space<hbm>>) target(%arg12 : memref<80x64xf32, #tpu.memory_space<vmem>>) offsets(%dma_start3A_39 : memref<80xi32, #tpu.memory_space<vmem>>) semaphore(%arg17 : memref<!tpu.dma_semaphore, #tpu.memory_space<semaphore_mem>>)
    %dma_start3A_43 = arith.constant 4 : i32
    %dma_start3A_44 = arith.constant 0 : i32
    %dma_start3A_45 = tpu.memref_slice %arg5[%dma_start3A_43, %dma_start3A_44] : memref<125x80xi32, #tpu.memory_space<vmem>> -> memref<1x80xi32, #tpu.memory_space<vmem>>
    %dma_start3A_46 = tpu.memref_squeeze %dma_start3A_45 : memref<1x80xi32, #tpu.memory_space<vmem>> -> memref<80xi32, #tpu.memory_space<vmem>>
    %dma_start3A_47 = arith.constant 0 : i32
    %dma_start3A_48 = arith.constant 0 : i32
    %dma_start3A_49 = tpu.memref_slice %arg2[%dma_start3A_47, %dma_start3A_48] : memref<10000x64xf32, #tpu.memory_space<hbm>> -> memref<10000x64xf32, #tpu.memory_space<hbm>>
    tpu.enqueue_indirect_dma source(%dma_start3A_49 : memref<10000x64xf32, #tpu.memory_space<hbm>>) target(%arg13 : memref<80x64xf32, #tpu.memory_space<vmem>>) offsets(%dma_start3A_46 : memref<80xi32, #tpu.memory_space<vmem>>) semaphore(%arg18 : memref<!tpu.dma_semaphore, #tpu.memory_space<semaphore_mem>>)
    %scan3A_50 = arith.constant 0 : i32
    %scan3A_51 = arith.constant 0 : i32
    %scan3A_52 = arith.constant 24 : i32
    %scan3A_53 = arith.addi %scan3A_51, %scan3A_52 : i32
    %scan3A_54 = arith.constant 1 : i32
    %scan3A_55 = scf.for %scan3A_101 = %scan3A_51 to %scan3A_53 step %scan3A_54 iter_args(%scan3A_102 = %scan3A_50) -> (i32)  : i32 {
      %mul3A_103 = arith.constant 5 : i32
      %mul3A_104 = arith.muli %scan3A_101, %mul3A_103 : i32
      %add3A_105 = arith.constant 0 : i32
      %add3A_106 = arith.addi %mul3A_104, %add3A_105 : i32
      %dma_wait3A_107 = arith.constant 0 : i32
      %dma_wait3A_108 = tpu.memref_slice %arg5[%add3A_106, %dma_wait3A_107] : memref<125x80xi32, #tpu.memory_space<vmem>> -> memref<1x80xi32, #tpu.memory_space<vmem>>
      %dma_wait3A_109 = tpu.memref_squeeze %dma_wait3A_108 : memref<1x80xi32, #tpu.memory_space<vmem>> -> memref<80xi32, #tpu.memory_space<vmem>>
      %dma_wait3A_110 = arith.constant 0 : i32
      %dma_wait3A_111 = arith.constant 0 : i32
      %dma_wait3A_112 = tpu.memref_slice %arg2[%dma_wait3A_110, %dma_wait3A_111] : memref<10000x64xf32, #tpu.memory_space<hbm>> -> memref<10000x64xf32, #tpu.memory_space<hbm>>
      tpu.wait_indirect_dma semaphore(%arg14 : memref<!tpu.dma_semaphore, #tpu.memory_space<semaphore_mem>>) src(%dma_wait3A_112 : memref<10000x64xf32, #tpu.memory_space<hbm>>) dst(%arg9 : memref<80x64xf32, #tpu.memory_space<vmem>>)
      "tpu.region"() ({
        %run_scoped3A_196 = tpu.sem_alloc : memref<!tpu.dma_semaphore, #tpu.memory_space<semaphore_mem>>
        %dma_start3A_197 = arith.constant 0 : i32
        %dma_start3A_198 = tpu.memref_slice %arg6[%add3A_106, %dma_start3A_197] : memref<125x80xi32, #tpu.memory_space<vmem>> -> memref<1x80xi32, #tpu.memory_space<vmem>>
        %dma_start3A_199 = tpu.memref_squeeze %dma_start3A_198 : memref<1x80xi32, #tpu.memory_space<vmem>> -> memref<80xi32, #tpu.memory_space<vmem>>
        %dma_start3A_200 = arith.constant 0 : i32
        %dma_start3A_201 = arith.constant 0 : i32
        %dma_start3A_202 = tpu.memref_slice %arg8[%dma_start3A_200, %dma_start3A_201] : memref<10000x64xf32, #tpu.memory_space<vmem_shared>> -> memref<10000x64xf32, #tpu.memory_space<vmem_shared>>
        tpu.enqueue_indirect_dma source(%arg9 : memref<80x64xf32, #tpu.memory_space<vmem>>) target(%dma_start3A_202 : memref<10000x64xf32, #tpu.memory_space<vmem_shared>>) offsets(%dma_start3A_199 : memref<80xi32, #tpu.memory_space<vmem>>) semaphore(%run_scoped3A_196 : memref<!tpu.dma_semaphore, #tpu.memory_space<semaphore_mem>>) {add = true}
        %dma_wait3A_203 = arith.constant 0 : i32
        %dma_wait3A_204 = tpu.memref_slice %arg6[%add3A_106, %dma_wait3A_203] : memref<125x80xi32, #tpu.memory_space<vmem>> -> memref<1x80xi32, #tpu.memory_space<vmem>>
        %dma_wait3A_205 = tpu.memref_squeeze %dma_wait3A_204 : memref<1x80xi32, #tpu.memory_space<vmem>> -> memref<80xi32, #tpu.memory_space<vmem>>
        %dma_wait3A_206 = arith.constant 0 : i32
        %dma_wait3A_207 = arith.constant 0 : i32
        %dma_wait3A_208 = tpu.memref_slice %arg8[%dma_wait3A_206, %dma_wait3A_207] : memref<10000x64xf32, #tpu.memory_space<vmem_shared>> -> memref<10000x64xf32, #tpu.memory_space<vmem_shared>>
        tpu.wait_indirect_dma semaphore(%run_scoped3A_196 : memref<!tpu.dma_semaphore, #tpu.memory_space<semaphore_mem>>) src(%arg9 : memref<80x64xf32, #tpu.memory_space<vmem>>) dst(%dma_wait3A_208 : memref<10000x64xf32, #tpu.memory_space<vmem_shared>>)
        tpu.yield
      }) : () -> ()
      %add3A_113 = arith.constant 0 : i32
      %add3A_114 = arith.addi %mul3A_104, %add3A_113 : i32
      %add3A_115 = arith.constant 5 : i32
      %add3A_116 = arith.addi %add3A_114, %add3A_115 : i32
      %dma_start3A_117 = arith.constant 0 : i32
      %dma_start3A_118 = tpu.memref_slice %arg5[%add3A_116, %dma_start3A_117] : memref<125x80xi32, #tpu.memory_space<vmem>> -> memref<1x80xi32, #tpu.memory_space<vmem>>
      %dma_start3A_119 = tpu.memref_squeeze %dma_start3A_118 : memref<1x80xi32, #tpu.memory_space<vmem>> -> memref<80xi32, #tpu.memory_space<vmem>>
      %dma_start3A_120 = arith.constant 0 : i32
      %dma_start3A_121 = arith.constant 0 : i32
      %dma_start3A_122 = tpu.memref_slice %arg2[%dma_start3A_120, %dma_start3A_121] : memref<10000x64xf32, #tpu.memory_space<hbm>> -> memref<10000x64xf32, #tpu.memory_space<hbm>>
      tpu.enqueue_indirect_dma source(%dma_start3A_122 : memref<10000x64xf32, #tpu.memory_space<hbm>>) target(%arg9 : memref<80x64xf32, #tpu.memory_space<vmem>>) offsets(%dma_start3A_119 : memref<80xi32, #tpu.memory_space<vmem>>) semaphore(%arg14 : memref<!tpu.dma_semaphore, #tpu.memory_space<semaphore_mem>>)
      %add3A_123 = arith.constant 1 : i32
      %add3A_124 = arith.addi %mul3A_104, %add3A_123 : i32
      %dma_wait3A_125 = arith.constant 0 : i32
      %dma_wait3A_126 = tpu.memref_slice %arg5[%add3A_124, %dma_wait3A_125] : memref<125x80xi32, #tpu.memory_space<vmem>> -> memref<1x80xi32, #tpu.memory_space<vmem>>
      %dma_wait3A_127 = tpu.memref_squeeze %dma_wait3A_126 : memref<1x80xi32, #tpu.memory_space<vmem>> -> memref<80xi32, #tpu.memory_space<vmem>>
      %dma_wait3A_128 = arith.constant 0 : i32
      %dma_wait3A_129 = arith.constant 0 : i32
      %dma_wait3A_130 = tpu.memref_slice %arg2[%dma_wait3A_128, %dma_wait3A_129] : memref<10000x64xf32, #tpu.memory_space<hbm>> -> memref<10000x64xf32, #tpu.memory_space<hbm>>
      tpu.wait_indirect_dma semaphore(%arg15 : memref<!tpu.dma_semaphore, #tpu.memory_space<semaphore_mem>>) src(%dma_wait3A_130 : memref<10000x64xf32, #tpu.memory_space<hbm>>) dst(%arg10 : memref<80x64xf32, #tpu.memory_space<vmem>>)
      "tpu.region"() ({
        %run_scoped3A_196 = tpu.sem_alloc : memref<!tpu.dma_semaphore, #tpu.memory_space<semaphore_mem>>
        %dma_start3A_197 = arith.constant 0 : i32
        %dma_start3A_198 = tpu.memref_slice %arg6[%add3A_124, %dma_start3A_197] : memref<125x80xi32, #tpu.memory_space<vmem>> -> memref<1x80xi32, #tpu.memory_space<vmem>>
        %dma_start3A_199 = tpu.memref_squeeze %dma_start3A_198 : memref<1x80xi32, #tpu.memory_space<vmem>> -> memref<80xi32, #tpu.memory_space<vmem>>
        %dma_start3A_200 = arith.constant 0 : i32
        %dma_start3A_201 = arith.constant 0 : i32
        %dma_start3A_202 = tpu.memref_slice %arg8[%dma_start3A_200, %dma_start3A_201] : memref<10000x64xf32, #tpu.memory_space<vmem_shared>> -> memref<10000x64xf32, #tpu.memory_space<vmem_shared>>
        tpu.enqueue_indirect_dma source(%arg10 : memref<80x64xf32, #tpu.memory_space<vmem>>) target(%dma_start3A_202 : memref<10000x64xf32, #tpu.memory_space<vmem_shared>>) offsets(%dma_start3A_199 : memref<80xi32, #tpu.memory_space<vmem>>) semaphore(%run_scoped3A_196 : memref<!tpu.dma_semaphore, #tpu.memory_space<semaphore_mem>>) {add = true}
        %dma_wait3A_203 = arith.constant 0 : i32
        %dma_wait3A_204 = tpu.memref_slice %arg6[%add3A_124, %dma_wait3A_203] : memref<125x80xi32, #tpu.memory_space<vmem>> -> memref<1x80xi32, #tpu.memory_space<vmem>>
        %dma_wait3A_205 = tpu.memref_squeeze %dma_wait3A_204 : memref<1x80xi32, #tpu.memory_space<vmem>> -> memref<80xi32, #tpu.memory_space<vmem>>
        %dma_wait3A_206 = arith.constant 0 : i32
        %dma_wait3A_207 = arith.constant 0 : i32
        %dma_wait3A_208 = tpu.memref_slice %arg8[%dma_wait3A_206, %dma_wait3A_207] : memref<10000x64xf32, #tpu.memory_space<vmem_shared>> -> memref<10000x64xf32, #tpu.memory_space<vmem_shared>>
        tpu.wait_indirect_dma semaphore(%run_scoped3A_196 : memref<!tpu.dma_semaphore, #tpu.memory_space<semaphore_mem>>) src(%arg10 : memref<80x64xf32, #tpu.memory_space<vmem>>) dst(%dma_wait3A_208 : memref<10000x64xf32, #tpu.memory_space<vmem_shared>>)
        tpu.yield
      }) : () -> ()
      %add3A_131 = arith.constant 1 : i32
      %add3A_132 = arith.addi %mul3A_104, %add3A_131 : i32
      %add3A_133 = arith.constant 5 : i32
      %add3A_134 = arith.addi %add3A_132, %add3A_133 : i32
      %dma_start3A_135 = arith.constant 0 : i32
      %dma_start3A_136 = tpu.memref_slice %arg5[%add3A_134, %dma_start3A_135] : memref<125x80xi32, #tpu.memory_space<vmem>> -> memref<1x80xi32, #tpu.memory_space<vmem>>
      %dma_start3A_137 = tpu.memref_squeeze %dma_start3A_136 : memref<1x80xi32, #tpu.memory_space<vmem>> -> memref<80xi32, #tpu.memory_space<vmem>>
      %dma_start3A_138 = arith.constant 0 : i32
      %dma_start3A_139 = arith.constant 0 : i32
      %dma_start3A_140 = tpu.memref_slice %arg2[%dma_start3A_138, %dma_start3A_139] : memref<10000x64xf32, #tpu.memory_space<hbm>> -> memref<10000x64xf32, #tpu.memory_space<hbm>>
      tpu.enqueue_indirect_dma source(%dma_start3A_140 : memref<10000x64xf32, #tpu.memory_space<hbm>>) target(%arg10 : memref<80x64xf32, #tpu.memory_space<vmem>>) offsets(%dma_start3A_137 : memref<80xi32, #tpu.memory_space<vmem>>) semaphore(%arg15 : memref<!tpu.dma_semaphore, #tpu.memory_space<semaphore_mem>>)
      %add3A_141 = arith.constant 2 : i32
      %add3A_142 = arith.addi %mul3A_104, %add3A_141 : i32
      %dma_wait3A_143 = arith.constant 0 : i32
      %dma_wait3A_144 = tpu.memref_slice %arg5[%add3A_142, %dma_wait3A_143] : memref<125x80xi32, #tpu.memory_space<vmem>> -> memref<1x80xi32, #tpu.memory_space<vmem>>
      %dma_wait3A_145 = tpu.memref_squeeze %dma_wait3A_144 : memref<1x80xi32, #tpu.memory_space<vmem>> -> memref<80xi32, #tpu.memory_space<vmem>>
      %dma_wait3A_146 = arith.constant 0 : i32
      %dma_wait3A_147 = arith.constant 0 : i32
      %dma_wait3A_148 = tpu.memref_slice %arg2[%dma_wait3A_146, %dma_wait3A_147] : memref<10000x64xf32, #tpu.memory_space<hbm>> -> memref<10000x64xf32, #tpu.memory_space<hbm>>
      tpu.wait_indirect_dma semaphore(%arg16 : memref<!tpu.dma_semaphore, #tpu.memory_space<semaphore_mem>>) src(%dma_wait3A_148 : memref<10000x64xf32, #tpu.memory_space<hbm>>) dst(%arg11 : memref<80x64xf32, #tpu.memory_space<vmem>>)
      "tpu.region"() ({
        %run_scoped3A_196 = tpu.sem_alloc : memref<!tpu.dma_semaphore, #tpu.memory_space<semaphore_mem>>
        %dma_start3A_197 = arith.constant 0 : i32
        %dma_start3A_198 = tpu.memref_slice %arg6[%add3A_142, %dma_start3A_197] : memref<125x80xi32, #tpu.memory_space<vmem>> -> memref<1x80xi32, #tpu.memory_space<vmem>>
        %dma_start3A_199 = tpu.memref_squeeze %dma_start3A_198 : memref<1x80xi32, #tpu.memory_space<vmem>> -> memref<80xi32, #tpu.memory_space<vmem>>
        %dma_start3A_200 = arith.constant 0 : i32
        %dma_start3A_201 = arith.constant 0 : i32
        %dma_start3A_202 = tpu.memref_slice %arg8[%dma_start3A_200, %dma_start3A_201] : memref<10000x64xf32, #tpu.memory_space<vmem_shared>> -> memref<10000x64xf32, #tpu.memory_space<vmem_shared>>
        tpu.enqueue_indirect_dma source(%arg11 : memref<80x64xf32, #tpu.memory_space<vmem>>) target(%dma_start3A_202 : memref<10000x64xf32, #tpu.memory_space<vmem_shared>>) offsets(%dma_start3A_199 : memref<80xi32, #tpu.memory_space<vmem>>) semaphore(%run_scoped3A_196 : memref<!tpu.dma_semaphore, #tpu.memory_space<semaphore_mem>>) {add = true}
        %dma_wait3A_203 = arith.constant 0 : i32
        %dma_wait3A_204 = tpu.memref_slice %arg6[%add3A_142, %dma_wait3A_203] : memref<125x80xi32, #tpu.memory_space<vmem>> -> memref<1x80xi32, #tpu.memory_space<vmem>>
        %dma_wait3A_205 = tpu.memref_squeeze %dma_wait3A_204 : memref<1x80xi32, #tpu.memory_space<vmem>> -> memref<80xi32, #tpu.memory_space<vmem>>
        %dma_wait3A_206 = arith.constant 0 : i32
        %dma_wait3A_207 = arith.constant 0 : i32
        %dma_wait3A_208 = tpu.memref_slice %arg8[%dma_wait3A_206, %dma_wait3A_207] : memref<10000x64xf32, #tpu.memory_space<vmem_shared>> -> memref<10000x64xf32, #tpu.memory_space<vmem_shared>>
        tpu.wait_indirect_dma semaphore(%run_scoped3A_196 : memref<!tpu.dma_semaphore, #tpu.memory_space<semaphore_mem>>) src(%arg11 : memref<80x64xf32, #tpu.memory_space<vmem>>) dst(%dma_wait3A_208 : memref<10000x64xf32, #tpu.memory_space<vmem_shared>>)
        tpu.yield
      }) : () -> ()
      %add3A_149 = arith.constant 2 : i32
      %add3A_150 = arith.addi %mul3A_104, %add3A_149 : i32
      %add3A_151 = arith.constant 5 : i32
      %add3A_152 = arith.addi %add3A_150, %add3A_151 : i32
      %dma_start3A_153 = arith.constant 0 : i32
      %dma_start3A_154 = tpu.memref_slice %arg5[%add3A_152, %dma_start3A_153] : memref<125x80xi32, #tpu.memory_space<vmem>> -> memref<1x80xi32, #tpu.memory_space<vmem>>
      %dma_start3A_155 = tpu.memref_squeeze %dma_start3A_154 : memref<1x80xi32, #tpu.memory_space<vmem>> -> memref<80xi32, #tpu.memory_space<vmem>>
      %dma_start3A_156 = arith.constant 0 : i32
      %dma_start3A_157 = arith.constant 0 : i32
      %dma_start3A_158 = tpu.memref_slice %arg2[%dma_start3A_156, %dma_start3A_157] : memref<10000x64xf32, #tpu.memory_space<hbm>> -> memref<10000x64xf32, #tpu.memory_space<hbm>>
      tpu.enqueue_indirect_dma source(%dma_start3A_158 : memref<10000x64xf32, #tpu.memory_space<hbm>>) target(%arg11 : memref<80x64xf32, #tpu.memory_space<vmem>>) offsets(%dma_start3A_155 : memref<80xi32, #tpu.memory_space<vmem>>) semaphore(%arg16 : memref<!tpu.dma_semaphore, #tpu.memory_space<semaphore_mem>>)
      %add3A_159 = arith.constant 3 : i32
      %add3A_160 = arith.addi %mul3A_104, %add3A_159 : i32
      %dma_wait3A_161 = arith.constant 0 : i32
      %dma_wait3A_162 = tpu.memref_slice %arg5[%add3A_160, %dma_wait3A_161] : memref<125x80xi32, #tpu.memory_space<vmem>> -> memref<1x80xi32, #tpu.memory_space<vmem>>
      %dma_wait3A_163 = tpu.memref_squeeze %dma_wait3A_162 : memref<1x80xi32, #tpu.memory_space<vmem>> -> memref<80xi32, #tpu.memory_space<vmem>>
      %dma_wait3A_164 = arith.constant 0 : i32
      %dma_wait3A_165 = arith.constant 0 : i32
      %dma_wait3A_166 = tpu.memref_slice %arg2[%dma_wait3A_164, %dma_wait3A_165] : memref<10000x64xf32, #tpu.memory_space<hbm>> -> memref<10000x64xf32, #tpu.memory_space<hbm>>
      tpu.wait_indirect_dma semaphore(%arg17 : memref<!tpu.dma_semaphore, #tpu.memory_space<semaphore_mem>>) src(%dma_wait3A_166 : memref<10000x64xf32, #tpu.memory_space<hbm>>) dst(%arg12 : memref<80x64xf32, #tpu.memory_space<vmem>>)
      "tpu.region"() ({
        %run_scoped3A_196 = tpu.sem_alloc : memref<!tpu.dma_semaphore, #tpu.memory_space<semaphore_mem>>
        %dma_start3A_197 = arith.constant 0 : i32
        %dma_start3A_198 = tpu.memref_slice %arg6[%add3A_160, %dma_start3A_197] : memref<125x80xi32, #tpu.memory_space<vmem>> -> memref<1x80xi32, #tpu.memory_space<vmem>>
        %dma_start3A_199 = tpu.memref_squeeze %dma_start3A_198 : memref<1x80xi32, #tpu.memory_space<vmem>> -> memref<80xi32, #tpu.memory_space<vmem>>
        %dma_start3A_200 = arith.constant 0 : i32
        %dma_start3A_201 = arith.constant 0 : i32
        %dma_start3A_202 = tpu.memref_slice %arg8[%dma_start3A_200, %dma_start3A_201] : memref<10000x64xf32, #tpu.memory_space<vmem_shared>> -> memref<10000x64xf32, #tpu.memory_space<vmem_shared>>
        tpu.enqueue_indirect_dma source(%arg12 : memref<80x64xf32, #tpu.memory_space<vmem>>) target(%dma_start3A_202 : memref<10000x64xf32, #tpu.memory_space<vmem_shared>>) offsets(%dma_start3A_199 : memref<80xi32, #tpu.memory_space<vmem>>) semaphore(%run_scoped3A_196 : memref<!tpu.dma_semaphore, #tpu.memory_space<semaphore_mem>>) {add = true}
        %dma_wait3A_203 = arith.constant 0 : i32
        %dma_wait3A_204 = tpu.memref_slice %arg6[%add3A_160, %dma_wait3A_203] : memref<125x80xi32, #tpu.memory_space<vmem>> -> memref<1x80xi32, #tpu.memory_space<vmem>>
        %dma_wait3A_205 = tpu.memref_squeeze %dma_wait3A_204 : memref<1x80xi32, #tpu.memory_space<vmem>> -> memref<80xi32, #tpu.memory_space<vmem>>
        %dma_wait3A_206 = arith.constant 0 : i32
        %dma_wait3A_207 = arith.constant 0 : i32
        %dma_wait3A_208 = tpu.memref_slice %arg8[%dma_wait3A_206, %dma_wait3A_207] : memref<10000x64xf32, #tpu.memory_space<vmem_shared>> -> memref<10000x64xf32, #tpu.memory_space<vmem_shared>>
        tpu.wait_indirect_dma semaphore(%run_scoped3A_196 : memref<!tpu.dma_semaphore, #tpu.memory_space<semaphore_mem>>) src(%arg12 : memref<80x64xf32, #tpu.memory_space<vmem>>) dst(%dma_wait3A_208 : memref<10000x64xf32, #tpu.memory_space<vmem_shared>>)
        tpu.yield
      }) : () -> ()
      %add3A_167 = arith.constant 3 : i32
      %add3A_168 = arith.addi %mul3A_104, %add3A_167 : i32
      %add3A_169 = arith.constant 5 : i32
      %add3A_170 = arith.addi %add3A_168, %add3A_169 : i32
      %dma_start3A_171 = arith.constant 0 : i32
      %dma_start3A_172 = tpu.memref_slice %arg5[%add3A_170, %dma_start3A_171] : memref<125x80xi32, #tpu.memory_space<vmem>> -> memref<1x80xi32, #tpu.memory_space<vmem>>
      %dma_start3A_173 = tpu.memref_squeeze %dma_start3A_172 : memref<1x80xi32, #tpu.memory_space<vmem>> -> memref<80xi32, #tpu.memory_space<vmem>>
      %dma_start3A_174 = arith.constant 0 : i32
      %dma_start3A_175 = arith.constant 0 : i32
      %dma_start3A_176 = tpu.memref_slice %arg2[%dma_start3A_174, %dma_start3A_175] : memref<10000x64xf32, #tpu.memory_space<hbm>> -> memref<10000x64xf32, #tpu.memory_space<hbm>>
      tpu.enqueue_indirect_dma source(%dma_start3A_176 : memref<10000x64xf32, #tpu.memory_space<hbm>>) target(%arg12 : memref<80x64xf32, #tpu.memory_space<vmem>>) offsets(%dma_start3A_173 : memref<80xi32, #tpu.memory_space<vmem>>) semaphore(%arg17 : memref<!tpu.dma_semaphore, #tpu.memory_space<semaphore_mem>>)
      %add3A_177 = arith.constant 4 : i32
      %add3A_178 = arith.addi %mul3A_104, %add3A_177 : i32
      %dma_wait3A_179 = arith.constant 0 : i32
      %dma_wait3A_180 = tpu.memref_slice %arg5[%add3A_178, %dma_wait3A_179] : memref<125x80xi32, #tpu.memory_space<vmem>> -> memref<1x80xi32, #tpu.memory_space<vmem>>
      %dma_wait3A_181 = tpu.memref_squeeze %dma_wait3A_180 : memref<1x80xi32, #tpu.memory_space<vmem>> -> memref<80xi32, #tpu.memory_space<vmem>>
      %dma_wait3A_182 = arith.constant 0 : i32
      %dma_wait3A_183 = arith.constant 0 : i32
      %dma_wait3A_184 = tpu.memref_slice %arg2[%dma_wait3A_182, %dma_wait3A_183] : memref<10000x64xf32, #tpu.memory_space<hbm>> -> memref<10000x64xf32, #tpu.memory_space<hbm>>
      tpu.wait_indirect_dma semaphore(%arg18 : memref<!tpu.dma_semaphore, #tpu.memory_space<semaphore_mem>>) src(%dma_wait3A_184 : memref<10000x64xf32, #tpu.memory_space<hbm>>) dst(%arg13 : memref<80x64xf32, #tpu.memory_space<vmem>>)
      "tpu.region"() ({
        %run_scoped3A_196 = tpu.sem_alloc : memref<!tpu.dma_semaphore, #tpu.memory_space<semaphore_mem>>
        %dma_start3A_197 = arith.constant 0 : i32
        %dma_start3A_198 = tpu.memref_slice %arg6[%add3A_178, %dma_start3A_197] : memref<125x80xi32, #tpu.memory_space<vmem>> -> memref<1x80xi32, #tpu.memory_space<vmem>>
        %dma_start3A_199 = tpu.memref_squeeze %dma_start3A_198 : memref<1x80xi32, #tpu.memory_space<vmem>> -> memref<80xi32, #tpu.memory_space<vmem>>
        %dma_start3A_200 = arith.constant 0 : i32
        %dma_start3A_201 = arith.constant 0 : i32
        %dma_start3A_202 = tpu.memref_slice %arg8[%dma_start3A_200, %dma_start3A_201] : memref<10000x64xf32, #tpu.memory_space<vmem_shared>> -> memref<10000x64xf32, #tpu.memory_space<vmem_shared>>
        tpu.enqueue_indirect_dma source(%arg13 : memref<80x64xf32, #tpu.memory_space<vmem>>) target(%dma_start3A_202 : memref<10000x64xf32, #tpu.memory_space<vmem_shared>>) offsets(%dma_start3A_199 : memref<80xi32, #tpu.memory_space<vmem>>) semaphore(%run_scoped3A_196 : memref<!tpu.dma_semaphore, #tpu.memory_space<semaphore_mem>>) {add = true}
        %dma_wait3A_203 = arith.constant 0 : i32
        %dma_wait3A_204 = tpu.memref_slice %arg6[%add3A_178, %dma_wait3A_203] : memref<125x80xi32, #tpu.memory_space<vmem>> -> memref<1x80xi32, #tpu.memory_space<vmem>>
        %dma_wait3A_205 = tpu.memref_squeeze %dma_wait3A_204 : memref<1x80xi32, #tpu.memory_space<vmem>> -> memref<80xi32, #tpu.memory_space<vmem>>
        %dma_wait3A_206 = arith.constant 0 : i32
        %dma_wait3A_207 = arith.constant 0 : i32
        %dma_wait3A_208 = tpu.memref_slice %arg8[%dma_wait3A_206, %dma_wait3A_207] : memref<10000x64xf32, #tpu.memory_space<vmem_shared>> -> memref<10000x64xf32, #tpu.memory_space<vmem_shared>>
        tpu.wait_indirect_dma semaphore(%run_scoped3A_196 : memref<!tpu.dma_semaphore, #tpu.memory_space<semaphore_mem>>) src(%arg13 : memref<80x64xf32, #tpu.memory_space<vmem>>) dst(%dma_wait3A_208 : memref<10000x64xf32, #tpu.memory_space<vmem_shared>>)
        tpu.yield
      }) : () -> ()
      %add3A_185 = arith.constant 4 : i32
      %add3A_186 = arith.addi %mul3A_104, %add3A_185 : i32
      %add3A_187 = arith.constant 5 : i32
      %add3A_188 = arith.addi %add3A_186, %add3A_187 : i32
      %dma_start3A_189 = arith.constant 0 : i32
      %dma_start3A_190 = tpu.memref_slice %arg5[%add3A_188, %dma_start3A_189] : memref<125x80xi32, #tpu.memory_space<vmem>> -> memref<1x80xi32, #tpu.memory_space<vmem>>
      %dma_start3A_191 = tpu.memref_squeeze %dma_start3A_190 : memref<1x80xi32, #tpu.memory_space<vmem>> -> memref<80xi32, #tpu.memory_space<vmem>>
      %dma_start3A_192 = arith.constant 0 : i32
      %dma_start3A_193 = arith.constant 0 : i32
      %dma_start3A_194 = tpu.memref_slice %arg2[%dma_start3A_192, %dma_start3A_193] : memref<10000x64xf32, #tpu.memory_space<hbm>> -> memref<10000x64xf32, #tpu.memory_space<hbm>>
      tpu.enqueue_indirect_dma source(%dma_start3A_194 : memref<10000x64xf32, #tpu.memory_space<hbm>>) target(%arg13 : memref<80x64xf32, #tpu.memory_space<vmem>>) offsets(%dma_start3A_191 : memref<80xi32, #tpu.memory_space<vmem>>) semaphore(%arg18 : memref<!tpu.dma_semaphore, #tpu.memory_space<semaphore_mem>>)
      %scan3A_195 = arith.constant 0 : i32
      scf.yield %scan3A_195 : i32
    }
    %scan3A_56 = arith.constant 24 : i32
    %dma_wait3A = arith.constant 120 : i32
    %dma_wait3A_57 = arith.constant 0 : i32
    %dma_wait3A_58 = tpu.memref_slice %arg5[%dma_wait3A, %dma_wait3A_57] : memref<125x80xi32, #tpu.memory_space<vmem>> -> memref<1x80xi32, #tpu.memory_space<vmem>>
    %dma_wait3A_59 = tpu.memref_squeeze %dma_wait3A_58 : memref<1x80xi32, #tpu.memory_space<vmem>> -> memref<80xi32, #tpu.memory_space<vmem>>
    %dma_wait3A_60 = arith.constant 0 : i32
    %dma_wait3A_61 = arith.constant 0 : i32
    %dma_wait3A_62 = tpu.memref_slice %arg2[%dma_wait3A_60, %dma_wait3A_61] : memref<10000x64xf32, #tpu.memory_space<hbm>> -> memref<10000x64xf32, #tpu.memory_space<hbm>>
    tpu.wait_indirect_dma semaphore(%arg14 : memref<!tpu.dma_semaphore, #tpu.memory_space<semaphore_mem>>) src(%dma_wait3A_62 : memref<10000x64xf32, #tpu.memory_space<hbm>>) dst(%arg9 : memref<80x64xf32, #tpu.memory_space<vmem>>)
    %run_scoped3A_63 = arith.constant 120 : i32
    "tpu.region"() ({
      %run_scoped3A_101 = tpu.sem_alloc : memref<!tpu.dma_semaphore, #tpu.memory_space<semaphore_mem>>
      %dma_start3A_102 = arith.constant 0 : i32
      %dma_start3A_103 = tpu.memref_slice %arg6[%run_scoped3A_63, %dma_start3A_102] : memref<125x80xi32, #tpu.memory_space<vmem>> -> memref<1x80xi32, #tpu.memory_space<vmem>>
      %dma_start3A_104 = tpu.memref_squeeze %dma_start3A_103 : memref<1x80xi32, #tpu.memory_space<vmem>> -> memref<80xi32, #tpu.memory_space<vmem>>
      %dma_start3A_105 = arith.constant 0 : i32
      %dma_start3A_106 = arith.constant 0 : i32
      %dma_start3A_107 = tpu.memref_slice %arg8[%dma_start3A_105, %dma_start3A_106] : memref<10000x64xf32, #tpu.memory_space<vmem_shared>> -> memref<10000x64xf32, #tpu.memory_space<vmem_shared>>
      tpu.enqueue_indirect_dma source(%arg9 : memref<80x64xf32, #tpu.memory_space<vmem>>) target(%dma_start3A_107 : memref<10000x64xf32, #tpu.memory_space<vmem_shared>>) offsets(%dma_start3A_104 : memref<80xi32, #tpu.memory_space<vmem>>) semaphore(%run_scoped3A_101 : memref<!tpu.dma_semaphore, #tpu.memory_space<semaphore_mem>>) {add = true}
      %dma_wait3A_108 = arith.constant 0 : i32
      %dma_wait3A_109 = tpu.memref_slice %arg6[%run_scoped3A_63, %dma_wait3A_108] : memref<125x80xi32, #tpu.memory_space<vmem>> -> memref<1x80xi32, #tpu.memory_space<vmem>>
      %dma_wait3A_110 = tpu.memref_squeeze %dma_wait3A_109 : memref<1x80xi32, #tpu.memory_space<vmem>> -> memref<80xi32, #tpu.memory_space<vmem>>
      %dma_wait3A_111 = arith.constant 0 : i32
      %dma_wait3A_112 = arith.constant 0 : i32
      %dma_wait3A_113 = tpu.memref_slice %arg8[%dma_wait3A_111, %dma_wait3A_112] : memref<10000x64xf32, #tpu.memory_space<vmem_shared>> -> memref<10000x64xf32, #tpu.memory_space<vmem_shared>>
      tpu.wait_indirect_dma semaphore(%run_scoped3A_101 : memref<!tpu.dma_semaphore, #tpu.memory_space<semaphore_mem>>) src(%arg9 : memref<80x64xf32, #tpu.memory_space<vmem>>) dst(%dma_wait3A_113 : memref<10000x64xf32, #tpu.memory_space<vmem_shared>>)
      tpu.yield
    }) : () -> ()
    %dma_wait3A_64 = arith.constant 121 : i32
    %dma_wait3A_65 = arith.constant 0 : i32
    %dma_wait3A_66 = tpu.memref_slice %arg5[%dma_wait3A_64, %dma_wait3A_65] : memref<125x80xi32, #tpu.memory_space<vmem>> -> memref<1x80xi32, #tpu.memory_space<vmem>>
    %dma_wait3A_67 = tpu.memref_squeeze %dma_wait3A_66 : memref<1x80xi32, #tpu.memory_space<vmem>> -> memref<80xi32, #tpu.memory_space<vmem>>
    %dma_wait3A_68 = arith.constant 0 : i32
    %dma_wait3A_69 = arith.constant 0 : i32
    %dma_wait3A_70 = tpu.memref_slice %arg2[%dma_wait3A_68, %dma_wait3A_69] : memref<10000x64xf32, #tpu.memory_space<hbm>> -> memref<10000x64xf32, #tpu.memory_space<hbm>>
    tpu.wait_indirect_dma semaphore(%arg15 : memref<!tpu.dma_semaphore, #tpu.memory_space<semaphore_mem>>) src(%dma_wait3A_70 : memref<10000x64xf32, #tpu.memory_space<hbm>>) dst(%arg10 : memref<80x64xf32, #tpu.memory_space<vmem>>)
    %run_scoped3A_71 = arith.constant 121 : i32
    "tpu.region"() ({
      %run_scoped3A_101 = tpu.sem_alloc : memref<!tpu.dma_semaphore, #tpu.memory_space<semaphore_mem>>
      %dma_start3A_102 = arith.constant 0 : i32
      %dma_start3A_103 = tpu.memref_slice %arg6[%run_scoped3A_71, %dma_start3A_102] : memref<125x80xi32, #tpu.memory_space<vmem>> -> memref<1x80xi32, #tpu.memory_space<vmem>>
      %dma_start3A_104 = tpu.memref_squeeze %dma_start3A_103 : memref<1x80xi32, #tpu.memory_space<vmem>> -> memref<80xi32, #tpu.memory_space<vmem>>
      %dma_start3A_105 = arith.constant 0 : i32
      %dma_start3A_106 = arith.constant 0 : i32
      %dma_start3A_107 = tpu.memref_slice %arg8[%dma_start3A_105, %dma_start3A_106] : memref<10000x64xf32, #tpu.memory_space<vmem_shared>> -> memref<10000x64xf32, #tpu.memory_space<vmem_shared>>
      tpu.enqueue_indirect_dma source(%arg10 : memref<80x64xf32, #tpu.memory_space<vmem>>) target(%dma_start3A_107 : memref<10000x64xf32, #tpu.memory_space<vmem_shared>>) offsets(%dma_start3A_104 : memref<80xi32, #tpu.memory_space<vmem>>) semaphore(%run_scoped3A_101 : memref<!tpu.dma_semaphore, #tpu.memory_space<semaphore_mem>>) {add = true}
      %dma_wait3A_108 = arith.constant 0 : i32
      %dma_wait3A_109 = tpu.memref_slice %arg6[%run_scoped3A_71, %dma_wait3A_108] : memref<125x80xi32, #tpu.memory_space<vmem>> -> memref<1x80xi32, #tpu.memory_space<vmem>>
      %dma_wait3A_110 = tpu.memref_squeeze %dma_wait3A_109 : memref<1x80xi32, #tpu.memory_space<vmem>> -> memref<80xi32, #tpu.memory_space<vmem>>
      %dma_wait3A_111 = arith.constant 0 : i32
      %dma_wait3A_112 = arith.constant 0 : i32
      %dma_wait3A_113 = tpu.memref_slice %arg8[%dma_wait3A_111, %dma_wait3A_112] : memref<10000x64xf32, #tpu.memory_space<vmem_shared>> -> memref<10000x64xf32, #tpu.memory_space<vmem_shared>>
      tpu.wait_indirect_dma semaphore(%run_scoped3A_101 : memref<!tpu.dma_semaphore, #tpu.memory_space<semaphore_mem>>) src(%arg10 : memref<80x64xf32, #tpu.memory_space<vmem>>) dst(%dma_wait3A_113 : memref<10000x64xf32, #tpu.memory_space<vmem_shared>>)
      tpu.yield
    }) : () -> ()
    %dma_wait3A_72 = arith.constant 122 : i32
    %dma_wait3A_73 = arith.constant 0 : i32
    %dma_wait3A_74 = tpu.memref_slice %arg5[%dma_wait3A_72, %dma_wait3A_73] : memref<125x80xi32, #tpu.memory_space<vmem>> -> memref<1x80xi32, #tpu.memory_space<vmem>>
    %dma_wait3A_75 = tpu.memref_squeeze %dma_wait3A_74 : memref<1x80xi32, #tpu.memory_space<vmem>> -> memref<80xi32, #tpu.memory_space<vmem>>
    %dma_wait3A_76 = arith.constant 0 : i32
    %dma_wait3A_77 = arith.constant 0 : i32
    %dma_wait3A_78 = tpu.memref_slice %arg2[%dma_wait3A_76, %dma_wait3A_77] : memref<10000x64xf32, #tpu.memory_space<hbm>> -> memref<10000x64xf32, #tpu.memory_space<hbm>>
    tpu.wait_indirect_dma semaphore(%arg16 : memref<!tpu.dma_semaphore, #tpu.memory_space<semaphore_mem>>) src(%dma_wait3A_78 : memref<10000x64xf32, #tpu.memory_space<hbm>>) dst(%arg11 : memref<80x64xf32, #tpu.memory_space<vmem>>)
    %run_scoped3A_79 = arith.constant 122 : i32
    "tpu.region"() ({
      %run_scoped3A_101 = tpu.sem_alloc : memref<!tpu.dma_semaphore, #tpu.memory_space<semaphore_mem>>
      %dma_start3A_102 = arith.constant 0 : i32
      %dma_start3A_103 = tpu.memref_slice %arg6[%run_scoped3A_79, %dma_start3A_102] : memref<125x80xi32, #tpu.memory_space<vmem>> -> memref<1x80xi32, #tpu.memory_space<vmem>>
      %dma_start3A_104 = tpu.memref_squeeze %dma_start3A_103 : memref<1x80xi32, #tpu.memory_space<vmem>> -> memref<80xi32, #tpu.memory_space<vmem>>
      %dma_start3A_105 = arith.constant 0 : i32
      %dma_start3A_106 = arith.constant 0 : i32
      %dma_start3A_107 = tpu.memref_slice %arg8[%dma_start3A_105, %dma_start3A_106] : memref<10000x64xf32, #tpu.memory_space<vmem_shared>> -> memref<10000x64xf32, #tpu.memory_space<vmem_shared>>
      tpu.enqueue_indirect_dma source(%arg11 : memref<80x64xf32, #tpu.memory_space<vmem>>) target(%dma_start3A_107 : memref<10000x64xf32, #tpu.memory_space<vmem_shared>>) offsets(%dma_start3A_104 : memref<80xi32, #tpu.memory_space<vmem>>) semaphore(%run_scoped3A_101 : memref<!tpu.dma_semaphore, #tpu.memory_space<semaphore_mem>>) {add = true}
      %dma_wait3A_108 = arith.constant 0 : i32
      %dma_wait3A_109 = tpu.memref_slice %arg6[%run_scoped3A_79, %dma_wait3A_108] : memref<125x80xi32, #tpu.memory_space<vmem>> -> memref<1x80xi32, #tpu.memory_space<vmem>>
      %dma_wait3A_110 = tpu.memref_squeeze %dma_wait3A_109 : memref<1x80xi32, #tpu.memory_space<vmem>> -> memref<80xi32, #tpu.memory_space<vmem>>
      %dma_wait3A_111 = arith.constant 0 : i32
      %dma_wait3A_112 = arith.constant 0 : i32
      %dma_wait3A_113 = tpu.memref_slice %arg8[%dma_wait3A_111, %dma_wait3A_112] : memref<10000x64xf32, #tpu.memory_space<vmem_shared>> -> memref<10000x64xf32, #tpu.memory_space<vmem_shared>>
      tpu.wait_indirect_dma semaphore(%run_scoped3A_101 : memref<!tpu.dma_semaphore, #tpu.memory_space<semaphore_mem>>) src(%arg11 : memref<80x64xf32, #tpu.memory_space<vmem>>) dst(%dma_wait3A_113 : memref<10000x64xf32, #tpu.memory_space<vmem_shared>>)
      tpu.yield
    }) : () -> ()
    %dma_wait3A_80 = arith.constant 123 : i32
    %dma_wait3A_81 = arith.constant 0 : i32
    %dma_wait3A_82 = tpu.memref_slice %arg5[%dma_wait3A_80, %dma_wait3A_81] : memref<125x80xi32, #tpu.memory_space<vmem>> -> memref<1x80xi32, #tpu.memory_space<vmem>>
    %dma_wait3A_83 = tpu.memref_squeeze %dma_wait3A_82 : memref<1x80xi32, #tpu.memory_space<vmem>> -> memref<80xi32, #tpu.memory_space<vmem>>
    %dma_wait3A_84 = arith.constant 0 : i32
    %dma_wait3A_85 = arith.constant 0 : i32
    %dma_wait3A_86 = tpu.memref_slice %arg2[%dma_wait3A_84, %dma_wait3A_85] : memref<10000x64xf32, #tpu.memory_space<hbm>> -> memref<10000x64xf32, #tpu.memory_space<hbm>>
    tpu.wait_indirect_dma semaphore(%arg17 : memref<!tpu.dma_semaphore, #tpu.memory_space<semaphore_mem>>) src(%dma_wait3A_86 : memref<10000x64xf32, #tpu.memory_space<hbm>>) dst(%arg12 : memref<80x64xf32, #tpu.memory_space<vmem>>)
    %run_scoped3A_87 = arith.constant 123 : i32
    "tpu.region"() ({
      %run_scoped3A_101 = tpu.sem_alloc : memref<!tpu.dma_semaphore, #tpu.memory_space<semaphore_mem>>
      %dma_start3A_102 = arith.constant 0 : i32
      %dma_start3A_103 = tpu.memref_slice %arg6[%run_scoped3A_87, %dma_start3A_102] : memref<125x80xi32, #tpu.memory_space<vmem>> -> memref<1x80xi32, #tpu.memory_space<vmem>>
      %dma_start3A_104 = tpu.memref_squeeze %dma_start3A_103 : memref<1x80xi32, #tpu.memory_space<vmem>> -> memref<80xi32, #tpu.memory_space<vmem>>
      %dma_start3A_105 = arith.constant 0 : i32
      %dma_start3A_106 = arith.constant 0 : i32
      %dma_start3A_107 = tpu.memref_slice %arg8[%dma_start3A_105, %dma_start3A_106] : memref<10000x64xf32, #tpu.memory_space<vmem_shared>> -> memref<10000x64xf32, #tpu.memory_space<vmem_shared>>
      tpu.enqueue_indirect_dma source(%arg12 : memref<80x64xf32, #tpu.memory_space<vmem>>) target(%dma_start3A_107 : memref<10000x64xf32, #tpu.memory_space<vmem_shared>>) offsets(%dma_start3A_104 : memref<80xi32, #tpu.memory_space<vmem>>) semaphore(%run_scoped3A_101 : memref<!tpu.dma_semaphore, #tpu.memory_space<semaphore_mem>>) {add = true}
      %dma_wait3A_108 = arith.constant 0 : i32
      %dma_wait3A_109 = tpu.memref_slice %arg6[%run_scoped3A_87, %dma_wait3A_108] : memref<125x80xi32, #tpu.memory_space<vmem>> -> memref<1x80xi32, #tpu.memory_space<vmem>>
      %dma_wait3A_110 = tpu.memref_squeeze %dma_wait3A_109 : memref<1x80xi32, #tpu.memory_space<vmem>> -> memref<80xi32, #tpu.memory_space<vmem>>
      %dma_wait3A_111 = arith.constant 0 : i32
      %dma_wait3A_112 = arith.constant 0 : i32
      %dma_wait3A_113 = tpu.memref_slice %arg8[%dma_wait3A_111, %dma_wait3A_112] : memref<10000x64xf32, #tpu.memory_space<vmem_shared>> -> memref<10000x64xf32, #tpu.memory_space<vmem_shared>>
      tpu.wait_indirect_dma semaphore(%run_scoped3A_101 : memref<!tpu.dma_semaphore, #tpu.memory_space<semaphore_mem>>) src(%arg12 : memref<80x64xf32, #tpu.memory_space<vmem>>) dst(%dma_wait3A_113 : memref<10000x64xf32, #tpu.memory_space<vmem_shared>>)
      tpu.yield
    }) : () -> ()
    %dma_wait3A_88 = arith.constant 124 : i32
    %dma_wait3A_89 = arith.constant 0 : i32
    %dma_wait3A_90 = tpu.memref_slice %arg5[%dma_wait3A_88, %dma_wait3A_89] : memref<125x80xi32, #tpu.memory_space<vmem>> -> memref<1x80xi32, #tpu.memory_space<vmem>>
    %dma_wait3A_91 = tpu.memref_squeeze %dma_wait3A_90 : memref<1x80xi32, #tpu.memory_space<vmem>> -> memref<80xi32, #tpu.memory_space<vmem>>
    %dma_wait3A_92 = arith.constant 0 : i32
    %dma_wait3A_93 = arith.constant 0 : i32
    %dma_wait3A_94 = tpu.memref_slice %arg2[%dma_wait3A_92, %dma_wait3A_93] : memref<10000x64xf32, #tpu.memory_space<hbm>> -> memref<10000x64xf32, #tpu.memory_space<hbm>>
    tpu.wait_indirect_dma semaphore(%arg18 : memref<!tpu.dma_semaphore, #tpu.memory_space<semaphore_mem>>) src(%dma_wait3A_94 : memref<10000x64xf32, #tpu.memory_space<hbm>>) dst(%arg13 : memref<80x64xf32, #tpu.memory_space<vmem>>)
    %run_scoped3A_95 = arith.constant 124 : i32
    "tpu.region"() ({
      %run_scoped3A_101 = tpu.sem_alloc : memref<!tpu.dma_semaphore, #tpu.memory_space<semaphore_mem>>
      %dma_start3A_102 = arith.constant 0 : i32
      %dma_start3A_103 = tpu.memref_slice %arg6[%run_scoped3A_95, %dma_start3A_102] : memref<125x80xi32, #tpu.memory_space<vmem>> -> memref<1x80xi32, #tpu.memory_space<vmem>>
      %dma_start3A_104 = tpu.memref_squeeze %dma_start3A_103 : memref<1x80xi32, #tpu.memory_space<vmem>> -> memref<80xi32, #tpu.memory_space<vmem>>
      %dma_start3A_105 = arith.constant 0 : i32
      %dma_start3A_106 = arith.constant 0 : i32
      %dma_start3A_107 = tpu.memref_slice %arg8[%dma_start3A_105, %dma_start3A_106] : memref<10000x64xf32, #tpu.memory_space<vmem_shared>> -> memref<10000x64xf32, #tpu.memory_space<vmem_shared>>
      tpu.enqueue_indirect_dma source(%arg13 : memref<80x64xf32, #tpu.memory_space<vmem>>) target(%dma_start3A_107 : memref<10000x64xf32, #tpu.memory_space<vmem_shared>>) offsets(%dma_start3A_104 : memref<80xi32, #tpu.memory_space<vmem>>) semaphore(%run_scoped3A_101 : memref<!tpu.dma_semaphore, #tpu.memory_space<semaphore_mem>>) {add = true}
      %dma_wait3A_108 = arith.constant 0 : i32
      %dma_wait3A_109 = tpu.memref_slice %arg6[%run_scoped3A_95, %dma_wait3A_108] : memref<125x80xi32, #tpu.memory_space<vmem>> -> memref<1x80xi32, #tpu.memory_space<vmem>>
      %dma_wait3A_110 = tpu.memref_squeeze %dma_wait3A_109 : memref<1x80xi32, #tpu.memory_space<vmem>> -> memref<80xi32, #tpu.memory_space<vmem>>
      %dma_wait3A_111 = arith.constant 0 : i32
      %dma_wait3A_112 = arith.constant 0 : i32
      %dma_wait3A_113 = tpu.memref_slice %arg8[%dma_wait3A_111, %dma_wait3A_112] : memref<10000x64xf32, #tpu.memory_space<vmem_shared>> -> memref<10000x64xf32, #tpu.memory_space<vmem_shared>>
      tpu.wait_indirect_dma semaphore(%run_scoped3A_101 : memref<!tpu.dma_semaphore, #tpu.memory_space<semaphore_mem>>) src(%arg13 : memref<80x64xf32, #tpu.memory_space<vmem>>) dst(%dma_wait3A_113 : memref<10000x64xf32, #tpu.memory_space<vmem_shared>>)
      tpu.yield
    }) : () -> ()
    %barrier3A_96 = arith.constant 0 : index
    tpu.barrier barrier_id(%barrier3A_96)
    %mul3A_97 = arith.constant 625 : i32
    %mul3A_98 = arith.muli %arg1, %mul3A_97 : i32
    %mul3A_99 = arith.constant 625 : i32
    %mul3A_100 = arith.muli %arg1, %mul3A_99 : i32
    "tpu.region"() ({
      %run_scoped3A_101 = tpu.sem_alloc : memref<!tpu.dma_semaphore, #tpu.memory_space<semaphore_mem>>
      %dma_start3A_102 = arith.constant 0 : i32
      %dma_start3A_103 = tpu.memref_slice %arg4[%arg0, %mul3A_100, %dma_start3A_102] : memref<2x10000x128xf32, #tpu.memory_space<hbm>> -> memref<1x625x64xf32, #tpu.memory_space<hbm>>
      %dma_start3A_104 = tpu.memref_squeeze %dma_start3A_103 : memref<1x625x64xf32, #tpu.memory_space<hbm>> -> memref<625x64xf32, #tpu.memory_space<hbm>>
      %dma_start3A_105 = arith.constant 0 : i32
      %dma_start3A_106 = tpu.memref_slice %arg8[%mul3A_98, %dma_start3A_105] : memref<10000x64xf32, #tpu.memory_space<vmem_shared>> -> memref<625x64xf32, #tpu.memory_space<vmem_shared>>
      tpu.enqueue_dma source(%dma_start3A_106 : memref<625x64xf32, #tpu.memory_space<vmem_shared>>) target(%dma_start3A_104 : memref<625x64xf32, #tpu.memory_space<hbm>>) target_semaphore(%run_scoped3A_101 : memref<!tpu.dma_semaphore, #tpu.memory_space<semaphore_mem>>)
      %dma_wait3A_107 = arith.constant 0 : i32
      %dma_wait3A_108 = tpu.memref_slice %arg4[%arg0, %mul3A_100, %dma_wait3A_107] : memref<2x10000x128xf32, #tpu.memory_space<hbm>> -> memref<1x625x64xf32, #tpu.memory_space<hbm>>
      %dma_wait3A_109 = tpu.memref_squeeze %dma_wait3A_108 : memref<1x625x64xf32, #tpu.memory_space<hbm>> -> memref<625x64xf32, #tpu.memory_space<hbm>>
      %dma_wait3A_110 = arith.constant 0 : i32
      %dma_wait3A_111 = tpu.memref_slice %arg8[%mul3A_98, %dma_wait3A_110] : memref<10000x64xf32, #tpu.memory_space<vmem_shared>> -> memref<625x64xf32, #tpu.memory_space<vmem_shared>>
      tpu.wait_dma2 semaphore(%run_scoped3A_101 : memref<!tpu.dma_semaphore, #tpu.memory_space<semaphore_mem>>) src(%dma_wait3A_111 : memref<625x64xf32, #tpu.memory_space<vmem_shared>>) dst(%dma_wait3A_109 : memref<625x64xf32, #tpu.memory_space<hbm>>)
      tpu.yield
    }) : () -> ()
    return
  }
}

module attributes {stable_mosaic.version = 14 : i64} {
  func.func @_t2_body(%arg0: memref<2x10000x128xf32, #tpu.memory_space<vmem>>, %arg1: memref<10000x1xf32, #tpu.memory_space<vmem>>, %arg2: memref<10000x16xf32, #tpu.memory_space<vmem>>, %arg3: memref<128xf32, #tpu.memory_space<vmem>>, %arg4: memref<128x64xf32, #tpu.memory_space<vmem>>, %arg5: memref<10000x80xf32, #tpu.memory_space<vmem>>) attributes {dimension_semantics = [], scalar_prefetch = 0 : i64, scratch_operands = 0 : i64, tpu.core_type = #tpu.core_type<tc>} {
    %get3A = arith.constant 0 : index
    %get3A_0 = arith.constant 0 : index
    %get3A_1 = arith.constant 0 : index
    %get3A_2 = vector.load %arg0[%get3A, %get3A_0, %get3A_1] : memref<2x10000x128xf32, #tpu.memory_space<vmem>>, vector<1x10000x128xf32>
    %get3A_3 = vector.shape_cast %get3A_2 : vector<1x10000x128xf32> to vector<10000x128xf32>
    %get3A_4 = arith.constant 1 : index
    %get3A_5 = arith.constant 0 : index
    %get3A_6 = arith.constant 0 : index
    %get3A_7 = vector.load %arg0[%get3A_4, %get3A_5, %get3A_6] : memref<2x10000x128xf32, #tpu.memory_space<vmem>>, vector<1x10000x128xf32>
    %get3A_8 = vector.shape_cast %get3A_7 : vector<1x10000x128xf32> to vector<10000x128xf32>
    %add3A = arith.addf %get3A_3, %get3A_8 : vector<10000x128xf32>
    %get3A_9 = arith.constant 0 : index
    %get3A_10 = arith.constant 0 : index
    %get3A_11 = vector.load %arg1[%get3A_9, %get3A_10] : memref<10000x1xf32, #tpu.memory_space<vmem>>, vector<10000x1xf32>
    %mul3A = vector.broadcast %get3A_11 : vector<10000x1xf32> to vector<10000x128xf32>
    %mul3A_12 = arith.mulf %add3A, %mul3A : vector<10000x128xf32>
    %get3A_13 = arith.constant 0 : index
    %get3A_14 = vector.load %arg3[%get3A_13] : memref<128xf32, #tpu.memory_space<vmem>>, vector<128xf32>
    %broadcast_in_dim3A = vector.shape_cast %get3A_14 : vector<128xf32> to vector<1x128xf32>
    %add3A_15 = vector.broadcast %broadcast_in_dim3A : vector<1x128xf32> to vector<10000x128xf32>
    %add3A_16 = arith.addf %mul3A_12, %add3A_15 : vector<10000x128xf32>
    %ge3A = arith.constant 0.000000e+00 : f32
    %ge3A_17 = vector.broadcast %ge3A : f32 to vector<10000x128xf32>
    %ge3A_18 = arith.cmpf oge, %add3A_16, %ge3A_17 : vector<10000x128xf32>
    %mul3A_19 = arith.constant 0.00999999977 : f32
    %mul3A_20 = vector.broadcast %mul3A_19 : f32 to vector<10000x128xf32>
    %mul3A_21 = arith.mulf %mul3A_20, %add3A_16 : vector<10000x128xf32>
    %select_n3A = arith.select %ge3A_18, %add3A_16, %mul3A_21 : vector<10000x128xi1>, vector<10000x128xf32>
    %get3A_22 = arith.constant 0 : index
    %get3A_23 = arith.constant 0 : index
    %get3A_24 = vector.load %arg4[%get3A_22, %get3A_23] : memref<128x64xf32, #tpu.memory_space<vmem>>, vector<128x64xf32>
    %dot_general3A = arith.constant dense<0.000000e+00> : vector<10000x64xf32>
    %dot_general3A_25 = tpu.matmul %select_n3A, %get3A_24, %dot_general3A {dimension_numbers = #tpu.dot_dimension_numbers<[1], [0], [0], [1], [0, 0, 1, 1], [], []>, transpose_lhs_hint = false} : vector<10000x128xf32>, vector<128x64xf32>, vector<10000x64xf32> -> vector<10000x64xf32>
    %get3A_26 = arith.constant 0 : index
    %get3A_27 = arith.constant 0 : index
    %get3A_28 = vector.load %arg2[%get3A_26, %get3A_27] : memref<10000x16xf32, #tpu.memory_space<vmem>>, vector<10000x16xf32>
    %concatenate3A = tpu.concatenate %dot_general3A_25, %get3A_28 in 1 : vector<10000x64xf32>, vector<10000x16xf32> -> vector<10000x80xf32>
    %swap3A = arith.constant 0 : index
    %swap3A_29 = arith.constant 0 : index
    %swap3A_30 = vector.load %arg5[%swap3A, %swap3A_29] : memref<10000x80xf32, #tpu.memory_space<vmem>>, vector<10000x80xf32>
    tpu.vector_store %arg5[%swap3A, %swap3A_29], %concatenate3A {strides = array<i32>} : memref<10000x80xf32, #tpu.memory_space<vmem>>, vector<10000x80xf32>,
    return
  }
}

module attributes {stable_mosaic.version = 14 : i64} {
  func.func @_t1_body(%arg0: memref<2x10000x128xf32, #tpu.memory_space<vmem>>, %arg1: memref<2x10000x128xf32, #tpu.memory_space<vmem>>, %arg2: memref<128x128xf32, #tpu.memory_space<vmem>>, %arg3: memref<128xf32, #tpu.memory_space<vmem>>, %arg4: memref<128x128xf32, #tpu.memory_space<vmem>>, %arg5: memref<128xf32, #tpu.memory_space<vmem>>, %arg6: memref<10000x128xf32, #tpu.memory_space<vmem>>, %arg7: memref<10000x16xf32, #tpu.memory_space<vmem>>, %arg8: memref<10000x1xf32, #tpu.memory_space<vmem>>, %arg9: memref<10000x1xf32, #tpu.memory_space<vmem>>) attributes {dimension_semantics = [], scalar_prefetch = 0 : i64, scratch_operands = 0 : i64, tpu.core_type = #tpu.core_type<tc>} {
    %get3A = arith.constant 0 : index
    %get3A_0 = arith.constant 0 : index
    %get3A_1 = arith.constant 0 : index
    %get3A_2 = vector.load %arg1[%get3A, %get3A_0, %get3A_1] : memref<2x10000x128xf32, #tpu.memory_space<vmem>>, vector<1x10000x1xf32>
    %get3A_3 = vector.shape_cast %get3A_2 : vector<1x10000x1xf32> to vector<10000x1xf32>
    %get3A_4 = arith.constant 1 : index
    %get3A_5 = arith.constant 0 : index
    %get3A_6 = arith.constant 0 : index
    %get3A_7 = vector.load %arg1[%get3A_4, %get3A_5, %get3A_6] : memref<2x10000x128xf32, #tpu.memory_space<vmem>>, vector<1x10000x1xf32>
    %get3A_8 = vector.shape_cast %get3A_7 : vector<1x10000x1xf32> to vector<10000x1xf32>
    %add3A = arith.addf %get3A_3, %get3A_8 : vector<10000x1xf32>
    %max3A = arith.constant 1.000000e+00 : f32
    %max3A_9 = vector.broadcast %max3A : f32 to vector<10000x1xf32>
    %max3A_10 = arith.maximumf %add3A, %max3A_9 : vector<10000x1xf32>
    %get3A_11 = arith.constant 0 : index
    %get3A_12 = arith.constant 0 : index
    %get3A_13 = arith.constant 16 : index
    %get3A_14 = vector.load %arg1[%get3A_11, %get3A_12, %get3A_13] : memref<2x10000x128xf32, #tpu.memory_space<vmem>>, vector<1x10000x1xf32>
    %get3A_15 = vector.shape_cast %get3A_14 : vector<1x10000x1xf32> to vector<10000x1xf32>
    %get3A_16 = arith.constant 1 : index
    %get3A_17 = arith.constant 0 : index
    %get3A_18 = arith.constant 16 : index
    %get3A_19 = vector.load %arg1[%get3A_16, %get3A_17, %get3A_18] : memref<2x10000x128xf32, #tpu.memory_space<vmem>>, vector<1x10000x1xf32>
    %get3A_20 = vector.shape_cast %get3A_19 : vector<1x10000x1xf32> to vector<10000x1xf32>
    %add3A_21 = arith.addf %get3A_15, %get3A_20 : vector<10000x1xf32>
    %max3A_22 = arith.constant 1.000000e+00 : f32
    %max3A_23 = vector.broadcast %max3A_22 : f32 to vector<10000x1xf32>
    %max3A_24 = arith.maximumf %add3A_21, %max3A_23 : vector<10000x1xf32>
    %div3A = arith.constant 1.000000e+00 : f32
    %div3A_25 = vector.broadcast %div3A : f32 to vector<10000x1xf32>
    %div3A_26 = arith.divf %div3A_25, %max3A_10 : vector<10000x1xf32>
    %sqrt3A = math.sqrt %div3A_26 : vector<10000x1xf32>
    %rsqrt3A = math.rsqrt %max3A_24 : vector<10000x1xf32>
    %get3A_27 = arith.constant 0 : index
    %get3A_28 = arith.constant 0 : index
    %get3A_29 = arith.constant 0 : index
    %get3A_30 = vector.load %arg0[%get3A_27, %get3A_28, %get3A_29] : memref<2x10000x128xf32, #tpu.memory_space<vmem>>, vector<1x10000x128xf32>
    %get3A_31 = vector.shape_cast %get3A_30 : vector<1x10000x128xf32> to vector<10000x128xf32>
    %get3A_32 = arith.constant 1 : index
    %get3A_33 = arith.constant 0 : index
    %get3A_34 = arith.constant 0 : index
    %get3A_35 = vector.load %arg0[%get3A_32, %get3A_33, %get3A_34] : memref<2x10000x128xf32, #tpu.memory_space<vmem>>, vector<1x10000x128xf32>
    %get3A_36 = vector.shape_cast %get3A_35 : vector<1x10000x128xf32> to vector<10000x128xf32>
    %add3A_37 = arith.addf %get3A_31, %get3A_36 : vector<10000x128xf32>
    %mul3A = vector.broadcast %div3A_26 : vector<10000x1xf32> to vector<10000x128xf32>
    %mul3A_38 = arith.mulf %add3A_37, %mul3A : vector<10000x128xf32>
    %get3A_39 = arith.constant 0 : index
    %get3A_40 = arith.constant 0 : index
    %get3A_41 = vector.load %arg2[%get3A_39, %get3A_40] : memref<128x128xf32, #tpu.memory_space<vmem>>, vector<128x128xf32>
    %dot_general3A = arith.constant dense<0.000000e+00> : vector<10000x128xf32>
    %dot_general3A_42 = tpu.matmul %mul3A_38, %get3A_41, %dot_general3A {dimension_numbers = #tpu.dot_dimension_numbers<[1], [0], [0], [1], [0, 0, 1, 1], [], []>, transpose_lhs_hint = false} : vector<10000x128xf32>, vector<128x128xf32>, vector<10000x128xf32> -> vector<10000x128xf32>
    %get3A_43 = arith.constant 0 : index
    %get3A_44 = vector.load %arg3[%get3A_43] : memref<128xf32, #tpu.memory_space<vmem>>, vector<128xf32>
    %broadcast_in_dim3A = vector.shape_cast %get3A_44 : vector<128xf32> to vector<1x128xf32>
    %add3A_45 = vector.broadcast %broadcast_in_dim3A : vector<1x128xf32> to vector<10000x128xf32>
    %add3A_46 = arith.addf %dot_general3A_42, %add3A_45 : vector<10000x128xf32>
    %ge3A = arith.constant 0.000000e+00 : f32
    %ge3A_47 = vector.broadcast %ge3A : f32 to vector<10000x128xf32>
    %ge3A_48 = arith.cmpf oge, %add3A_46, %ge3A_47 : vector<10000x128xf32>
    %mul3A_49 = arith.constant 0.00999999977 : f32
    %mul3A_50 = vector.broadcast %mul3A_49 : f32 to vector<10000x128xf32>
    %mul3A_51 = arith.mulf %mul3A_50, %add3A_46 : vector<10000x128xf32>
    %select_n3A = arith.select %ge3A_48, %add3A_46, %mul3A_51 : vector<10000x128xi1>, vector<10000x128xf32>
    %get3A_52 = arith.constant 0 : index
    %get3A_53 = arith.constant 0 : index
    %get3A_54 = vector.load %arg4[%get3A_52, %get3A_53] : memref<128x128xf32, #tpu.memory_space<vmem>>, vector<128x128xf32>
    %dot_general3A_55 = arith.constant dense<0.000000e+00> : vector<10000x128xf32>
    %dot_general3A_56 = tpu.matmul %select_n3A, %get3A_54, %dot_general3A_55 {dimension_numbers = #tpu.dot_dimension_numbers<[1], [0], [0], [1], [0, 0, 1, 1], [], []>, transpose_lhs_hint = false} : vector<10000x128xf32>, vector<128x128xf32>, vector<10000x128xf32> -> vector<10000x128xf32>
    %mul3A_57 = vector.broadcast %rsqrt3A : vector<10000x1xf32> to vector<10000x128xf32>
    %mul3A_58 = arith.mulf %dot_general3A_56, %mul3A_57 : vector<10000x128xf32>
    %swap3A = arith.constant 0 : index
    %swap3A_59 = arith.constant 0 : index
    %swap3A_60 = vector.load %arg6[%swap3A, %swap3A_59] : memref<10000x128xf32, #tpu.memory_space<vmem>>, vector<10000x128xf32>
    tpu.vector_store %arg6[%swap3A, %swap3A_59], %mul3A_58 {strides = array<i32>} : memref<10000x128xf32, #tpu.memory_space<vmem>>, vector<10000x128xf32>,
    %broadcast_in_dim3A_61 = vector.shape_cast %rsqrt3A : vector<10000x1xf32> to vector<10000x1xf32>
    %broadcast_in_dim3A_62 = vector.broadcast %broadcast_in_dim3A_61 : vector<10000x1xf32> to vector<10000x16xf32>
    %swap3A_63 = arith.constant 0 : index
    %swap3A_64 = arith.constant 0 : index
    %swap3A_65 = vector.load %arg7[%swap3A_63, %swap3A_64] : memref<10000x16xf32, #tpu.memory_space<vmem>>, vector<10000x16xf32>
    tpu.vector_store %arg7[%swap3A_63, %swap3A_64], %broadcast_in_dim3A_62 {strides = array<i32>} : memref<10000x16xf32, #tpu.memory_space<vmem>>, vector<10000x16xf32>,
    %swap3A_66 = arith.constant 0 : index
    %swap3A_67 = arith.constant 0 : index
    %swap3A_68 = vector.load %arg8[%swap3A_66, %swap3A_67] : memref<10000x1xf32, #tpu.memory_space<vmem>>, vector<10000x1xf32>
    tpu.vector_store %arg8[%swap3A_66, %swap3A_67], %div3A_26 {strides = array<i32>} : memref<10000x1xf32, #tpu.memory_space<vmem>>, vector<10000x1xf32>,
    %swap3A_69 = arith.constant 0 : index
    %swap3A_70 = arith.constant 0 : index
    %swap3A_71 = vector.load %arg9[%swap3A_69, %swap3A_70] : memref<10000x1xf32, #tpu.memory_space<vmem>>, vector<10000x1xf32>
    tpu.vector_store %arg9[%swap3A_69, %swap3A_70], %sqrt3A {strides = array<i32>} : memref<10000x1xf32, #tpu.memory_space<vmem>>, vector<10000x1xf32>,
    return
  }
}

module attributes {stable_mosaic.version = 14 : i64} {
  func.func @_t3_body(%arg0: memref<2x10000x128xf32, #tpu.memory_space<vmem>>, %arg1: memref<10000x1xf32, #tpu.memory_space<vmem>>, %arg2: memref<10000x1xf32, #tpu.memory_space<vmem>>, %arg3: memref<64xf32, #tpu.memory_space<vmem>>, %arg4: memref<64x64xf32, #tpu.memory_space<vmem>>, %arg5: memref<64xf32, #tpu.memory_space<vmem>>, %arg6: memref<64x64xf32, #tpu.memory_space<vmem>>, %arg7: memref<10000x64xf32, #tpu.memory_space<vmem>>) attributes {dimension_semantics = [], scalar_prefetch = 0 : i64, scratch_operands = 0 : i64, tpu.core_type = #tpu.core_type<tc>} {
    %get3A = arith.constant 0 : index
    %get3A_0 = arith.constant 0 : index
    %get3A_1 = arith.constant 0 : index
    %get3A_2 = vector.load %arg0[%get3A, %get3A_0, %get3A_1] : memref<2x10000x128xf32, #tpu.memory_space<vmem>>, vector<1x10000x64xf32>
    %get3A_3 = vector.shape_cast %get3A_2 : vector<1x10000x64xf32> to vector<10000x64xf32>
    %get3A_4 = arith.constant 1 : index
    %get3A_5 = arith.constant 0 : index
    %get3A_6 = arith.constant 0 : index
    %get3A_7 = vector.load %arg0[%get3A_4, %get3A_5, %get3A_6] : memref<2x10000x128xf32, #tpu.memory_space<vmem>>, vector<1x10000x64xf32>
    %get3A_8 = vector.shape_cast %get3A_7 : vector<1x10000x64xf32> to vector<10000x64xf32>
    %add3A = arith.addf %get3A_3, %get3A_8 : vector<10000x64xf32>
    %get3A_9 = arith.constant 0 : index
    %get3A_10 = arith.constant 0 : index
    %get3A_11 = vector.load %arg1[%get3A_9, %get3A_10] : memref<10000x1xf32, #tpu.memory_space<vmem>>, vector<10000x1xf32>
    %mul3A = vector.broadcast %get3A_11 : vector<10000x1xf32> to vector<10000x64xf32>
    %mul3A_12 = arith.mulf %add3A, %mul3A : vector<10000x64xf32>
    %get3A_13 = arith.constant 0 : index
    %get3A_14 = vector.load %arg3[%get3A_13] : memref<64xf32, #tpu.memory_space<vmem>>, vector<64xf32>
    %broadcast_in_dim3A = vector.shape_cast %get3A_14 : vector<64xf32> to vector<1x64xf32>
    %add3A_15 = vector.broadcast %broadcast_in_dim3A : vector<1x64xf32> to vector<10000x64xf32>
    %add3A_16 = arith.addf %mul3A_12, %add3A_15 : vector<10000x64xf32>
    %reduce_sum3A = arith.constant dense<0.000000e+00> : vector<64xf32>
    %reduce_sum3A_17 = vector.multi_reduction <add>, %add3A_16, %reduce_sum3A [0] : vector<10000x64xf32> to vector<64xf32>
    %broadcast_in_dim3A_18 = vector.shape_cast %reduce_sum3A_17 : vector<64xf32> to vector<1x64xf32>
    %div3A = arith.constant 1.000000e+04 : f32
    %div3A_19 = vector.broadcast %div3A : f32 to vector<1x64xf32>
    %div3A_20 = arith.divf %broadcast_in_dim3A_18, %div3A_19 : vector<1x64xf32>
    %get3A_21 = arith.constant 0 : index
    %get3A_22 = arith.constant 0 : index
    %get3A_23 = vector.load %arg4[%get3A_21, %get3A_22] : memref<64x64xf32, #tpu.memory_space<vmem>>, vector<64x64xf32>
    %dot_general3A = arith.constant dense<0.000000e+00> : vector<1x64xf32>
    %dot_general3A_24 = tpu.matmul %div3A_20, %get3A_23, %dot_general3A {dimension_numbers = #tpu.dot_dimension_numbers<[1], [0], [0], [1], [0, 0, 1, 1], [], []>, transpose_lhs_hint = false} : vector<1x64xf32>, vector<64x64xf32>, vector<1x64xf32> -> vector<1x64xf32>
    %get3A_25 = arith.constant 0 : index
    %get3A_26 = arith.constant 0 : index
    %get3A_27 = arith.constant 64 : index
    %get3A_28 = vector.load %arg0[%get3A_25, %get3A_26, %get3A_27] : memref<2x10000x128xf32, #tpu.memory_space<vmem>>, vector<1x10000x1xf32>
    %get3A_29 = vector.shape_cast %get3A_28 : vector<1x10000x1xf32> to vector<10000x1xf32>
    %get3A_30 = arith.constant 1 : index
    %get3A_31 = arith.constant 0 : index
    %get3A_32 = arith.constant 64 : index
    %get3A_33 = vector.load %arg0[%get3A_30, %get3A_31, %get3A_32] : memref<2x10000x128xf32, #tpu.memory_space<vmem>>, vector<1x10000x1xf32>
    %get3A_34 = vector.shape_cast %get3A_33 : vector<1x10000x1xf32> to vector<10000x1xf32>
    %add3A_35 = arith.addf %get3A_29, %get3A_34 : vector<10000x1xf32>
    %get3A_36 = arith.constant 0 : index
    %get3A_37 = arith.constant 0 : index
    %get3A_38 = vector.load %arg2[%get3A_36, %get3A_37] : memref<10000x1xf32, #tpu.memory_space<vmem>>, vector<10000x1xf32>
    %mul3A_39 = arith.mulf %add3A_35, %get3A_38 : vector<10000x1xf32>
    %mul3A_40 = vector.broadcast %mul3A_39 : vector<10000x1xf32> to vector<10000x64xf32>
    %mul3A_41 = vector.broadcast %dot_general3A_24 : vector<1x64xf32> to vector<10000x64xf32>
    %mul3A_42 = arith.mulf %mul3A_40, %mul3A_41 : vector<10000x64xf32>
    %get3A_43 = arith.constant 0 : index
    %get3A_44 = vector.load %arg5[%get3A_43] : memref<64xf32, #tpu.memory_space<vmem>>, vector<64xf32>
    %broadcast_in_dim3A_45 = vector.shape_cast %get3A_44 : vector<64xf32> to vector<1x64xf32>
    %add3A_46 = vector.broadcast %broadcast_in_dim3A_45 : vector<1x64xf32> to vector<10000x64xf32>
    %add3A_47 = arith.addf %mul3A_42, %add3A_46 : vector<10000x64xf32>
    %ge3A = arith.constant 0.000000e+00 : f32
    %ge3A_48 = vector.broadcast %ge3A : f32 to vector<10000x64xf32>
    %ge3A_49 = arith.cmpf oge, %add3A_47, %ge3A_48 : vector<10000x64xf32>
    %mul3A_50 = arith.constant 0.00999999977 : f32
    %mul3A_51 = vector.broadcast %mul3A_50 : f32 to vector<10000x64xf32>
    %mul3A_52 = arith.mulf %mul3A_51, %add3A_47 : vector<10000x64xf32>
    %select_n3A = arith.select %ge3A_49, %add3A_47, %mul3A_52 : vector<10000x64xi1>, vector<10000x64xf32>
    %get3A_53 = arith.constant 0 : index
    %get3A_54 = arith.constant 0 : index
    %get3A_55 = vector.load %arg6[%get3A_53, %get3A_54] : memref<64x64xf32, #tpu.memory_space<vmem>>, vector<64x64xf32>
    %dot_general3A_56 = arith.constant dense<0.000000e+00> : vector<10000x64xf32>
    %dot_general3A_57 = tpu.matmul %select_n3A, %get3A_55, %dot_general3A_56 {dimension_numbers = #tpu.dot_dimension_numbers<[1], [0], [0], [1], [0, 0, 1, 1], [], []>, transpose_lhs_hint = false} : vector<10000x64xf32>, vector<64x64xf32>, vector<10000x64xf32> -> vector<10000x64xf32>
    %swap3A = arith.constant 0 : index
    %swap3A_58 = arith.constant 0 : index
    %swap3A_59 = vector.load %arg7[%swap3A, %swap3A_58] : memref<10000x64xf32, #tpu.memory_space<vmem>>, vector<10000x64xf32>
    tpu.vector_store %arg7[%swap3A, %swap3A_58], %dot_general3A_57 {strides = array<i32>} : memref<10000x64xf32, #tpu.memory_space<vmem>>, vector<10000x64xf32>,
    return
  }
}

module attributes {stable_mosaic.version = 14 : i64} {
  func.func @_t4_body(%arg0: memref<2x10000x128xf32, #tpu.memory_space<vmem>>, %arg1: memref<10000x1xf32, #tpu.memory_space<vmem>>, %arg2: memref<64xf32, #tpu.memory_space<vmem>>, %arg3: memref<10000x64xf32, #tpu.memory_space<vmem>>) attributes {dimension_semantics = [], scalar_prefetch = 0 : i64, scratch_operands = 0 : i64, tpu.core_type = #tpu.core_type<tc>} {
    %get3A = arith.constant 0 : index
    %get3A_0 = arith.constant 0 : index
    %get3A_1 = arith.constant 0 : index
    %get3A_2 = vector.load %arg0[%get3A, %get3A_0, %get3A_1] : memref<2x10000x128xf32, #tpu.memory_space<vmem>>, vector<1x10000x64xf32>
    %get3A_3 = vector.shape_cast %get3A_2 : vector<1x10000x64xf32> to vector<10000x64xf32>
    %get3A_4 = arith.constant 1 : index
    %get3A_5 = arith.constant 0 : index
    %get3A_6 = arith.constant 0 : index
    %get3A_7 = vector.load %arg0[%get3A_4, %get3A_5, %get3A_6] : memref<2x10000x128xf32, #tpu.memory_space<vmem>>, vector<1x10000x64xf32>
    %get3A_8 = vector.shape_cast %get3A_7 : vector<1x10000x64xf32> to vector<10000x64xf32>
    %add3A = arith.addf %get3A_3, %get3A_8 : vector<10000x64xf32>
    %get3A_9 = arith.constant 0 : index
    %get3A_10 = arith.constant 0 : index
    %get3A_11 = vector.load %arg1[%get3A_9, %get3A_10] : memref<10000x1xf32, #tpu.memory_space<vmem>>, vector<10000x1xf32>
    %mul3A = vector.broadcast %get3A_11 : vector<10000x1xf32> to vector<10000x64xf32>
    %mul3A_12 = arith.mulf %add3A, %mul3A : vector<10000x64xf32>
    %get3A_13 = arith.constant 0 : index
    %get3A_14 = vector.load %arg2[%get3A_13] : memref<64xf32, #tpu.memory_space<vmem>>, vector<64xf32>
    %broadcast_in_dim3A = vector.shape_cast %get3A_14 : vector<64xf32> to vector<1x64xf32>
    %add3A_15 = vector.broadcast %broadcast_in_dim3A : vector<1x64xf32> to vector<10000x64xf32>
    %add3A_16 = arith.addf %mul3A_12, %add3A_15 : vector<10000x64xf32>
    %swap3A = arith.constant 0 : index
    %swap3A_17 = arith.constant 0 : index
    %swap3A_18 = vector.load %arg3[%swap3A, %swap3A_17] : memref<10000x64xf32, #tpu.memory_space<vmem>>, vector<10000x64xf32>
    tpu.vector_store %arg3[%swap3A, %swap3A_17], %add3A_16 {strides = array<i32>} : memref<10000x64xf32, #tpu.memory_space<vmem>>, vector<10000x64xf32>,
    return
  }
}

</mosaic_0001>

<sc_bundles>
// kernel: kernel.11.cloned.1.call-start
scs
__scs_entry_jumppad:
0x0: {  	(pc) =	sbr.rel $0x88, $3  }
0x1: {  	(tag) =	ssettag $0x0;
	lr =	simm.s32 $0x1  }
0x2: {  	[smem:$0x3F95] =	sst lr;
	_ =	strace $0xD0000000  }
0x3: {  	_ = 	snop  }
0x4: {  	_ = 	snop  }
0x5: {  	_ = 	snop  }
0x6: {  	_ = 	snop  }
0x7: {  	_ = 	snop  }
__scs_overlays_trampoline_lowered:
0x8: {  	[smem:$0x3FA4] =	sst s0  }
0x9: {  	[smem:$0x3FA5] =	sst s1  }
0xa: {  	[smem:$0x3FA6] =	sst s2  }
0xb: {  	[smem:$0x3FA7] =	sst s3  }
0xc: {  	[smem:$0x3FA8] =	sst s4  }
0xd: {  	[smem:$0x3FA9] =	sst s5  }
0xe: {  	[smem:$0x3FAA] =	sst s6  }
0xf: {  	[smem:$0x3FAB] =	sst s7  }
0x10: {  	[smem:$0x3FAC] =	sst s8  }
0x11: {  	[smem:$0x3FAD] =	sst s9;
	s0 =	simm.s32 @!p0 $0x0  }
0x12: {  	s1 =	sld [smem:$0x3F93];
	s0 =	simm.s32 @p0 $0x1  }
0x13: {  	[smem:$0x3FAE] =	sst s0;
	s0 =	simm.s32 @!p1 $0x0  }
0x14: {  	s2 =	sld [smem:$0x3F92];
	s0 =	simm.s32 @p1 $0x1  }
0x15: {  	[smem:$0x3FAF] =	sst s0;
	s0 =	simm.s32 @!p2 $0x0  }
0x16: {  	s3 =	sld [smem:$0x3FDB];
	s0 =	simm.s32 @p2 $0x1  }
0x17: {  	s4 =	simm.s32 $0x1BF5;
	[smem:$0x3FB1] =	sst s0  }
0x18: {  	s0 =	sld [smem:$0x3F94];
	_ =	swait.ge [sflag:s4], $0x0  }
0x19: {  	s7 =	sld [smem:$0x3F95]  }
0x1a: {  	s8 =	sadd.s32 $0xFFFFE003, lr  }
0x1b: {  	s9 =	sadd.s32 $0xFFFFFEF7, lr;
	s5 =	simm.s32 $0xFFFFFFFF;
	p2 =	slt.u32 s8, $0xFFFFF086  }
0x1c: {  	p1 =	slt.u32 s9, $0xF7A;
	s5 =	simm.s32 @!p2 $0x0  }
0x1d: {  	s5 =	simm.s32 @p1 $0x1;
	p0 =	seq.s32 s7, s2  }
0x1e: {  	s7 =	smul.u32 @!p0 $0xF7A, s2;
	p2 =	seq.s32 @!p0 s5, $0x0  }
0x1f: {  	s9 =	smul.u32 $0xF7A, s1;
	s8 =	simm.s32 @!p0 $0x1BF5;
	p2 =	por !p2, p0  }
0x20: {  	[sflag:s8] =	ssyncset.s32 @!p0 $0xFFFFF086;
	s6 =	sadd.s32 @!p0 s3, s7;
	s7 =	simm.s32 @!p0 $0x108  }
0x21: {  	s3 =	sadd.s32 s3, s9;
	s6 =	sadd.s32 @!p0 $0x88, s6;
	s7 =	simm.s32 @p2 $0x1082  }
0x22: {  	[simem:s7], [sflag:s8] =	dma.local @!p0 [hbm:s6], $0xF7A  }
0x23: {  	s9 =	sor.u32 $0xD0000000, s2;
	s6 =	simm.s32 $0x108;
	_ =	swait.ge @!p0 [sflag:s8], $0x0  }
0x24: {  	s3 =	sadd.s32 $0x88, s3;
	s6 =	simm.s32 @!p1 $0x1082;
	[sflag:s4] =	ssyncset.s32 $0xFFFFF086  }
0x25: {  	[simem:s6], [sflag:s4] =	dma.local [hbm:s3], $0xF7A  }
0x26: {  	[smem:$0x3F95] =	sst s1;
	(tag) =	ssettag s2;
	_ =	strace s9  }
0x27: {  	s1 =	sld [smem:$0x3FA5]  }
0x28: {  	s2 =	sld [smem:$0x3FA6]  }
0x29: {  	s4 =	sld [smem:$0x3FA8]  }
0x2a: {  	p0 =	seq.s32 s5, $0x0;
	s5 =	sld [smem:$0x3FA9]  }
0x2b: {  	s6 =	sld [smem:$0x3FAA]  }
0x2c: {  	s7 =	sld [smem:$0x3FAB]  }
0x2d: {  	s3 =	simm.s32 $0x108;
	s8 =	sld [smem:$0x3FAC]  }
0x2e: {  	s3 =	simm.s32 @!p0 $0x1082;
	s9 =	sld [smem:$0x3FAD]  }
0x2f: {  	lr =	sadd.s32 s0, s3;
	s0 =	sld [smem:$0x3FA4]  }
0x30: {  	s3 =	sld [smem:$0x3FA7]  }
0x31: {  	[smem:$0x3FB0] =	sst s10  }
0x32: {  	s10 =	sld [smem:$0x3FAE];
	_ =	sdelay $0x3  }
0x33: {  	p0 =	seq.s32 s10, $0x1;
	s10 =	sld [smem:$0x3FB0];
	_ =	sdelay $0x3  }
0x34: {  	[smem:$0x3FB0] =	sst s10  }
0x35: {  	s10 =	sld [smem:$0x3FAF];
	_ =	sdelay $0x3  }
0x36: {  	p1 =	seq.s32 s10, $0x1;
	s10 =	sld [smem:$0x3FB0];
	_ =	sdelay $0x3  }
0x37: {  	[smem:$0x3FB0] =	sst s10  }
0x38: {  	s10 =	sld [smem:$0x3FB1]  }
0x39: {  	_ = 	snop;
	(pc) =	sbr.ind lr, $3  }
0x3a: {  	_ = 	snop  }
0x3b: {  	_ = 	snop  }
0x3c: {  	p2 =	seq.s32 s10, $0x1;
	s10 =	sld [smem:$0x3FB0]  }
0x3d: {  	_ =	shalt  }
0x3e: {  	_ =	shalt  }
0x3f: {  	_ =	shalt  }
0x40: {  	_ =	shalt  }
0x41: {  	_ =	shalt  }
0x42: {  	_ =	shalt  }
0x43: {  	_ =	shalt  }
0x44: {  	_ =	shalt  }
0x45: {  	_ =	shalt  }
0x46: {  	_ =	shalt  }
0x47: {  	_ =	shalt  }
0x48: {  	_ =	shalt  }
0x49: {  	_ =	shalt  }
0x4a: {  	_ =	shalt  }
0x4b: {  	_ =	shalt  }
0x4c: {  	_ =	shalt  }
0x4d: {  	_ =	shalt  }
0x4e: {  	_ =	shalt  }
0x4f: {  	_ =	shalt  }
0x50: {  	_ =	shalt  }
0x51: {  	_ =	shalt  }
0x52: {  	_ =	shalt  }
0x53: {  	_ =	shalt  }
0x54: {  	_ =	shalt  }
0x55: {  	_ =	shalt  }
0x56: {  	_ =	shalt  }
0x57: {  	_ =	shalt  }
0x58: {  	_ =	shalt  }
0x59: {  	_ =	shalt  }
0x5a: {  	_ =	shalt  }
0x5b: {  	_ =	shalt  }
0x5c: {  	_ =	shalt  }
0x5d: {  	_ =	shalt  }
0x5e: {  	_ =	shalt  }
0x5f: {  	_ =	shalt  }
0x60: {  	_ =	shalt  }
0x61: {  	_ =	shalt  }
0x62: {  	_ =	shalt  }
0x63: {  	_ =	shalt  }
0x64: {  	_ =	shalt  }
0x65: {  	_ =	shalt  }
0x66: {  	_ =	shalt  }
0x67: {  	_ =	shalt  }
0x68: {  	_ =	shalt  }
0x69: {  	_ =	shalt  }
0x6a: {  	_ =	shalt  }
0x6b: {  	_ =	shalt  }
0x6c: {  	_ =	shalt  }
0x6d: {  	_ =	shalt  }
0x6e: {  	_ =	shalt  }
0x6f: {  	_ =	shalt  }
0x70: {  	_ =	shalt  }
0x71: {  	_ =	shalt  }
0x72: {  	_ =	shalt  }
0x73: {  	_ =	shalt  }
0x74: {  	_ =	shalt  }
0x75: {  	_ =	shalt  }
0x76: {  	_ =	shalt  }
0x77: {  	_ =	shalt  }
0x78: {  	_ =	shalt  }
0x79: {  	_ =	shalt  }
0x7a: {  	_ =	shalt  }
0x7b: {  	_ =	shalt  }
0x7c: {  	_ =	shalt  }
0x7d: {  	_ =	shalt  }
0x7e: {  	_ =	shalt  }
0x7f: {  	_ =	shalt  }
0x80: {  	_ =	shalt  }
0x81: {  	_ =	shalt  }
0x82: {  	_ =	shalt  }
0x83: {  	_ =	shalt  }
0x84: {  	_ =	shalt  }
0x85: {  	_ =	shalt  }
0x86: {  	_ =	shalt  }
0x87: {  	_ =	shalt  }
.Lfunc_end0:
.L_simem_size_0:
called_computation_lowered:
.L_overlay_start_0:
0x88: {  	s2 =	sld [smem:$0x3FD9]  }
0x89: {  	s3 =	sld [smem:$0x3FFE];
	_ =	sdelay $0x1  }
0x8a: {  	s1 =	srdreg.scid  }
0x8b: {  	s0 =	sand.u32 $0x1, s1  }
0x8c: {  	s17 =	sshll.u32 s0, $0xA;
	s2 =	sadd.s32 s3, s2  }
0x8d: {  	s2 =	sadd.s32 s2, s17  }
0x8e: {  	[smem:$0x3FBC] =	sst s2  }
0x8f: {  	_ = 	snop  }
0x90: {  	s2 =	sld [smem:$0x3FD0];
	(tm) =	ssettm $0x1  }
0x91: {  	s18 =	sld [smem:$0x3FFB];
	_ =	sdelay $0x3  }
0x92: {  	_ =	strace s18  }
0x93: {  	s3 =	sld [smem:$0x3FFC];
	_ =	sdelay $0x3  }
0x94: {  	_ =	strace s3  }
0x95: {  	s3 =	sld [smem:$0x3FFD];
	_ =	sdelay $0x3  }
0x96: {  	_ =	strace s3  }
0x97: {  	_ =	strace $0x8FFFFFFF  }
0x98: {  	s19 =	sld [smem:$0x3FDB];
	_ =	sdelay $0x1  }
0x99: {  	s4 =	simm.s32 $_scs_section_size  }
0x9a: {  	s5 =	simm.s32 $_size__tile_overlayer_lowered;
	s6 =	simm.s32 $_tile_overlayer_lowered  }
0x9b: {  	s22 =	simm.s32 $0x1BFF;
	s21 =	sshll.u32 s6, $0x1;
	s3 =	sadd.s32 s4, s19  }
0x9c: {  	s7 =	simm.s32 $0x0;
	s20 =	sshll.u32 s5, $0x1;
	s5 =	sadd.s32 s21, s3  }
0x9d: {  	[timem:s7], [sflag:s22] =	dma.local [hbm:s5], s20  }
0x9e: {  	_ =	swait.ge [sflag:s22], s20  }
0x9f: {  	s4 =	ssub.s32 $0x0, s20;
	[sflag:s22] =	ssyncset.done $0x0  }
0xa0: {  	[sflag:s22] =	ssyncadd.s32 s4;
	_ =	sdelay $0x1  }
0xa1: {  	s23 =	simm.s32 $0x1B8B  }
0xa2: {  	_ =	swait.ge [sflag:s23], $0x1  }
0xa3: {  	[sflag:s23] =	ssyncset.done $0x0  }
0xa4: {  	s25 =	simm.s32 $0x1B8E;
	s24 =	sld [smem:$0x3FFE];
	[sflag:s23] =	ssyncadd.s32 $0xFFFFFFFF  }
0xa5: {  	s26 =	simm.s32 $execute0_lowered;
	[smem:$0x3FD2] =	sst s25  }
0xa6: {  	s5 =	sshll.u32 s26, $0x1;
	_ =	strace $0x80000046;
	[dreg:$0x1] =	wrdreg $0xFFFFFFFF  }
0xa7: {  	s28 =	simm.s32 $_size_execute0_lowered;
	s3 =	sadd.s32 s3, s5;
	[dreg:$0x0] =	wrdreg $0x0  }
0xa8: {  	s5 =	sshll.u32 s28, $0x1;
	[dreg:$0x2] =	wrdreg s3  }
0xa9: {  	[dreg:$0x3] =	wrdreg s5  }
0xaa: {  	[dreg:$0x4] =	wrdreg $0xC0  }
0xab: {  	_ =	task [dreg:s7], $0x5FFFF  }
0xac: {  	[dreg:$0x1] =	wrdreg $0xFFFFFFFF  }
0xad: {  	[dreg:$0x0] =	wrdreg $0x60  }
0xae: {  	[dreg:$0x2] =	wrdreg s2  }
0xaf: {  	[dreg:$0x3] =	wrdreg s24  }
0xb0: {  	[dreg:$0x4] =	wrdreg $0x54B00  }
0xb1: {  	[dreg:$0x5] =	wrdreg $0x7BC00  }
0xb2: {  	[dreg:$0x6] =	wrdreg $0x9  }
0xb3: {  	_ =	task.clear_ibuf [dreg:s7], $0x7FFFF;
	_ =	strace $0x90000046  }
0xb4: {  	s29 =	simm.s32 $0x9;
	_ =	strace $0x80000048  }
0xb5: {  	_ =	swait.ge [sflag:s29], $0x1  }
0xb6: {  	[sflag:s29] =	ssyncadd.s32 $0xFFFFFFFF  }
0xb7: {  	_ =	strace $0x90000048  }
0xb8: {  	_ =	sfence  }
0xb9: {  	s30 =	sld [smem:$0x0];
	_ =	sdelay $0x2  }
0xba: {  	s31 =	sshll.u32 s1, $0xD;
	s1 =	sshrl.u32 s1, $0x2  }
0xbb: {  	s3 =	sand.u32 $0x4000, s31;
	s1 =	sadd.s32 s1, s30  }
0xbc: {  	s0 =	sor.u32 s3, s0;
	s1 =	sshll.u32 s1, $0x11  }
0xbd: {  	s0 =	sor.u32 s1, s0  }
0xbe: {  	s0 =	sadd.s32 $0x8F2B, s0  }
0xbf: {  	[sflag:s0] =	ssyncadd.remote.s32 $0x1  }
0xc0: {  	_ =	sfence.sel $0xFFFF  }
0xc1: {  	[dreg:$0x0] =	wrdreg $0xFFFFFFFF;
	(pc) =	sbr.abs _section_cstart, $3  }
0xc2: {  	[dreg:$0x1] =	wrdreg $0xFFFFFFFF  }
0xc3: {  	_ =	task.clear_ibuf [dreg:s7], $0x2FFFF;
	_ =	strace $0x9FFFFFFF  }
0xc4: {  	(tm) =	ssettm $0x7FFFFFFF  }
0xc5: {  	_ =	shalt  }
tec
execute0_lowered:
.L_overlay_start_1:
0x0: {  	(tag) =	ssettag $0x1  }
0x1: {  	s5 =	rddreg [dreg:$0x0]  }
0x2: {  	s6 =	rddreg [dreg:$0x1]  }
0x3: {  	s2 =	rddreg [dreg:$0x2]  }
0x4: {  	s3 =	rddreg [dreg:$0x3]  }
0x5: {  	s0 =	srdreg.scid;
	s1 =	rddreg [dreg:$0x4];
	s4 =	simm.s32 $0x0  }
0x6: {  	s12 =	simm.s32 $0x3;
	s13 =	simm.s32 $0x2710;
	s14 =	simm.s32 $0x5320  }
0x7: {  	s15 =	simm.s32 $0x50;
	s16 =	simm.s32 $0x4E20;
	s17 =	simm.s32 $0x1  }
0x8: {  	s18 =	simm.s32 $0x2;
	s20 =	simm.s32 $0x10;
	s7 =	sand.u32 $0x1, s0  }
0x9: {  	s22 =	simm.s32 $0x0;
	s0 =	stileid.u32;
	s8 =	smul.u32 $0x138800, s7  }
0xa: {  	[smem:$0x7FF] =	sst s4;
	s9 =	smul.u32 $0x13880, s0;
	s10 =	sshll.u32 s0, $0x1  }
0xb: {  	_ =	strace $0x80000047;
	s28 =	ssub.s32 $0x2, s7;
	s30 =	smul.u32 $0x2710, s0  }
0xc: {  	s11 =	smul.u32 $0x9C40, s0;
	s26 =	sor.u32 s7, s10;
	s31 =	sshrl.u32 s28, $0x1  }
0xd: {  	s8 =	sadd.s32 s9, s8;
	s9 =	smul.u32 $0x2710, s26;
	s10 =	ssub.s32 s28, s31  }
0xe: {  	s19 =	sadd.s32 s30, s2;
	s11 =	sshrl.u32 s11, $0x2;
	s21 =	sadd.s32 s30, s3  }
0xf: {  	s8 =	sshrl.u32 s8, $0x3;
	s19 =	sshrl.u32 s19, $0x3;
	s21 =	sshrl.u32 s21, $0x3  }
0x10: {  	s8 =	sadd.s32 s8, s6;
	s29 =	sshrl.u32 s9, $0x3;
	s9 =	smax.u32 s10, $0x1  }
0x11: {  	s10 =	sadd.s32 s11, s2;
	s11 =	sadd.s32 s11, s3;
	s5 =	sadd.s32 s5, s29  }
0x12: {  	v0 =	vimm.f32 $1.000000000e+00;
	v1 =	vimm.f32 $0.0e+00;
	s7 =	sadd.s32 $0x2E00, s8;
	s8 =	sadd.s32 $0x2E02, s8;
	s6 =	sadd.s32 $0x9C40, s5  }
.LBB2_1:
0x13: {  	[tilespmem:s4], [sflag:$0x3] =	stream.linear.gather [hbm4b:s5+s4], $0x2710, $0x38;
	[tilespmem:$0xA2D0] =	vst v63  }
0x14: {  	_ =	swait.ge [sflag:s12], $0x2710  }
0x15: {  	[sflag:s12] =	ssyncset.done $0x0  }
0x16: {  	[sflag:s12] =	ssyncadd.s32 $0xFFFFD8F0  }
0x17: {  	[tilespmem:s13], [sflag:$0x3] =	stream.linear.gather [hbm4b:s6+s4], $0x2710, $0x38;
	[tilespmem:$0xA2D0] =	vst v63  }
0x18: {  	_ =	swait.ge [sflag:s12], $0x2710  }
0x19: {  	[sflag:s12] =	ssyncset.done $0x0  }
0x1a: {  	s23 =	simm.s32 $0x40;
	s24 =	simm.s32 $0x0;
	[sflag:s12] =	ssyncadd.s32 $0xFFFFD8F0  }
.LBB2_2:
0x1b: {  	p0 =	sne.s32 s23, $0x13C0;
	[tilespmem:s24+$0x4E20] =	vst v0;
	s24 =	smov.u32 s23;
	s23 =	sadd.s32 $0x40, s23  }
.Ltmp0:
0x1c: {  	(pc) =	sbr.rel @p0 .LBB2_2-.Ltmp0, $2  }
0x1d: {  	_ =	sdelay $0x2  }
0x1e: {  	s24 =	sshra.s32 s24, $0x2  }
0x1f: {  	[tilespmem:s24+$0x4E20] =	vst v0  }
0x20: {  	[tilespmem:$0x5320] =	vst v1  }
0x21: {  	[tilespmem:$0x5330] =	vst v1  }
0x22: {  	[tilespmem:$0x5340] =	vst v1  }
0x23: {  	[tilespmem:$0x5350] =	vst v1  }
0x24: {  	[tilespmem:$0x5360] =	vst v1  }
0x25: {  	[tilespmem:$0x5370] =	vst v1  }
0x26: {  	[tilespmem:$0x5380] =	vst v1  }
0x27: {  	[tilespmem:$0x5390] =	vst v1  }
0x28: {  	[tilespmem:$0x53A0] =	vst v1  }
0x29: {  	[tilespmem:$0x53B0] =	vst v1  }
0x2a: {  	[tilespmem:$0x53C0] =	vst v1  }
0x2b: {  	[tilespmem:$0x53D0] =	vst v1  }
0x2c: {  	[tilespmem:$0x53E0] =	vst v1  }
0x2d: {  	[tilespmem:$0x53F0] =	vst v1  }
0x2e: {  	[tilespmem:$0x5400] =	vst v1  }
0x2f: {  	[tilespmem:$0x5410] =	vst v1  }
0x30: {  	[tilespmem:$0x5420] =	vst v1  }
0x31: {  	[tilespmem:$0x5430] =	vst v1  }
0x32: {  	[tilespmem:$0x5440] =	vst v1  }
0x33: {  	[tilespmem:$0x5450] =	vst v1  }
0x34: {  	[tilespmem:$0x5460] =	vst v1  }
0x35: {  	[tilespmem:$0x5470] =	vst v1  }
0x36: {  	[tilespmem:$0x5480] =	vst v1  }
0x37: {  	[tilespmem:$0x5490] =	vst v1  }
0x38: {  	s23 =	sadd.s32 $0x0, s10;
	[tilespmem:$0x54A0] =	vst v1  }
0x39: {  	[spmem:s23] =	stream.linear.scatter [tilespmem:s14], [sflag:$0x3], $0x190, $0x38;
	[tilespmem:$0xA2D0] =	vst v63  }
0x3a: {  	s23 =	simm.s32 $0x640;
	_ =	swait.ge [sflag:s12], $0x190  }
.LBB2_4:
0x3b: {  	s24 =	sshra.s32 s23, $0x2;
	[sflag:s12] =	ssyncset.done $0x0;
	p0 =	sne.s32 s23, $0x9600  }
.Ltmp1:
0x3c: {  	s24 =	sadd.s32 s24, s10;
	[sflag:s12] =	ssyncadd.s32 $0xFFFFFE70;
	(pc) =	sbr.rel @p0 .LBB2_4-.Ltmp1, $3  }
0x3d: {  	[spmem:s24] =	stream.linear.scatter [tilespmem:s14], [sflag:$0x3], $0x190, $0x38;
	[tilespmem:$0xA2D0] =	vst v63  }
0x3e: {  	s23 =	sadd.s32 $0x640, s23;
	_ =	sdelay $0x1  }
0x3f: {  	_ =	swait.ge [sflag:s12], $0x190  }
0x40: {  	[sflag:s12] =	ssyncset.done $0x0  }
0x41: {  	[sflag:s12] =	ssyncadd.s32 $0xFFFFFE70  }
0x42: {  	[tilespmem:$0x5320] =	vst v1  }
0x43: {  	[tilespmem:$0x5330] =	vst v1  }
0x44: {  	[tilespmem:$0x5340] =	vst v1  }
0x45: {  	[tilespmem:$0x5350] =	vst v1  }
0x46: {  	[tilespmem:$0x5360] =	vst v1  }
0x47: {  	[tilespmem:$0x5370] =	vst v1  }
0x48: {  	[tilespmem:$0x5380] =	vst v1  }
0x49: {  	[tilespmem:$0x5390] =	vst v1  }
0x4a: {  	[tilespmem:$0x53A0] =	vst v1  }
0x4b: {  	[tilespmem:$0x53B0] =	vst v1  }
0x4c: {  	[tilespmem:$0x53C0] =	vst v1  }
0x4d: {  	[tilespmem:$0x53D0] =	vst v1  }
0x4e: {  	[tilespmem:$0x53E0] =	vst v1  }
0x4f: {  	[tilespmem:$0x53F0] =	vst v1  }
0x50: {  	[tilespmem:$0x5400] =	vst v1  }
0x51: {  	[tilespmem:$0x5410] =	vst v1  }
0x52: {  	[tilespmem:$0x5420] =	vst v1  }
0x53: {  	[tilespmem:$0x5430] =	vst v1  }
0x54: {  	[tilespmem:$0x5440] =	vst v1  }
0x55: {  	[tilespmem:$0x5450] =	vst v1  }
0x56: {  	[tilespmem:$0x5460] =	vst v1  }
0x57: {  	[tilespmem:$0x5470] =	vst v1  }
0x58: {  	[tilespmem:$0x5480] =	vst v1  }
0x59: {  	[tilespmem:$0x5490] =	vst v1  }
0x5a: {  	s23 =	sadd.s32 $0x0, s11;
	[tilespmem:$0x54A0] =	vst v1  }
0x5b: {  	[spmem:s23] =	stream.linear.scatter [tilespmem:s14], [sflag:$0x3], $0x190, $0x38;
	[tilespmem:$0xA2D0] =	vst v63  }
0x5c: {  	s23 =	simm.s32 $0x640;
	_ =	swait.ge [sflag:s12], $0x190  }
.LBB2_6:
0x5d: {  	s24 =	sshra.s32 s23, $0x2;
	[sflag:s12] =	ssyncset.done $0x0;
	p0 =	sne.s32 s23, $0x9600  }
.Ltmp2:
0x5e: {  	s24 =	sadd.s32 s24, s11;
	[sflag:s12] =	ssyncadd.s32 $0xFFFFFE70;
	(pc) =	sbr.rel @p0 .LBB2_6-.Ltmp2, $3  }
0x5f: {  	[spmem:s24] =	stream.linear.scatter [tilespmem:s14], [sflag:$0x3], $0x190, $0x38;
	[tilespmem:$0xA2D0] =	vst v63  }
0x60: {  	s23 =	sadd.s32 $0x640, s23;
	_ =	sdelay $0x1  }
0x61: {  	_ =	swait.ge [sflag:s12], $0x190  }
0x62: {  	[sflag:s12] =	ssyncset.done $0x0  }
0x63: {  	[sflag:s12] =	ssyncadd.s32 $0xFFFFFE70  }
0x64: {  	[bflag:$0x0] =	sbarrier.arrive $0xFFFF  }
0x65: {  	[spmem:s2] =	stream.indirect.scatter.add.f32 [tilespmem:s16], [sflag:$0x1], $0x10, s13, s15, $0xb8;
	[tilespmem:$0xA2D0] =	vst v63  }
0x66: {  	_ = 	snop  }
0x67: {  	[spmem:s3] =	stream.indirect.scatter.add.f32 [tilespmem:s16], [sflag:$0x2], $0x10, s4, s15, $0xb8;
	[tilespmem:$0xA2D0] =	vst v63  }
0x68: {  	s23 =	simm.s32 $0x2760  }
0x69: {  	[spmem:s2] =	stream.indirect.scatter.add.f32 [tilespmem:s16], [sflag:$0x1], $0x10, s23, s15, $0xb8;
	[tilespmem:$0xA2D0] =	vst v63  }
0x6a: {  	s31 =	simm.s32 $0x50  }
0x6b: {  	[spmem:s3] =	stream.indirect.scatter.add.f32 [tilespmem:s16], [sflag:$0x2], $0x10, s31, s15, $0xb8;
	[tilespmem:$0xA2D0] =	vst v63  }
0x6c: {  	_ =	swait.ge [sflag:s17], $0x500  }
0x6d: {  	[sflag:s17] =	ssyncset.done $0x0  }
0x6e: {  	[sflag:s17] =	ssyncadd.s32 $0xFFFFFB00  }
0x6f: {  	_ =	swait.ge [sflag:s18], $0x500  }
0x70: {  	s24 =	simm.s32 $0x3C0;
	s23 =	simm.s32 $0xA0;
	[sflag:s18] =	ssyncset.done $0x0  }
.LBB2_8:
0x71: {  	s25 =	sadd.s32 $0x2710, s23  }
0x72: {  	[sflag:s18] =	ssyncadd.s32 $0xFFFFFB00;
	s26 =	smov.u32 s24;
	s28 =	sadd.s32 $0x140, s24  }
0x73: {  	[spmem:s2] =	stream.indirect.scatter.add.f32 [tilespmem:s16], [sflag:$0x1], $0x10, s25, s15, $0xb8;
	[tilespmem:$0xA2D0] =	vst v63  }
0x74: {  	p0 =	sne.s32 s24, $0x9B00  }
0x75: {  	[spmem:s3] =	stream.indirect.scatter.add.f32 [tilespmem:s16], [sflag:$0x2], $0x10, s23, s15, $0xb8;
	[tilespmem:$0xA2D0] =	vst v63  }
.Ltmp3:
0x76: {  	_ =	swait.ge [sflag:s17], $0x500;
	(pc) =	sbr.rel @p0 .LBB2_8-.Ltmp3, $4  }
0x77: {  	[sflag:s17] =	ssyncset.done $0x0  }
0x78: {  	[sflag:s17] =	ssyncadd.s32 $0xFFFFFB00  }
0x79: {  	_ =	swait.ge [sflag:s18], $0x500  }
0x7a: {  	s24 =	smov.u32 s28;
	s23 =	sshra.s32 s26, $0x2;
	[sflag:s18] =	ssyncset.done $0x0  }
0x7b: {  	s24 =	sadd.s32 $0x2710, s23;
	[sflag:s18] =	ssyncadd.s32 $0xFFFFFB00  }
0x7c: {  	[spmem:s2] =	stream.indirect.scatter.add.f32 [tilespmem:s16], [sflag:$0x1], $0x10, s24, s15, $0xb8;
	[tilespmem:$0xA2D0] =	vst v63  }
0x7d: {  	_ = 	snop  }
0x7e: {  	[spmem:s3] =	stream.indirect.scatter.add.f32 [tilespmem:s16], [sflag:$0x2], $0x10, s23, s15, $0xb8;
	[tilespmem:$0xA2D0] =	vst v63  }
0x7f: {  	_ =	swait.ge [sflag:s17], $0x500  }
0x80: {  	[sflag:s17] =	ssyncset.done $0x0  }
0x81: {  	[sflag:s17] =	ssyncadd.s32 $0xFFFFFB00  }
0x82: {  	_ =	swait.ge [sflag:s18], $0x500  }
0x83: {  	[sflag:s18] =	ssyncset.done $0x0  }
0x84: {  	[sflag:s18] =	ssyncadd.s32 $0xFFFFFB00  }
0x85: {  	_ =	swait.ge [sflag:s17], $0x500  }
0x86: {  	[sflag:s17] =	ssyncset.done $0x0  }
0x87: {  	[sflag:s17] =	ssyncadd.s32 $0xFFFFFB00  }
0x88: {  	_ =	swait.ge [sflag:s18], $0x500  }
0x89: {  	[sflag:s18] =	ssyncset.done $0x0  }
0x8a: {  	s31 =	sshll.u32 s0, $0x6;
	[sflag:s18] =	ssyncadd.s32 $0xFFFFFB00  }
0x8b: {  	s23 =	sor.u32 $0x1C03, s31;
	[bflag:$0x0] =	sbarrier.arrive $0xFFFF  }
0x8c: {  	[hbm:s7@s20], [sflag:s23] =	dma.strided [spmem:s19@s18], $0x4E2, s17, $0x2   }
0x8d: {  	s22 =	sadd.s32 $0x1, s22;
	_ =	swait.ge [sflag:s12], $0x4E2  }
0x8e: {  	p0 =	sne.s32 s22, s9;
	[sflag:s12] =	ssyncset.done $0x0  }
.Ltmp4:
0x8f: {  	[sflag:s12] =	ssyncadd.s32 $0xFFFFFB1E;
	(pc) =	sbr.rel @p0 .LBB2_1-.Ltmp4, $4  }
0x90: {  	[hbm:s8@s20], [sflag:s23] =	dma.strided [spmem:s21@s18], $0x4E2, s17, $0x2   }
0x91: {  	_ =	swait.ge [sflag:s12], $0x4E2  }
0x92: {  	[sflag:s12] =	ssyncset.done $0x0  }
0x93: {  	[sflag:s12] =	ssyncadd.s32 $0xFFFFFB1E  }
0x94: {  	_ =	sfence.sel $0x180000  }
0x95: {  	[bflag:$0x0] =	sbarrier.arrive $0xFFFF  }
0x96: {  	p0 =	sne.s32 s0, $0x0;
	_ =	strace $0x90000047  }
0x97: {  	s0 =	sadd.s32 @!p0 $0x100000, s1;
	[bflag:$0x2] =	sbarrier.arrive $0xFFFF  }
0x98: {  	[sflag:s0] =	ssyncadd.tile.s32 @!p0 $0x1;
	_ =	shalt  }
.Lfunc_end2:
_tile_overlayer_lowered:
.L_overlay_start_2:
0x99: {  	(tag) =	ssettag $0x2  }
0x9a: {  	s0 =	rddreg [dreg:$0x0];
	s2 =	stileid.u32  }
0x9b: {  	s1 =	rddreg [dreg:$0x1];
	p0 =	sne.s32 s2, $0x0  }
0x9c: {  	s3 =	rddreg [dreg:$0x2];
	[bflag:$0x3] =	sbarrier.arrive $0xFFFF;
	s2 =	simm.s32 @!p0 $0x1C03  }
0x9d: {  	[timem:s3], [sflag:s2] =	dma.local @!p0 [hbm:s0], s1  }
0x9e: {  	s0 =	simm.s32 @!p0 $0x3  }
0x9f: {  	_ =	swait.ge @!p0 [sflag:s0], s1  }
0xa0: {  	s1 =	ssub.s32 @!p0 $0x0, s1;
	[sflag:s0] =	ssyncset.done @!p0 $0x0  }
0xa1: {  	[sflag:s0] =	ssyncadd.s32 @!p0 s1  }
0xa2: {  	[bflag:$0x3] =	sbarrier.arrive $0xFFFF  }
0xa3: {  	_ =	shalt  }

// kernel: kernel.14.cloned.1.call-start
scs
__scs_entry_jumppad:
0x0: {  	(pc) =	sbr.rel $0x88, $3  }
0x1: {  	(tag) =	ssettag $0x0;
	lr =	simm.s32 $0x1  }
0x2: {  	[smem:$0x3F95] =	sst lr;
	_ =	strace $0xD0000000  }
0x3: {  	_ = 	snop  }
0x4: {  	_ = 	snop  }
0x5: {  	_ = 	snop  }
0x6: {  	_ = 	snop  }
0x7: {  	_ = 	snop  }
__scs_overlays_trampoline_lowered:
0x8: {  	[smem:$0x3FA4] =	sst s0  }
0x9: {  	[smem:$0x3FA5] =	sst s1  }
0xa: {  	[smem:$0x3FA6] =	sst s2  }
0xb: {  	[smem:$0x3FA7] =	sst s3  }
0xc: {  	[smem:$0x3FA8] =	sst s4  }
0xd: {  	[smem:$0x3FA9] =	sst s5  }
0xe: {  	[smem:$0x3FAA] =	sst s6  }
0xf: {  	[smem:$0x3FAB] =	sst s7  }
0x10: {  	[smem:$0x3FAC] =	sst s8  }
0x11: {  	[smem:$0x3FAD] =	sst s9;
	s0 =	simm.s32 @!p0 $0x0  }
0x12: {  	s1 =	sld [smem:$0x3F93];
	s0 =	simm.s32 @p0 $0x1  }
0x13: {  	[smem:$0x3FAE] =	sst s0;
	s0 =	simm.s32 @!p1 $0x0  }
0x14: {  	s2 =	sld [smem:$0x3F92];
	s0 =	simm.s32 @p1 $0x1  }
0x15: {  	[smem:$0x3FAF] =	sst s0;
	s0 =	simm.s32 @!p2 $0x0  }
0x16: {  	s3 =	sld [smem:$0x3FDB];
	s0 =	simm.s32 @p2 $0x1  }
0x17: {  	s4 =	simm.s32 $0x1BF5;
	[smem:$0x3FB1] =	sst s0  }
0x18: {  	s0 =	sld [smem:$0x3F94];
	_ =	swait.ge [sflag:s4], $0x0  }
0x19: {  	s7 =	sld [smem:$0x3F95]  }
0x1a: {  	s8 =	sadd.s32 $0xFFFFE003, lr  }
0x1b: {  	s9 =	sadd.s32 $0xFFFFFEF7, lr;
	s5 =	simm.s32 $0xFFFFFFFF;
	p2 =	slt.u32 s8, $0xFFFFF086  }
0x1c: {  	p1 =	slt.u32 s9, $0xF7A;
	s5 =	simm.s32 @!p2 $0x0  }
0x1d: {  	s5 =	simm.s32 @p1 $0x1;
	p0 =	seq.s32 s7, s2  }
0x1e: {  	s7 =	smul.u32 @!p0 $0xF7A, s2;
	p2 =	seq.s32 @!p0 s5, $0x0  }
0x1f: {  	s9 =	smul.u32 $0xF7A, s1;
	s8 =	simm.s32 @!p0 $0x1BF5;
	p2 =	por !p2, p0  }
0x20: {  	[sflag:s8] =	ssyncset.s32 @!p0 $0xFFFFF086;
	s6 =	sadd.s32 @!p0 s3, s7;
	s7 =	simm.s32 @!p0 $0x108  }
0x21: {  	s3 =	sadd.s32 s3, s9;
	s6 =	sadd.s32 @!p0 $0x88, s6;
	s7 =	simm.s32 @p2 $0x1082  }
0x22: {  	[simem:s7], [sflag:s8] =	dma.local @!p0 [hbm:s6], $0xF7A  }
0x23: {  	s9 =	sor.u32 $0xD0000000, s2;
	s6 =	simm.s32 $0x108;
	_ =	swait.ge @!p0 [sflag:s8], $0x0  }
0x24: {  	s3 =	sadd.s32 $0x88, s3;
	s6 =	simm.s32 @!p1 $0x1082;
	[sflag:s4] =	ssyncset.s32 $0xFFFFF086  }
0x25: {  	[simem:s6], [sflag:s4] =	dma.local [hbm:s3], $0xF7A  }
0x26: {  	[smem:$0x3F95] =	sst s1;
	(tag) =	ssettag s2;
	_ =	strace s9  }
0x27: {  	s1 =	sld [smem:$0x3FA5]  }
0x28: {  	s2 =	sld [smem:$0x3FA6]  }
0x29: {  	s4 =	sld [smem:$0x3FA8]  }
0x2a: {  	p0 =	seq.s32 s5, $0x0;
	s5 =	sld [smem:$0x3FA9]  }
0x2b: {  	s6 =	sld [smem:$0x3FAA]  }
0x2c: {  	s7 =	sld [smem:$0x3FAB]  }
0x2d: {  	s3 =	simm.s32 $0x108;
	s8 =	sld [smem:$0x3FAC]  }
0x2e: {  	s3 =	simm.s32 @!p0 $0x1082;
	s9 =	sld [smem:$0x3FAD]  }
0x2f: {  	lr =	sadd.s32 s0, s3;
	s0 =	sld [smem:$0x3FA4]  }
0x30: {  	s3 =	sld [smem:$0x3FA7]  }
0x31: {  	[smem:$0x3FB0] =	sst s10  }
0x32: {  	s10 =	sld [smem:$0x3FAE];
	_ =	sdelay $0x3  }
0x33: {  	p0 =	seq.s32 s10, $0x1;
	s10 =	sld [smem:$0x3FB0];
	_ =	sdelay $0x3  }
0x34: {  	[smem:$0x3FB0] =	sst s10  }
0x35: {  	s10 =	sld [smem:$0x3FAF];
	_ =	sdelay $0x3  }
0x36: {  	p1 =	seq.s32 s10, $0x1;
	s10 =	sld [smem:$0x3FB0];
	_ =	sdelay $0x3  }
0x37: {  	[smem:$0x3FB0] =	sst s10  }
0x38: {  	s10 =	sld [smem:$0x3FB1]  }
0x39: {  	_ = 	snop;
	(pc) =	sbr.ind lr, $3  }
0x3a: {  	_ = 	snop  }
0x3b: {  	_ = 	snop  }
0x3c: {  	p2 =	seq.s32 s10, $0x1;
	s10 =	sld [smem:$0x3FB0]  }
0x3d: {  	_ =	shalt  }
0x3e: {  	_ =	shalt  }
0x3f: {  	_ =	shalt  }
0x40: {  	_ =	shalt  }
0x41: {  	_ =	shalt  }
0x42: {  	_ =	shalt  }
0x43: {  	_ =	shalt  }
0x44: {  	_ =	shalt  }
0x45: {  	_ =	shalt  }
0x46: {  	_ =	shalt  }
0x47: {  	_ =	shalt  }
0x48: {  	_ =	shalt  }
0x49: {  	_ =	shalt  }
0x4a: {  	_ =	shalt  }
0x4b: {  	_ =	shalt  }
0x4c: {  	_ =	shalt  }
0x4d: {  	_ =	shalt  }
0x4e: {  	_ =	shalt  }
0x4f: {  	_ =	shalt  }
0x50: {  	_ =	shalt  }
0x51: {  	_ =	shalt  }
0x52: {  	_ =	shalt  }
0x53: {  	_ =	shalt  }
0x54: {  	_ =	shalt  }
0x55: {  	_ =	shalt  }
0x56: {  	_ =	shalt  }
0x57: {  	_ =	shalt  }
0x58: {  	_ =	shalt  }
0x59: {  	_ =	shalt  }
0x5a: {  	_ =	shalt  }
0x5b: {  	_ =	shalt  }
0x5c: {  	_ =	shalt  }
0x5d: {  	_ =	shalt  }
0x5e: {  	_ =	shalt  }
0x5f: {  	_ =	shalt  }
0x60: {  	_ =	shalt  }
0x61: {  	_ =	shalt  }
0x62: {  	_ =	shalt  }
0x63: {  	_ =	shalt  }
0x64: {  	_ =	shalt  }
0x65: {  	_ =	shalt  }
0x66: {  	_ =	shalt  }
0x67: {  	_ =	shalt  }
0x68: {  	_ =	shalt  }
0x69: {  	_ =	shalt  }
0x6a: {  	_ =	shalt  }
0x6b: {  	_ =	shalt  }
0x6c: {  	_ =	shalt  }
0x6d: {  	_ =	shalt  }
0x6e: {  	_ =	shalt  }
0x6f: {  	_ =	shalt  }
0x70: {  	_ =	shalt  }
0x71: {  	_ =	shalt  }
0x72: {  	_ =	shalt  }
0x73: {  	_ =	shalt  }
0x74: {  	_ =	shalt  }
0x75: {  	_ =	shalt  }
0x76: {  	_ =	shalt  }
0x77: {  	_ =	shalt  }
0x78: {  	_ =	shalt  }
0x79: {  	_ =	shalt  }
0x7a: {  	_ =	shalt  }
0x7b: {  	_ =	shalt  }
0x7c: {  	_ =	shalt  }
0x7d: {  	_ =	shalt  }
0x7e: {  	_ =	shalt  }
0x7f: {  	_ =	shalt  }
0x80: {  	_ =	shalt  }
0x81: {  	_ =	shalt  }
0x82: {  	_ =	shalt  }
0x83: {  	_ =	shalt  }
0x84: {  	_ =	shalt  }
0x85: {  	_ =	shalt  }
0x86: {  	_ =	shalt  }
0x87: {  	_ =	shalt  }
.Lfunc_end0:
.L_simem_size_0:
called_computation.1_lowered:
.L_overlay_start_0:
0x88: {  	s2 =	sld [smem:$0x3FD9]  }
0x89: {  	s3 =	sld [smem:$0x3FFE];
	_ =	sdelay $0x1  }
0x8a: {  	s1 =	srdreg.scid  }
0x8b: {  	s0 =	sand.u32 $0x1, s1  }
0x8c: {  	s17 =	sshll.u32 s0, $0xA;
	s2 =	sadd.s32 s3, s2  }
0x8d: {  	s2 =	sadd.s32 s2, s17  }
0x8e: {  	[smem:$0x3FBC] =	sst s2  }
0x8f: {  	_ = 	snop  }
0x90: {  	s18 =	sld [smem:$0x3FC9]  }
0x91: {  	s4 =	sld [smem:$0x3FD0];
	(tm) =	ssettm $0x1  }
0x92: {  	s19 =	sld [smem:$0x3FFB];
	_ =	sdelay $0x3  }
0x93: {  	_ =	strace s19  }
0x94: {  	s2 =	sld [smem:$0x3FFC];
	_ =	sdelay $0x3  }
0x95: {  	_ =	strace s2  }
0x96: {  	s2 =	sld [smem:$0x3FFD];
	_ =	sdelay $0x3  }
0x97: {  	_ =	strace s2  }
0x98: {  	_ =	strace $0x8FFFFFFF  }
0x99: {  	s20 =	sld [smem:$0x3FDB];
	_ =	sdelay $0x1  }
0x9a: {  	s5 =	simm.s32 $_scs_section_size  }
0x9b: {  	s6 =	simm.s32 $_size__tile_overlayer_lowered;
	s7 =	simm.s32 $_tile_overlayer_lowered  }
0x9c: {  	s8 =	simm.s32 $0x1BFF;
	s21 =	sshll.u32 s7, $0x1;
	s5 =	sadd.s32 s5, s20  }
0x9d: {  	s22 =	simm.s32 $0x0;
	s6 =	sshll.u32 s6, $0x1;
	s7 =	sadd.s32 s21, s5  }
0x9e: {  	[timem:s22], [sflag:s8] =	dma.local [hbm:s7], s6  }
0x9f: {  	_ =	swait.ge [sflag:s8], s6  }
0xa0: {  	s6 =	ssub.s32 $0x0, s6;
	[sflag:s8] =	ssyncset.done $0x0  }
0xa1: {  	[sflag:s8] =	ssyncadd.s32 s6;
	_ =	sdelay $0x1  }
0xa2: {  	s23 =	simm.s32 $0x1B8B  }
0xa3: {  	_ =	swait.ge [sflag:s23], $0x1  }
0xa4: {  	[sflag:s23] =	ssyncset.done $0x0  }
0xa5: {  	[sflag:s23] =	ssyncadd.s32 $0xFFFFFFFF  }
0xa6: {  	s6 =	sld [smem:$0x0]  }
0xa7: {  	s7 =	sand.u32 $0xFFFFFFFE, s1  }
0xa8: {  	p0 =	sne.s32 s1, s7  }
0xa9: {  	s7 =	sshll.u32 @p0 s7, $0xE  }
0xaa: {  	s7 =	sadd.s32 @p0 $0x11B8D, s7;
	s8 =	sshll.u32 @p0 s6, $0x11  }
0xab: {  	s7 =	sor.u32 @p0 s8, s7  }
0xac: {  	[sflag:s7] =	ssyncadd.remote.s32 @p0 $0x1;
	_ =	sdelay $0x1  }
0xad: {  	s7 =	simm.s32 @p0 $0x1B8D  }
0xae: {  	_ =	swait.eq @p0 [sflag:s7], $0x1  }
0xaf: {  	[sflag:s7] =	ssyncadd.s32 @p0 $0xFFFFFFFF  }
0xb0: {  	s8 =	sshll.u32 @!p0 s1, $0xE  }
0xb1: {  	s8 =	sor.u32 @!p0 $0x4000, s8;
	s7 =	simm.s32 @!p0 $0x1B8D  }
0xb2: {  	s6 =	sshll.u32 @!p0 s6, $0x11;
	s8 =	sadd.s32 @!p0 $0x11B8D, s8;
	_ =	swait.eq @!p0 [sflag:s7], $0x1  }
0xb3: {  	s6 =	sor.u32 @!p0 s6, s8;
	[sflag:s7] =	ssyncadd.s32 @!p0 $0xFFFFFFFF  }
0xb4: {  	s25 =	simm.s32 $0x1B8E;
	s24 =	sld [smem:$0x3FFE];
	[sflag:s6] =	ssyncadd.remote.s32 @!p0 $0x1  }
0xb5: {  	s26 =	simm.s32 $execute0_lowered;
	[smem:$0x3FD2] =	sst s25  }
0xb6: {  	s7 =	sshll.u32 s26, $0x1;
	_ =	strace $0x80000049;
	[dreg:$0x1] =	wrdreg $0xFFFFFFFF  }
0xb7: {  	s28 =	simm.s32 $_size_execute0_lowered;
	s5 =	sadd.s32 s5, s7;
	[dreg:$0x0] =	wrdreg $0x0  }
0xb8: {  	s7 =	sshll.u32 s28, $0x1;
	[dreg:$0x2] =	wrdreg s5  }
0xb9: {  	[dreg:$0x3] =	wrdreg s7  }
0xba: {  	[dreg:$0x4] =	wrdreg $0xC0  }
0xbb: {  	_ =	task [dreg:s22], $0x5FFFF  }
0xbc: {  	[dreg:$0x1] =	wrdreg $0xFFFFFFFF  }
0xbd: {  	[dreg:$0x0] =	wrdreg $0x60  }
0xbe: {  	[dreg:$0x2] =	wrdreg s18  }
0xbf: {  	[dreg:$0x3] =	wrdreg s4  }
0xc0: {  	[dreg:$0x4] =	wrdreg s24  }
0xc1: {  	[dreg:$0x5] =	wrdreg $0x5AA00  }
0xc2: {  	[dreg:$0x6] =	wrdreg $0xA  }
0xc3: {  	_ =	task.clear_ibuf [dreg:s22], $0x7FFFF;
	_ =	strace $0x90000049  }
0xc4: {  	s29 =	simm.s32 $0xA;
	_ =	strace $0x8000004B  }
0xc5: {  	_ =	swait.ge [sflag:s29], $0x1  }
0xc6: {  	[sflag:s29] =	ssyncadd.s32 $0xFFFFFFFF  }
0xc7: {  	_ =	strace $0x9000004B  }
0xc8: {  	_ =	sfence  }
0xc9: {  	s30 =	sld [smem:$0x0];
	_ =	sdelay $0x2  }
0xca: {  	s31 =	sshll.u32 s1, $0xD;
	s1 =	sshrl.u32 s1, $0x2  }
0xcb: {  	s4 =	sand.u32 $0x4000, s31;
	s1 =	sadd.s32 s1, s30  }
0xcc: {  	s0 =	sor.u32 s4, s0;
	s1 =	sshll.u32 s1, $0x11  }
0xcd: {  	s0 =	sor.u32 s1, s0  }
0xce: {  	s0 =	sadd.s32 $0x8F2B, s0  }
0xcf: {  	[sflag:s0] =	ssyncadd.remote.s32 $0x1  }
0xd0: {  	_ =	sfence.sel $0xFFFF  }
0xd1: {  	[dreg:$0x0] =	wrdreg $0xFFFFFFFF;
	(pc) =	sbr.abs _section_cstart, $3  }
0xd2: {  	[dreg:$0x1] =	wrdreg $0xFFFFFFFF  }
0xd3: {  	_ =	task.clear_ibuf [dreg:s22], $0x2FFFF;
	_ =	strace $0x9FFFFFFF  }
0xd4: {  	(tm) =	ssettm $0x7FFFFFFF  }
0xd5: {  	_ =	shalt  }
tec
execute0_lowered:
.L_overlay_start_1:
0x0: {  	(tag) =	ssettag $0x1  }
0x1: {  	s0 =	rddreg [dreg:$0x0]  }
0x2: {  	s1 =	rddreg [dreg:$0x1];
	s2 =	srdreg.scid  }
0x3: {  	s5 =	rddreg [dreg:$0x2];
	s10 =	stileid.u32  }
0x4: {  	s3 =	rddreg [dreg:$0x3];
	s4 =	simm.s32 $0x0;
	s12 =	simm.s32 $0x4E20  }
0x5: {  	s13 =	simm.s32 $0x28;
	s14 =	simm.s32 $0x19320;
	s15 =	simm.s32 $0x1A720  }
0x6: {  	s17 =	simm.s32 $0x1BB20;
	s19 =	simm.s32 $0x1CF20;
	s21 =	simm.s32 $0x1E320  }
0x7: {  	s22 =	simm.s32 $0x1;
	s23 =	simm.s32 $0x2;
	s24 =	simm.s32 $0x3  }
0x8: {  	s28 =	simm.s32 $0x5;
	s29 =	simm.s32 $0x4D58;
	s30 =	simm.s32 $0x4D80  }
0x9: {  	s31 =	simm.s32 $0x4DA8;
	s16 =	simm.s32 $0x0;
	s8 =	smul.u32 $0x13880, s10  }
0xa: {  	s2 =	sand.u32 $0x1, s2;
	s7 =	sshll.u32 s10, $0x1;
	s10 =	smul.u32 $0x4E200, s10  }
0xb: {  	[smem:$0x7FF] =	sst s4;
	s6 =	smul.u32 $0x138800, s2;
	s7 =	sor.u32 s2, s7  }
0xc: {  	_ =	strace $0x8000004A;
	s2 =	ssub.s32 $0x2, s2;
	s7 =	smul.u32 $0x2710, s7  }
0xd: {  	s9 =	sshrl.u32 s2, $0x1;
	s25 =	sshrl.u32 s10, $0x2;
	s26 =	sadd.s32 s8, s3  }
0xe: {  	s10 =	simm.s32 $0x6;
	s6 =	sadd.s32 s8, s6;
	s2 =	ssub.s32 s2, s9  }
0xf: {  	s9 =	sadd.s32 s25, s3;
	s25 =	sshrl.u32 s26, $0x3;
	s26 =	simm.s32 $0x4  }
0x10: {  	s6 =	sshrl.u32 s6, $0x3;
	s7 =	sshrl.u32 s7, $0x3;
	s8 =	smax.u32 s2, $0x1  }
0x11: {  	s2 =	simm.s32 $0x4DD0;
	s11 =	sadd.s32 s6, s5;
	s5 =	sadd.s32 s1, s7  }
0x12: {  	v0 =	vimm.f32 $0.0e+00;
	s6 =	sadd.s32 $0x9C40, s5;
	s7 =	sadd.s32 $0x51000, s11;
	s11 =	simm.s32 $0x4DF8  }
.LBB2_1:
0x13: {  	[tilespmem:s4], [sflag:$0x6] =	stream.linear.gather [hbm4b:s5+s4], $0x2710, $0x38;
	[tilespmem:$0x1F720] =	vst v63  }
0x14: {  	_ =	swait.ge [sflag:s10], $0x2710  }
0x15: {  	[sflag:s10] =	ssyncset.done $0x0  }
0x16: {  	s1 =	simm.s32 $0x2710;
	[sflag:s10] =	ssyncadd.s32 $0xFFFFD8F0  }
0x17: {  	[tilespmem:s1], [sflag:$0x6] =	stream.linear.gather [hbm4b:s6+s4], $0x2710, $0x38;
	[tilespmem:$0x1F720] =	vst v63  }
0x18: {  	_ =	swait.ge [sflag:s10], $0x2710  }
0x19: {  	[sflag:s10] =	ssyncset.done $0x0  }
0x1a: {  	s18 =	simm.s32 $0x200;
	s1 =	simm.s32 $0x0;
	[sflag:s10] =	ssyncadd.s32 $0xFFFFD8F0  }
.LBB2_2:
0x1b: {  	p0 =	sne.s32 s18, $0x3000;
	[tilespmem:s1+$0x4E90] =	vst v0  }
0x1c: {  	[tilespmem:s1+$0x4E20] =	vst v0  }
0x1d: {  	[tilespmem:s1+$0x4E30] =	vst v0  }
.Ltmp0:
0x1e: {  	[tilespmem:s1+$0x4E40] =	vst v0;
	(pc) =	sbr.rel @p0 .LBB2_2-.Ltmp0, $4  }
0x1f: {  	[tilespmem:s1+$0x4E50] =	vst v0  }
0x20: {  	[tilespmem:s1+$0x4E60] =	vst v0  }
0x21: {  	[tilespmem:s1+$0x4E70] =	vst v0  }
0x22: {  	[tilespmem:s1+$0x4E80] =	vst v0;
	s1 =	sshra.s32 s18, $0x2;
	s18 =	sadd.s32 $0x200, s18  }
0x23: {  	[tilespmem:s1+$0x4E90] =	vst v0  }
0x24: {  	[tilespmem:s1+$0x4E20] =	vst v0  }
0x25: {  	[tilespmem:s1+$0x4E30] =	vst v0  }
0x26: {  	[tilespmem:s1+$0x4E40] =	vst v0  }
0x27: {  	[tilespmem:s1+$0x4E50] =	vst v0  }
0x28: {  	[tilespmem:s1+$0x4E60] =	vst v0  }
0x29: {  	[tilespmem:s1+$0x4E70] =	vst v0  }
0x2a: {  	[tilespmem:s1+$0x4E80] =	vst v0;
	s20 =	sadd.s32 $0x0, s9  }
0x2b: {  	[spmem:s20] =	stream.linear.scatter [tilespmem:s12], [sflag:$0x6], $0xC80, $0x38;
	[tilespmem:$0x1F720] =	vst v63  }
0x2c: {  	s1 =	simm.s32 $0x3200;
	_ =	swait.ge [sflag:s10], $0xC80  }
.LBB2_4:
0x2d: {  	s18 =	sshra.s32 s1, $0x2;
	[sflag:s10] =	ssyncset.done $0x0;
	p0 =	sne.s32 s1, $0x4B000  }
.Ltmp1:
0x2e: {  	s18 =	sadd.s32 s18, s9;
	[sflag:s10] =	ssyncadd.s32 $0xFFFFF380;
	(pc) =	sbr.rel @p0 .LBB2_4-.Ltmp1, $3  }
0x2f: {  	[spmem:s18] =	stream.linear.scatter [tilespmem:s12], [sflag:$0x6], $0xC80, $0x38;
	[tilespmem:$0x1F720] =	vst v63  }
0x30: {  	s1 =	sadd.s32 $0x3200, s1;
	_ =	sdelay $0x1  }
0x31: {  	_ =	swait.ge [sflag:s10], $0xC80  }
0x32: {  	[sflag:s10] =	ssyncset.done $0x0  }
0x33: {  	[sflag:s10] =	ssyncadd.s32 $0xFFFFF380  }
0x34: {  	s1 =	simm.s32 $0x0;
	[bflag:$0x0] =	sbarrier.arrive $0xFFFF  }
0x35: {  	[tilespmem:s14], [sflag:$0x1] =	stream.indirect.gather [hbm4b:s0+s13], $0x80, s1, s13, $0xb8;
	[tilespmem:$0x1F720] =	vst v63  }
0x36: {  	_ = 	snop  }
0x37: {  	[tilespmem:s15], [sflag:$0x2] =	stream.indirect.gather [hbm4b:s0+s13], $0x80, s13, s13, $0xb8;
	[tilespmem:$0x1F720] =	vst v63  }
0x38: {  	s18 =	simm.s32 $0x50  }
0x39: {  	[tilespmem:s17], [sflag:$0x3] =	stream.indirect.gather [hbm4b:s0+s13], $0x80, s18, s13, $0xb8;
	[tilespmem:$0x1F720] =	vst v63  }
0x3a: {  	s20 =	simm.s32 $0x78  }
0x3b: {  	[tilespmem:s19], [sflag:$0x4] =	stream.indirect.gather [hbm4b:s0+s13], $0x80, s20, s13, $0xb8;
	[tilespmem:$0x1F720] =	vst v63  }
0x3c: {  	s18 =	simm.s32 $0xA0  }
0x3d: {  	[tilespmem:s21], [sflag:$0x5] =	stream.indirect.gather [hbm4b:s0+s13], $0x80, s18, s13, $0xb8;
	[tilespmem:$0x1F720] =	vst v63  }
0x3e: {  	_ =	swait.ge [sflag:s22], $0x1400  }
0x3f: {  	[sflag:s22] =	ssyncset.done $0x0  }
0x40: {  	s20 =	simm.s32 $0x2710;
	[sflag:s22] =	ssyncadd.s32 $0xFFFFEC00  }
0x41: {  	[spmem:s3] =	stream.indirect.scatter.add.f32 [tilespmem:s14], [sflag:$0x6], $0x80, s20, s13, $0xb8;
	[tilespmem:$0x1F720] =	vst v63  }
0x42: {  	_ =	swait.ge [sflag:s10], $0x1400  }
0x43: {  	[sflag:s10] =	ssyncset.done $0x0  }
0x44: {  	s18 =	simm.s32 $0xC8;
	[sflag:s10] =	ssyncadd.s32 $0xFFFFEC00  }
0x45: {  	[tilespmem:s14], [sflag:$0x1] =	stream.indirect.gather [hbm4b:s0+s13], $0x80, s18, s13, $0xb8;
	[tilespmem:$0x1F720] =	vst v63  }
0x46: {  	_ =	swait.ge [sflag:s23], $0x1400  }
0x47: {  	[sflag:s23] =	ssyncset.done $0x0  }
0x48: {  	s20 =	simm.s32 $0x2738;
	[sflag:s23] =	ssyncadd.s32 $0xFFFFEC00  }
0x49: {  	[spmem:s3] =	stream.indirect.scatter.add.f32 [tilespmem:s15], [sflag:$0x6], $0x80, s20, s13, $0xb8;
	[tilespmem:$0x1F720] =	vst v63  }
0x4a: {  	_ =	swait.ge [sflag:s10], $0x1400  }
0x4b: {  	[sflag:s10] =	ssyncset.done $0x0  }
0x4c: {  	s18 =	simm.s32 $0xF0;
	[sflag:s10] =	ssyncadd.s32 $0xFFFFEC00  }
0x4d: {  	[tilespmem:s15], [sflag:$0x2] =	stream.indirect.gather [hbm4b:s0+s13], $0x80, s18, s13, $0xb8;
	[tilespmem:$0x1F720] =	vst v63  }
0x4e: {  	_ =	swait.ge [sflag:s24], $0x1400  }
0x4f: {  	[sflag:s24] =	ssyncset.done $0x0  }
0x50: {  	s20 =	simm.s32 $0x2760;
	[sflag:s24] =	ssyncadd.s32 $0xFFFFEC00  }
0x51: {  	[spmem:s3] =	stream.indirect.scatter.add.f32 [tilespmem:s17], [sflag:$0x6], $0x80, s20, s13, $0xb8;
	[tilespmem:$0x1F720] =	vst v63  }
0x52: {  	_ =	swait.ge [sflag:s10], $0x1400  }
0x53: {  	[sflag:s10] =	ssyncset.done $0x0  }
0x54: {  	s18 =	simm.s32 $0x118;
	[sflag:s10] =	ssyncadd.s32 $0xFFFFEC00  }
0x55: {  	[tilespmem:s17], [sflag:$0x3] =	stream.indirect.gather [hbm4b:s0+s13], $0x80, s18, s13, $0xb8;
	[tilespmem:$0x1F720] =	vst v63  }
0x56: {  	_ =	swait.ge [sflag:s26], $0x1400  }
0x57: {  	[sflag:s26] =	ssyncset.done $0x0  }
0x58: {  	s20 =	simm.s32 $0x2788;
	[sflag:s26] =	ssyncadd.s32 $0xFFFFEC00  }
0x59: {  	[spmem:s3] =	stream.indirect.scatter.add.f32 [tilespmem:s19], [sflag:$0x6], $0x80, s20, s13, $0xb8;
	[tilespmem:$0x1F720] =	vst v63  }
0x5a: {  	_ =	swait.ge [sflag:s10], $0x1400  }
0x5b: {  	[sflag:s10] =	ssyncset.done $0x0  }
0x5c: {  	s18 =	simm.s32 $0x140;
	[sflag:s10] =	ssyncadd.s32 $0xFFFFEC00  }
0x5d: {  	[tilespmem:s19], [sflag:$0x4] =	stream.indirect.gather [hbm4b:s0+s13], $0x80, s18, s13, $0xb8;
	[tilespmem:$0x1F720] =	vst v63  }
0x5e: {  	_ =	swait.ge [sflag:s28], $0x1400  }
0x5f: {  	[sflag:s28] =	ssyncset.done $0x0  }
0x60: {  	s20 =	simm.s32 $0x27B0;
	[sflag:s28] =	ssyncadd.s32 $0xFFFFEC00  }
0x61: {  	[spmem:s3] =	stream.indirect.scatter.add.f32 [tilespmem:s21], [sflag:$0x6], $0x80, s20, s13, $0xb8;
	[tilespmem:$0x1F720] =	vst v63  }
0x62: {  	_ =	swait.ge [sflag:s10], $0x1400  }
0x63: {  	[sflag:s10] =	ssyncset.done $0x0  }
0x64: {  	s1 =	simm.s32 $0x320;
	s18 =	simm.s32 $0x168;
	[sflag:s10] =	ssyncadd.s32 $0xFFFFEC00  }
.LBB2_6:
0x65: {  	[tilespmem:s21], [sflag:$0x5] =	stream.indirect.gather [hbm4b:s0+s13], $0x80, s18, s13, $0xb8;
	[tilespmem:$0x1F720] =	vst v63  }
0x66: {  	s18 =	smov.u32 s1  }
0x67: {  	p0 =	sne.s32 s1, $0x9600;
	s1 =	sadd.s32 $0x320, s1;
	_ =	swait.ge [sflag:s22], $0x1400  }
0x68: {  	s18 =	sshra.s32 s18, $0x2;
	[sflag:s22] =	ssyncset.done $0x0  }
0x69: {  	s20 =	sadd.s32 $0x2710, s18;
	[sflag:s22] =	ssyncadd.s32 $0xFFFFEC00  }
0x6a: {  	[spmem:s3] =	stream.indirect.scatter.add.f32 [tilespmem:s14], [sflag:$0x6], $0x80, s20, s13, $0xb8;
	[tilespmem:$0x1F720] =	vst v63  }
0x6b: {  	_ =	swait.ge [sflag:s10], $0x1400  }
0x6c: {  	[sflag:s10] =	ssyncset.done $0x0  }
0x6d: {  	s20 =	sadd.s32 $0xC8, s18;
	[sflag:s10] =	ssyncadd.s32 $0xFFFFEC00  }
0x6e: {  	[tilespmem:s14], [sflag:$0x1] =	stream.indirect.gather [hbm4b:s0+s13], $0x80, s20, s13, $0xb8;
	[tilespmem:$0x1F720] =	vst v63  }
0x6f: {  	_ =	swait.ge [sflag:s23], $0x1400  }
0x70: {  	[sflag:s23] =	ssyncset.done $0x0  }
0x71: {  	s20 =	sadd.s32 $0x2738, s18;
	[sflag:s23] =	ssyncadd.s32 $0xFFFFEC00  }
0x72: {  	[spmem:s3] =	stream.indirect.scatter.add.f32 [tilespmem:s15], [sflag:$0x6], $0x80, s20, s13, $0xb8;
	[tilespmem:$0x1F720] =	vst v63  }
0x73: {  	_ =	swait.ge [sflag:s10], $0x1400  }
0x74: {  	[sflag:s10] =	ssyncset.done $0x0  }
0x75: {  	s20 =	sadd.s32 $0xF0, s18;
	[sflag:s10] =	ssyncadd.s32 $0xFFFFEC00  }
0x76: {  	[tilespmem:s15], [sflag:$0x2] =	stream.indirect.gather [hbm4b:s0+s13], $0x80, s20, s13, $0xb8;
	[tilespmem:$0x1F720] =	vst v63  }
0x77: {  	_ =	swait.ge [sflag:s24], $0x1400  }
0x78: {  	[sflag:s24] =	ssyncset.done $0x0  }
0x79: {  	s20 =	sadd.s32 $0x2760, s18;
	[sflag:s24] =	ssyncadd.s32 $0xFFFFEC00  }
0x7a: {  	[spmem:s3] =	stream.indirect.scatter.add.f32 [tilespmem:s17], [sflag:$0x6], $0x80, s20, s13, $0xb8;
	[tilespmem:$0x1F720] =	vst v63  }
0x7b: {  	_ =	swait.ge [sflag:s10], $0x1400  }
0x7c: {  	[sflag:s10] =	ssyncset.done $0x0  }
0x7d: {  	s20 =	sadd.s32 $0x118, s18;
	[sflag:s10] =	ssyncadd.s32 $0xFFFFEC00  }
0x7e: {  	[tilespmem:s17], [sflag:$0x3] =	stream.indirect.gather [hbm4b:s0+s13], $0x80, s20, s13, $0xb8;
	[tilespmem:$0x1F720] =	vst v63  }
0x7f: {  	_ =	swait.ge [sflag:s26], $0x1400  }
0x80: {  	[sflag:s26] =	ssyncset.done $0x0  }
0x81: {  	s20 =	sadd.s32 $0x2788, s18;
	[sflag:s26] =	ssyncadd.s32 $0xFFFFEC00  }
0x82: {  	[spmem:s3] =	stream.indirect.scatter.add.f32 [tilespmem:s19], [sflag:$0x6], $0x80, s20, s13, $0xb8;
	[tilespmem:$0x1F720] =	vst v63  }
0x83: {  	_ =	swait.ge [sflag:s10], $0x1400  }
0x84: {  	[sflag:s10] =	ssyncset.done $0x0  }
0x85: {  	s20 =	sadd.s32 $0x140, s18;
	[sflag:s10] =	ssyncadd.s32 $0xFFFFEC00  }
0x86: {  	[tilespmem:s19], [sflag:$0x4] =	stream.indirect.gather [hbm4b:s0+s13], $0x80, s20, s13, $0xb8;
	[tilespmem:$0x1F720] =	vst v63  }
0x87: {  	_ =	swait.ge [sflag:s28], $0x1400  }
0x88: {  	[sflag:s28] =	ssyncset.done $0x0  }
.Ltmp2:
0x89: {  	s20 =	sadd.s32 $0x27B0, s18;
	[sflag:s28] =	ssyncadd.s32 $0xFFFFEC00;
	(pc) =	sbr.rel @p0 .LBB2_6-.Ltmp2, $4  }
0x8a: {  	[spmem:s3] =	stream.indirect.scatter.add.f32 [tilespmem:s21], [sflag:$0x6], $0x80, s20, s13, $0xb8;
	[tilespmem:$0x1F720] =	vst v63  }
0x8b: {  	_ =	swait.ge [sflag:s10], $0x1400  }
0x8c: {  	[sflag:s10] =	ssyncset.done $0x0  }
0x8d: {  	s18 =	sadd.s32 $0x168, s18;
	[sflag:s10] =	ssyncadd.s32 $0xFFFFEC00  }
0x8e: {  	[tilespmem:s21], [sflag:$0x5] =	stream.indirect.gather [hbm4b:s0+s13], $0x80, s18, s13, $0xb8;
	[tilespmem:$0x1F720] =	vst v63  }
0x8f: {  	_ =	swait.ge [sflag:s22], $0x1400  }
0x90: {  	[sflag:s22] =	ssyncset.done $0x0  }
0x91: {  	[sflag:s22] =	ssyncadd.s32 $0xFFFFEC00  }
0x92: {  	[spmem:s3] =	stream.indirect.scatter.add.f32 [tilespmem:s14], [sflag:$0x6], $0x80, s29, s13, $0xb8;
	[tilespmem:$0x1F720] =	vst v63  }
0x93: {  	_ =	swait.ge [sflag:s10], $0x1400  }
0x94: {  	[sflag:s10] =	ssyncset.done $0x0  }
0x95: {  	[sflag:s10] =	ssyncadd.s32 $0xFFFFEC00  }
0x96: {  	_ =	swait.ge [sflag:s23], $0x1400  }
0x97: {  	[sflag:s23] =	ssyncset.done $0x0  }
0x98: {  	[sflag:s23] =	ssyncadd.s32 $0xFFFFEC00  }
0x99: {  	[spmem:s3] =	stream.indirect.scatter.add.f32 [tilespmem:s15], [sflag:$0x6], $0x80, s30, s13, $0xb8;
	[tilespmem:$0x1F720] =	vst v63  }
0x9a: {  	_ =	swait.ge [sflag:s10], $0x1400  }
0x9b: {  	[sflag:s10] =	ssyncset.done $0x0  }
0x9c: {  	[sflag:s10] =	ssyncadd.s32 $0xFFFFEC00  }
0x9d: {  	_ =	swait.ge [sflag:s24], $0x1400  }
0x9e: {  	[sflag:s24] =	ssyncset.done $0x0  }
0x9f: {  	[sflag:s24] =	ssyncadd.s32 $0xFFFFEC00  }
0xa0: {  	[spmem:s3] =	stream.indirect.scatter.add.f32 [tilespmem:s17], [sflag:$0x6], $0x80, s31, s13, $0xb8;
	[tilespmem:$0x1F720] =	vst v63  }
0xa1: {  	_ =	swait.ge [sflag:s10], $0x1400  }
0xa2: {  	[sflag:s10] =	ssyncset.done $0x0  }
0xa3: {  	[sflag:s10] =	ssyncadd.s32 $0xFFFFEC00  }
0xa4: {  	_ =	swait.ge [sflag:s26], $0x1400  }
0xa5: {  	[sflag:s26] =	ssyncset.done $0x0  }
0xa6: {  	[sflag:s26] =	ssyncadd.s32 $0xFFFFEC00  }
0xa7: {  	[spmem:s3] =	stream.indirect.scatter.add.f32 [tilespmem:s19], [sflag:$0x6], $0x80, s2, s13, $0xb8;
	[tilespmem:$0x1F720] =	vst v63  }
0xa8: {  	_ =	swait.ge [sflag:s10], $0x1400  }
0xa9: {  	[sflag:s10] =	ssyncset.done $0x0  }
0xaa: {  	[sflag:s10] =	ssyncadd.s32 $0xFFFFEC00  }
0xab: {  	_ =	swait.ge [sflag:s28], $0x1400  }
0xac: {  	[sflag:s28] =	ssyncset.done $0x0  }
0xad: {  	[sflag:s28] =	ssyncadd.s32 $0xFFFFEC00  }
0xae: {  	[spmem:s3] =	stream.indirect.scatter.add.f32 [tilespmem:s21], [sflag:$0x6], $0x80, s11, s13, $0xb8;
	[tilespmem:$0x1F720] =	vst v63  }
0xaf: {  	_ =	swait.ge [sflag:s10], $0x1400  }
0xb0: {  	s1 =	stileid.u32;
	s16 =	sadd.s32 $0x1, s16;
	[sflag:s10] =	ssyncset.done $0x0  }
0xb1: {  	s1 =	sshll.u32 s1, $0x6;
	p0 =	sne.s32 s16, s8;
	[sflag:s10] =	ssyncadd.s32 $0xFFFFEC00  }
.Ltmp3:
0xb2: {  	s1 =	sor.u32 $0x1C06, s1;
	[bflag:$0x0] =	sbarrier.arrive $0xFFFF;
	(pc) =	sbr.rel @p0 .LBB2_1-.Ltmp3, $4  }
0xb3: {  	[hbm:s7], [sflag:s1] =	dma.local [spmem:s25], $0x2710  }
0xb4: {  	_ =	swait.ge [sflag:s10], $0x2710  }
0xb5: {  	[sflag:s10] =	ssyncset.done $0x0  }
0xb6: {  	[sflag:s10] =	ssyncadd.s32 $0xFFFFD8F0  }
0xb7: {  	_ =	sfence.sel $0x180000  }
0xb8: {  	[bflag:$0x0] =	sbarrier.arrive $0xFFFF  }
0xb9: {  	_ =	strace $0x9000004A  }
0xba: {  	s0 =	stileid.u32;
	[bflag:$0x2] =	sbarrier.arrive $0xFFFF  }
0xbb: {  	p0 =	sne.s32 s0, $0x0;
	s0 =	rddreg [dreg:$0x4]  }
0xbc: {  	s0 =	sadd.s32 @!p0 $0x100000, s0  }
0xbd: {  	[sflag:s0] =	ssyncadd.tile.s32 @!p0 $0x1;
	_ =	shalt  }
.Lfunc_end2:
_tile_overlayer_lowered:
.L_overlay_start_2:
0xbe: {  	(tag) =	ssettag $0x2  }
0xbf: {  	s0 =	rddreg [dreg:$0x0];
	s2 =	stileid.u32  }
0xc0: {  	s1 =	rddreg [dreg:$0x1];
	p0 =	sne.s32 s2, $0x0  }
0xc1: {  	s3 =	rddreg [dreg:$0x2];
	[bflag:$0x3] =	sbarrier.arrive $0xFFFF;
	s2 =	simm.s32 @!p0 $0x1C06  }
0xc2: {  	[timem:s3], [sflag:s2] =	dma.local @!p0 [hbm:s0], s1  }
0xc3: {  	s0 =	simm.s32 @!p0 $0x6  }
0xc4: {  	_ =	swait.ge @!p0 [sflag:s0], s1  }
0xc5: {  	s1 =	ssub.s32 @!p0 $0x0, s1;
	[sflag:s0] =	ssyncset.done @!p0 $0x0  }
0xc6: {  	[sflag:s0] =	ssyncadd.s32 @!p0 s1  }
0xc7: {  	[bflag:$0x3] =	sbarrier.arrive $0xFFFF  }
0xc8: {  	_ =	shalt  }

// kernel: kernel.17.cloned.1.call-start
scs
__scs_entry_jumppad:
0x0: {  	(pc) =	sbr.rel $0x88, $3  }
0x1: {  	(tag) =	ssettag $0x0;
	lr =	simm.s32 $0x1  }
0x2: {  	[smem:$0x3F95] =	sst lr;
	_ =	strace $0xD0000000  }
0x3: {  	_ = 	snop  }
0x4: {  	_ = 	snop  }
0x5: {  	_ = 	snop  }
0x6: {  	_ = 	snop  }
0x7: {  	_ = 	snop  }
__scs_overlays_trampoline_lowered:
0x8: {  	[smem:$0x3FA4] =	sst s0  }
0x9: {  	[smem:$0x3FA5] =	sst s1  }
0xa: {  	[smem:$0x3FA6] =	sst s2  }
0xb: {  	[smem:$0x3FA7] =	sst s3  }
0xc: {  	[smem:$0x3FA8] =	sst s4  }
0xd: {  	[smem:$0x3FA9] =	sst s5  }
0xe: {  	[smem:$0x3FAA] =	sst s6  }
0xf: {  	[smem:$0x3FAB] =	sst s7  }
0x10: {  	[smem:$0x3FAC] =	sst s8  }
0x11: {  	[smem:$0x3FAD] =	sst s9;
	s0 =	simm.s32 @!p0 $0x0  }
0x12: {  	s1 =	sld [smem:$0x3F93];
	s0 =	simm.s32 @p0 $0x1  }
0x13: {  	[smem:$0x3FAE] =	sst s0;
	s0 =	simm.s32 @!p1 $0x0  }
0x14: {  	s2 =	sld [smem:$0x3F92];
	s0 =	simm.s32 @p1 $0x1  }
0x15: {  	[smem:$0x3FAF] =	sst s0;
	s0 =	simm.s32 @!p2 $0x0  }
0x16: {  	s3 =	sld [smem:$0x3FDB];
	s0 =	simm.s32 @p2 $0x1  }
0x17: {  	s4 =	simm.s32 $0x1BF5;
	[smem:$0x3FB1] =	sst s0  }
0x18: {  	s0 =	sld [smem:$0x3F94];
	_ =	swait.ge [sflag:s4], $0x0  }
0x19: {  	s7 =	sld [smem:$0x3F95]  }
0x1a: {  	s8 =	sadd.s32 $0xFFFFE003, lr  }
0x1b: {  	s9 =	sadd.s32 $0xFFFFFEF7, lr;
	s5 =	simm.s32 $0xFFFFFFFF;
	p2 =	slt.u32 s8, $0xFFFFF086  }
0x1c: {  	p1 =	slt.u32 s9, $0xF7A;
	s5 =	simm.s32 @!p2 $0x0  }
0x1d: {  	s5 =	simm.s32 @p1 $0x1;
	p0 =	seq.s32 s7, s2  }
0x1e: {  	s7 =	smul.u32 @!p0 $0xF7A, s2;
	p2 =	seq.s32 @!p0 s5, $0x0  }
0x1f: {  	s9 =	smul.u32 $0xF7A, s1;
	s8 =	simm.s32 @!p0 $0x1BF5;
	p2 =	por !p2, p0  }
0x20: {  	[sflag:s8] =	ssyncset.s32 @!p0 $0xFFFFF086;
	s6 =	sadd.s32 @!p0 s3, s7;
	s7 =	simm.s32 @!p0 $0x108  }
0x21: {  	s3 =	sadd.s32 s3, s9;
	s6 =	sadd.s32 @!p0 $0x88, s6;
	s7 =	simm.s32 @p2 $0x1082  }
0x22: {  	[simem:s7], [sflag:s8] =	dma.local @!p0 [hbm:s6], $0xF7A  }
0x23: {  	s9 =	sor.u32 $0xD0000000, s2;
	s6 =	simm.s32 $0x108;
	_ =	swait.ge @!p0 [sflag:s8], $0x0  }
0x24: {  	s3 =	sadd.s32 $0x88, s3;
	s6 =	simm.s32 @!p1 $0x1082;
	[sflag:s4] =	ssyncset.s32 $0xFFFFF086  }
0x25: {  	[simem:s6], [sflag:s4] =	dma.local [hbm:s3], $0xF7A  }
0x26: {  	[smem:$0x3F95] =	sst s1;
	(tag) =	ssettag s2;
	_ =	strace s9  }
0x27: {  	s1 =	sld [smem:$0x3FA5]  }
0x28: {  	s2 =	sld [smem:$0x3FA6]  }
0x29: {  	s4 =	sld [smem:$0x3FA8]  }
0x2a: {  	p0 =	seq.s32 s5, $0x0;
	s5 =	sld [smem:$0x3FA9]  }
0x2b: {  	s6 =	sld [smem:$0x3FAA]  }
0x2c: {  	s7 =	sld [smem:$0x3FAB]  }
0x2d: {  	s3 =	simm.s32 $0x108;
	s8 =	sld [smem:$0x3FAC]  }
0x2e: {  	s3 =	simm.s32 @!p0 $0x1082;
	s9 =	sld [smem:$0x3FAD]  }
0x2f: {  	lr =	sadd.s32 s0, s3;
	s0 =	sld [smem:$0x3FA4]  }
0x30: {  	s3 =	sld [smem:$0x3FA7]  }
0x31: {  	[smem:$0x3FB0] =	sst s10  }
0x32: {  	s10 =	sld [smem:$0x3FAE];
	_ =	sdelay $0x3  }
0x33: {  	p0 =	seq.s32 s10, $0x1;
	s10 =	sld [smem:$0x3FB0];
	_ =	sdelay $0x3  }
0x34: {  	[smem:$0x3FB0] =	sst s10  }
0x35: {  	s10 =	sld [smem:$0x3FAF];
	_ =	sdelay $0x3  }
0x36: {  	p1 =	seq.s32 s10, $0x1;
	s10 =	sld [smem:$0x3FB0];
	_ =	sdelay $0x3  }
0x37: {  	[smem:$0x3FB0] =	sst s10  }
0x38: {  	s10 =	sld [smem:$0x3FB1]  }
0x39: {  	_ = 	snop;
	(pc) =	sbr.ind lr, $3  }
0x3a: {  	_ = 	snop  }
0x3b: {  	_ = 	snop  }
0x3c: {  	p2 =	seq.s32 s10, $0x1;
	s10 =	sld [smem:$0x3FB0]  }
0x3d: {  	_ =	shalt  }
0x3e: {  	_ =	shalt  }
0x3f: {  	_ =	shalt  }
0x40: {  	_ =	shalt  }
0x41: {  	_ =	shalt  }
0x42: {  	_ =	shalt  }
0x43: {  	_ =	shalt  }
0x44: {  	_ =	shalt  }
0x45: {  	_ =	shalt  }
0x46: {  	_ =	shalt  }
0x47: {  	_ =	shalt  }
0x48: {  	_ =	shalt  }
0x49: {  	_ =	shalt  }
0x4a: {  	_ =	shalt  }
0x4b: {  	_ =	shalt  }
0x4c: {  	_ =	shalt  }
0x4d: {  	_ =	shalt  }
0x4e: {  	_ =	shalt  }
0x4f: {  	_ =	shalt  }
0x50: {  	_ =	shalt  }
0x51: {  	_ =	shalt  }
0x52: {  	_ =	shalt  }
0x53: {  	_ =	shalt  }
0x54: {  	_ =	shalt  }
0x55: {  	_ =	shalt  }
0x56: {  	_ =	shalt  }
0x57: {  	_ =	shalt  }
0x58: {  	_ =	shalt  }
0x59: {  	_ =	shalt  }
0x5a: {  	_ =	shalt  }
0x5b: {  	_ =	shalt  }
0x5c: {  	_ =	shalt  }
0x5d: {  	_ =	shalt  }
0x5e: {  	_ =	shalt  }
0x5f: {  	_ =	shalt  }
0x60: {  	_ =	shalt  }
0x61: {  	_ =	shalt  }
0x62: {  	_ =	shalt  }
0x63: {  	_ =	shalt  }
0x64: {  	_ =	shalt  }
0x65: {  	_ =	shalt  }
0x66: {  	_ =	shalt  }
0x67: {  	_ =	shalt  }
0x68: {  	_ =	shalt  }
0x69: {  	_ =	shalt  }
0x6a: {  	_ =	shalt  }
0x6b: {  	_ =	shalt  }
0x6c: {  	_ =	shalt  }
0x6d: {  	_ =	shalt  }
0x6e: {  	_ =	shalt  }
0x6f: {  	_ =	shalt  }
0x70: {  	_ =	shalt  }
0x71: {  	_ =	shalt  }
0x72: {  	_ =	shalt  }
0x73: {  	_ =	shalt  }
0x74: {  	_ =	shalt  }
0x75: {  	_ =	shalt  }
0x76: {  	_ =	shalt  }
0x77: {  	_ =	shalt  }
0x78: {  	_ =	shalt  }
0x79: {  	_ =	shalt  }
0x7a: {  	_ =	shalt  }
0x7b: {  	_ =	shalt  }
0x7c: {  	_ =	shalt  }
0x7d: {  	_ =	shalt  }
0x7e: {  	_ =	shalt  }
0x7f: {  	_ =	shalt  }
0x80: {  	_ =	shalt  }
0x81: {  	_ =	shalt  }
0x82: {  	_ =	shalt  }
0x83: {  	_ =	shalt  }
0x84: {  	_ =	shalt  }
0x85: {  	_ =	shalt  }
0x86: {  	_ =	shalt  }
0x87: {  	_ =	shalt  }
.Lfunc_end0:
.L_simem_size_0:
called_computation.2_lowered:
.L_overlay_start_0:
0x88: {  	s2 =	sld [smem:$0x3FD9]  }
0x89: {  	s3 =	sld [smem:$0x3FFE];
	_ =	sdelay $0x1  }
0x8a: {  	s1 =	srdreg.scid  }
0x8b: {  	s0 =	sand.u32 $0x1, s1  }
0x8c: {  	s17 =	sshll.u32 s0, $0xA;
	s2 =	sadd.s32 s3, s2  }
0x8d: {  	s2 =	sadd.s32 s2, s17  }
0x8e: {  	[smem:$0x3FBC] =	sst s2  }
0x8f: {  	_ = 	snop  }
0x90: {  	s2 =	sld [smem:$0x3FD0];
	(tm) =	ssettm $0x1  }
0x91: {  	s18 =	sld [smem:$0x3FFB];
	_ =	sdelay $0x3  }
0x92: {  	_ =	strace s18  }
0x93: {  	s3 =	sld [smem:$0x3FFC];
	_ =	sdelay $0x3  }
0x94: {  	_ =	strace s3  }
0x95: {  	s3 =	sld [smem:$0x3FFD];
	_ =	sdelay $0x3  }
0x96: {  	_ =	strace s3  }
0x97: {  	_ =	strace $0x8FFFFFFF  }
0x98: {  	s19 =	sld [smem:$0x3FDB];
	_ =	sdelay $0x1  }
0x99: {  	s4 =	simm.s32 $_scs_section_size  }
0x9a: {  	s5 =	simm.s32 $_size__tile_overlayer_lowered;
	s6 =	simm.s32 $_tile_overlayer_lowered  }
0x9b: {  	s22 =	simm.s32 $0x1BFF;
	s21 =	sshll.u32 s6, $0x1;
	s3 =	sadd.s32 s4, s19  }
0x9c: {  	s7 =	simm.s32 $0x0;
	s20 =	sshll.u32 s5, $0x1;
	s5 =	sadd.s32 s21, s3  }
0x9d: {  	[timem:s7], [sflag:s22] =	dma.local [hbm:s5], s20  }
0x9e: {  	_ =	swait.ge [sflag:s22], s20  }
0x9f: {  	s4 =	ssub.s32 $0x0, s20;
	[sflag:s22] =	ssyncset.done $0x0  }
0xa0: {  	[sflag:s22] =	ssyncadd.s32 s4;
	_ =	sdelay $0x1  }
0xa1: {  	s23 =	simm.s32 $0x1B8B  }
0xa2: {  	_ =	swait.ge [sflag:s23], $0x1  }
0xa3: {  	[sflag:s23] =	ssyncset.done $0x0  }
0xa4: {  	s25 =	simm.s32 $0x1B8E;
	s24 =	sld [smem:$0x3FFE];
	[sflag:s23] =	ssyncadd.s32 $0xFFFFFFFF  }
0xa5: {  	s26 =	simm.s32 $execute0_lowered;
	[smem:$0x3FD2] =	sst s25  }
0xa6: {  	s5 =	sshll.u32 s26, $0x1;
	_ =	strace $0x8000004C;
	[dreg:$0x1] =	wrdreg $0xFFFFFFFF  }
0xa7: {  	s28 =	simm.s32 $_size_execute0_lowered;
	s3 =	sadd.s32 s3, s5;
	[dreg:$0x0] =	wrdreg $0x0  }
0xa8: {  	s5 =	sshll.u32 s28, $0x1;
	[dreg:$0x2] =	wrdreg s3  }
0xa9: {  	[dreg:$0x3] =	wrdreg s5  }
0xaa: {  	[dreg:$0x4] =	wrdreg $0xC0  }
0xab: {  	_ =	task [dreg:s7], $0x5FFFF  }
0xac: {  	[dreg:$0x1] =	wrdreg $0xFFFFFFFF  }
0xad: {  	[dreg:$0x0] =	wrdreg $0x60  }
0xae: {  	[dreg:$0x2] =	wrdreg s24  }
0xaf: {  	[dreg:$0x3] =	wrdreg s2  }
0xb0: {  	[dreg:$0x4] =	wrdreg $0x5AA00  }
0xb1: {  	[dreg:$0x5] =	wrdreg $0x9  }
0xb2: {  	_ =	task.clear_ibuf [dreg:s7], $0x6FFFF;
	_ =	strace $0x9000004C  }
0xb3: {  	s29 =	simm.s32 $0x9;
	_ =	strace $0x8000004E  }
0xb4: {  	_ =	swait.ge [sflag:s29], $0x1  }
0xb5: {  	[sflag:s29] =	ssyncadd.s32 $0xFFFFFFFF  }
0xb6: {  	_ =	strace $0x9000004E  }
0xb7: {  	_ =	sfence  }
0xb8: {  	s30 =	sld [smem:$0x0];
	_ =	sdelay $0x2  }
0xb9: {  	s31 =	sshll.u32 s1, $0xD;
	s1 =	sshrl.u32 s1, $0x2  }
0xba: {  	s3 =	sand.u32 $0x4000, s31;
	s1 =	sadd.s32 s1, s30  }
0xbb: {  	s0 =	sor.u32 s3, s0;
	s1 =	sshll.u32 s1, $0x11  }
0xbc: {  	s0 =	sor.u32 s1, s0  }
0xbd: {  	s0 =	sadd.s32 $0x8F2B, s0  }
0xbe: {  	[sflag:s0] =	ssyncadd.remote.s32 $0x1  }
0xbf: {  	_ =	sfence.sel $0xFFFF  }
0xc0: {  	[dreg:$0x0] =	wrdreg $0xFFFFFFFF;
	(pc) =	sbr.abs _section_cstart, $3  }
0xc1: {  	[dreg:$0x1] =	wrdreg $0xFFFFFFFF  }
0xc2: {  	_ =	task.clear_ibuf [dreg:s7], $0x2FFFF;
	_ =	strace $0x9FFFFFFF  }
0xc3: {  	(tm) =	ssettm $0x7FFFFFFF  }
tec
execute0_lowered:
.L_overlay_start_1:
0x0: {  	(tag) =	ssettag $0x1  }
0x1: {  	s0 =	rddreg [dreg:$0x0]  }
0x2: {  	s1 =	rddreg [dreg:$0x1]  }
0x3: {  	s2 =	rddreg [dreg:$0x2]  }
0x4: {  	s3 =	srdreg.scid;
	s10 =	stileid.u32  }
0x5: {  	s12 =	simm.s32 $0x4E20;
	s13 =	simm.s32 $0x28;
	s14 =	simm.s32 $0x19320  }
0x6: {  	s15 =	simm.s32 $0x1A720;
	s17 =	simm.s32 $0x1BB20;
	s19 =	simm.s32 $0x1CF20  }
0x7: {  	s21 =	simm.s32 $0x1E320;
	s22 =	simm.s32 $0x1;
	s23 =	simm.s32 $0x2  }
0x8: {  	s24 =	simm.s32 $0x3;
	s28 =	simm.s32 $0x5;
	s29 =	simm.s32 $0x4D58  }
0x9: {  	s30 =	simm.s32 $0x4D80;
	s31 =	simm.s32 $0x4DA8;
	s11 =	simm.s32 $0x4DF8  }
0xa: {  	s16 =	simm.s32 $0x0;
	s5 =	sand.u32 $0x1, s3;
	s8 =	smul.u32 $0x13880, s10  }
0xb: {  	s3 =	simm.s32 $0x0;
	s6 =	sshll.u32 s10, $0x1;
	s10 =	smul.u32 $0x4E200, s10  }
0xc: {  	s4 =	smul.u32 $0x138800, s5;
	[smem:$0x7FF] =	sst s3;
	s6 =	sor.u32 s5, s6  }
0xd: {  	s5 =	ssub.s32 $0x2, s5;
	_ =	strace $0x8000004D;
	s6 =	smul.u32 $0x2710, s6  }
0xe: {  	s9 =	sshrl.u32 s5, $0x1;
	s25 =	sshrl.u32 s10, $0x2;
	s26 =	sadd.s32 s8, s2  }
0xf: {  	s10 =	simm.s32 $0x6;
	s7 =	sadd.s32 s8, s4;
	s4 =	sadd.s32 $0x2E00, s0  }
0x10: {  	s9 =	ssub.s32 s5, s9;
	s7 =	sshrl.u32 s7, $0x3;
	s6 =	sshrl.u32 s6, $0x3  }
0x11: {  	s8 =	smax.u32 s9, $0x1;
	s9 =	sadd.s32 s25, s2;
	s25 =	sshrl.u32 s26, $0x3  }
0x12: {  	s26 =	simm.s32 $0x4;
	s0 =	sadd.s32 s7, s0;
	s5 =	sadd.s32 s1, s6  }
0x13: {  	v0 =	vimm.f32 $0.0e+00;
	s6 =	sadd.s32 $0x9C40, s5;
	s7 =	sadd.s32 $0x2A000, s0;
	s0 =	simm.s32 $0x4DD0  }
.LBB2_1:
0x14: {  	[tilespmem:s3], [sflag:$0x6] =	stream.linear.gather [hbm4b:s5+s3], $0x2710, $0x38;
	[tilespmem:$0x1F720] =	vst v63  }
0x15: {  	_ =	swait.ge [sflag:s10], $0x2710  }
0x16: {  	[sflag:s10] =	ssyncset.done $0x0  }
0x17: {  	s1 =	simm.s32 $0x2710;
	[sflag:s10] =	ssyncadd.s32 $0xFFFFD8F0  }
0x18: {  	[tilespmem:s1], [sflag:$0x6] =	stream.linear.gather [hbm4b:s6+s3], $0x2710, $0x38;
	[tilespmem:$0x1F720] =	vst v63  }
0x19: {  	_ =	swait.ge [sflag:s10], $0x2710  }
0x1a: {  	[sflag:s10] =	ssyncset.done $0x0  }
0x1b: {  	s18 =	simm.s32 $0x200;
	s1 =	simm.s32 $0x0;
	[sflag:s10] =	ssyncadd.s32 $0xFFFFD8F0  }
.LBB2_2:
0x1c: {  	p0 =	sne.s32 s18, $0x3000;
	[tilespmem:s1+$0x4E90] =	vst v0  }
0x1d: {  	[tilespmem:s1+$0x4E20] =	vst v0  }
0x1e: {  	[tilespmem:s1+$0x4E30] =	vst v0  }
.Ltmp0:
0x1f: {  	[tilespmem:s1+$0x4E40] =	vst v0;
	(pc) =	sbr.rel @p0 .LBB2_2-.Ltmp0, $4  }
0x20: {  	[tilespmem:s1+$0x4E50] =	vst v0  }
0x21: {  	[tilespmem:s1+$0x4E60] =	vst v0  }
0x22: {  	[tilespmem:s1+$0x4E70] =	vst v0  }
0x23: {  	[tilespmem:s1+$0x4E80] =	vst v0;
	s1 =	sshra.s32 s18, $0x2;
	s18 =	sadd.s32 $0x200, s18  }
0x24: {  	[tilespmem:s1+$0x4E90] =	vst v0  }
0x25: {  	[tilespmem:s1+$0x4E20] =	vst v0  }
0x26: {  	[tilespmem:s1+$0x4E30] =	vst v0  }
0x27: {  	[tilespmem:s1+$0x4E40] =	vst v0  }
0x28: {  	[tilespmem:s1+$0x4E50] =	vst v0  }
0x29: {  	[tilespmem:s1+$0x4E60] =	vst v0  }
0x2a: {  	[tilespmem:s1+$0x4E70] =	vst v0  }
0x2b: {  	[tilespmem:s1+$0x4E80] =	vst v0;
	s20 =	sadd.s32 $0x0, s9  }
0x2c: {  	[spmem:s20] =	stream.linear.scatter [tilespmem:s12], [sflag:$0x6], $0xC80, $0x38;
	[tilespmem:$0x1F720] =	vst v63  }
0x2d: {  	s1 =	simm.s32 $0x3200;
	_ =	swait.ge [sflag:s10], $0xC80  }
.LBB2_4:
0x2e: {  	s18 =	sshra.s32 s1, $0x2;
	[sflag:s10] =	ssyncset.done $0x0;
	p0 =	sne.s32 s1, $0x4B000  }
.Ltmp1:
0x2f: {  	s18 =	sadd.s32 s18, s9;
	[sflag:s10] =	ssyncadd.s32 $0xFFFFF380;
	(pc) =	sbr.rel @p0 .LBB2_4-.Ltmp1, $3  }
0x30: {  	[spmem:s18] =	stream.linear.scatter [tilespmem:s12], [sflag:$0x6], $0xC80, $0x38;
	[tilespmem:$0x1F720] =	vst v63  }
0x31: {  	s1 =	sadd.s32 $0x3200, s1;
	_ =	sdelay $0x1  }
0x32: {  	_ =	swait.ge [sflag:s10], $0xC80  }
0x33: {  	[sflag:s10] =	ssyncset.done $0x0  }
0x34: {  	[sflag:s10] =	ssyncadd.s32 $0xFFFFF380  }
0x35: {  	s1 =	simm.s32 $0x0;
	[bflag:$0x0] =	sbarrier.arrive $0xFFFF  }
0x36: {  	[tilespmem:s14], [sflag:$0x1] =	stream.indirect.gather [hbm4b:s4+s13], $0x80, s1, s13, $0xb8;
	[tilespmem:$0x1F720] =	vst v63  }
0x37: {  	_ = 	snop  }
0x38: {  	[tilespmem:s15], [sflag:$0x2] =	stream.indirect.gather [hbm4b:s4+s13], $0x80, s13, s13, $0xb8;
	[tilespmem:$0x1F720] =	vst v63  }
0x39: {  	s18 =	simm.s32 $0x50  }
0x3a: {  	[tilespmem:s17], [sflag:$0x3] =	stream.indirect.gather [hbm4b:s4+s13], $0x80, s18, s13, $0xb8;
	[tilespmem:$0x1F720] =	vst v63  }
0x3b: {  	s20 =	simm.s32 $0x78  }
0x3c: {  	[tilespmem:s19], [sflag:$0x4] =	stream.indirect.gather [hbm4b:s4+s13], $0x80, s20, s13, $0xb8;
	[tilespmem:$0x1F720] =	vst v63  }
0x3d: {  	s18 =	simm.s32 $0xA0  }
0x3e: {  	[tilespmem:s21], [sflag:$0x5] =	stream.indirect.gather [hbm4b:s4+s13], $0x80, s18, s13, $0xb8;
	[tilespmem:$0x1F720] =	vst v63  }
0x3f: {  	_ =	swait.ge [sflag:s22], $0x1400  }
0x40: {  	[sflag:s22] =	ssyncset.done $0x0  }
0x41: {  	s20 =	simm.s32 $0x2710;
	[sflag:s22] =	ssyncadd.s32 $0xFFFFEC00  }
0x42: {  	[spmem:s2] =	stream.indirect.scatter.add.f32 [tilespmem:s14], [sflag:$0x6], $0x80, s20, s13, $0xb8;
	[tilespmem:$0x1F720] =	vst v63  }
0x43: {  	_ =	swait.ge [sflag:s10], $0x1400  }
0x44: {  	[sflag:s10] =	ssyncset.done $0x0  }
0x45: {  	s18 =	simm.s32 $0xC8;
	[sflag:s10] =	ssyncadd.s32 $0xFFFFEC00  }
0x46: {  	[tilespmem:s14], [sflag:$0x1] =	stream.indirect.gather [hbm4b:s4+s13], $0x80, s18, s13, $0xb8;
	[tilespmem:$0x1F720] =	vst v63  }
0x47: {  	_ =	swait.ge [sflag:s23], $0x1400  }
0x48: {  	[sflag:s23] =	ssyncset.done $0x0  }
0x49: {  	s20 =	simm.s32 $0x2738;
	[sflag:s23] =	ssyncadd.s32 $0xFFFFEC00  }
0x4a: {  	[spmem:s2] =	stream.indirect.scatter.add.f32 [tilespmem:s15], [sflag:$0x6], $0x80, s20, s13, $0xb8;
	[tilespmem:$0x1F720] =	vst v63  }
0x4b: {  	_ =	swait.ge [sflag:s10], $0x1400  }
0x4c: {  	[sflag:s10] =	ssyncset.done $0x0  }
0x4d: {  	s18 =	simm.s32 $0xF0;
	[sflag:s10] =	ssyncadd.s32 $0xFFFFEC00  }
0x4e: {  	[tilespmem:s15], [sflag:$0x2] =	stream.indirect.gather [hbm4b:s4+s13], $0x80, s18, s13, $0xb8;
	[tilespmem:$0x1F720] =	vst v63  }
0x4f: {  	_ =	swait.ge [sflag:s24], $0x1400  }
0x50: {  	[sflag:s24] =	ssyncset.done $0x0  }
0x51: {  	s20 =	simm.s32 $0x2760;
	[sflag:s24] =	ssyncadd.s32 $0xFFFFEC00  }
0x52: {  	[spmem:s2] =	stream.indirect.scatter.add.f32 [tilespmem:s17], [sflag:$0x6], $0x80, s20, s13, $0xb8;
	[tilespmem:$0x1F720] =	vst v63  }
0x53: {  	_ =	swait.ge [sflag:s10], $0x1400  }
0x54: {  	[sflag:s10] =	ssyncset.done $0x0  }
0x55: {  	s18 =	simm.s32 $0x118;
	[sflag:s10] =	ssyncadd.s32 $0xFFFFEC00  }
0x56: {  	[tilespmem:s17], [sflag:$0x3] =	stream.indirect.gather [hbm4b:s4+s13], $0x80, s18, s13, $0xb8;
	[tilespmem:$0x1F720] =	vst v63  }
0x57: {  	_ =	swait.ge [sflag:s26], $0x1400  }
0x58: {  	[sflag:s26] =	ssyncset.done $0x0  }
0x59: {  	s20 =	simm.s32 $0x2788;
	[sflag:s26] =	ssyncadd.s32 $0xFFFFEC00  }
0x5a: {  	[spmem:s2] =	stream.indirect.scatter.add.f32 [tilespmem:s19], [sflag:$0x6], $0x80, s20, s13, $0xb8;
	[tilespmem:$0x1F720] =	vst v63  }
0x5b: {  	_ =	swait.ge [sflag:s10], $0x1400  }
0x5c: {  	[sflag:s10] =	ssyncset.done $0x0  }
0x5d: {  	s18 =	simm.s32 $0x140;
	[sflag:s10] =	ssyncadd.s32 $0xFFFFEC00  }
0x5e: {  	[tilespmem:s19], [sflag:$0x4] =	stream.indirect.gather [hbm4b:s4+s13], $0x80, s18, s13, $0xb8;
	[tilespmem:$0x1F720] =	vst v63  }
0x5f: {  	_ =	swait.ge [sflag:s28], $0x1400  }
0x60: {  	[sflag:s28] =	ssyncset.done $0x0  }
0x61: {  	s20 =	simm.s32 $0x27B0;
	[sflag:s28] =	ssyncadd.s32 $0xFFFFEC00  }
0x62: {  	[spmem:s2] =	stream.indirect.scatter.add.f32 [tilespmem:s21], [sflag:$0x6], $0x80, s20, s13, $0xb8;
	[tilespmem:$0x1F720] =	vst v63  }
0x63: {  	_ =	swait.ge [sflag:s10], $0x1400  }
0x64: {  	[sflag:s10] =	ssyncset.done $0x0  }
0x65: {  	s1 =	simm.s32 $0x168;
	s18 =	simm.s32 $0x320;
	[sflag:s10] =	ssyncadd.s32 $0xFFFFEC00  }
.LBB2_6:
0x66: {  	[tilespmem:s21], [sflag:$0x5] =	stream.indirect.gather [hbm4b:s4+s13], $0x80, s1, s13, $0xb8;
	[tilespmem:$0x1F720] =	vst v63  }
0x67: {  	s1 =	smov.u32 s18  }
0x68: {  	p0 =	sne.s32 s18, $0x9600;
	s18 =	sadd.s32 $0x320, s18;
	_ =	swait.ge [sflag:s22], $0x1400  }
0x69: {  	s1 =	sshra.s32 s1, $0x2;
	[sflag:s22] =	ssyncset.done $0x0  }
0x6a: {  	s20 =	sadd.s32 $0x2710, s1;
	[sflag:s22] =	ssyncadd.s32 $0xFFFFEC00  }
0x6b: {  	[spmem:s2] =	stream.indirect.scatter.add.f32 [tilespmem:s14], [sflag:$0x6], $0x80, s20, s13, $0xb8;
	[tilespmem:$0x1F720] =	vst v63  }
0x6c: {  	_ =	swait.ge [sflag:s10], $0x1400  }
0x6d: {  	[sflag:s10] =	ssyncset.done $0x0  }
0x6e: {  	s20 =	sadd.s32 $0xC8, s1;
	[sflag:s10] =	ssyncadd.s32 $0xFFFFEC00  }
0x6f: {  	[tilespmem:s14], [sflag:$0x1] =	stream.indirect.gather [hbm4b:s4+s13], $0x80, s20, s13, $0xb8;
	[tilespmem:$0x1F720] =	vst v63  }
0x70: {  	_ =	swait.ge [sflag:s23], $0x1400  }
0x71: {  	[sflag:s23] =	ssyncset.done $0x0  }
0x72: {  	s20 =	sadd.s32 $0x2738, s1;
	[sflag:s23] =	ssyncadd.s32 $0xFFFFEC00  }
0x73: {  	[spmem:s2] =	stream.indirect.scatter.add.f32 [tilespmem:s15], [sflag:$0x6], $0x80, s20, s13, $0xb8;
	[tilespmem:$0x1F720] =	vst v63  }
0x74: {  	_ =	swait.ge [sflag:s10], $0x1400  }
0x75: {  	[sflag:s10] =	ssyncset.done $0x0  }
0x76: {  	s20 =	sadd.s32 $0xF0, s1;
	[sflag:s10] =	ssyncadd.s32 $0xFFFFEC00  }
0x77: {  	[tilespmem:s15], [sflag:$0x2] =	stream.indirect.gather [hbm4b:s4+s13], $0x80, s20, s13, $0xb8;
	[tilespmem:$0x1F720] =	vst v63  }
0x78: {  	_ =	swait.ge [sflag:s24], $0x1400  }
0x79: {  	[sflag:s24] =	ssyncset.done $0x0  }
0x7a: {  	s20 =	sadd.s32 $0x2760, s1;
	[sflag:s24] =	ssyncadd.s32 $0xFFFFEC00  }
0x7b: {  	[spmem:s2] =	stream.indirect.scatter.add.f32 [tilespmem:s17], [sflag:$0x6], $0x80, s20, s13, $0xb8;
	[tilespmem:$0x1F720] =	vst v63  }
0x7c: {  	_ =	swait.ge [sflag:s10], $0x1400  }
0x7d: {  	[sflag:s10] =	ssyncset.done $0x0  }
0x7e: {  	s20 =	sadd.s32 $0x118, s1;
	[sflag:s10] =	ssyncadd.s32 $0xFFFFEC00  }
0x7f: {  	[tilespmem:s17], [sflag:$0x3] =	stream.indirect.gather [hbm4b:s4+s13], $0x80, s20, s13, $0xb8;
	[tilespmem:$0x1F720] =	vst v63  }
0x80: {  	_ =	swait.ge [sflag:s26], $0x1400  }
0x81: {  	[sflag:s26] =	ssyncset.done $0x0  }
0x82: {  	s20 =	sadd.s32 $0x2788, s1;
	[sflag:s26] =	ssyncadd.s32 $0xFFFFEC00  }
0x83: {  	[spmem:s2] =	stream.indirect.scatter.add.f32 [tilespmem:s19], [sflag:$0x6], $0x80, s20, s13, $0xb8;
	[tilespmem:$0x1F720] =	vst v63  }
0x84: {  	_ =	swait.ge [sflag:s10], $0x1400  }
0x85: {  	[sflag:s10] =	ssyncset.done $0x0  }
0x86: {  	s20 =	sadd.s32 $0x140, s1;
	[sflag:s10] =	ssyncadd.s32 $0xFFFFEC00  }
0x87: {  	[tilespmem:s19], [sflag:$0x4] =	stream.indirect.gather [hbm4b:s4+s13], $0x80, s20, s13, $0xb8;
	[tilespmem:$0x1F720] =	vst v63  }
0x88: {  	_ =	swait.ge [sflag:s28], $0x1400  }
0x89: {  	[sflag:s28] =	ssyncset.done $0x0  }
.Ltmp2:
0x8a: {  	s20 =	sadd.s32 $0x27B0, s1;
	[sflag:s28] =	ssyncadd.s32 $0xFFFFEC00;
	(pc) =	sbr.rel @p0 .LBB2_6-.Ltmp2, $4  }
0x8b: {  	[spmem:s2] =	stream.indirect.scatter.add.f32 [tilespmem:s21], [sflag:$0x6], $0x80, s20, s13, $0xb8;
	[tilespmem:$0x1F720] =	vst v63  }
0x8c: {  	_ =	swait.ge [sflag:s10], $0x1400  }
0x8d: {  	[sflag:s10] =	ssyncset.done $0x0  }
0x8e: {  	s1 =	sadd.s32 $0x168, s1;
	[sflag:s10] =	ssyncadd.s32 $0xFFFFEC00  }
0x8f: {  	[tilespmem:s21], [sflag:$0x5] =	stream.indirect.gather [hbm4b:s4+s13], $0x80, s1, s13, $0xb8;
	[tilespmem:$0x1F720] =	vst v63  }
0x90: {  	_ =	swait.ge [sflag:s22], $0x1400  }
0x91: {  	[sflag:s22] =	ssyncset.done $0x0  }
0x92: {  	[sflag:s22] =	ssyncadd.s32 $0xFFFFEC00  }
0x93: {  	[spmem:s2] =	stream.indirect.scatter.add.f32 [tilespmem:s14], [sflag:$0x6], $0x80, s29, s13, $0xb8;
	[tilespmem:$0x1F720] =	vst v63  }
0x94: {  	_ =	swait.ge [sflag:s10], $0x1400  }
0x95: {  	[sflag:s10] =	ssyncset.done $0x0  }
0x96: {  	[sflag:s10] =	ssyncadd.s32 $0xFFFFEC00  }
0x97: {  	_ =	swait.ge [sflag:s23], $0x1400  }
0x98: {  	[sflag:s23] =	ssyncset.done $0x0  }
0x99: {  	[sflag:s23] =	ssyncadd.s32 $0xFFFFEC00  }
0x9a: {  	[spmem:s2] =	stream.indirect.scatter.add.f32 [tilespmem:s15], [sflag:$0x6], $0x80, s30, s13, $0xb8;
	[tilespmem:$0x1F720] =	vst v63  }
0x9b: {  	_ =	swait.ge [sflag:s10], $0x1400  }
0x9c: {  	[sflag:s10] =	ssyncset.done $0x0  }
0x9d: {  	[sflag:s10] =	ssyncadd.s32 $0xFFFFEC00  }
0x9e: {  	_ =	swait.ge [sflag:s24], $0x1400  }
0x9f: {  	[sflag:s24] =	ssyncset.done $0x0  }
0xa0: {  	[sflag:s24] =	ssyncadd.s32 $0xFFFFEC00  }
0xa1: {  	[spmem:s2] =	stream.indirect.scatter.add.f32 [tilespmem:s17], [sflag:$0x6], $0x80, s31, s13, $0xb8;
	[tilespmem:$0x1F720] =	vst v63  }
0xa2: {  	_ =	swait.ge [sflag:s10], $0x1400  }
0xa3: {  	[sflag:s10] =	ssyncset.done $0x0  }
0xa4: {  	[sflag:s10] =	ssyncadd.s32 $0xFFFFEC00  }
0xa5: {  	_ =	swait.ge [sflag:s26], $0x1400  }
0xa6: {  	[sflag:s26] =	ssyncset.done $0x0  }
0xa7: {  	[sflag:s26] =	ssyncadd.s32 $0xFFFFEC00  }
0xa8: {  	[spmem:s2] =	stream.indirect.scatter.add.f32 [tilespmem:s19], [sflag:$0x6], $0x80, s0, s13, $0xb8;
	[tilespmem:$0x1F720] =	vst v63  }
0xa9: {  	_ =	swait.ge [sflag:s10], $0x1400  }
0xaa: {  	[sflag:s10] =	ssyncset.done $0x0  }
0xab: {  	[sflag:s10] =	ssyncadd.s32 $0xFFFFEC00  }
0xac: {  	_ =	swait.ge [sflag:s28], $0x1400  }
0xad: {  	[sflag:s28] =	ssyncset.done $0x0  }
0xae: {  	[sflag:s28] =	ssyncadd.s32 $0xFFFFEC00  }
0xaf: {  	[spmem:s2] =	stream.indirect.scatter.add.f32 [tilespmem:s21], [sflag:$0x6], $0x80, s11, s13, $0xb8;
	[tilespmem:$0x1F720] =	vst v63  }
0xb0: {  	_ =	swait.ge [sflag:s10], $0x1400  }
0xb1: {  	s20 =	stileid.u32;
	s16 =	sadd.s32 $0x1, s16;
	[sflag:s10] =	ssyncset.done $0x0  }
0xb2: {  	s1 =	sshll.u32 s20, $0x6;
	p0 =	sne.s32 s16, s8;
	[sflag:s10] =	ssyncadd.s32 $0xFFFFEC00  }
.Ltmp3:
0xb3: {  	s1 =	sor.u32 $0x1C06, s1;
	[bflag:$0x0] =	sbarrier.arrive $0xFFFF;
	(pc) =	sbr.rel @p0 .LBB2_1-.Ltmp3, $4  }
0xb4: {  	[hbm:s7], [sflag:s1] =	dma.local [spmem:s25], $0x2710  }
0xb5: {  	_ =	swait.ge [sflag:s10], $0x2710  }
0xb6: {  	[sflag:s10] =	ssyncset.done $0x0  }
0xb7: {  	[sflag:s10] =	ssyncadd.s32 $0xFFFFD8F0  }
0xb8: {  	_ =	sfence.sel $0x180000  }
0xb9: {  	[bflag:$0x0] =	sbarrier.arrive $0xFFFF  }
0xba: {  	_ =	strace $0x9000004D  }
0xbb: {  	s0 =	stileid.u32;
	[bflag:$0x2] =	sbarrier.arrive $0xFFFF  }
0xbc: {  	p0 =	sne.s32 s0, $0x0;
	s0 =	rddreg [dreg:$0x3]  }
0xbd: {  	s0 =	sadd.s32 @!p0 $0x100000, s0  }
0xbe: {  	[sflag:s0] =	ssyncadd.tile.s32 @!p0 $0x1;
	_ =	shalt  }
.Lfunc_end2:
_tile_overlayer_lowered:
.L_overlay_start_2:
0xbf: {  	(tag) =	ssettag $0x2  }
0xc0: {  	s0 =	rddreg [dreg:$0x0];
	s2 =	stileid.u32  }
0xc1: {  	s1 =	rddreg [dreg:$0x1];
	p0 =	sne.s32 s2, $0x0  }
0xc2: {  	s3 =	rddreg [dreg:$0x2];
	[bflag:$0x3] =	sbarrier.arrive $0xFFFF;
	s2 =	simm.s32 @!p0 $0x1C06  }
0xc3: {  	[timem:s3], [sflag:s2] =	dma.local @!p0 [hbm:s0], s1  }
0xc4: {  	s0 =	simm.s32 @!p0 $0x6  }
0xc5: {  	_ =	swait.ge @!p0 [sflag:s0], s1  }
0xc6: {  	s1 =	ssub.s32 @!p0 $0x0, s1;
	[sflag:s0] =	ssyncset.done @!p0 $0x0  }
0xc7: {  	[sflag:s0] =	ssyncadd.s32 @!p0 s1  }
0xc8: {  	[bflag:$0x3] =	sbarrier.arrive $0xFFFF  }
0xc9: {  	_ =	shalt  }

// kernel: kernel.20.cloned.1.call-start
scs
__scs_entry_jumppad:
0x0: {  	(pc) =	sbr.rel $0x88, $3  }
0x1: {  	(tag) =	ssettag $0x0;
	lr =	simm.s32 $0x1  }
0x2: {  	[smem:$0x3F95] =	sst lr;
	_ =	strace $0xD0000000  }
0x3: {  	_ = 	snop  }
0x4: {  	_ = 	snop  }
0x5: {  	_ = 	snop  }
0x6: {  	_ = 	snop  }
0x7: {  	_ = 	snop  }
__scs_overlays_trampoline_lowered:
0x8: {  	[smem:$0x3FA4] =	sst s0  }
0x9: {  	[smem:$0x3FA5] =	sst s1  }
0xa: {  	[smem:$0x3FA6] =	sst s2  }
0xb: {  	[smem:$0x3FA7] =	sst s3  }
0xc: {  	[smem:$0x3FA8] =	sst s4  }
0xd: {  	[smem:$0x3FA9] =	sst s5  }
0xe: {  	[smem:$0x3FAA] =	sst s6  }
0xf: {  	[smem:$0x3FAB] =	sst s7  }
0x10: {  	[smem:$0x3FAC] =	sst s8  }
0x11: {  	[smem:$0x3FAD] =	sst s9;
	s0 =	simm.s32 @!p0 $0x0  }
0x12: {  	s1 =	sld [smem:$0x3F93];
	s0 =	simm.s32 @p0 $0x1  }
0x13: {  	[smem:$0x3FAE] =	sst s0;
	s0 =	simm.s32 @!p1 $0x0  }
0x14: {  	s2 =	sld [smem:$0x3F92];
	s0 =	simm.s32 @p1 $0x1  }
0x15: {  	[smem:$0x3FAF] =	sst s0;
	s0 =	simm.s32 @!p2 $0x0  }
0x16: {  	s3 =	sld [smem:$0x3FDB];
	s0 =	simm.s32 @p2 $0x1  }
0x17: {  	s4 =	simm.s32 $0x1BF5;
	[smem:$0x3FB1] =	sst s0  }
0x18: {  	s0 =	sld [smem:$0x3F94];
	_ =	swait.ge [sflag:s4], $0x0  }
0x19: {  	s7 =	sld [smem:$0x3F95]  }
0x1a: {  	s8 =	sadd.s32 $0xFFFFE003, lr  }
0x1b: {  	s9 =	sadd.s32 $0xFFFFFEF7, lr;
	s5 =	simm.s32 $0xFFFFFFFF;
	p2 =	slt.u32 s8, $0xFFFFF086  }
0x1c: {  	p1 =	slt.u32 s9, $0xF7A;
	s5 =	simm.s32 @!p2 $0x0  }
0x1d: {  	s5 =	simm.s32 @p1 $0x1;
	p0 =	seq.s32 s7, s2  }
0x1e: {  	s7 =	smul.u32 @!p0 $0xF7A, s2;
	p2 =	seq.s32 @!p0 s5, $0x0  }
0x1f: {  	s9 =	smul.u32 $0xF7A, s1;
	s8 =	simm.s32 @!p0 $0x1BF5;
	p2 =	por !p2, p0  }
0x20: {  	[sflag:s8] =	ssyncset.s32 @!p0 $0xFFFFF086;
	s6 =	sadd.s32 @!p0 s3, s7;
	s7 =	simm.s32 @!p0 $0x108  }
0x21: {  	s3 =	sadd.s32 s3, s9;
	s6 =	sadd.s32 @!p0 $0x88, s6;
	s7 =	simm.s32 @p2 $0x1082  }
0x22: {  	[simem:s7], [sflag:s8] =	dma.local @!p0 [hbm:s6], $0xF7A  }
0x23: {  	s9 =	sor.u32 $0xD0000000, s2;
	s6 =	simm.s32 $0x108;
	_ =	swait.ge @!p0 [sflag:s8], $0x0  }
0x24: {  	s3 =	sadd.s32 $0x88, s3;
	s6 =	simm.s32 @!p1 $0x1082;
	[sflag:s4] =	ssyncset.s32 $0xFFFFF086  }
0x25: {  	[simem:s6], [sflag:s4] =	dma.local [hbm:s3], $0xF7A  }
0x26: {  	[smem:$0x3F95] =	sst s1;
	(tag) =	ssettag s2;
	_ =	strace s9  }
0x27: {  	s1 =	sld [smem:$0x3FA5]  }
0x28: {  	s2 =	sld [smem:$0x3FA6]  }
0x29: {  	s4 =	sld [smem:$0x3FA8]  }
0x2a: {  	p0 =	seq.s32 s5, $0x0;
	s5 =	sld [smem:$0x3FA9]  }
0x2b: {  	s6 =	sld [smem:$0x3FAA]  }
0x2c: {  	s7 =	sld [smem:$0x3FAB]  }
0x2d: {  	s3 =	simm.s32 $0x108;
	s8 =	sld [smem:$0x3FAC]  }
0x2e: {  	s3 =	simm.s32 @!p0 $0x1082;
	s9 =	sld [smem:$0x3FAD]  }
0x2f: {  	lr =	sadd.s32 s0, s3;
	s0 =	sld [smem:$0x3FA4]  }
0x30: {  	s3 =	sld [smem:$0x3FA7]  }
0x31: {  	[smem:$0x3FB0] =	sst s10  }
0x32: {  	s10 =	sld [smem:$0x3FAE];
	_ =	sdelay $0x3  }
0x33: {  	p0 =	seq.s32 s10, $0x1;
	s10 =	sld [smem:$0x3FB0];
	_ =	sdelay $0x3  }
0x34: {  	[smem:$0x3FB0] =	sst s10  }
0x35: {  	s10 =	sld [smem:$0x3FAF];
	_ =	sdelay $0x3  }
0x36: {  	p1 =	seq.s32 s10, $0x1;
	s10 =	sld [smem:$0x3FB0];
	_ =	sdelay $0x3  }
0x37: {  	[smem:$0x3FB0] =	sst s10  }
0x38: {  	s10 =	sld [smem:$0x3FB1]  }
0x39: {  	_ = 	snop;
	(pc) =	sbr.ind lr, $3  }
0x3a: {  	_ = 	snop  }
0x3b: {  	_ = 	snop  }
0x3c: {  	p2 =	seq.s32 s10, $0x1;
	s10 =	sld [smem:$0x3FB0]  }
0x3d: {  	_ =	shalt  }
0x3e: {  	_ =	shalt  }
0x3f: {  	_ =	shalt  }
0x40: {  	_ =	shalt  }
0x41: {  	_ =	shalt  }
0x42: {  	_ =	shalt  }
0x43: {  	_ =	shalt  }
0x44: {  	_ =	shalt  }
0x45: {  	_ =	shalt  }
0x46: {  	_ =	shalt  }
0x47: {  	_ =	shalt  }
0x48: {  	_ =	shalt  }
0x49: {  	_ =	shalt  }
0x4a: {  	_ =	shalt  }
0x4b: {  	_ =	shalt  }
0x4c: {  	_ =	shalt  }
0x4d: {  	_ =	shalt  }
0x4e: {  	_ =	shalt  }
0x4f: {  	_ =	shalt  }
0x50: {  	_ =	shalt  }
0x51: {  	_ =	shalt  }
0x52: {  	_ =	shalt  }
0x53: {  	_ =	shalt  }
0x54: {  	_ =	shalt  }
0x55: {  	_ =	shalt  }
0x56: {  	_ =	shalt  }
0x57: {  	_ =	shalt  }
0x58: {  	_ =	shalt  }
0x59: {  	_ =	shalt  }
0x5a: {  	_ =	shalt  }
0x5b: {  	_ =	shalt  }
0x5c: {  	_ =	shalt  }
0x5d: {  	_ =	shalt  }
0x5e: {  	_ =	shalt  }
0x5f: {  	_ =	shalt  }
0x60: {  	_ =	shalt  }
0x61: {  	_ =	shalt  }
0x62: {  	_ =	shalt  }
0x63: {  	_ =	shalt  }
0x64: {  	_ =	shalt  }
0x65: {  	_ =	shalt  }
0x66: {  	_ =	shalt  }
0x67: {  	_ =	shalt  }
0x68: {  	_ =	shalt  }
0x69: {  	_ =	shalt  }
0x6a: {  	_ =	shalt  }
0x6b: {  	_ =	shalt  }
0x6c: {  	_ =	shalt  }
0x6d: {  	_ =	shalt  }
0x6e: {  	_ =	shalt  }
0x6f: {  	_ =	shalt  }
0x70: {  	_ =	shalt  }
0x71: {  	_ =	shalt  }
0x72: {  	_ =	shalt  }
0x73: {  	_ =	shalt  }
0x74: {  	_ =	shalt  }
0x75: {  	_ =	shalt  }
0x76: {  	_ =	shalt  }
0x77: {  	_ =	shalt  }
0x78: {  	_ =	shalt  }
0x79: {  	_ =	shalt  }
0x7a: {  	_ =	shalt  }
0x7b: {  	_ =	shalt  }
0x7c: {  	_ =	shalt  }
0x7d: {  	_ =	shalt  }
0x7e: {  	_ =	shalt  }
0x7f: {  	_ =	shalt  }
0x80: {  	_ =	shalt  }
0x81: {  	_ =	shalt  }
0x82: {  	_ =	shalt  }
0x83: {  	_ =	shalt  }
0x84: {  	_ =	shalt  }
0x85: {  	_ =	shalt  }
0x86: {  	_ =	shalt  }
0x87: {  	_ =	shalt  }
.Lfunc_end0:
.L_simem_size_0:
called_computation.3_lowered:
.L_overlay_start_0:
0x88: {  	s2 =	sld [smem:$0x3FD9]  }
0x89: {  	s3 =	sld [smem:$0x3FFE];
	_ =	sdelay $0x1  }
0x8a: {  	s1 =	srdreg.scid  }
0x8b: {  	s0 =	sand.u32 $0x1, s1  }
0x8c: {  	s17 =	sshll.u32 s0, $0xA;
	s2 =	sadd.s32 s3, s2  }
0x8d: {  	s2 =	sadd.s32 s2, s17  }
0x8e: {  	[smem:$0x3FBC] =	sst s2  }
0x8f: {  	_ = 	snop  }
0x90: {  	s2 =	sld [smem:$0x3FD0];
	(tm) =	ssettm $0x1  }
0x91: {  	s18 =	sld [smem:$0x3FFB];
	_ =	sdelay $0x3  }
0x92: {  	_ =	strace s18  }
0x93: {  	s3 =	sld [smem:$0x3FFC];
	_ =	sdelay $0x3  }
0x94: {  	_ =	strace s3  }
0x95: {  	s3 =	sld [smem:$0x3FFD];
	_ =	sdelay $0x3  }
0x96: {  	_ =	strace s3  }
0x97: {  	_ =	strace $0x8FFFFFFF  }
0x98: {  	s19 =	sld [smem:$0x3FDB];
	_ =	sdelay $0x1  }
0x99: {  	s4 =	simm.s32 $_scs_section_size  }
0x9a: {  	s5 =	simm.s32 $_size__tile_overlayer_lowered;
	s6 =	simm.s32 $_tile_overlayer_lowered  }
0x9b: {  	s22 =	simm.s32 $0x1BFF;
	s21 =	sshll.u32 s6, $0x1;
	s3 =	sadd.s32 s4, s19  }
0x9c: {  	s7 =	simm.s32 $0x0;
	s20 =	sshll.u32 s5, $0x1;
	s5 =	sadd.s32 s21, s3  }
0x9d: {  	[timem:s7], [sflag:s22] =	dma.local [hbm:s5], s20  }
0x9e: {  	_ =	swait.ge [sflag:s22], s20  }
0x9f: {  	s4 =	ssub.s32 $0x0, s20;
	[sflag:s22] =	ssyncset.done $0x0  }
0xa0: {  	[sflag:s22] =	ssyncadd.s32 s4;
	_ =	sdelay $0x1  }
0xa1: {  	s23 =	simm.s32 $0x1B8B  }
0xa2: {  	_ =	swait.ge [sflag:s23], $0x1  }
0xa3: {  	[sflag:s23] =	ssyncset.done $0x0  }
0xa4: {  	s25 =	simm.s32 $0x1B8E;
	s24 =	sld [smem:$0x3FFE];
	[sflag:s23] =	ssyncadd.s32 $0xFFFFFFFF  }
0xa5: {  	s26 =	simm.s32 $execute0_lowered;
	[smem:$0x3FD2] =	sst s25  }
0xa6: {  	s5 =	sshll.u32 s26, $0x1;
	_ =	strace $0x8000004F;
	[dreg:$0x1] =	wrdreg $0xFFFFFFFF  }
0xa7: {  	s28 =	simm.s32 $_size_execute0_lowered;
	s3 =	sadd.s32 s3, s5;
	[dreg:$0x0] =	wrdreg $0x0  }
0xa8: {  	s5 =	sshll.u32 s28, $0x1;
	[dreg:$0x2] =	wrdreg s3  }
0xa9: {  	[dreg:$0x3] =	wrdreg s5  }
0xaa: {  	[dreg:$0x4] =	wrdreg $0xC0  }
0xab: {  	_ =	task [dreg:s7], $0x5FFFF  }
0xac: {  	[dreg:$0x1] =	wrdreg $0xFFFFFFFF  }
0xad: {  	[dreg:$0x0] =	wrdreg $0x60  }
0xae: {  	[dreg:$0x2] =	wrdreg s24  }
0xaf: {  	[dreg:$0x3] =	wrdreg s2  }
0xb0: {  	[dreg:$0x4] =	wrdreg $0x55F00  }
0xb1: {  	[dreg:$0x5] =	wrdreg $0x9  }
0xb2: {  	_ =	task.clear_ibuf [dreg:s7], $0x6FFFF;
	_ =	strace $0x9000004F  }
0xb3: {  	s29 =	simm.s32 $0x9;
	_ =	strace $0x80000051  }
0xb4: {  	_ =	swait.ge [sflag:s29], $0x1  }
0xb5: {  	[sflag:s29] =	ssyncadd.s32 $0xFFFFFFFF  }
0xb6: {  	_ =	strace $0x90000051  }
0xb7: {  	_ =	sfence  }
0xb8: {  	s30 =	sld [smem:$0x0];
	_ =	sdelay $0x2  }
0xb9: {  	s31 =	sshll.u32 s1, $0xD;
	s1 =	sshrl.u32 s1, $0x2  }
0xba: {  	s3 =	sand.u32 $0x4000, s31;
	s1 =	sadd.s32 s1, s30  }
0xbb: {  	s0 =	sor.u32 s3, s0;
	s1 =	sshll.u32 s1, $0x11  }
0xbc: {  	s0 =	sor.u32 s1, s0  }
0xbd: {  	s0 =	sadd.s32 $0x8F2B, s0  }
0xbe: {  	[sflag:s0] =	ssyncadd.remote.s32 $0x1  }
0xbf: {  	_ =	sfence.sel $0xFFFF  }
0xc0: {  	[dreg:$0x0] =	wrdreg $0xFFFFFFFF;
	(pc) =	sbr.abs _section_cstart, $3  }
0xc1: {  	[dreg:$0x1] =	wrdreg $0xFFFFFFFF  }
0xc2: {  	_ =	task.clear_ibuf [dreg:s7], $0x2FFFF;
	_ =	strace $0x9FFFFFFF  }
0xc3: {  	(tm) =	ssettm $0x7FFFFFFF  }
tec
execute0_lowered:
.L_overlay_start_1:
0x0: {  	(tag) =	ssettag $0x1  }
0x1: {  	s0 =	rddreg [dreg:$0x0]  }
0x2: {  	s1 =	rddreg [dreg:$0x1]  }
0x3: {  	s2 =	rddreg [dreg:$0x2];
	s3 =	srdreg.scid  }
0x4: {  	s9 =	stileid.u32;
	s12 =	simm.s32 $0x4E20;
	s13 =	simm.s32 $0x50  }
0x5: {  	s14 =	simm.s32 $0x11940;
	s15 =	simm.s32 $0x13240;
	s17 =	simm.s32 $0x14B40  }
0x6: {  	s19 =	simm.s32 $0x16440;
	s21 =	simm.s32 $0x17D40;
	s22 =	simm.s32 $0x1  }
0x7: {  	s23 =	simm.s32 $0x2;
	s24 =	simm.s32 $0x3;
	s25 =	simm.s32 $0x4  }
0x8: {  	s26 =	simm.s32 $0x5;
	s29 =	simm.s32 $0x4CE0;
	s30 =	simm.s32 $0x4D30  }
0x9: {  	s31 =	simm.s32 $0x4D80;
	s11 =	simm.s32 $0x10;
	s16 =	simm.s32 $0xA  }
0xa: {  	s18 =	simm.s32 $0x0;
	s5 =	sand.u32 $0x1, s3;
	s6 =	smul.u32 $0x13880, s9  }
0xb: {  	s3 =	simm.s32 $0x0;
	s7 =	sshll.u32 s9, $0x1;
	s9 =	smul.u32 $0x30D40, s9  }
0xc: {  	s4 =	smul.u32 $0x138800, s5;
	[smem:$0x7FF] =	sst s3;
	s7 =	sor.u32 s5, s7  }
0xd: {  	s5 =	ssub.s32 $0x2, s5;
	_ =	strace $0x80000050;
	s7 =	smul.u32 $0x2710, s7  }
0xe: {  	s8 =	sshrl.u32 s5, $0x1;
	s28 =	sshrl.u32 s9, $0x2;
	s6 =	sadd.s32 s6, s4  }
0xf: {  	s4 =	sadd.s32 $0x2E00, s0;
	s10 =	ssub.s32 s5, s8;
	s8 =	sadd.s32 s28, s2  }
0x10: {  	s6 =	sshrl.u32 s6, $0x3;
	s7 =	sshrl.u32 s7, $0x3;
	s9 =	smax.u32 s10, $0x1  }
0x11: {  	s10 =	simm.s32 $0x6;
	s0 =	sadd.s32 s6, s0;
	s5 =	sadd.s32 s1, s7  }
0x12: {  	v0 =	vimm.f32 $0.0e+00;
	s6 =	sadd.s32 $0x9C40, s5;
	s7 =	sadd.s32 $0x1B600, s0;
	s0 =	simm.s32 $0x4DD0  }
.LBB2_1:
0x13: {  	[tilespmem:s3], [sflag:$0x6] =	stream.linear.gather [hbm4b:s5+s3], $0x2710, $0x38;
	[tilespmem:$0x19640] =	vst v63  }
0x14: {  	_ =	swait.ge [sflag:s10], $0x2710  }
0x15: {  	[sflag:s10] =	ssyncset.done $0x0  }
0x16: {  	s1 =	simm.s32 $0x2710;
	[sflag:s10] =	ssyncadd.s32 $0xFFFFD8F0  }
0x17: {  	[tilespmem:s1], [sflag:$0x6] =	stream.linear.gather [hbm4b:s6+s3], $0x2710, $0x38;
	[tilespmem:$0x19640] =	vst v63  }
0x18: {  	_ =	swait.ge [sflag:s10], $0x2710  }
0x19: {  	[sflag:s10] =	ssyncset.done $0x0  }
0x1a: {  	s20 =	simm.s32 $0x140;
	s1 =	simm.s32 $0x0;
	[sflag:s10] =	ssyncadd.s32 $0xFFFFD8F0  }
.LBB2_2:
0x1b: {  	p0 =	sne.s32 s20, $0x1E00;
	[tilespmem:s1+$0x4E60] =	vst v0;
	s28 =	smov.u32 s20;
	s20 =	sadd.s32 $0x140, s20  }
.Ltmp0:
0x1c: {  	[tilespmem:s1+$0x4E50] =	vst v0;
	(pc) =	sbr.rel @p0 .LBB2_2-.Ltmp0, $4  }
0x1d: {  	[tilespmem:s1+$0x4E40] =	vst v0  }
0x1e: {  	[tilespmem:s1+$0x4E20] =	vst v0  }
0x1f: {  	[tilespmem:s1+$0x4E30] =	vst v0  }
0x20: {  	s1 =	sshra.s32 s28, $0x2  }
0x21: {  	[tilespmem:s1+$0x4E60] =	vst v0  }
0x22: {  	[tilespmem:s1+$0x4E50] =	vst v0  }
0x23: {  	[tilespmem:s1+$0x4E40] =	vst v0  }
0x24: {  	[tilespmem:s1+$0x4E20] =	vst v0  }
0x25: {  	[tilespmem:s1+$0x4E30] =	vst v0;
	s28 =	sadd.s32 $0x0, s8  }
0x26: {  	[spmem:s28] =	stream.linear.scatter [tilespmem:s12], [sflag:$0x6], $0x7D0, $0x38;
	[tilespmem:$0x19640] =	vst v63  }
0x27: {  	s1 =	simm.s32 $0x1F40;
	_ =	swait.ge [sflag:s10], $0x7D0  }
.LBB2_4:
0x28: {  	s20 =	sshra.s32 s1, $0x2;
	[sflag:s10] =	ssyncset.done $0x0;
	p0 =	sne.s32 s1, $0x2EE00  }
.Ltmp1:
0x29: {  	s20 =	sadd.s32 s20, s8;
	[sflag:s10] =	ssyncadd.s32 $0xFFFFF830;
	(pc) =	sbr.rel @p0 .LBB2_4-.Ltmp1, $3  }
0x2a: {  	[spmem:s20] =	stream.linear.scatter [tilespmem:s12], [sflag:$0x6], $0x7D0, $0x38;
	[tilespmem:$0x19640] =	vst v63  }
0x2b: {  	s1 =	sadd.s32 $0x1F40, s1;
	_ =	sdelay $0x1  }
0x2c: {  	_ =	swait.ge [sflag:s10], $0x7D0  }
0x2d: {  	[sflag:s10] =	ssyncset.done $0x0  }
0x2e: {  	[sflag:s10] =	ssyncadd.s32 $0xFFFFF830  }
0x2f: {  	s1 =	simm.s32 $0x0;
	[bflag:$0x0] =	sbarrier.arrive $0xFFFF  }
0x30: {  	[tilespmem:s14], [sflag:$0x1] =	stream.indirect.gather [hbm4b:s4+s13], $0x50, s1, s13, $0xb8;
	[tilespmem:$0x19640] =	vst v63  }
0x31: {  	_ = 	snop  }
0x32: {  	[tilespmem:s15], [sflag:$0x2] =	stream.indirect.gather [hbm4b:s4+s13], $0x50, s13, s13, $0xb8;
	[tilespmem:$0x19640] =	vst v63  }
0x33: {  	s20 =	simm.s32 $0xA0  }
0x34: {  	[tilespmem:s17], [sflag:$0x3] =	stream.indirect.gather [hbm4b:s4+s13], $0x50, s20, s13, $0xb8;
	[tilespmem:$0x19640] =	vst v63  }
0x35: {  	s28 =	simm.s32 $0xF0  }
0x36: {  	[tilespmem:s19], [sflag:$0x4] =	stream.indirect.gather [hbm4b:s4+s13], $0x50, s28, s13, $0xb8;
	[tilespmem:$0x19640] =	vst v63  }
0x37: {  	s20 =	simm.s32 $0x140  }
0x38: {  	[tilespmem:s21], [sflag:$0x5] =	stream.indirect.gather [hbm4b:s4+s13], $0x50, s20, s13, $0xb8;
	[tilespmem:$0x19640] =	vst v63  }
0x39: {  	_ =	swait.ge [sflag:s22], $0x1900  }
0x3a: {  	[sflag:s22] =	ssyncset.done $0x0  }
0x3b: {  	s28 =	simm.s32 $0x2710;
	[sflag:s22] =	ssyncadd.s32 $0xFFFFE700  }
0x3c: {  	[spmem:s2] =	stream.indirect.scatter.add.f32 [tilespmem:s14], [sflag:$0x6], $0x50, s28, s13, $0xb8;
	[tilespmem:$0x19640] =	vst v63  }
0x3d: {  	_ =	swait.ge [sflag:s10], $0x1900  }
0x3e: {  	[sflag:s10] =	ssyncset.done $0x0  }
0x3f: {  	s20 =	simm.s32 $0x190;
	[sflag:s10] =	ssyncadd.s32 $0xFFFFE700  }
0x40: {  	[tilespmem:s14], [sflag:$0x1] =	stream.indirect.gather [hbm4b:s4+s13], $0x50, s20, s13, $0xb8;
	[tilespmem:$0x19640] =	vst v63  }
0x41: {  	_ =	swait.ge [sflag:s23], $0x1900  }
0x42: {  	[sflag:s23] =	ssyncset.done $0x0  }
0x43: {  	s28 =	simm.s32 $0x2760;
	[sflag:s23] =	ssyncadd.s32 $0xFFFFE700  }
0x44: {  	[spmem:s2] =	stream.indirect.scatter.add.f32 [tilespmem:s15], [sflag:$0x6], $0x50, s28, s13, $0xb8;
	[tilespmem:$0x19640] =	vst v63  }
0x45: {  	_ =	swait.ge [sflag:s10], $0x1900  }
0x46: {  	[sflag:s10] =	ssyncset.done $0x0  }
0x47: {  	s20 =	simm.s32 $0x1E0;
	[sflag:s10] =	ssyncadd.s32 $0xFFFFE700  }
0x48: {  	[tilespmem:s15], [sflag:$0x2] =	stream.indirect.gather [hbm4b:s4+s13], $0x50, s20, s13, $0xb8;
	[tilespmem:$0x19640] =	vst v63  }
0x49: {  	_ =	swait.ge [sflag:s24], $0x1900  }
0x4a: {  	[sflag:s24] =	ssyncset.done $0x0  }
0x4b: {  	s28 =	simm.s32 $0x27B0;
	[sflag:s24] =	ssyncadd.s32 $0xFFFFE700  }
0x4c: {  	[spmem:s2] =	stream.indirect.scatter.add.f32 [tilespmem:s17], [sflag:$0x6], $0x50, s28, s13, $0xb8;
	[tilespmem:$0x19640] =	vst v63  }
0x4d: {  	_ =	swait.ge [sflag:s10], $0x1900  }
0x4e: {  	[sflag:s10] =	ssyncset.done $0x0  }
0x4f: {  	s20 =	simm.s32 $0x230;
	[sflag:s10] =	ssyncadd.s32 $0xFFFFE700  }
0x50: {  	[tilespmem:s17], [sflag:$0x3] =	stream.indirect.gather [hbm4b:s4+s13], $0x50, s20, s13, $0xb8;
	[tilespmem:$0x19640] =	vst v63  }
0x51: {  	_ =	swait.ge [sflag:s25], $0x1900  }
0x52: {  	[sflag:s25] =	ssyncset.done $0x0  }
0x53: {  	s28 =	simm.s32 $0x2800;
	[sflag:s25] =	ssyncadd.s32 $0xFFFFE700  }
0x54: {  	[spmem:s2] =	stream.indirect.scatter.add.f32 [tilespmem:s19], [sflag:$0x6], $0x50, s28, s13, $0xb8;
	[tilespmem:$0x19640] =	vst v63  }
0x55: {  	_ =	swait.ge [sflag:s10], $0x1900  }
0x56: {  	[sflag:s10] =	ssyncset.done $0x0  }
0x57: {  	s20 =	simm.s32 $0x280;
	[sflag:s10] =	ssyncadd.s32 $0xFFFFE700  }
0x58: {  	[tilespmem:s19], [sflag:$0x4] =	stream.indirect.gather [hbm4b:s4+s13], $0x50, s20, s13, $0xb8;
	[tilespmem:$0x19640] =	vst v63  }
0x59: {  	_ =	swait.ge [sflag:s26], $0x1900  }
0x5a: {  	[sflag:s26] =	ssyncset.done $0x0  }
0x5b: {  	s28 =	simm.s32 $0x2850;
	[sflag:s26] =	ssyncadd.s32 $0xFFFFE700  }
0x5c: {  	[spmem:s2] =	stream.indirect.scatter.add.f32 [tilespmem:s21], [sflag:$0x6], $0x50, s28, s13, $0xb8;
	[tilespmem:$0x19640] =	vst v63  }
0x5d: {  	_ =	swait.ge [sflag:s10], $0x1900  }
0x5e: {  	[sflag:s10] =	ssyncset.done $0x0  }
0x5f: {  	s1 =	simm.s32 $0x640;
	s20 =	simm.s32 $0x2D0;
	[sflag:s10] =	ssyncadd.s32 $0xFFFFE700  }
.LBB2_6:
0x60: {  	[tilespmem:s21], [sflag:$0x5] =	stream.indirect.gather [hbm4b:s4+s13], $0x50, s20, s13, $0xb8;
	[tilespmem:$0x19640] =	vst v63  }
0x61: {  	s20 =	smov.u32 s1  }
0x62: {  	p0 =	sne.s32 s1, $0x8FC0;
	s1 =	sadd.s32 $0x640, s1;
	_ =	swait.ge [sflag:s22], $0x1900  }
0x63: {  	s20 =	sshra.s32 s20, $0x2;
	[sflag:s22] =	ssyncset.done $0x0  }
0x64: {  	s28 =	sadd.s32 $0x2710, s20;
	[sflag:s22] =	ssyncadd.s32 $0xFFFFE700  }
0x65: {  	[spmem:s2] =	stream.indirect.scatter.add.f32 [tilespmem:s14], [sflag:$0x6], $0x50, s28, s13, $0xb8;
	[tilespmem:$0x19640] =	vst v63  }
0x66: {  	_ =	swait.ge [sflag:s10], $0x1900  }
0x67: {  	[sflag:s10] =	ssyncset.done $0x0  }
0x68: {  	s28 =	sadd.s32 $0x190, s20;
	[sflag:s10] =	ssyncadd.s32 $0xFFFFE700  }
0x69: {  	[tilespmem:s14], [sflag:$0x1] =	stream.indirect.gather [hbm4b:s4+s13], $0x50, s28, s13, $0xb8;
	[tilespmem:$0x19640] =	vst v63  }
0x6a: {  	_ =	swait.ge [sflag:s23], $0x1900  }
0x6b: {  	[sflag:s23] =	ssyncset.done $0x0  }
0x6c: {  	s28 =	sadd.s32 $0x2760, s20;
	[sflag:s23] =	ssyncadd.s32 $0xFFFFE700  }
0x6d: {  	[spmem:s2] =	stream.indirect.scatter.add.f32 [tilespmem:s15], [sflag:$0x6], $0x50, s28, s13, $0xb8;
	[tilespmem:$0x19640] =	vst v63  }
0x6e: {  	_ =	swait.ge [sflag:s10], $0x1900  }
0x6f: {  	[sflag:s10] =	ssyncset.done $0x0  }
0x70: {  	s28 =	sadd.s32 $0x1E0, s20;
	[sflag:s10] =	ssyncadd.s32 $0xFFFFE700  }
0x71: {  	[tilespmem:s15], [sflag:$0x2] =	stream.indirect.gather [hbm4b:s4+s13], $0x50, s28, s13, $0xb8;
	[tilespmem:$0x19640] =	vst v63  }
0x72: {  	_ =	swait.ge [sflag:s24], $0x1900  }
0x73: {  	[sflag:s24] =	ssyncset.done $0x0  }
0x74: {  	s28 =	sadd.s32 $0x27B0, s20;
	[sflag:s24] =	ssyncadd.s32 $0xFFFFE700  }
0x75: {  	[spmem:s2] =	stream.indirect.scatter.add.f32 [tilespmem:s17], [sflag:$0x6], $0x50, s28, s13, $0xb8;
	[tilespmem:$0x19640] =	vst v63  }
0x76: {  	_ =	swait.ge [sflag:s10], $0x1900  }
0x77: {  	[sflag:s10] =	ssyncset.done $0x0  }
0x78: {  	s28 =	sadd.s32 $0x230, s20;
	[sflag:s10] =	ssyncadd.s32 $0xFFFFE700  }
0x79: {  	[tilespmem:s17], [sflag:$0x3] =	stream.indirect.gather [hbm4b:s4+s13], $0x50, s28, s13, $0xb8;
	[tilespmem:$0x19640] =	vst v63  }
0x7a: {  	_ =	swait.ge [sflag:s25], $0x1900  }
0x7b: {  	[sflag:s25] =	ssyncset.done $0x0  }
0x7c: {  	s28 =	sadd.s32 $0x2800, s20;
	[sflag:s25] =	ssyncadd.s32 $0xFFFFE700  }
0x7d: {  	[spmem:s2] =	stream.indirect.scatter.add.f32 [tilespmem:s19], [sflag:$0x6], $0x50, s28, s13, $0xb8;
	[tilespmem:$0x19640] =	vst v63  }
0x7e: {  	_ =	swait.ge [sflag:s10], $0x1900  }
0x7f: {  	[sflag:s10] =	ssyncset.done $0x0  }
0x80: {  	s28 =	sadd.s32 $0x280, s20;
	[sflag:s10] =	ssyncadd.s32 $0xFFFFE700  }
0x81: {  	[tilespmem:s19], [sflag:$0x4] =	stream.indirect.gather [hbm4b:s4+s13], $0x50, s28, s13, $0xb8;
	[tilespmem:$0x19640] =	vst v63  }
0x82: {  	_ =	swait.ge [sflag:s26], $0x1900  }
0x83: {  	[sflag:s26] =	ssyncset.done $0x0  }
.Ltmp2:
0x84: {  	s28 =	sadd.s32 $0x2850, s20;
	[sflag:s26] =	ssyncadd.s32 $0xFFFFE700;
	(pc) =	sbr.rel @p0 .LBB2_6-.Ltmp2, $4  }
0x85: {  	[spmem:s2] =	stream.indirect.scatter.add.f32 [tilespmem:s21], [sflag:$0x6], $0x50, s28, s13, $0xb8;
	[tilespmem:$0x19640] =	vst v63  }
0x86: {  	_ =	swait.ge [sflag:s10], $0x1900  }
0x87: {  	[sflag:s10] =	ssyncset.done $0x0  }
0x88: {  	s20 =	sadd.s32 $0x2D0, s20;
	[sflag:s10] =	ssyncadd.s32 $0xFFFFE700  }
0x89: {  	[tilespmem:s21], [sflag:$0x5] =	stream.indirect.gather [hbm4b:s4+s13], $0x50, s20, s13, $0xb8;
	[tilespmem:$0x19640] =	vst v63  }
0x8a: {  	_ =	swait.ge [sflag:s22], $0x1900  }
0x8b: {  	[sflag:s22] =	ssyncset.done $0x0  }
0x8c: {  	s1 =	simm.s32 $0x4C90;
	[sflag:s22] =	ssyncadd.s32 $0xFFFFE700  }
0x8d: {  	[spmem:s2] =	stream.indirect.scatter.add.f32 [tilespmem:s14], [sflag:$0x6], $0x50, s1, s13, $0xb8;
	[tilespmem:$0x19640] =	vst v63  }
0x8e: {  	_ =	swait.ge [sflag:s10], $0x1900  }
0x8f: {  	[sflag:s10] =	ssyncset.done $0x0  }
0x90: {  	[sflag:s10] =	ssyncadd.s32 $0xFFFFE700  }
0x91: {  	_ =	swait.ge [sflag:s23], $0x1900  }
0x92: {  	[sflag:s23] =	ssyncset.done $0x0  }
0x93: {  	[sflag:s23] =	ssyncadd.s32 $0xFFFFE700  }
0x94: {  	[spmem:s2] =	stream.indirect.scatter.add.f32 [tilespmem:s15], [sflag:$0x6], $0x50, s29, s13, $0xb8;
	[tilespmem:$0x19640] =	vst v63  }
0x95: {  	_ =	swait.ge [sflag:s10], $0x1900  }
0x96: {  	[sflag:s10] =	ssyncset.done $0x0  }
0x97: {  	[sflag:s10] =	ssyncadd.s32 $0xFFFFE700  }
0x98: {  	_ =	swait.ge [sflag:s24], $0x1900  }
0x99: {  	[sflag:s24] =	ssyncset.done $0x0  }
0x9a: {  	[sflag:s24] =	ssyncadd.s32 $0xFFFFE700  }
0x9b: {  	[spmem:s2] =	stream.indirect.scatter.add.f32 [tilespmem:s17], [sflag:$0x6], $0x50, s30, s13, $0xb8;
	[tilespmem:$0x19640] =	vst v63  }
0x9c: {  	_ =	swait.ge [sflag:s10], $0x1900  }
0x9d: {  	[sflag:s10] =	ssyncset.done $0x0  }
0x9e: {  	[sflag:s10] =	ssyncadd.s32 $0xFFFFE700  }
0x9f: {  	_ =	swait.ge [sflag:s25], $0x1900  }
0xa0: {  	[sflag:s25] =	ssyncset.done $0x0  }
0xa1: {  	[sflag:s25] =	ssyncadd.s32 $0xFFFFE700  }
0xa2: {  	[spmem:s2] =	stream.indirect.scatter.add.f32 [tilespmem:s19], [sflag:$0x6], $0x50, s31, s13, $0xb8;
	[tilespmem:$0x19640] =	vst v63  }
0xa3: {  	_ =	swait.ge [sflag:s10], $0x1900  }
0xa4: {  	[sflag:s10] =	ssyncset.done $0x0  }
0xa5: {  	[sflag:s10] =	ssyncadd.s32 $0xFFFFE700  }
0xa6: {  	_ =	swait.ge [sflag:s26], $0x1900  }
0xa7: {  	[sflag:s26] =	ssyncset.done $0x0  }
0xa8: {  	[sflag:s26] =	ssyncadd.s32 $0xFFFFE700  }
0xa9: {  	[spmem:s2] =	stream.indirect.scatter.add.f32 [tilespmem:s21], [sflag:$0x6], $0x50, s0, s13, $0xb8;
	[tilespmem:$0x19640] =	vst v63  }
0xaa: {  	s20 =	stileid.u32;
	_ =	swait.ge [sflag:s10], $0x1900  }
0xab: {  	s28 =	sshrl.u32 s8, $0x3;
	s18 =	sadd.s32 $0x1, s18;
	[sflag:s10] =	ssyncset.done $0x0  }
0xac: {  	p0 =	sne.s32 s18, s9;
	s1 =	sshll.u32 s20, $0x6;
	[sflag:s10] =	ssyncadd.s32 $0xFFFFE700  }
.Ltmp3:
0xad: {  	s1 =	sor.u32 $0x1C06, s1;
	[bflag:$0x0] =	sbarrier.arrive $0xFFFF;
	(pc) =	sbr.rel @p0 .LBB2_1-.Ltmp3, $4  }
0xae: {  	[hbm:s7@s11], [sflag:s1] =	dma.strided [spmem:s28@s16], $0x186A, s22, $0xa   }
0xaf: {  	_ =	swait.ge [sflag:s10], $0x186A  }
0xb0: {  	[sflag:s10] =	ssyncset.done $0x0  }
0xb1: {  	[sflag:s10] =	ssyncadd.s32 $0xFFFFE796  }
0xb2: {  	_ =	sfence.sel $0x180000  }
0xb3: {  	[bflag:$0x0] =	sbarrier.arrive $0xFFFF  }
0xb4: {  	_ =	strace $0x90000050  }
0xb5: {  	s0 =	stileid.u32;
	[bflag:$0x2] =	sbarrier.arrive $0xFFFF  }
0xb6: {  	p0 =	sne.s32 s0, $0x0;
	s0 =	rddreg [dreg:$0x3]  }
0xb7: {  	s0 =	sadd.s32 @!p0 $0x100000, s0  }
0xb8: {  	[sflag:s0] =	ssyncadd.tile.s32 @!p0 $0x1;
	_ =	shalt  }
.Lfunc_end2:
_tile_overlayer_lowered:
.L_overlay_start_2:
0xb9: {  	(tag) =	ssettag $0x2  }
0xba: {  	s0 =	rddreg [dreg:$0x0];
	s2 =	stileid.u32  }
0xbb: {  	s1 =	rddreg [dreg:$0x1];
	p0 =	sne.s32 s2, $0x0  }
0xbc: {  	s3 =	rddreg [dreg:$0x2];
	[bflag:$0x3] =	sbarrier.arrive $0xFFFF;
	s2 =	simm.s32 @!p0 $0x1C06  }
0xbd: {  	[timem:s3], [sflag:s2] =	dma.local @!p0 [hbm:s0], s1  }
0xbe: {  	s0 =	simm.s32 @!p0 $0x6  }
0xbf: {  	_ =	swait.ge @!p0 [sflag:s0], s1  }
0xc0: {  	s1 =	ssub.s32 @!p0 $0x0, s1;
	[sflag:s0] =	ssyncset.done @!p0 $0x0  }
0xc1: {  	[sflag:s0] =	ssyncadd.s32 @!p0 s1  }
0xc2: {  	[bflag:$0x3] =	sbarrier.arrive $0xFFFF  }
0xc3: {  	_ =	shalt  }

// kernel: kernel.23.cloned.1.call-start
scs
__scs_entry_jumppad:
0x0: {  	(pc) =	sbr.rel $0x88, $3  }
0x1: {  	(tag) =	ssettag $0x0;
	lr =	simm.s32 $0x1  }
0x2: {  	[smem:$0x3F95] =	sst lr;
	_ =	strace $0xD0000000  }
0x3: {  	_ = 	snop  }
0x4: {  	_ = 	snop  }
0x5: {  	_ = 	snop  }
0x6: {  	_ = 	snop  }
0x7: {  	_ = 	snop  }
__scs_overlays_trampoline_lowered:
0x8: {  	[smem:$0x3FA4] =	sst s0  }
0x9: {  	[smem:$0x3FA5] =	sst s1  }
0xa: {  	[smem:$0x3FA6] =	sst s2  }
0xb: {  	[smem:$0x3FA7] =	sst s3  }
0xc: {  	[smem:$0x3FA8] =	sst s4  }
0xd: {  	[smem:$0x3FA9] =	sst s5  }
0xe: {  	[smem:$0x3FAA] =	sst s6  }
0xf: {  	[smem:$0x3FAB] =	sst s7  }
0x10: {  	[smem:$0x3FAC] =	sst s8  }
0x11: {  	[smem:$0x3FAD] =	sst s9;
	s0 =	simm.s32 @!p0 $0x0  }
0x12: {  	s1 =	sld [smem:$0x3F93];
	s0 =	simm.s32 @p0 $0x1  }
0x13: {  	[smem:$0x3FAE] =	sst s0;
	s0 =	simm.s32 @!p1 $0x0  }
0x14: {  	s2 =	sld [smem:$0x3F92];
	s0 =	simm.s32 @p1 $0x1  }
0x15: {  	[smem:$0x3FAF] =	sst s0;
	s0 =	simm.s32 @!p2 $0x0  }
0x16: {  	s3 =	sld [smem:$0x3FDB];
	s0 =	simm.s32 @p2 $0x1  }
0x17: {  	s4 =	simm.s32 $0x1BF5;
	[smem:$0x3FB1] =	sst s0  }
0x18: {  	s0 =	sld [smem:$0x3F94];
	_ =	swait.ge [sflag:s4], $0x0  }
0x19: {  	s7 =	sld [smem:$0x3F95]  }
0x1a: {  	s8 =	sadd.s32 $0xFFFFE003, lr  }
0x1b: {  	s9 =	sadd.s32 $0xFFFFFEF7, lr;
	s5 =	simm.s32 $0xFFFFFFFF;
	p2 =	slt.u32 s8, $0xFFFFF086  }
0x1c: {  	p1 =	slt.u32 s9, $0xF7A;
	s5 =	simm.s32 @!p2 $0x0  }
0x1d: {  	s5 =	simm.s32 @p1 $0x1;
	p0 =	seq.s32 s7, s2  }
0x1e: {  	s7 =	smul.u32 @!p0 $0xF7A, s2;
	p2 =	seq.s32 @!p0 s5, $0x0  }
0x1f: {  	s9 =	smul.u32 $0xF7A, s1;
	s8 =	simm.s32 @!p0 $0x1BF5;
	p2 =	por !p2, p0  }
0x20: {  	[sflag:s8] =	ssyncset.s32 @!p0 $0xFFFFF086;
	s6 =	sadd.s32 @!p0 s3, s7;
	s7 =	simm.s32 @!p0 $0x108  }
0x21: {  	s3 =	sadd.s32 s3, s9;
	s6 =	sadd.s32 @!p0 $0x88, s6;
	s7 =	simm.s32 @p2 $0x1082  }
0x22: {  	[simem:s7], [sflag:s8] =	dma.local @!p0 [hbm:s6], $0xF7A  }
0x23: {  	s9 =	sor.u32 $0xD0000000, s2;
	s6 =	simm.s32 $0x108;
	_ =	swait.ge @!p0 [sflag:s8], $0x0  }
0x24: {  	s3 =	sadd.s32 $0x88, s3;
	s6 =	simm.s32 @!p1 $0x1082;
	[sflag:s4] =	ssyncset.s32 $0xFFFFF086  }
0x25: {  	[simem:s6], [sflag:s4] =	dma.local [hbm:s3], $0xF7A  }
0x26: {  	[smem:$0x3F95] =	sst s1;
	(tag) =	ssettag s2;
	_ =	strace s9  }
0x27: {  	s1 =	sld [smem:$0x3FA5]  }
0x28: {  	s2 =	sld [smem:$0x3FA6]  }
0x29: {  	s4 =	sld [smem:$0x3FA8]  }
0x2a: {  	p0 =	seq.s32 s5, $0x0;
	s5 =	sld [smem:$0x3FA9]  }
0x2b: {  	s6 =	sld [smem:$0x3FAA]  }
0x2c: {  	s7 =	sld [smem:$0x3FAB]  }
0x2d: {  	s3 =	simm.s32 $0x108;
	s8 =	sld [smem:$0x3FAC]  }
0x2e: {  	s3 =	simm.s32 @!p0 $0x1082;
	s9 =	sld [smem:$0x3FAD]  }
0x2f: {  	lr =	sadd.s32 s0, s3;
	s0 =	sld [smem:$0x3FA4]  }
0x30: {  	s3 =	sld [smem:$0x3FA7]  }
0x31: {  	[smem:$0x3FB0] =	sst s10  }
0x32: {  	s10 =	sld [smem:$0x3FAE];
	_ =	sdelay $0x3  }
0x33: {  	p0 =	seq.s32 s10, $0x1;
	s10 =	sld [smem:$0x3FB0];
	_ =	sdelay $0x3  }
0x34: {  	[smem:$0x3FB0] =	sst s10  }
0x35: {  	s10 =	sld [smem:$0x3FAF];
	_ =	sdelay $0x3  }
0x36: {  	p1 =	seq.s32 s10, $0x1;
	s10 =	sld [smem:$0x3FB0];
	_ =	sdelay $0x3  }
0x37: {  	[smem:$0x3FB0] =	sst s10  }
0x38: {  	s10 =	sld [smem:$0x3FB1]  }
0x39: {  	_ = 	snop;
	(pc) =	sbr.ind lr, $3  }
0x3a: {  	_ = 	snop  }
0x3b: {  	_ = 	snop  }
0x3c: {  	p2 =	seq.s32 s10, $0x1;
	s10 =	sld [smem:$0x3FB0]  }
0x3d: {  	_ =	shalt  }
0x3e: {  	_ =	shalt  }
0x3f: {  	_ =	shalt  }
0x40: {  	_ =	shalt  }
0x41: {  	_ =	shalt  }
0x42: {  	_ =	shalt  }
0x43: {  	_ =	shalt  }
0x44: {  	_ =	shalt  }
0x45: {  	_ =	shalt  }
0x46: {  	_ =	shalt  }
0x47: {  	_ =	shalt  }
0x48: {  	_ =	shalt  }
0x49: {  	_ =	shalt  }
0x4a: {  	_ =	shalt  }
0x4b: {  	_ =	shalt  }
0x4c: {  	_ =	shalt  }
0x4d: {  	_ =	shalt  }
0x4e: {  	_ =	shalt  }
0x4f: {  	_ =	shalt  }
0x50: {  	_ =	shalt  }
0x51: {  	_ =	shalt  }
0x52: {  	_ =	shalt  }
0x53: {  	_ =	shalt  }
0x54: {  	_ =	shalt  }
0x55: {  	_ =	shalt  }
0x56: {  	_ =	shalt  }
0x57: {  	_ =	shalt  }
0x58: {  	_ =	shalt  }
0x59: {  	_ =	shalt  }
0x5a: {  	_ =	shalt  }
0x5b: {  	_ =	shalt  }
0x5c: {  	_ =	shalt  }
0x5d: {  	_ =	shalt  }
0x5e: {  	_ =	shalt  }
0x5f: {  	_ =	shalt  }
0x60: {  	_ =	shalt  }
0x61: {  	_ =	shalt  }
0x62: {  	_ =	shalt  }
0x63: {  	_ =	shalt  }
0x64: {  	_ =	shalt  }
0x65: {  	_ =	shalt  }
0x66: {  	_ =	shalt  }
0x67: {  	_ =	shalt  }
0x68: {  	_ =	shalt  }
0x69: {  	_ =	shalt  }
0x6a: {  	_ =	shalt  }
0x6b: {  	_ =	shalt  }
0x6c: {  	_ =	shalt  }
0x6d: {  	_ =	shalt  }
0x6e: {  	_ =	shalt  }
0x6f: {  	_ =	shalt  }
0x70: {  	_ =	shalt  }
0x71: {  	_ =	shalt  }
0x72: {  	_ =	shalt  }
0x73: {  	_ =	shalt  }
0x74: {  	_ =	shalt  }
0x75: {  	_ =	shalt  }
0x76: {  	_ =	shalt  }
0x77: {  	_ =	shalt  }
0x78: {  	_ =	shalt  }
0x79: {  	_ =	shalt  }
0x7a: {  	_ =	shalt  }
0x7b: {  	_ =	shalt  }
0x7c: {  	_ =	shalt  }
0x7d: {  	_ =	shalt  }
0x7e: {  	_ =	shalt  }
0x7f: {  	_ =	shalt  }
0x80: {  	_ =	shalt  }
0x81: {  	_ =	shalt  }
0x82: {  	_ =	shalt  }
0x83: {  	_ =	shalt  }
0x84: {  	_ =	shalt  }
0x85: {  	_ =	shalt  }
0x86: {  	_ =	shalt  }
0x87: {  	_ =	shalt  }
.Lfunc_end0:
.L_simem_size_0:
called_computation.4_lowered:
.L_overlay_start_0:
0x88: {  	s2 =	sld [smem:$0x3FD9]  }
0x89: {  	s3 =	sld [smem:$0x3FFE];
	_ =	sdelay $0x1  }
0x8a: {  	s1 =	srdreg.scid  }
0x8b: {  	s0 =	sand.u32 $0x1, s1  }
0x8c: {  	s17 =	sshll.u32 s0, $0xA;
	s2 =	sadd.s32 s3, s2  }
0x8d: {  	s2 =	sadd.s32 s2, s17  }
0x8e: {  	[smem:$0x3FBC] =	sst s2  }
0x8f: {  	_ = 	snop  }
0x90: {  	s2 =	sld [smem:$0x3FD0];
	(tm) =	ssettm $0x1  }
0x91: {  	s18 =	sld [smem:$0x3FFB];
	_ =	sdelay $0x3  }
0x92: {  	_ =	strace s18  }
0x93: {  	s3 =	sld [smem:$0x3FFC];
	_ =	sdelay $0x3  }
0x94: {  	_ =	strace s3  }
0x95: {  	s3 =	sld [smem:$0x3FFD];
	_ =	sdelay $0x3  }
0x96: {  	_ =	strace s3  }
0x97: {  	_ =	strace $0x8FFFFFFF  }
0x98: {  	s19 =	sld [smem:$0x3FDB];
	_ =	sdelay $0x1  }
0x99: {  	s4 =	simm.s32 $_scs_section_size  }
0x9a: {  	s5 =	simm.s32 $_size__tile_overlayer_lowered;
	s6 =	simm.s32 $_tile_overlayer_lowered  }
0x9b: {  	s22 =	simm.s32 $0x1BFF;
	s21 =	sshll.u32 s6, $0x1;
	s3 =	sadd.s32 s4, s19  }
0x9c: {  	s7 =	simm.s32 $0x0;
	s20 =	sshll.u32 s5, $0x1;
	s5 =	sadd.s32 s21, s3  }
0x9d: {  	[timem:s7], [sflag:s22] =	dma.local [hbm:s5], s20  }
0x9e: {  	_ =	swait.ge [sflag:s22], s20  }
0x9f: {  	s4 =	ssub.s32 $0x0, s20;
	[sflag:s22] =	ssyncset.done $0x0  }
0xa0: {  	[sflag:s22] =	ssyncadd.s32 s4;
	_ =	sdelay $0x1  }
0xa1: {  	s23 =	simm.s32 $0x1B8B  }
0xa2: {  	_ =	swait.ge [sflag:s23], $0x1  }
0xa3: {  	[sflag:s23] =	ssyncset.done $0x0  }
0xa4: {  	s25 =	simm.s32 $0x1B8E;
	s24 =	sld [smem:$0x3FFE];
	[sflag:s23] =	ssyncadd.s32 $0xFFFFFFFF  }
0xa5: {  	s26 =	simm.s32 $execute0_lowered;
	[smem:$0x3FD2] =	sst s25  }
0xa6: {  	s5 =	sshll.u32 s26, $0x1;
	_ =	strace $0x80000052;
	[dreg:$0x1] =	wrdreg $0xFFFFFFFF  }
0xa7: {  	s28 =	simm.s32 $_size_execute0_lowered;
	s3 =	sadd.s32 s3, s5;
	[dreg:$0x0] =	wrdreg $0x0  }
0xa8: {  	s5 =	sshll.u32 s28, $0x1;
	[dreg:$0x2] =	wrdreg s3  }
0xa9: {  	[dreg:$0x3] =	wrdreg s5  }
0xaa: {  	[dreg:$0x4] =	wrdreg $0xC0  }
0xab: {  	_ =	task [dreg:s7], $0x5FFFF  }
0xac: {  	[dreg:$0x1] =	wrdreg $0xFFFFFFFF  }
0xad: {  	[dreg:$0x0] =	wrdreg $0x60  }
0xae: {  	[dreg:$0x2] =	wrdreg s24  }
0xaf: {  	[dreg:$0x3] =	wrdreg s2  }
0xb0: {  	[dreg:$0x4] =	wrdreg $0x54600  }
0xb1: {  	[dreg:$0x5] =	wrdreg $0x9  }
0xb2: {  	_ =	task.clear_ibuf [dreg:s7], $0x6FFFF;
	_ =	strace $0x90000052  }
0xb3: {  	s29 =	simm.s32 $0x9;
	_ =	strace $0x80000054  }
0xb4: {  	_ =	swait.ge [sflag:s29], $0x1  }
0xb5: {  	[sflag:s29] =	ssyncadd.s32 $0xFFFFFFFF  }
0xb6: {  	_ =	strace $0x90000054  }
0xb7: {  	_ =	sfence  }
0xb8: {  	s30 =	sld [smem:$0x0];
	_ =	sdelay $0x2  }
0xb9: {  	s31 =	sshll.u32 s1, $0xD;
	s1 =	sshrl.u32 s1, $0x2  }
0xba: {  	s3 =	sand.u32 $0x4000, s31;
	s1 =	sadd.s32 s1, s30  }
0xbb: {  	s0 =	sor.u32 s3, s0;
	s1 =	sshll.u32 s1, $0x11  }
0xbc: {  	s0 =	sor.u32 s1, s0  }
0xbd: {  	s0 =	sadd.s32 $0x8F2B, s0  }
0xbe: {  	[sflag:s0] =	ssyncadd.remote.s32 $0x1  }
0xbf: {  	_ =	sfence.sel $0xFFFF  }
0xc0: {  	[dreg:$0x0] =	wrdreg $0xFFFFFFFF;
	(pc) =	sbr.abs _section_cstart, $3  }
0xc1: {  	[dreg:$0x1] =	wrdreg $0xFFFFFFFF  }
0xc2: {  	_ =	task.clear_ibuf [dreg:s7], $0x2FFFF;
	_ =	strace $0x9FFFFFFF  }
0xc3: {  	(tm) =	ssettm $0x7FFFFFFF  }
tec
execute0_lowered:
.L_overlay_start_1:
0x0: {  	(tag) =	ssettag $0x1  }
0x1: {  	s0 =	rddreg [dreg:$0x0]  }
0x2: {  	s1 =	rddreg [dreg:$0x1]  }
0x3: {  	s2 =	rddreg [dreg:$0x2];
	s3 =	srdreg.scid  }
0x4: {  	s9 =	stileid.u32;
	s12 =	simm.s32 $0x4E20;
	s13 =	simm.s32 $0x50  }
0x5: {  	s14 =	simm.s32 $0xF0A0;
	s15 =	simm.s32 $0x104A0;
	s17 =	simm.s32 $0x118A0  }
0x6: {  	s19 =	simm.s32 $0x12CA0;
	s21 =	simm.s32 $0x140A0;
	s22 =	simm.s32 $0x1  }
0x7: {  	s23 =	simm.s32 $0x2;
	s24 =	simm.s32 $0x3;
	s25 =	simm.s32 $0x4  }
0x8: {  	s26 =	simm.s32 $0x5;
	s29 =	simm.s32 $0x4CE0;
	s30 =	simm.s32 $0x4D30  }
0x9: {  	s31 =	simm.s32 $0x4D80;
	s11 =	simm.s32 $0x10;
	s6 =	smul.u32 $0x13880, s9  }
0xa: {  	s5 =	sand.u32 $0x1, s3;
	s7 =	sshll.u32 s9, $0x1;
	s9 =	smul.u32 $0x27100, s9  }
0xb: {  	s16 =	simm.s32 $0x8;
	s3 =	simm.s32 $0x0;
	s4 =	smul.u32 $0x138800, s5  }
0xc: {  	[smem:$0x7FF] =	sst s3;
	s7 =	sor.u32 s5, s7;
	s5 =	ssub.s32 $0x2, s5  }
0xd: {  	_ =	strace $0x80000053;
	s7 =	smul.u32 $0x2710, s7;
	s8 =	sshrl.u32 s5, $0x1  }
0xe: {  	s28 =	sshrl.u32 s9, $0x2;
	s6 =	sadd.s32 s6, s4;
	s4 =	sadd.s32 $0x2E00, s0  }
0xf: {  	s10 =	ssub.s32 s5, s8;
	s8 =	sadd.s32 s28, s2;
	s6 =	sshrl.u32 s6, $0x3  }
0x10: {  	s7 =	sshrl.u32 s7, $0x3;
	s9 =	smax.u32 s10, $0x1;
	s10 =	simm.s32 $0x6  }
0x11: {  	s0 =	sadd.s32 s6, s0;
	s5 =	sadd.s32 s1, s7;
	s1 =	simm.s32 $0x0  }
0x12: {  	v0 =	vimm.f32 $0.0e+00;
	s6 =	sadd.s32 $0x9C40, s5;
	s7 =	sadd.s32 $0x16800, s0;
	s0 =	simm.s32 $0x4DD0  }
.LBB2_1:
0x13: {  	[tilespmem:s3], [sflag:$0x6] =	stream.linear.gather [hbm4b:s5+s3], $0x2710, $0x38;
	[tilespmem:$0x154A0] =	vst v63  }
0x14: {  	_ =	swait.ge [sflag:s10], $0x2710  }
0x15: {  	[sflag:s10] =	ssyncset.done $0x0  }
0x16: {  	s18 =	simm.s32 $0x2710;
	[sflag:s10] =	ssyncadd.s32 $0xFFFFD8F0  }
0x17: {  	[tilespmem:s18], [sflag:$0x6] =	stream.linear.gather [hbm4b:s6+s3], $0x2710, $0x38;
	[tilespmem:$0x154A0] =	vst v63  }
0x18: {  	_ =	swait.ge [sflag:s10], $0x2710  }
0x19: {  	[sflag:s10] =	ssyncset.done $0x0  }
0x1a: {  	s18 =	simm.s32 $0x0;
	[sflag:s10] =	ssyncadd.s32 $0xFFFFD8F0  }
.LBB2_2:
0x1b: {  	p0 =	sne.s32 s18, $0x1800  }
.Ltmp0:
0x1c: {  	s20 =	sshra.s32 s18, $0x2;
	(pc) =	sbr.rel @p0 .LBB2_2-.Ltmp0, $4  }
0x1d: {  	[tilespmem:s20+$0x4E20] =	vst v0  }
0x1e: {  	[tilespmem:s20+$0x4E30] =	vst v0  }
0x1f: {  	[tilespmem:s20+$0x4E40] =	vst v0  }
0x20: {  	s18 =	sadd.s32 $0x100, s18;
	[tilespmem:s20+$0x4E50] =	vst v0  }
0x21: {  	s18 =	sadd.s32 $0x0, s8  }
0x22: {  	[spmem:s18] =	stream.linear.scatter [tilespmem:s12], [sflag:$0x6], $0x640, $0x38;
	[tilespmem:$0x154A0] =	vst v63  }
0x23: {  	s18 =	simm.s32 $0x1900;
	_ =	swait.ge [sflag:s10], $0x640  }
.LBB2_4:
0x24: {  	s20 =	sshra.s32 s18, $0x2;
	[sflag:s10] =	ssyncset.done $0x0;
	p0 =	sne.s32 s18, $0x25800  }
.Ltmp1:
0x25: {  	s20 =	sadd.s32 s20, s8;
	[sflag:s10] =	ssyncadd.s32 $0xFFFFF9C0;
	(pc) =	sbr.rel @p0 .LBB2_4-.Ltmp1, $3  }
0x26: {  	[spmem:s20] =	stream.linear.scatter [tilespmem:s12], [sflag:$0x6], $0x640, $0x38;
	[tilespmem:$0x154A0] =	vst v63  }
0x27: {  	s18 =	sadd.s32 $0x1900, s18;
	_ =	sdelay $0x1  }
0x28: {  	_ =	swait.ge [sflag:s10], $0x640  }
0x29: {  	[sflag:s10] =	ssyncset.done $0x0  }
0x2a: {  	[sflag:s10] =	ssyncadd.s32 $0xFFFFF9C0  }
0x2b: {  	s18 =	simm.s32 $0x0;
	[bflag:$0x0] =	sbarrier.arrive $0xFFFF  }
0x2c: {  	[tilespmem:s14], [sflag:$0x1] =	stream.indirect.gather [hbm4b:s4+s13], $0x40, s18, s13, $0xb8;
	[tilespmem:$0x154A0] =	vst v63  }
0x2d: {  	_ = 	snop  }
0x2e: {  	[tilespmem:s15], [sflag:$0x2] =	stream.indirect.gather [hbm4b:s4+s13], $0x40, s13, s13, $0xb8;
	[tilespmem:$0x154A0] =	vst v63  }
0x2f: {  	s20 =	simm.s32 $0xA0  }
0x30: {  	[tilespmem:s17], [sflag:$0x3] =	stream.indirect.gather [hbm4b:s4+s13], $0x40, s20, s13, $0xb8;
	[tilespmem:$0x154A0] =	vst v63  }
0x31: {  	s28 =	simm.s32 $0xF0  }
0x32: {  	[tilespmem:s19], [sflag:$0x4] =	stream.indirect.gather [hbm4b:s4+s13], $0x40, s28, s13, $0xb8;
	[tilespmem:$0x154A0] =	vst v63  }
0x33: {  	s20 =	simm.s32 $0x140  }
0x34: {  	[tilespmem:s21], [sflag:$0x5] =	stream.indirect.gather [hbm4b:s4+s13], $0x40, s20, s13, $0xb8;
	[tilespmem:$0x154A0] =	vst v63  }
0x35: {  	_ =	swait.ge [sflag:s22], $0x1400  }
0x36: {  	[sflag:s22] =	ssyncset.done $0x0  }
0x37: {  	s28 =	simm.s32 $0x2710;
	[sflag:s22] =	ssyncadd.s32 $0xFFFFEC00  }
0x38: {  	[spmem:s2] =	stream.indirect.scatter.add.f32 [tilespmem:s14], [sflag:$0x6], $0x40, s28, s13, $0xb8;
	[tilespmem:$0x154A0] =	vst v63  }
0x39: {  	_ =	swait.ge [sflag:s10], $0x1400  }
0x3a: {  	[sflag:s10] =	ssyncset.done $0x0  }
0x3b: {  	s20 =	simm.s32 $0x190;
	[sflag:s10] =	ssyncadd.s32 $0xFFFFEC00  }
0x3c: {  	[tilespmem:s14], [sflag:$0x1] =	stream.indirect.gather [hbm4b:s4+s13], $0x40, s20, s13, $0xb8;
	[tilespmem:$0x154A0] =	vst v63  }
0x3d: {  	_ =	swait.ge [sflag:s23], $0x1400  }
0x3e: {  	[sflag:s23] =	ssyncset.done $0x0  }
0x3f: {  	s28 =	simm.s32 $0x2760;
	[sflag:s23] =	ssyncadd.s32 $0xFFFFEC00  }
0x40: {  	[spmem:s2] =	stream.indirect.scatter.add.f32 [tilespmem:s15], [sflag:$0x6], $0x40, s28, s13, $0xb8;
	[tilespmem:$0x154A0] =	vst v63  }
0x41: {  	_ =	swait.ge [sflag:s10], $0x1400  }
0x42: {  	[sflag:s10] =	ssyncset.done $0x0  }
0x43: {  	s20 =	simm.s32 $0x1E0;
	[sflag:s10] =	ssyncadd.s32 $0xFFFFEC00  }
0x44: {  	[tilespmem:s15], [sflag:$0x2] =	stream.indirect.gather [hbm4b:s4+s13], $0x40, s20, s13, $0xb8;
	[tilespmem:$0x154A0] =	vst v63  }
0x45: {  	_ =	swait.ge [sflag:s24], $0x1400  }
0x46: {  	[sflag:s24] =	ssyncset.done $0x0  }
0x47: {  	s28 =	simm.s32 $0x27B0;
	[sflag:s24] =	ssyncadd.s32 $0xFFFFEC00  }
0x48: {  	[spmem:s2] =	stream.indirect.scatter.add.f32 [tilespmem:s17], [sflag:$0x6], $0x40, s28, s13, $0xb8;
	[tilespmem:$0x154A0] =	vst v63  }
0x49: {  	_ =	swait.ge [sflag:s10], $0x1400  }
0x4a: {  	[sflag:s10] =	ssyncset.done $0x0  }
0x4b: {  	s20 =	simm.s32 $0x230;
	[sflag:s10] =	ssyncadd.s32 $0xFFFFEC00  }
0x4c: {  	[tilespmem:s17], [sflag:$0x3] =	stream.indirect.gather [hbm4b:s4+s13], $0x40, s20, s13, $0xb8;
	[tilespmem:$0x154A0] =	vst v63  }
0x4d: {  	_ =	swait.ge [sflag:s25], $0x1400  }
0x4e: {  	[sflag:s25] =	ssyncset.done $0x0  }
0x4f: {  	s28 =	simm.s32 $0x2800;
	[sflag:s25] =	ssyncadd.s32 $0xFFFFEC00  }
0x50: {  	[spmem:s2] =	stream.indirect.scatter.add.f32 [tilespmem:s19], [sflag:$0x6], $0x40, s28, s13, $0xb8;
	[tilespmem:$0x154A0] =	vst v63  }
0x51: {  	_ =	swait.ge [sflag:s10], $0x1400  }
0x52: {  	[sflag:s10] =	ssyncset.done $0x0  }
0x53: {  	s20 =	simm.s32 $0x280;
	[sflag:s10] =	ssyncadd.s32 $0xFFFFEC00  }
0x54: {  	[tilespmem:s19], [sflag:$0x4] =	stream.indirect.gather [hbm4b:s4+s13], $0x40, s20, s13, $0xb8;
	[tilespmem:$0x154A0] =	vst v63  }
0x55: {  	_ =	swait.ge [sflag:s26], $0x1400  }
0x56: {  	[sflag:s26] =	ssyncset.done $0x0  }
0x57: {  	s28 =	simm.s32 $0x2850;
	[sflag:s26] =	ssyncadd.s32 $0xFFFFEC00  }
0x58: {  	[spmem:s2] =	stream.indirect.scatter.add.f32 [tilespmem:s21], [sflag:$0x6], $0x40, s28, s13, $0xb8;
	[tilespmem:$0x154A0] =	vst v63  }
0x59: {  	_ =	swait.ge [sflag:s10], $0x1400  }
0x5a: {  	[sflag:s10] =	ssyncset.done $0x0  }
0x5b: {  	s18 =	simm.s32 $0x640;
	s20 =	simm.s32 $0x2D0;
	[sflag:s10] =	ssyncadd.s32 $0xFFFFEC00  }
.LBB2_6:
0x5c: {  	[tilespmem:s21], [sflag:$0x5] =	stream.indirect.gather [hbm4b:s4+s13], $0x40, s20, s13, $0xb8;
	[tilespmem:$0x154A0] =	vst v63  }
0x5d: {  	s20 =	smov.u32 s18  }
0x5e: {  	p0 =	sne.s32 s18, $0x8FC0;
	s18 =	sadd.s32 $0x640, s18;
	_ =	swait.ge [sflag:s22], $0x1400  }
0x5f: {  	s20 =	sshra.s32 s20, $0x2;
	[sflag:s22] =	ssyncset.done $0x0  }
0x60: {  	s28 =	sadd.s32 $0x2710, s20;
	[sflag:s22] =	ssyncadd.s32 $0xFFFFEC00  }
0x61: {  	[spmem:s2] =	stream.indirect.scatter.add.f32 [tilespmem:s14], [sflag:$0x6], $0x40, s28, s13, $0xb8;
	[tilespmem:$0x154A0] =	vst v63  }
0x62: {  	_ =	swait.ge [sflag:s10], $0x1400  }
0x63: {  	[sflag:s10] =	ssyncset.done $0x0  }
0x64: {  	s28 =	sadd.s32 $0x190, s20;
	[sflag:s10] =	ssyncadd.s32 $0xFFFFEC00  }
0x65: {  	[tilespmem:s14], [sflag:$0x1] =	stream.indirect.gather [hbm4b:s4+s13], $0x40, s28, s13, $0xb8;
	[tilespmem:$0x154A0] =	vst v63  }
0x66: {  	_ =	swait.ge [sflag:s23], $0x1400  }
0x67: {  	[sflag:s23] =	ssyncset.done $0x0  }
0x68: {  	s28 =	sadd.s32 $0x2760, s20;
	[sflag:s23] =	ssyncadd.s32 $0xFFFFEC00  }
0x69: {  	[spmem:s2] =	stream.indirect.scatter.add.f32 [tilespmem:s15], [sflag:$0x6], $0x40, s28, s13, $0xb8;
	[tilespmem:$0x154A0] =	vst v63  }
0x6a: {  	_ =	swait.ge [sflag:s10], $0x1400  }
0x6b: {  	[sflag:s10] =	ssyncset.done $0x0  }
0x6c: {  	s28 =	sadd.s32 $0x1E0, s20;
	[sflag:s10] =	ssyncadd.s32 $0xFFFFEC00  }
0x6d: {  	[tilespmem:s15], [sflag:$0x2] =	stream.indirect.gather [hbm4b:s4+s13], $0x40, s28, s13, $0xb8;
	[tilespmem:$0x154A0] =	vst v63  }
0x6e: {  	_ =	swait.ge [sflag:s24], $0x1400  }
0x6f: {  	[sflag:s24] =	ssyncset.done $0x0  }
0x70: {  	s28 =	sadd.s32 $0x27B0, s20;
	[sflag:s24] =	ssyncadd.s32 $0xFFFFEC00  }
0x71: {  	[spmem:s2] =	stream.indirect.scatter.add.f32 [tilespmem:s17], [sflag:$0x6], $0x40, s28, s13, $0xb8;
	[tilespmem:$0x154A0] =	vst v63  }
0x72: {  	_ =	swait.ge [sflag:s10], $0x1400  }
0x73: {  	[sflag:s10] =	ssyncset.done $0x0  }
0x74: {  	s28 =	sadd.s32 $0x230, s20;
	[sflag:s10] =	ssyncadd.s32 $0xFFFFEC00  }
0x75: {  	[tilespmem:s17], [sflag:$0x3] =	stream.indirect.gather [hbm4b:s4+s13], $0x40, s28, s13, $0xb8;
	[tilespmem:$0x154A0] =	vst v63  }
0x76: {  	_ =	swait.ge [sflag:s25], $0x1400  }
0x77: {  	[sflag:s25] =	ssyncset.done $0x0  }
0x78: {  	s28 =	sadd.s32 $0x2800, s20;
	[sflag:s25] =	ssyncadd.s32 $0xFFFFEC00  }
0x79: {  	[spmem:s2] =	stream.indirect.scatter.add.f32 [tilespmem:s19], [sflag:$0x6], $0x40, s28, s13, $0xb8;
	[tilespmem:$0x154A0] =	vst v63  }
0x7a: {  	_ =	swait.ge [sflag:s10], $0x1400  }
0x7b: {  	[sflag:s10] =	ssyncset.done $0x0  }
0x7c: {  	s28 =	sadd.s32 $0x280, s20;
	[sflag:s10] =	ssyncadd.s32 $0xFFFFEC00  }
0x7d: {  	[tilespmem:s19], [sflag:$0x4] =	stream.indirect.gather [hbm4b:s4+s13], $0x40, s28, s13, $0xb8;
	[tilespmem:$0x154A0] =	vst v63  }
0x7e: {  	_ =	swait.ge [sflag:s26], $0x1400  }
0x7f: {  	[sflag:s26] =	ssyncset.done $0x0  }
.Ltmp2:
0x80: {  	s28 =	sadd.s32 $0x2850, s20;
	[sflag:s26] =	ssyncadd.s32 $0xFFFFEC00;
	(pc) =	sbr.rel @p0 .LBB2_6-.Ltmp2, $4  }
0x81: {  	[spmem:s2] =	stream.indirect.scatter.add.f32 [tilespmem:s21], [sflag:$0x6], $0x40, s28, s13, $0xb8;
	[tilespmem:$0x154A0] =	vst v63  }
0x82: {  	_ =	swait.ge [sflag:s10], $0x1400  }
0x83: {  	[sflag:s10] =	ssyncset.done $0x0  }
0x84: {  	s20 =	sadd.s32 $0x2D0, s20;
	[sflag:s10] =	ssyncadd.s32 $0xFFFFEC00  }
0x85: {  	[tilespmem:s21], [sflag:$0x5] =	stream.indirect.gather [hbm4b:s4+s13], $0x40, s20, s13, $0xb8;
	[tilespmem:$0x154A0] =	vst v63  }
0x86: {  	_ =	swait.ge [sflag:s22], $0x1400  }
0x87: {  	[sflag:s22] =	ssyncset.done $0x0  }
0x88: {  	s18 =	simm.s32 $0x4C90;
	[sflag:s22] =	ssyncadd.s32 $0xFFFFEC00  }
0x89: {  	[spmem:s2] =	stream.indirect.scatter.add.f32 [tilespmem:s14], [sflag:$0x6], $0x40, s18, s13, $0xb8;
	[tilespmem:$0x154A0] =	vst v63  }
0x8a: {  	_ =	swait.ge [sflag:s10], $0x1400  }
0x8b: {  	[sflag:s10] =	ssyncset.done $0x0  }
0x8c: {  	[sflag:s10] =	ssyncadd.s32 $0xFFFFEC00  }
0x8d: {  	_ =	swait.ge [sflag:s23], $0x1400  }
0x8e: {  	[sflag:s23] =	ssyncset.done $0x0  }
0x8f: {  	[sflag:s23] =	ssyncadd.s32 $0xFFFFEC00  }
0x90: {  	[spmem:s2] =	stream.indirect.scatter.add.f32 [tilespmem:s15], [sflag:$0x6], $0x40, s29, s13, $0xb8;
	[tilespmem:$0x154A0] =	vst v63  }
0x91: {  	_ =	swait.ge [sflag:s10], $0x1400  }
0x92: {  	[sflag:s10] =	ssyncset.done $0x0  }
0x93: {  	[sflag:s10] =	ssyncadd.s32 $0xFFFFEC00  }
0x94: {  	_ =	swait.ge [sflag:s24], $0x1400  }
0x95: {  	[sflag:s24] =	ssyncset.done $0x0  }
0x96: {  	[sflag:s24] =	ssyncadd.s32 $0xFFFFEC00  }
0x97: {  	[spmem:s2] =	stream.indirect.scatter.add.f32 [tilespmem:s17], [sflag:$0x6], $0x40, s30, s13, $0xb8;
	[tilespmem:$0x154A0] =	vst v63  }
0x98: {  	_ =	swait.ge [sflag:s10], $0x1400  }
0x99: {  	[sflag:s10] =	ssyncset.done $0x0  }
0x9a: {  	[sflag:s10] =	ssyncadd.s32 $0xFFFFEC00  }
0x9b: {  	_ =	swait.ge [sflag:s25], $0x1400  }
0x9c: {  	[sflag:s25] =	ssyncset.done $0x0  }
0x9d: {  	[sflag:s25] =	ssyncadd.s32 $0xFFFFEC00  }
0x9e: {  	[spmem:s2] =	stream.indirect.scatter.add.f32 [tilespmem:s19], [sflag:$0x6], $0x40, s31, s13, $0xb8;
	[tilespmem:$0x154A0] =	vst v63  }
0x9f: {  	_ =	swait.ge [sflag:s10], $0x1400  }
0xa0: {  	[sflag:s10] =	ssyncset.done $0x0  }
0xa1: {  	[sflag:s10] =	ssyncadd.s32 $0xFFFFEC00  }
0xa2: {  	_ =	swait.ge [sflag:s26], $0x1400  }
0xa3: {  	[sflag:s26] =	ssyncset.done $0x0  }
0xa4: {  	[sflag:s26] =	ssyncadd.s32 $0xFFFFEC00  }
0xa5: {  	[spmem:s2] =	stream.indirect.scatter.add.f32 [tilespmem:s21], [sflag:$0x6], $0x40, s0, s13, $0xb8;
	[tilespmem:$0x154A0] =	vst v63  }
0xa6: {  	s20 =	stileid.u32;
	_ =	swait.ge [sflag:s10], $0x1400  }
0xa7: {  	s28 =	sshrl.u32 s8, $0x3;
	s1 =	sadd.s32 $0x1, s1;
	[sflag:s10] =	ssyncset.done $0x0  }
0xa8: {  	p0 =	sne.s32 s1, s9;
	s18 =	sshll.u32 s20, $0x6;
	[sflag:s10] =	ssyncadd.s32 $0xFFFFEC00  }
.Ltmp3:
0xa9: {  	s18 =	sor.u32 $0x1C06, s18;
	[bflag:$0x0] =	sbarrier.arrive $0xFFFF;
	(pc) =	sbr.rel @p0 .LBB2_1-.Ltmp3, $4  }
0xaa: {  	[hbm:s7@s11], [sflag:s18] =	dma.strided [spmem:s28@s16], $0x1388, s22, $0x8   }
0xab: {  	_ =	swait.ge [sflag:s10], $0x1388  }
0xac: {  	[sflag:s10] =	ssyncset.done $0x0  }
0xad: {  	[sflag:s10] =	ssyncadd.s32 $0xFFFFEC78  }
0xae: {  	_ =	sfence.sel $0x180000  }
0xaf: {  	[bflag:$0x0] =	sbarrier.arrive $0xFFFF  }
0xb0: {  	_ =	strace $0x90000053  }
0xb1: {  	s0 =	stileid.u32;
	[bflag:$0x2] =	sbarrier.arrive $0xFFFF  }
0xb2: {  	p0 =	sne.s32 s0, $0x0;
	s0 =	rddreg [dreg:$0x3]  }
0xb3: {  	s0 =	sadd.s32 @!p0 $0x100000, s0  }
0xb4: {  	[sflag:s0] =	ssyncadd.tile.s32 @!p0 $0x1;
	_ =	shalt  }
.Lfunc_end2:
_tile_overlayer_lowered:
.L_overlay_start_2:
0xb5: {  	(tag) =	ssettag $0x2  }
0xb6: {  	s0 =	rddreg [dreg:$0x0];
	s2 =	stileid.u32  }
0xb7: {  	s1 =	rddreg [dreg:$0x1];
	p0 =	sne.s32 s2, $0x0  }
0xb8: {  	s3 =	rddreg [dreg:$0x2];
	[bflag:$0x3] =	sbarrier.arrive $0xFFFF;
	s2 =	simm.s32 @!p0 $0x1C06  }
0xb9: {  	[timem:s3], [sflag:s2] =	dma.local @!p0 [hbm:s0], s1  }
0xba: {  	s0 =	simm.s32 @!p0 $0x6  }
0xbb: {  	_ =	swait.ge @!p0 [sflag:s0], s1  }
0xbc: {  	s1 =	ssub.s32 @!p0 $0x0, s1;
	[sflag:s0] =	ssyncset.done @!p0 $0x0  }
0xbd: {  	[sflag:s0] =	ssyncadd.s32 @!p0 s1  }
0xbe: {  	[bflag:$0x3] =	sbarrier.arrive $0xFFFF  }
0xbf: {  	_ =	shalt  }

</sc_bundles>
